<compile_context>
chip_gen: v7x
topology: tpu7x:2x2x1
jax: 0.10.2.dev20260603
libtpu: 0.0.44.dev20260713+nightly
codegen_flags: <defaults>
</compile_context>

<pallas_src>
import functools

import jax
import jax.numpy as jnp
from jax import lax
from jax.experimental import pallas as pl
from jax.experimental.pallas import tpu as pltpu
from jax.experimental.pallas import tpu_sc as plsc


_MESH = plsc.VectorSubcoreMesh(core_axis_name="c", subcore_axis_name="s")
_SC_PARAMS = pltpu.CompilerParams(use_tc_tiling_on_sc=False)
_NT = 16
_NPAD = 100096
_RPT = _NPAD // _NT
_WB = 368
_KE = 800
_EPAD = 1638400


def _degree_kernel(dst, n, e):
    epc = e // 2
    ept = epc // _NT
    K = 1000
    nblk = ept // K

    @functools.partial(
        pl.kernel,
        out_type=jax.ShapeDtypeStruct((2, _NPAD, 16), jnp.float32),
        mesh=_MESH,
        compiler_params=_SC_PARAMS,
        scratch_types=[
            pltpu.VMEM((K,), jnp.int32),
            pltpu.VMEM((K, 16), jnp.float32),
            pltpu.VMEM((_WB, 16), jnp.float32),
            pltpu.VMEM_SHARED((_NPAD, 16), jnp.float32),
        ],
    )
    def k(dst_hbm, out_hbm, dst_v, ones_v, wb_v, acc_sh):
        cid = lax.axis_index("c")
        sid = lax.axis_index("s")

        @pl.loop(0, K)
        def _(i):
            ones_v[i, :] = jnp.full((16,), 1.0, jnp.float32)

        @pl.loop(0, _WB)
        def _(i):
            wb_v[i, :] = jnp.zeros((16,), jnp.float32)

        rbase = sid * _RPT

        @pl.loop(0, _RPT // _WB)
        def _(b):
            pltpu.sync_copy(wb_v, acc_sh.at[pl.ds(rbase + b * _WB, _WB)])

        plsc.subcore_barrier()

        ebase = cid * epc + sid * ept

        @pl.loop(0, nblk)
        def _(j):
            pltpu.sync_copy(dst_hbm.at[pl.ds(ebase + j * K, K)], dst_v)
            pltpu.sync_copy(ones_v, acc_sh.at[dst_v], add=True)

        plsc.subcore_barrier()

        @pl.loop(0, _RPT // _WB)
        def _(b):
            r0 = rbase + b * _WB
            pltpu.sync_copy(acc_sh.at[pl.ds(r0, _WB)], wb_v)
            pltpu.sync_copy(wb_v, out_hbm.at[cid, pl.ds(r0, _WB)])

    return k(dst)


def _spmm_kernel(hs_flat, src_scaled, dst, nc, e):
    split_edges = nc == 1
    ept = (e // 2 // _NT) if split_edges else (e // _NT)
    nblk = ept // _KE
    has_tail = nblk % 2 == 1
    npair = (nblk - 1) // 2 if has_tail else nblk // 2
    nc2 = 1 if split_edges else nc // 2
    out_cols = 32 if split_edges else nc * 16

    @functools.partial(
        pl.kernel,
        out_type=jax.ShapeDtypeStruct((_NPAD, out_cols), jnp.float32),
        mesh=_MESH,
        compiler_params=_SC_PARAMS,
        scratch_types=[
            pltpu.VMEM((_KE,), jnp.int32),
            pltpu.VMEM((_KE,), jnp.int32),
            pltpu.VMEM((_KE,), jnp.int32),
            pltpu.VMEM((_KE,), jnp.int32),
            pltpu.VMEM((_KE, 16), jnp.float32),
            pltpu.VMEM((_KE, 16), jnp.float32),
            pltpu.VMEM_SHARED((_NPAD, 16), jnp.float32),
            pltpu.SemaphoreType.DMA,
            pltpu.SemaphoreType.DMA,
            pltpu.SemaphoreType.DMA,
            pltpu.SemaphoreType.DMA,
            pltpu.SemaphoreType.DMA,
            pltpu.SemaphoreType.DMA,
            pltpu.SemaphoreType.DMA,
            pltpu.SemaphoreType.DMA,
        ],
    )
    def k(hs_hbm, src_hbm, dst_hbm, out_hbm,
          src0, src1, dst0, dst1, rows0, rows1, acc_sh,
          ssem0, ssem1, dsem0, dsem1, gsem0, gsem1, csem0, csem1):
        cid = lax.axis_index("c")
        sid = lax.axis_index("s")
        srcb = (src0, src1)
        dstb = (dst0, dst1)
        rowsb = (rows0, rows1)
        ssem = (ssem0, ssem1)
        dsem = (dsem0, dsem1)
        gsem = (gsem0, gsem1)
        csem = (csem0, csem1)
        rbase = sid * _RPT
        if split_edges:
            ebase = cid * (e // 2) + sid * ept
        else:
            ebase = sid * ept

        def start_idx(b, p, chunk):
            base = ebase + b * _KE
            pltpu.async_copy(src_hbm.at[pl.ds(base, _KE)], srcb[p], ssem[p])
            pltpu.async_copy(dst_hbm.at[pl.ds(base, _KE)], dstb[p], dsem[p])

        def wait_idx(b, p, chunk):
            base = ebase + b * _KE
            pltpu.make_async_copy(
                src_hbm.at[pl.ds(base, _KE)], srcb[p], ssem[p]).wait()
            pltpu.make_async_copy(
                dst_hbm.at[pl.ds(base, _KE)], dstb[p], dsem[p]).wait()

        def wait_scat(p):
            pltpu.make_async_copy(
                rowsb[p], acc_sh.at[dstb[p]], csem[p]).wait()

        def sub_step(b, p, chunk, prefetch_b, wait_scat_cond, prefetch_cond):
            q = 1 - p
            wait_idx(b, p, chunk)

            if not split_edges:
                @pl.loop(0, _KE // 16)
                def _(i):
                    s = srcb[p][pl.ds(i * 16, 16)]
                    srcb[p][pl.ds(i * 16, 16)] = s + chunk

            pltpu.async_copy(hs_hbm.at[srcb[p]], rowsb[p], gsem[p])
            if wait_scat_cond is not None:
                @pl.when(wait_scat_cond)
                def _():
                    wait_scat(q)
            else:
                wait_scat(q)
            if prefetch_cond is not None:
                @pl.when(prefetch_cond)
                def _():
                    start_idx(prefetch_b, q, chunk)
            elif prefetch_b is not None:
                start_idx(prefetch_b, q, chunk)
            pltpu.make_async_copy(hs_hbm.at[srcb[p]], rowsb[p], gsem[p]).wait()
            pltpu.async_copy(rowsb[p], acc_sh.at[dstb[p]], csem[p], add=True)

        @pl.loop(0, _WB)
        def _(i):
            rows1[i, :] = jnp.zeros((16,), jnp.float32)

        @pl.loop(0, _RPT // _WB)
        def _(b):
            pltpu.sync_copy(rows1.at[pl.ds(0, _WB)],
                            acc_sh.at[pl.ds(rbase + b * _WB, _WB)])

        plsc.subcore_barrier()

        @pl.loop(0, nc2)
        def _(cc):
            chunk = cid if split_edges else cid * nc2 + cc
            start_idx(0, 0, chunk)
            start_idx(1, 1, chunk)

            @pl.loop(0, npair)
            def _(j):
                sub_step(2 * j, 0, chunk, 2 * j + 1, j > 0, j > 0)
                if has_tail:
                    sub_step(2 * j + 1, 1, chunk, 2 * j + 2, None, None)
                else:
                    sub_step(2 * j + 1, 1, chunk, 2 * j + 2, None,
                             j < npair - 1)

            if has_tail:
                sub_step(nblk - 1, 0, chunk, None, None, None)
                wait_scat(0)
            else:
                wait_scat(1)

            plsc.subcore_barrier()

            @pl.loop(0, _WB)
            def _(i):
                rows1[i, :] = jnp.zeros((16,), jnp.float32)

            def wb_wait(b, half):
                r0 = rbase + b * _WB
                pltpu.make_async_copy(
                    rows0.at[pl.ds(half * _WB, _WB)],
                    out_hbm.at[pl.ds(r0, _WB), pl.ds(chunk * 16, 16)],
                    gsem[half]).wait()

            def wb_sub(b, half, wait_b, wait_cond):
                r0 = rbase + b * _WB
                if wait_cond is not None:
                    @pl.when(wait_cond)
                    def _():
                        wb_wait(wait_b, half)
                elif wait_b is not None:
                    wb_wait(wait_b, half)
                pltpu.sync_copy(acc_sh.at[pl.ds(r0, _WB)],
                                rows0.at[pl.ds(half * _WB, _WB)])
                pltpu.async_copy(
                    rows0.at[pl.ds(half * _WB, _WB)],
                    out_hbm.at[pl.ds(r0, _WB), pl.ds(chunk * 16, 16)],
                    gsem[half])
                pltpu.sync_copy(rows1.at[pl.ds(0, _WB)],
                                acc_sh.at[pl.ds(r0, _WB)])

            nwb = _RPT // _WB

            @pl.loop(0, nwb // 2)
            def _(j):
                wb_sub(2 * j, 0, 2 * j - 2, j > 0)
                wb_sub(2 * j + 1, 1, 2 * j - 1, j > 0)

            wb_sub(nwb - 1, 0, nwb - 3, None)
            wb_wait(nwb - 2, 1)
            wb_wait(nwb - 1, 0)

            plsc.subcore_barrier()

    return k(hs_flat, src_scaled, dst)


_BR = 2000


def _scale0_body(x_ref, c0_ref, c1_ref, p_ref, nrm_ref):
    deg = c0_ref[0] + c1_ref[0] + 1.0
    nrm = lax.rsqrt(deg)
    nrm_ref[...] = nrm
    p_ref[...] = x_ref[...] * nrm[:, :1]


def _scale0(x16, counts, n):
    g = n // _BR
    return pl.pallas_call(
        _scale0_body,
        grid=(g,),
        in_specs=[
            pl.BlockSpec((_BR, 16), lambda i: (i, 0)),
            pl.BlockSpec((1, _BR, 16), lambda i: (0, i, 0)),
            pl.BlockSpec((1, _BR, 16), lambda i: (1, i, 0)),
        ],
        out_specs=[
            pl.BlockSpec((_BR, 16), lambda i: (i, 0)),
            pl.BlockSpec((_BR, 16), lambda i: (i, 0)),
        ],
        out_shape=[
            jax.ShapeDtypeStruct((n, 16), jnp.float32),
            jax.ShapeDtypeStruct((n, 16), jnp.float32),
        ],
    )(x16, counts, counts)


def _layer1_body(a_ref, p_ref, nrm_ref, b_ref, w_ref, o_ref):
    nrm = nrm_ref[:, :1]
    z = (a_ref[:, :16] + a_ref[:, 16:] + p_ref[...]) * nrm
    h = jnp.dot(z, w_ref[...], preferred_element_type=jnp.float32) + b_ref[...]
    o_ref[...] = jnp.maximum(h, 0.0) * nrm


def _layer1(accp, p, nrm, b1, w1p, n):
    g = n // _BR
    return pl.pallas_call(
        _layer1_body,
        grid=(g,),
        in_specs=[
            pl.BlockSpec((_BR, 32), lambda i: (i, 0)),
            pl.BlockSpec((_BR, 16), lambda i: (i, 0)),
            pl.BlockSpec((_BR, 16), lambda i: (i, 0)),
            pl.BlockSpec((1, 128), lambda i: (0, 0)),
            pl.BlockSpec((16, 128), lambda i: (0, 0)),
        ],
        out_specs=pl.BlockSpec((_BR, 128), lambda i: (i, 0)),
        out_shape=jax.ShapeDtypeStruct((n, 128), jnp.float32),
    )(accp, p, nrm, b1, w1p)


def _layer2_body(a_ref, q_ref, nrm_ref, b_ref, w_ref, o_ref):
    nrm = nrm_ref[:, :1]
    z = (a_ref[...] + q_ref[...]) * nrm
    h = jnp.dot(z, w_ref[...], preferred_element_type=jnp.float32) + b_ref[...]
    o_ref[...] = jnp.maximum(h, 0.0) * nrm


def _layer2(acc, q, nrm, b_prev, w, n):
    g = n // _BR
    f = q.shape[1]
    f2 = w.shape[1]
    return pl.pallas_call(
        _layer2_body,
        grid=(g,),
        in_specs=[
            pl.BlockSpec((_BR, f), lambda i: (i, 0)),
            pl.BlockSpec((_BR, f), lambda i: (i, 0)),
            pl.BlockSpec((_BR, 16), lambda i: (i, 0)),
            pl.BlockSpec((1, f2), lambda i: (0, 0)),
            pl.BlockSpec((f, f2), lambda i: (0, 0)),
        ],
        out_specs=pl.BlockSpec((_BR, f2), lambda i: (i, 0)),
        out_shape=jax.ShapeDtypeStruct((n, f2), jnp.float32),
    )(acc, q, nrm, b_prev, w)


def _head_body(acc_ref, q_ref, nrm_ref, b_ref, w_ref, bat_ref,
               wmu_ref, bmu_ref, wlv_ref, blv_ref,
               mu_ref, lv_ref, psum, cnt, ng):
    i = pl.program_id(0)

    @pl.when(i == 0)
    def _():
        psum[...] = jnp.zeros_like(psum)
        cnt[...] = jnp.zeros_like(cnt)

    nrm = nrm_ref[:, :1]
    z = (acc_ref[...] + q_ref[...]) * nrm
    h = jnp.dot(z, w_ref[...], preferred_element_type=jnp.float32) + b_ref[...]
    h = jnp.maximum(h, 0.0)
    bb = bat_ref[:, :1]
    io = lax.broadcasted_iota(jnp.int32, (_BR, 256), 1)
    oh = jnp.where(bb == io, 1.0, 0.0)
    psum[...] += lax.dot_general(oh, h, (((0,), (0,)), ((), ())),
                                 preferred_element_type=jnp.float32)
    cnt[...] += lax.dot_general(oh, jnp.ones((_BR, 8), jnp.float32),
                                (((0,), (0,)), ((), ())),
                                preferred_element_type=jnp.float32)

    @pl.when(i == ng - 1)
    def _():
        pooled = psum[...] / jnp.maximum(cnt[:, :1], 1.0)
        mu_ref[...] = jnp.dot(pooled, wmu_ref[...],
                              preferred_element_type=jnp.float32) + bmu_ref[...]
        lv_ref[...] = jnp.dot(pooled, wlv_ref[...],
                              preferred_element_type=jnp.float32) + blv_ref[...]


def _head(acc, q, nrm, b3, w3, batchi, wmu, bmu, wlv, blv, n):
    g = n // _BR
    return pl.pallas_call(
        functools.partial(_head_body, ng=g),
        grid=(g,),
        in_specs=[
            pl.BlockSpec((_BR, 256), lambda i: (i, 0)),
            pl.BlockSpec((_BR, 256), lambda i: (i, 0)),
            pl.BlockSpec((_BR, 16), lambda i: (i, 0)),
            pl.BlockSpec((1, 256), lambda i: (0, 0)),
            pl.BlockSpec((256, 256), lambda i: (0, 0)),
            pl.BlockSpec((_BR, 8), lambda i: (i, 0)),
            pl.BlockSpec((256, 64), lambda i: (0, 0)),
            pl.BlockSpec((1, 64), lambda i: (0, 0)),
            pl.BlockSpec((256, 64), lambda i: (0, 0)),
            pl.BlockSpec((1, 64), lambda i: (0, 0)),
        ],
        out_specs=[
            pl.BlockSpec((256, 64), lambda i: (0, 0)),
            pl.BlockSpec((256, 64), lambda i: (0, 0)),
        ],
        out_shape=[
            jax.ShapeDtypeStruct((256, 64), jnp.float32),
            jax.ShapeDtypeStruct((256, 64), jnp.float32),
        ],
        scratch_shapes=[
            pltpu.VMEM((256, 256), jnp.float32),
            pltpu.VMEM((256, 8), jnp.float32),
        ],
    )(acc, q, nrm, b3, w3, batchi, wmu, bmu, wlv, blv)


def kernel(x, edge_index, batch, W1, b1, W2, b2, W3, b3, Wmu, bmu, Wlv, blv):
    n = x.shape[0]
    e = edge_index.shape[1]
    src = edge_index[0]
    dst = edge_index[1]

    counts = _degree_kernel(dst, n, e)

    x16 = jnp.pad(x, ((0, 0), (0, 6)))
    p, nrm = _scale0(x16, counts, n)

    npads = _EPAD - e
    fill = (jnp.arange(npads, dtype=jnp.int32) % 96) + n
    src1p = jnp.concatenate([src, fill])
    dst1p = jnp.concatenate([dst, fill])
    p_pad = jnp.pad(p, ((0, 96), (0, 0)))
    accp = _spmm_kernel(p_pad, src1p, dst1p, 1, _EPAD)

    w1p = jnp.pad(W1, ((0, 6), (0, 0)))
    q1 = _layer1(accp, p, nrm, b1.reshape(1, 128), w1p, n)

    acc1 = _spmm_kernel(q1.reshape(n * 8, 16), src * 8, dst, 8, e)
    q2 = _layer2(acc1, q1, nrm, b2.reshape(1, 256), W2, n)

    acc2 = _spmm_kernel(q2.reshape(n * 16, 16), src * 16, dst, 16, e)

    batchi = jnp.broadcast_to(batch[:, None], (n, 8))
    mu, lv = _head(acc2, q2, nrm, b3.reshape(1, 256), W3,
                   batchi, Wmu, bmu.reshape(1, 64), Wlv, blv.reshape(1, 64), n)
    return (mu, lv)

# --- scband reference (transcript-rebuilt; emitter-appended) ---
"""Pipeline reference for scband-graph-encoder-68753836474798 (READ-ONLY COPY).

The authoritative reference and input builder live on the scoring server;
editing this copy changes nothing except your own understanding.
"""

import jax, jax.numpy as jnp
import numpy as np

N = 100000
E = 1600000
G = 256

def _lin_init(k, fi, fo):
    s = 1.0 / np.sqrt(fi)
    kw, kb = jax.random.split(k)
    W = jax.random.uniform(kw, (fi, fo), jnp.float32, -s, s)
    b = jax.random.uniform(kb, (fo,), jnp.float32, -s, s)
    return W, b

def setup_inputs(seed: int = 0):
    key = jax.random.key(seed)
    ks = jax.random.split(key, 8)
    x = jax.random.normal(ks[0], (N, 10), dtype=jnp.float32)
    edge_index = jax.random.randint(ks[1], (2, E), 0, N, dtype=jnp.int32)
    batch = jnp.sort(jax.random.randint(ks[2], (N,), 0, G, dtype=jnp.int32))
    W1, b1 = _lin_init(ks[3], 10, 128)
    W2, b2 = _lin_init(ks[4], 128, 256)
    W3, b3 = _lin_init(ks[5], 256, 256)
    Wmu, bmu = _lin_init(ks[6], 256, 64)
    Wlv, blv = _lin_init(ks[7], 256, 64)
    return {"x": x, "edge_index": edge_index, "batch": batch,
            "W1": W1, "b1": b1, "W2": W2, "b2": b2, "W3": W3, "b3": b3,
            "Wmu": Wmu, "bmu": bmu, "Wlv": Wlv, "blv": blv}

def _gcn_conv(x, src, dst, W, b, n):
    # PyG GCNConv: h = X W; add self-loops (done by caller); sym-normalized scatter-add; + bias
    h = x @ W
    deg = jax.ops.segment_sum(jnp.ones_like(dst, dtype=h.dtype), dst, num_segments=n)
    norm = jax.lax.rsqrt(jnp.maximum(deg, 1e-12))
    coef = norm[src] * norm[dst]
    msg = h[src] * coef[:, None]
    out = jax.ops.segment_sum(msg, dst, num_segments=n)
    return out + b

def reference(x, edge_index, batch, W1, b1, W2, b2, W3, b3, Wmu, bmu, Wlv, blv):
    n = x.shape[0]
    loop = jnp.arange(n, dtype=edge_index.dtype)
    src = jnp.concatenate([edge_index[0], loop])
    dst = jnp.concatenate([edge_index[1], loop])
    h = jax.nn.relu(_gcn_conv(x, src, dst, W1, b1, n))
    h = jax.nn.relu(_gcn_conv(h, src, dst, W2, b2, n))
    h = jax.nn.relu(_gcn_conv(h, src, dst, W3, b3, n))
    # global_mean_pool over graph ids
    sums = jax.ops.segment_sum(h, batch, num_segments=G)
    cnts = jax.ops.segment_sum(jnp.ones((n,), dtype=h.dtype), batch, num_segments=G)
    pooled = sums / jnp.maximum(cnts, 1.0)[:, None]
    mu = pooled @ Wmu + bmu
    logvar = pooled @ Wlv + blv
    return (mu, logvar)

if __name__ == "__main__":
    import jax
    _d = setup_inputs()
    print(jax.jit(kernel)(*tuple(_d.values())))

</pallas_src>

<mosaic_0001>
#map = affine_map<(d0, d1) -> (0)>
#map1 = affine_map<(d0, d1) -> (0, 0, 0)>
module attributes {stable_mosaic.version = 14 : i64} {
  func.func @k(%arg0: i32, %arg1: i32, %arg2: memref<1600000xi32, #tpu.memory_space<hbm>>, %arg3: memref<2x100096x16xf32, #tpu.memory_space<hbm>>, %arg4: memref<1000xi32, #tpu.memory_space<vmem>>, %arg5: memref<1000x16xf32, #tpu.memory_space<vmem>>, %arg6: memref<368x16xf32, #tpu.memory_space<vmem>>, %arg7: memref<100096x16xf32, #tpu.memory_space<vmem_shared>>) attributes {dimension_semantics = [#tpu.dimension_semantics<core_parallel>, #tpu.dimension_semantics<subcore_parallel>], iteration_bounds = array<i64: 2, 16>, scalar_prefetch = 0 : i64, scratch_operands = 4 : i64, tpu.core_type = #tpu.core_type<sc_vector_subcore>, window_params = [{transform_indices = #map}, {transform_indices = #map1}]} {
    %scan3A = arith.constant 0 : i32
    %scan3A_0 = arith.constant 1000 : i32
    %scan3A_1 = arith.addi %scan3A, %scan3A_0 : i32
    %scan3A_2 = arith.constant 1 : i32
    scf.for %scan3A_30 = %scan3A to %scan3A_1 step %scan3A_2  : i32 {
      %mul3A_31 = arith.constant 1 : i32
      %mul3A_32 = arith.muli %scan3A_30, %mul3A_31 : i32
      %add3A_33 = arith.constant 0 : i32
      %add3A_34 = arith.addi %add3A_33, %mul3A_32 : i32
      %broadcast_in_dim3A = arith.constant 1.000000e+00 : f32
      %broadcast_in_dim3A_35 = vector.broadcast %broadcast_in_dim3A : f32 to vector<16xf32>
      %swap3A = arith.index_cast %add3A_34 : i32 to index
      %swap3A_36 = arith.constant 0 : index
      %swap3A_37 = tpu.vector_load %arg5[%swap3A, %swap3A_36] {strides = array<i32>} : memref<1000x16xf32, #tpu.memory_space<vmem>>, vector<1x16xf32>,
      %swap3A_38 = vector.shape_cast %swap3A_37 : vector<1x16xf32> to vector<16xf32>
      %swap3A_39 = vector.shape_cast %broadcast_in_dim3A_35 : vector<16xf32> to vector<1x16xf32>
      tpu.vector_store %arg5[%swap3A, %swap3A_36], %swap3A_39 {strides = array<i32>} : memref<1000x16xf32, #tpu.memory_space<vmem>>, vector<1x16xf32>,
    }
    %scan3A_3 = arith.constant 1000 : i32
    %scan3A_4 = arith.constant 0 : i32
    %scan3A_5 = arith.constant 368 : i32
    %scan3A_6 = arith.addi %scan3A_4, %scan3A_5 : i32
    %scan3A_7 = arith.constant 1 : i32
    scf.for %scan3A_30 = %scan3A_4 to %scan3A_6 step %scan3A_7  : i32 {
      %mul3A_31 = arith.constant 1 : i32
      %mul3A_32 = arith.muli %scan3A_30, %mul3A_31 : i32
      %add3A_33 = arith.constant 0 : i32
      %add3A_34 = arith.addi %add3A_33, %mul3A_32 : i32
      %broadcast_in_dim3A = arith.constant 0.000000e+00 : f32
      %broadcast_in_dim3A_35 = vector.broadcast %broadcast_in_dim3A : f32 to vector<16xf32>
      %swap3A = arith.index_cast %add3A_34 : i32 to index
      %swap3A_36 = arith.constant 0 : index
      %swap3A_37 = tpu.vector_load %arg6[%swap3A, %swap3A_36] {strides = array<i32>} : memref<368x16xf32, #tpu.memory_space<vmem>>, vector<1x16xf32>,
      %swap3A_38 = vector.shape_cast %swap3A_37 : vector<1x16xf32> to vector<16xf32>
      %swap3A_39 = vector.shape_cast %broadcast_in_dim3A_35 : vector<16xf32> to vector<1x16xf32>
      tpu.vector_store %arg6[%swap3A, %swap3A_36], %swap3A_39 {strides = array<i32>} : memref<368x16xf32, #tpu.memory_space<vmem>>, vector<1x16xf32>,
    }
    %scan3A_8 = arith.constant 368 : i32
    %mul3A = arith.constant 6256 : i32
    %mul3A_9 = arith.muli %arg1, %mul3A : i32
    %scan3A_10 = arith.constant 0 : i32
    %scan3A_11 = arith.constant 17 : i32
    %scan3A_12 = arith.addi %scan3A_10, %scan3A_11 : i32
    %scan3A_13 = arith.constant 1 : i32
    scf.for %scan3A_30 = %scan3A_10 to %scan3A_12 step %scan3A_13  : i32 {
      %mul3A_31 = arith.constant 1 : i32
      %mul3A_32 = arith.muli %scan3A_30, %mul3A_31 : i32
      %add3A_33 = arith.constant 0 : i32
      %add3A_34 = arith.addi %add3A_33, %mul3A_32 : i32
      %mul3A_35 = arith.constant 368 : i32
      %mul3A_36 = arith.muli %add3A_34, %mul3A_35 : i32
      %add3A_37 = arith.addi %mul3A_9, %mul3A_36 : i32
      "tpu.region"() ({
        %run_scoped3A = tpu.sem_alloc : memref<!tpu.dma_semaphore, #tpu.memory_space<semaphore_mem>>
        %dma_start3A = arith.constant 0 : i32
        %dma_start3A_38 = tpu.memref_slice %arg7[%add3A_37, %dma_start3A] : memref<100096x16xf32, #tpu.memory_space<vmem_shared>> -> memref<368x16xf32, #tpu.memory_space<vmem_shared>>
        %dma_start3A_39 = arith.constant 0 : i32
        %dma_start3A_40 = tpu.memref_slice %arg7[%add3A_37, %dma_start3A_39] : memref<100096x16xf32, #tpu.memory_space<vmem_shared>> -> memref<368x16xf32, #tpu.memory_space<vmem_shared>>
        tpu.enqueue_dma source(%arg6 : memref<368x16xf32, #tpu.memory_space<vmem>>) target(%dma_start3A_40 : memref<368x16xf32, #tpu.memory_space<vmem_shared>>) target_semaphore(%run_scoped3A : memref<!tpu.dma_semaphore, #tpu.memory_space<semaphore_mem>>)
        %dma_wait3A = arith.constant 0 : i32
        %dma_wait3A_41 = tpu.memref_slice %arg7[%add3A_37, %dma_wait3A] : memref<100096x16xf32, #tpu.memory_space<vmem_shared>> -> memref<368x16xf32, #tpu.memory_space<vmem_shared>>
        %dma_wait3A_42 = arith.constant 0 : i32
        %dma_wait3A_43 = tpu.memref_slice %arg7[%add3A_37, %dma_wait3A_42] : memref<100096x16xf32, #tpu.memory_space<vmem_shared>> -> memref<368x16xf32, #tpu.memory_space<vmem_shared>>
        tpu.wait_dma2 semaphore(%run_scoped3A : memref<!tpu.dma_semaphore, #tpu.memory_space<semaphore_mem>>) src(%arg6 : memref<368x16xf32, #tpu.memory_space<vmem>>) dst(%dma_wait3A_43 : memref<368x16xf32, #tpu.memory_space<vmem_shared>>)
        tpu.yield
      }) : () -> ()
    }
    %scan3A_14 = arith.constant 17 : i32
    %barrier3A = arith.constant 0 : index
    tpu.barrier barrier_id(%barrier3A)
    %mul3A_15 = arith.constant 800000 : i32
    %mul3A_16 = arith.muli %arg0, %mul3A_15 : i32
    %mul3A_17 = arith.constant 50000 : i32
    %mul3A_18 = arith.muli %arg1, %mul3A_17 : i32
    %add3A = arith.addi %mul3A_16, %mul3A_18 : i32
    %scan3A_19 = arith.constant 0 : i32
    %scan3A_20 = arith.constant 50 : i32
    %scan3A_21 = arith.addi %scan3A_19, %scan3A_20 : i32
    %scan3A_22 = arith.constant 1 : i32
    scf.for %scan3A_30 = %scan3A_19 to %scan3A_21 step %scan3A_22  : i32 {
      %mul3A_31 = arith.constant 1 : i32
      %mul3A_32 = arith.muli %scan3A_30, %mul3A_31 : i32
      %add3A_33 = arith.constant 0 : i32
      %add3A_34 = arith.addi %add3A_33, %mul3A_32 : i32
      %mul3A_35 = arith.constant 1000 : i32
      %mul3A_36 = arith.muli %add3A_34, %mul3A_35 : i32
      %add3A_37 = arith.addi %add3A, %mul3A_36 : i32
      "tpu.region"() ({
        %run_scoped3A = tpu.sem_alloc : memref<!tpu.dma_semaphore, #tpu.memory_space<semaphore_mem>>
        %dma_start3A = tpu.memref_slice %arg2[%add3A_37] : memref<1600000xi32, #tpu.memory_space<hbm>> -> memref<1000xi32, #tpu.memory_space<hbm>>
        %dma_start3A_38 = tpu.memref_slice %arg2[%add3A_37] : memref<1600000xi32, #tpu.memory_space<hbm>> -> memref<1000xi32, #tpu.memory_space<hbm>>
        tpu.enqueue_dma source(%dma_start3A_38 : memref<1000xi32, #tpu.memory_space<hbm>>) target(%arg4 : memref<1000xi32, #tpu.memory_space<vmem>>) target_semaphore(%run_scoped3A : memref<!tpu.dma_semaphore, #tpu.memory_space<semaphore_mem>>)
        %dma_wait3A = tpu.memref_slice %arg2[%add3A_37] : memref<1600000xi32, #tpu.memory_space<hbm>> -> memref<1000xi32, #tpu.memory_space<hbm>>
        %dma_wait3A_39 = tpu.memref_slice %arg2[%add3A_37] : memref<1600000xi32, #tpu.memory_space<hbm>> -> memref<1000xi32, #tpu.memory_space<hbm>>
        tpu.wait_dma2 semaphore(%run_scoped3A : memref<!tpu.dma_semaphore, #tpu.memory_space<semaphore_mem>>) src(%dma_wait3A_39 : memref<1000xi32, #tpu.memory_space<hbm>>) dst(%arg4 : memref<1000xi32, #tpu.memory_space<vmem>>)
        tpu.yield
      }) : () -> ()
      "tpu.region"() ({
        %run_scoped3A = tpu.sem_alloc : memref<!tpu.dma_semaphore, #tpu.memory_space<semaphore_mem>>
        %dma_start3A = arith.constant 0 : i32
        %dma_start3A_38 = arith.constant 0 : i32
        %dma_start3A_39 = tpu.memref_slice %arg7[%dma_start3A, %dma_start3A_38] : memref<100096x16xf32, #tpu.memory_space<vmem_shared>> -> memref<100096x16xf32, #tpu.memory_space<vmem_shared>>
        tpu.enqueue_indirect_dma source(%arg5 : memref<1000x16xf32, #tpu.memory_space<vmem>>) target(%dma_start3A_39 : memref<100096x16xf32, #tpu.memory_space<vmem_shared>>) offsets(%arg4 : memref<1000xi32, #tpu.memory_space<vmem>>) semaphore(%run_scoped3A : memref<!tpu.dma_semaphore, #tpu.memory_space<semaphore_mem>>) {add = true}
        %dma_wait3A = arith.constant 0 : i32
        %dma_wait3A_40 = arith.constant 0 : i32
        %dma_wait3A_41 = tpu.memref_slice %arg7[%dma_wait3A, %dma_wait3A_40] : memref<100096x16xf32, #tpu.memory_space<vmem_shared>> -> memref<100096x16xf32, #tpu.memory_space<vmem_shared>>
        tpu.wait_indirect_dma semaphore(%run_scoped3A : memref<!tpu.dma_semaphore, #tpu.memory_space<semaphore_mem>>) src(%arg5 : memref<1000x16xf32, #tpu.memory_space<vmem>>) dst(%dma_wait3A_41 : memref<100096x16xf32, #tpu.memory_space<vmem_shared>>)
        tpu.yield
      }) : () -> ()
    }
    %scan3A_23 = arith.constant 50 : i32
    %barrier3A_24 = arith.constant 0 : index
    tpu.barrier barrier_id(%barrier3A_24)
    %scan3A_25 = arith.constant 0 : i32
    %scan3A_26 = arith.constant 17 : i32
    %scan3A_27 = arith.addi %scan3A_25, %scan3A_26 : i32
    %scan3A_28 = arith.constant 1 : i32
    scf.for %scan3A_30 = %scan3A_25 to %scan3A_27 step %scan3A_28  : i32 {
      %mul3A_31 = arith.constant 1 : i32
      %mul3A_32 = arith.muli %scan3A_30, %mul3A_31 : i32
      %add3A_33 = arith.constant 0 : i32
      %add3A_34 = arith.addi %add3A_33, %mul3A_32 : i32
      %mul3A_35 = arith.constant 368 : i32
      %mul3A_36 = arith.muli %add3A_34, %mul3A_35 : i32
      %add3A_37 = arith.addi %mul3A_9, %mul3A_36 : i32
      "tpu.region"() ({
        %run_scoped3A = tpu.sem_alloc : memref<!tpu.dma_semaphore, #tpu.memory_space<semaphore_mem>>
        %dma_start3A = arith.constant 0 : i32
        %dma_start3A_38 = tpu.memref_slice %arg7[%add3A_37, %dma_start3A] : memref<100096x16xf32, #tpu.memory_space<vmem_shared>> -> memref<368x16xf32, #tpu.memory_space<vmem_shared>>
        %dma_start3A_39 = arith.constant 0 : i32
        %dma_start3A_40 = tpu.memref_slice %arg7[%add3A_37, %dma_start3A_39] : memref<100096x16xf32, #tpu.memory_space<vmem_shared>> -> memref<368x16xf32, #tpu.memory_space<vmem_shared>>
        tpu.enqueue_dma source(%dma_start3A_40 : memref<368x16xf32, #tpu.memory_space<vmem_shared>>) target(%arg6 : memref<368x16xf32, #tpu.memory_space<vmem>>) target_semaphore(%run_scoped3A : memref<!tpu.dma_semaphore, #tpu.memory_space<semaphore_mem>>)
        %dma_wait3A = arith.constant 0 : i32
        %dma_wait3A_41 = tpu.memref_slice %arg7[%add3A_37, %dma_wait3A] : memref<100096x16xf32, #tpu.memory_space<vmem_shared>> -> memref<368x16xf32, #tpu.memory_space<vmem_shared>>
        %dma_wait3A_42 = arith.constant 0 : i32
        %dma_wait3A_43 = tpu.memref_slice %arg7[%add3A_37, %dma_wait3A_42] : memref<100096x16xf32, #tpu.memory_space<vmem_shared>> -> memref<368x16xf32, #tpu.memory_space<vmem_shared>>
        tpu.wait_dma2 semaphore(%run_scoped3A : memref<!tpu.dma_semaphore, #tpu.memory_space<semaphore_mem>>) src(%dma_wait3A_43 : memref<368x16xf32, #tpu.memory_space<vmem_shared>>) dst(%arg6 : memref<368x16xf32, #tpu.memory_space<vmem>>)
        tpu.yield
      }) : () -> ()
      "tpu.region"() ({
        %run_scoped3A = tpu.sem_alloc : memref<!tpu.dma_semaphore, #tpu.memory_space<semaphore_mem>>
        %dma_start3A = arith.constant 0 : i32
        %dma_start3A_38 = tpu.memref_slice %arg3[%arg0, %add3A_37, %dma_start3A] : memref<2x100096x16xf32, #tpu.memory_space<hbm>> -> memref<1x368x16xf32, #tpu.memory_space<hbm>>
        %dma_start3A_39 = tpu.memref_squeeze %dma_start3A_38 : memref<1x368x16xf32, #tpu.memory_space<hbm>> -> memref<368x16xf32, #tpu.memory_space<hbm>>
        %dma_start3A_40 = arith.constant 0 : i32
        %dma_start3A_41 = tpu.memref_slice %arg3[%arg0, %add3A_37, %dma_start3A_40] : memref<2x100096x16xf32, #tpu.memory_space<hbm>> -> memref<1x368x16xf32, #tpu.memory_space<hbm>>
        %dma_start3A_42 = tpu.memref_squeeze %dma_start3A_41 : memref<1x368x16xf32, #tpu.memory_space<hbm>> -> memref<368x16xf32, #tpu.memory_space<hbm>>
        tpu.enqueue_dma source(%arg6 : memref<368x16xf32, #tpu.memory_space<vmem>>) target(%dma_start3A_42 : memref<368x16xf32, #tpu.memory_space<hbm>>) target_semaphore(%run_scoped3A : memref<!tpu.dma_semaphore, #tpu.memory_space<semaphore_mem>>)
        %dma_wait3A = arith.constant 0 : i32
        %dma_wait3A_43 = tpu.memref_slice %arg3[%arg0, %add3A_37, %dma_wait3A] : memref<2x100096x16xf32, #tpu.memory_space<hbm>> -> memref<1x368x16xf32, #tpu.memory_space<hbm>>
        %dma_wait3A_44 = tpu.memref_squeeze %dma_wait3A_43 : memref<1x368x16xf32, #tpu.memory_space<hbm>> -> memref<368x16xf32, #tpu.memory_space<hbm>>
        %dma_wait3A_45 = arith.constant 0 : i32
        %dma_wait3A_46 = tpu.memref_slice %arg3[%arg0, %add3A_37, %dma_wait3A_45] : memref<2x100096x16xf32, #tpu.memory_space<hbm>> -> memref<1x368x16xf32, #tpu.memory_space<hbm>>
        %dma_wait3A_47 = tpu.memref_squeeze %dma_wait3A_46 : memref<1x368x16xf32, #tpu.memory_space<hbm>> -> memref<368x16xf32, #tpu.memory_space<hbm>>
        tpu.wait_dma2 semaphore(%run_scoped3A : memref<!tpu.dma_semaphore, #tpu.memory_space<semaphore_mem>>) src(%arg6 : memref<368x16xf32, #tpu.memory_space<vmem>>) dst(%dma_wait3A_47 : memref<368x16xf32, #tpu.memory_space<hbm>>)
        tpu.yield
      }) : () -> ()
    }
    %scan3A_29 = arith.constant 17 : i32
    return
  }
}

#map = affine_map<(d0, d1) -> (0, 0)>
#map1 = affine_map<(d0, d1) -> (0)>
module attributes {stable_mosaic.version = 14 : i64} {
  func.func @k(%arg0: i32, %arg1: i32, %arg2: memref<100096x16xf32, #tpu.memory_space<hbm>>, %arg3: memref<1638400xi32, #tpu.memory_space<hbm>>, %arg4: memref<1638400xi32, #tpu.memory_space<hbm>>, %arg5: memref<100096x32xf32, #tpu.memory_space<hbm>>, %arg6: memref<800xi32, #tpu.memory_space<vmem>>, %arg7: memref<800xi32, #tpu.memory_space<vmem>>, %arg8: memref<800xi32, #tpu.memory_space<vmem>>, %arg9: memref<800xi32, #tpu.memory_space<vmem>>, %arg10: memref<800x16xf32, #tpu.memory_space<vmem>>, %arg11: memref<800x16xf32, #tpu.memory_space<vmem>>, %arg12: memref<100096x16xf32, #tpu.memory_space<vmem_shared>>, %arg13: memref<!tpu.dma_semaphore, #tpu.memory_space<semaphore_mem>>, %arg14: memref<!tpu.dma_semaphore, #tpu.memory_space<semaphore_mem>>, %arg15: memref<!tpu.dma_semaphore, #tpu.memory_space<semaphore_mem>>, %arg16: memref<!tpu.dma_semaphore, #tpu.memory_space<semaphore_mem>>, %arg17: memref<!tpu.dma_semaphore, #tpu.memory_space<semaphore_mem>>, %arg18: memref<!tpu.dma_semaphore, #tpu.memory_space<semaphore_mem>>, %arg19: memref<!tpu.dma_semaphore, #tpu.memory_space<semaphore_mem>>, %arg20: memref<!tpu.dma_semaphore, #tpu.memory_space<semaphore_mem>>) attributes {dimension_semantics = [#tpu.dimension_semantics<core_parallel>, #tpu.dimension_semantics<subcore_parallel>], iteration_bounds = array<i64: 2, 16>, scalar_prefetch = 0 : i64, scratch_operands = 15 : i64, tpu.core_type = #tpu.core_type<sc_vector_subcore>, window_params = [{transform_indices = #map}, {transform_indices = #map1}, {transform_indices = #map1}, {transform_indices = #map}]} {
    %mul3A = arith.constant 6256 : i32
    %mul3A_0 = arith.muli %arg1, %mul3A : i32
    %mul3A_1 = arith.constant 819200 : i32
    %mul3A_2 = arith.muli %arg0, %mul3A_1 : i32
    %mul3A_3 = arith.constant 51200 : i32
    %mul3A_4 = arith.muli %arg1, %mul3A_3 : i32
    %add3A = arith.addi %mul3A_2, %mul3A_4 : i32
    %scan3A = arith.constant 0 : i32
    %scan3A_5 = arith.constant 368 : i32
    %scan3A_6 = arith.addi %scan3A, %scan3A_5 : i32
    %scan3A_7 = arith.constant 1 : i32
    scf.for %scan3A_98 = %scan3A to %scan3A_6 step %scan3A_7  : i32 {
      %mul3A_99 = arith.constant 1 : i32
      %mul3A_100 = arith.muli %scan3A_98, %mul3A_99 : i32
      %add3A_101 = arith.constant 0 : i32
      %add3A_102 = arith.addi %add3A_101, %mul3A_100 : i32
      %broadcast_in_dim3A = arith.constant 0.000000e+00 : f32
      %broadcast_in_dim3A_103 = vector.broadcast %broadcast_in_dim3A : f32 to vector<16xf32>
      %swap3A = arith.index_cast %add3A_102 : i32 to index
      %swap3A_104 = arith.constant 0 : index
      %swap3A_105 = tpu.vector_load %arg11[%swap3A, %swap3A_104] {strides = array<i32>} : memref<800x16xf32, #tpu.memory_space<vmem>>, vector<1x16xf32>,
      %swap3A_106 = vector.shape_cast %swap3A_105 : vector<1x16xf32> to vector<16xf32>
      %swap3A_107 = vector.shape_cast %broadcast_in_dim3A_103 : vector<16xf32> to vector<1x16xf32>
      tpu.vector_store %arg11[%swap3A, %swap3A_104], %swap3A_107 {strides = array<i32>} : memref<800x16xf32, #tpu.memory_space<vmem>>, vector<1x16xf32>,
    }
    %scan3A_8 = arith.constant 368 : i32
    %scan3A_9 = arith.constant 0 : i32
    %scan3A_10 = arith.constant 17 : i32
    %scan3A_11 = arith.addi %scan3A_9, %scan3A_10 : i32
    %scan3A_12 = arith.constant 1 : i32
    scf.for %scan3A_98 = %scan3A_9 to %scan3A_11 step %scan3A_12  : i32 {
      %mul3A_99 = arith.constant 1 : i32
      %mul3A_100 = arith.muli %scan3A_98, %mul3A_99 : i32
      %add3A_101 = arith.constant 0 : i32
      %add3A_102 = arith.addi %add3A_101, %mul3A_100 : i32
      %mul3A_103 = arith.constant 368 : i32
      %mul3A_104 = arith.muli %add3A_102, %mul3A_103 : i32
      %add3A_105 = arith.addi %mul3A_0, %mul3A_104 : i32
      "tpu.region"() ({
        %run_scoped3A = tpu.sem_alloc : memref<!tpu.dma_semaphore, #tpu.memory_space<semaphore_mem>>
        %dma_start3A_106 = arith.constant 0 : i32
        %dma_start3A_107 = arith.constant 0 : i32
        %dma_start3A_108 = tpu.memref_slice %arg11[%dma_start3A_106, %dma_start3A_107] : memref<800x16xf32, #tpu.memory_space<vmem>> -> memref<368x16xf32, #tpu.memory_space<vmem>>
        %dma_start3A_109 = arith.constant 0 : i32
        %dma_start3A_110 = tpu.memref_slice %arg12[%add3A_105, %dma_start3A_109] : memref<100096x16xf32, #tpu.memory_space<vmem_shared>> -> memref<368x16xf32, #tpu.memory_space<vmem_shared>>
        %dma_start3A_111 = arith.constant 0 : i32
        %dma_start3A_112 = tpu.memref_slice %arg12[%add3A_105, %dma_start3A_111] : memref<100096x16xf32, #tpu.memory_space<vmem_shared>> -> memref<368x16xf32, #tpu.memory_space<vmem_shared>>
        %dma_start3A_113 = arith.constant 0 : i32
        %dma_start3A_114 = arith.constant 0 : i32
        %dma_start3A_115 = tpu.memref_slice %arg11[%dma_start3A_113, %dma_start3A_114] : memref<800x16xf32, #tpu.memory_space<vmem>> -> memref<368x16xf32, #tpu.memory_space<vmem>>
        tpu.enqueue_dma source(%dma_start3A_115 : memref<368x16xf32, #tpu.memory_space<vmem>>) target(%dma_start3A_112 : memref<368x16xf32, #tpu.memory_space<vmem_shared>>) target_semaphore(%run_scoped3A : memref<!tpu.dma_semaphore, #tpu.memory_space<semaphore_mem>>)
        %dma_wait3A_116 = arith.constant 0 : i32
        %dma_wait3A_117 = arith.constant 0 : i32
        %dma_wait3A_118 = tpu.memref_slice %arg11[%dma_wait3A_116, %dma_wait3A_117] : memref<800x16xf32, #tpu.memory_space<vmem>> -> memref<368x16xf32, #tpu.memory_space<vmem>>
        %dma_wait3A_119 = arith.constant 0 : i32
        %dma_wait3A_120 = tpu.memref_slice %arg12[%add3A_105, %dma_wait3A_119] : memref<100096x16xf32, #tpu.memory_space<vmem_shared>> -> memref<368x16xf32, #tpu.memory_space<vmem_shared>>
        %dma_wait3A_121 = arith.constant 0 : i32
        %dma_wait3A_122 = tpu.memref_slice %arg12[%add3A_105, %dma_wait3A_121] : memref<100096x16xf32, #tpu.memory_space<vmem_shared>> -> memref<368x16xf32, #tpu.memory_space<vmem_shared>>
        %dma_wait3A_123 = arith.constant 0 : i32
        %dma_wait3A_124 = arith.constant 0 : i32
        %dma_wait3A_125 = tpu.memref_slice %arg11[%dma_wait3A_123, %dma_wait3A_124] : memref<800x16xf32, #tpu.memory_space<vmem>> -> memref<368x16xf32, #tpu.memory_space<vmem>>
        tpu.wait_dma2 semaphore(%run_scoped3A : memref<!tpu.dma_semaphore, #tpu.memory_space<semaphore_mem>>) src(%dma_wait3A_125 : memref<368x16xf32, #tpu.memory_space<vmem>>) dst(%dma_wait3A_122 : memref<368x16xf32, #tpu.memory_space<vmem_shared>>)
        tpu.yield
      }) : () -> ()
    }
    %scan3A_13 = arith.constant 17 : i32
    %barrier3A = arith.constant 0 : index
    tpu.barrier barrier_id(%barrier3A)
    %scan3A_14 = arith.constant 0 : i32
    %mul3A_15 = arith.constant 1 : i32
    %mul3A_16 = arith.muli %scan3A_14, %mul3A_15 : i32
    %add3A_17 = arith.constant 0 : i32
    %add3A_18 = arith.addi %add3A_17, %mul3A_16 : i32
    %add3A_19 = arith.constant 0 : i32
    %add3A_20 = arith.addi %add3A, %add3A_19 : i32
    %dma_start3A = tpu.memref_slice %arg3[%add3A_20] : memref<1638400xi32, #tpu.memory_space<hbm>> -> memref<800xi32, #tpu.memory_space<hbm>>
    %dma_start3A_21 = tpu.memref_slice %arg3[%add3A_20] : memref<1638400xi32, #tpu.memory_space<hbm>> -> memref<800xi32, #tpu.memory_space<hbm>>
    tpu.enqueue_dma source(%dma_start3A_21 : memref<800xi32, #tpu.memory_space<hbm>>) target(%arg6 : memref<800xi32, #tpu.memory_space<vmem>>) target_semaphore(%arg13 : memref<!tpu.dma_semaphore, #tpu.memory_space<semaphore_mem>>)
    %dma_start3A_22 = tpu.memref_slice %arg4[%add3A_20] : memref<1638400xi32, #tpu.memory_space<hbm>> -> memref<800xi32, #tpu.memory_space<hbm>>
    %dma_start3A_23 = tpu.memref_slice %arg4[%add3A_20] : memref<1638400xi32, #tpu.memory_space<hbm>> -> memref<800xi32, #tpu.memory_space<hbm>>
    tpu.enqueue_dma source(%dma_start3A_23 : memref<800xi32, #tpu.memory_space<hbm>>) target(%arg8 : memref<800xi32, #tpu.memory_space<vmem>>) target_semaphore(%arg15 : memref<!tpu.dma_semaphore, #tpu.memory_space<semaphore_mem>>)
    %add3A_24 = arith.constant 800 : i32
    %add3A_25 = arith.addi %add3A, %add3A_24 : i32
    %dma_start3A_26 = tpu.memref_slice %arg3[%add3A_25] : memref<1638400xi32, #tpu.memory_space<hbm>> -> memref<800xi32, #tpu.memory_space<hbm>>
    %dma_start3A_27 = tpu.memref_slice %arg3[%add3A_25] : memref<1638400xi32, #tpu.memory_space<hbm>> -> memref<800xi32, #tpu.memory_space<hbm>>
    tpu.enqueue_dma source(%dma_start3A_27 : memref<800xi32, #tpu.memory_space<hbm>>) target(%arg7 : memref<800xi32, #tpu.memory_space<vmem>>) target_semaphore(%arg14 : memref<!tpu.dma_semaphore, #tpu.memory_space<semaphore_mem>>)
    %dma_start3A_28 = tpu.memref_slice %arg4[%add3A_25] : memref<1638400xi32, #tpu.memory_space<hbm>> -> memref<800xi32, #tpu.memory_space<hbm>>
    %dma_start3A_29 = tpu.memref_slice %arg4[%add3A_25] : memref<1638400xi32, #tpu.memory_space<hbm>> -> memref<800xi32, #tpu.memory_space<hbm>>
    tpu.enqueue_dma source(%dma_start3A_29 : memref<800xi32, #tpu.memory_space<hbm>>) target(%arg9 : memref<800xi32, #tpu.memory_space<vmem>>) target_semaphore(%arg16 : memref<!tpu.dma_semaphore, #tpu.memory_space<semaphore_mem>>)
    %scan3A_30 = arith.constant 0 : i32
    %scan3A_31 = arith.constant 32 : i32
    %scan3A_32 = arith.addi %scan3A_30, %scan3A_31 : i32
    %scan3A_33 = arith.constant 1 : i32
    scf.for %scan3A_98 = %scan3A_30 to %scan3A_32 step %scan3A_33  : i32 {
      %mul3A_99 = arith.constant 1 : i32
      %mul3A_100 = arith.muli %scan3A_98, %mul3A_99 : i32
      %add3A_101 = arith.constant 0 : i32
      %add3A_102 = arith.addi %add3A_101, %mul3A_100 : i32
      %mul3A_103 = arith.constant 2 : i32
      %mul3A_104 = arith.muli %mul3A_103, %add3A_102 : i32
      %mul3A_105 = arith.constant 2 : i32
      %mul3A_106 = arith.muli %mul3A_105, %add3A_102 : i32
      %add3A_107 = arith.constant 1 : i32
      %add3A_108 = arith.addi %mul3A_106, %add3A_107 : i32
      %gt3A = arith.constant 0 : i32
      %gt3A_109 = arith.cmpi sgt, %add3A_102, %gt3A : i32
      %gt3A_110 = arith.constant 0 : i32
      %gt3A_111 = arith.cmpi sgt, %add3A_102, %gt3A_110 : i32
      %mul3A_112 = arith.constant 800 : i32
      %mul3A_113 = arith.muli %mul3A_104, %mul3A_112 : i32
      %add3A_114 = arith.addi %add3A, %mul3A_113 : i32
      %dma_wait3A_115 = tpu.memref_slice %arg3[%add3A_114] : memref<1638400xi32, #tpu.memory_space<hbm>> -> memref<800xi32, #tpu.memory_space<hbm>>
      %dma_wait3A_116 = tpu.memref_slice %arg3[%add3A_114] : memref<1638400xi32, #tpu.memory_space<hbm>> -> memref<800xi32, #tpu.memory_space<hbm>>
      tpu.wait_dma2 semaphore(%arg13 : memref<!tpu.dma_semaphore, #tpu.memory_space<semaphore_mem>>) src(%dma_wait3A_116 : memref<800xi32, #tpu.memory_space<hbm>>) dst(%arg6 : memref<800xi32, #tpu.memory_space<vmem>>)
      %dma_wait3A_117 = tpu.memref_slice %arg4[%add3A_114] : memref<1638400xi32, #tpu.memory_space<hbm>> -> memref<800xi32, #tpu.memory_space<hbm>>
      %dma_wait3A_118 = tpu.memref_slice %arg4[%add3A_114] : memref<1638400xi32, #tpu.memory_space<hbm>> -> memref<800xi32, #tpu.memory_space<hbm>>
      tpu.wait_dma2 semaphore(%arg15 : memref<!tpu.dma_semaphore, #tpu.memory_space<semaphore_mem>>) src(%dma_wait3A_118 : memref<800xi32, #tpu.memory_space<hbm>>) dst(%arg8 : memref<800xi32, #tpu.memory_space<vmem>>)
      %dma_start3A_119 = arith.constant 0 : i32
      %dma_start3A_120 = arith.constant 0 : i32
      %dma_start3A_121 = tpu.memref_slice %arg2[%dma_start3A_119, %dma_start3A_120] : memref<100096x16xf32, #tpu.memory_space<hbm>> -> memref<100096x16xf32, #tpu.memory_space<hbm>>
      tpu.enqueue_indirect_dma source(%dma_start3A_121 : memref<100096x16xf32, #tpu.memory_space<hbm>>) target(%arg10 : memref<800x16xf32, #tpu.memory_space<vmem>>) offsets(%arg6 : memref<800xi32, #tpu.memory_space<vmem>>) semaphore(%arg17 : memref<!tpu.dma_semaphore, #tpu.memory_space<semaphore_mem>>)
      %convert_element_type3A = arith.extui %gt3A_109 : i1 to i32
      %cond3A = arith.constant 0 : i32
      %cond3A_122 = arith.cmpi ne, %convert_element_type3A, %cond3A : i32
      scf.if %cond3A_122 {
        %dma_wait3A_163 = arith.constant 0 : i32
        %dma_wait3A_164 = arith.constant 0 : i32
        %dma_wait3A_165 = tpu.memref_slice %arg12[%dma_wait3A_163, %dma_wait3A_164] : memref<100096x16xf32, #tpu.memory_space<vmem_shared>> -> memref<100096x16xf32, #tpu.memory_space<vmem_shared>>
        tpu.wait_indirect_dma semaphore(%arg20 : memref<!tpu.dma_semaphore, #tpu.memory_space<semaphore_mem>>) src(%arg11 : memref<800x16xf32, #tpu.memory_space<vmem>>) dst(%dma_wait3A_165 : memref<100096x16xf32, #tpu.memory_space<vmem_shared>>)
      } else {
      }
      %convert_element_type3A_123 = arith.extui %gt3A_111 : i1 to i32
      %cond3A_124 = arith.constant 0 : i32
      %cond3A_125 = arith.cmpi ne, %convert_element_type3A_123, %cond3A_124 : i32
      scf.if %cond3A_125 {
        %mul3A_163 = arith.constant 800 : i32
        %mul3A_164 = arith.muli %add3A_108, %mul3A_163 : i32
        %add3A_165 = arith.addi %add3A, %mul3A_164 : i32
        %dma_start3A_166 = tpu.memref_slice %arg3[%add3A_165] : memref<1638400xi32, #tpu.memory_space<hbm>> -> memref<800xi32, #tpu.memory_space<hbm>>
        %dma_start3A_167 = tpu.memref_slice %arg3[%add3A_165] : memref<1638400xi32, #tpu.memory_space<hbm>> -> memref<800xi32, #tpu.memory_space<hbm>>
        tpu.enqueue_dma source(%dma_start3A_167 : memref<800xi32, #tpu.memory_space<hbm>>) target(%arg7 : memref<800xi32, #tpu.memory_space<vmem>>) target_semaphore(%arg14 : memref<!tpu.dma_semaphore, #tpu.memory_space<semaphore_mem>>)
        %dma_start3A_168 = tpu.memref_slice %arg4[%add3A_165] : memref<1638400xi32, #tpu.memory_space<hbm>> -> memref<800xi32, #tpu.memory_space<hbm>>
        %dma_start3A_169 = tpu.memref_slice %arg4[%add3A_165] : memref<1638400xi32, #tpu.memory_space<hbm>> -> memref<800xi32, #tpu.memory_space<hbm>>
        tpu.enqueue_dma source(%dma_start3A_169 : memref<800xi32, #tpu.memory_space<hbm>>) target(%arg9 : memref<800xi32, #tpu.memory_space<vmem>>) target_semaphore(%arg16 : memref<!tpu.dma_semaphore, #tpu.memory_space<semaphore_mem>>)
      } else {
      }
      %dma_wait3A_126 = arith.constant 0 : i32
      %dma_wait3A_127 = arith.constant 0 : i32
      %dma_wait3A_128 = tpu.memref_slice %arg2[%dma_wait3A_126, %dma_wait3A_127] : memref<100096x16xf32, #tpu.memory_space<hbm>> -> memref<100096x16xf32, #tpu.memory_space<hbm>>
      tpu.wait_indirect_dma semaphore(%arg17 : memref<!tpu.dma_semaphore, #tpu.memory_space<semaphore_mem>>) src(%dma_wait3A_128 : memref<100096x16xf32, #tpu.memory_space<hbm>>) dst(%arg10 : memref<800x16xf32, #tpu.memory_space<vmem>>)
      %dma_start3A_129 = arith.constant 0 : i32
      %dma_start3A_130 = arith.constant 0 : i32
      %dma_start3A_131 = tpu.memref_slice %arg12[%dma_start3A_129, %dma_start3A_130] : memref<100096x16xf32, #tpu.memory_space<vmem_shared>> -> memref<100096x16xf32, #tpu.memory_space<vmem_shared>>
      tpu.enqueue_indirect_dma source(%arg10 : memref<800x16xf32, #tpu.memory_space<vmem>>) target(%dma_start3A_131 : memref<100096x16xf32, #tpu.memory_space<vmem_shared>>) offsets(%arg8 : memref<800xi32, #tpu.memory_space<vmem>>) semaphore(%arg19 : memref<!tpu.dma_semaphore, #tpu.memory_space<semaphore_mem>>) {add = true}
      %mul3A_132 = arith.constant 2 : i32
      %mul3A_133 = arith.muli %mul3A_132, %add3A_102 : i32
      %add3A_134 = arith.constant 1 : i32
      %add3A_135 = arith.addi %mul3A_133, %add3A_134 : i32
      %mul3A_136 = arith.constant 2 : i32
      %mul3A_137 = arith.muli %mul3A_136, %add3A_102 : i32
      %add3A_138 = arith.constant 2 : i32
      %add3A_139 = arith.addi %mul3A_137, %add3A_138 : i32
      %lt3A = arith.constant 31 : i32
      %lt3A_140 = arith.cmpi slt, %add3A_102, %lt3A : i32
      %mul3A_141 = arith.constant 800 : i32
      %mul3A_142 = arith.muli %add3A_135, %mul3A_141 : i32
      %add3A_143 = arith.addi %add3A, %mul3A_142 : i32
      %dma_wait3A_144 = tpu.memref_slice %arg3[%add3A_143] : memref<1638400xi32, #tpu.memory_space<hbm>> -> memref<800xi32, #tpu.memory_space<hbm>>
      %dma_wait3A_145 = tpu.memref_slice %arg3[%add3A_143] : memref<1638400xi32, #tpu.memory_space<hbm>> -> memref<800xi32, #tpu.memory_space<hbm>>
      tpu.wait_dma2 semaphore(%arg14 : memref<!tpu.dma_semaphore, #tpu.memory_space<semaphore_mem>>) src(%dma_wait3A_145 : memref<800xi32, #tpu.memory_space<hbm>>) dst(%arg7 : memref<800xi32, #tpu.memory_space<vmem>>)
      %dma_wait3A_146 = tpu.memref_slice %arg4[%add3A_143] : memref<1638400xi32, #tpu.memory_space<hbm>> -> memref<800xi32, #tpu.memory_space<hbm>>
      %dma_wait3A_147 = tpu.memref_slice %arg4[%add3A_143] : memref<1638400xi32, #tpu.memory_space<hbm>> -> memref<800xi32, #tpu.memory_space<hbm>>
      tpu.wait_dma2 semaphore(%arg16 : memref<!tpu.dma_semaphore, #tpu.memory_space<semaphore_mem>>) src(%dma_wait3A_147 : memref<800xi32, #tpu.memory_space<hbm>>) dst(%arg9 : memref<800xi32, #tpu.memory_space<vmem>>)
      %dma_start3A_148 = arith.constant 0 : i32
      %dma_start3A_149 = arith.constant 0 : i32
      %dma_start3A_150 = tpu.memref_slice %arg2[%dma_start3A_148, %dma_start3A_149] : memref<100096x16xf32, #tpu.memory_space<hbm>> -> memref<100096x16xf32, #tpu.memory_space<hbm>>
      tpu.enqueue_indirect_dma source(%dma_start3A_150 : memref<100096x16xf32, #tpu.memory_space<hbm>>) target(%arg11 : memref<800x16xf32, #tpu.memory_space<vmem>>) offsets(%arg7 : memref<800xi32, #tpu.memory_space<vmem>>) semaphore(%arg18 : memref<!tpu.dma_semaphore, #tpu.memory_space<semaphore_mem>>)
      %dma_wait3A_151 = arith.constant 0 : i32
      %dma_wait3A_152 = arith.constant 0 : i32
      %dma_wait3A_153 = tpu.memref_slice %arg12[%dma_wait3A_151, %dma_wait3A_152] : memref<100096x16xf32, #tpu.memory_space<vmem_shared>> -> memref<100096x16xf32, #tpu.memory_space<vmem_shared>>
      tpu.wait_indirect_dma semaphore(%arg19 : memref<!tpu.dma_semaphore, #tpu.memory_space<semaphore_mem>>) src(%arg10 : memref<800x16xf32, #tpu.memory_space<vmem>>) dst(%dma_wait3A_153 : memref<100096x16xf32, #tpu.memory_space<vmem_shared>>)
      %convert_element_type3A_154 = arith.extui %lt3A_140 : i1 to i32
      %cond3A_155 = arith.constant 0 : i32
      %cond3A_156 = arith.cmpi ne, %convert_element_type3A_154, %cond3A_155 : i32
      scf.if %cond3A_156 {
        %mul3A_163 = arith.constant 800 : i32
        %mul3A_164 = arith.muli %add3A_139, %mul3A_163 : i32
        %add3A_165 = arith.addi %add3A, %mul3A_164 : i32
        %dma_start3A_166 = tpu.memref_slice %arg3[%add3A_165] : memref<1638400xi32, #tpu.memory_space<hbm>> -> memref<800xi32, #tpu.memory_space<hbm>>
        %dma_start3A_167 = tpu.memref_slice %arg3[%add3A_165] : memref<1638400xi32, #tpu.memory_space<hbm>> -> memref<800xi32, #tpu.memory_space<hbm>>
        tpu.enqueue_dma source(%dma_start3A_167 : memref<800xi32, #tpu.memory_space<hbm>>) target(%arg6 : memref<800xi32, #tpu.memory_space<vmem>>) target_semaphore(%arg13 : memref<!tpu.dma_semaphore, #tpu.memory_space<semaphore_mem>>)
        %dma_start3A_168 = tpu.memref_slice %arg4[%add3A_165] : memref<1638400xi32, #tpu.memory_space<hbm>> -> memref<800xi32, #tpu.memory_space<hbm>>
        %dma_start3A_169 = tpu.memref_slice %arg4[%add3A_165] : memref<1638400xi32, #tpu.memory_space<hbm>> -> memref<800xi32, #tpu.memory_space<hbm>>
        tpu.enqueue_dma source(%dma_start3A_169 : memref<800xi32, #tpu.memory_space<hbm>>) target(%arg8 : memref<800xi32, #tpu.memory_space<vmem>>) target_semaphore(%arg15 : memref<!tpu.dma_semaphore, #tpu.memory_space<semaphore_mem>>)
      } else {
      }
      %dma_wait3A_157 = arith.constant 0 : i32
      %dma_wait3A_158 = arith.constant 0 : i32
      %dma_wait3A_159 = tpu.memref_slice %arg2[%dma_wait3A_157, %dma_wait3A_158] : memref<100096x16xf32, #tpu.memory_space<hbm>> -> memref<100096x16xf32, #tpu.memory_space<hbm>>
      tpu.wait_indirect_dma semaphore(%arg18 : memref<!tpu.dma_semaphore, #tpu.memory_space<semaphore_mem>>) src(%dma_wait3A_159 : memref<100096x16xf32, #tpu.memory_space<hbm>>) dst(%arg11 : memref<800x16xf32, #tpu.memory_space<vmem>>)
      %dma_start3A_160 = arith.constant 0 : i32
      %dma_start3A_161 = arith.constant 0 : i32
      %dma_start3A_162 = tpu.memref_slice %arg12[%dma_start3A_160, %dma_start3A_161] : memref<100096x16xf32, #tpu.memory_space<vmem_shared>> -> memref<100096x16xf32, #tpu.memory_space<vmem_shared>>
      tpu.enqueue_indirect_dma source(%arg11 : memref<800x16xf32, #tpu.memory_space<vmem>>) target(%dma_start3A_162 : memref<100096x16xf32, #tpu.memory_space<vmem_shared>>) offsets(%arg9 : memref<800xi32, #tpu.memory_space<vmem>>) semaphore(%arg20 : memref<!tpu.dma_semaphore, #tpu.memory_space<semaphore_mem>>) {add = true}
    }
    %scan3A_34 = arith.constant 32 : i32
    %dma_wait3A = arith.constant 0 : i32
    %dma_wait3A_35 = arith.constant 0 : i32
    %dma_wait3A_36 = tpu.memref_slice %arg12[%dma_wait3A, %dma_wait3A_35] : memref<100096x16xf32, #tpu.memory_space<vmem_shared>> -> memref<100096x16xf32, #tpu.memory_space<vmem_shared>>
    tpu.wait_indirect_dma semaphore(%arg20 : memref<!tpu.dma_semaphore, #tpu.memory_space<semaphore_mem>>) src(%arg11 : memref<800x16xf32, #tpu.memory_space<vmem>>) dst(%dma_wait3A_36 : memref<100096x16xf32, #tpu.memory_space<vmem_shared>>)
    %barrier3A_37 = arith.constant 0 : index
    tpu.barrier barrier_id(%barrier3A_37)
    %scan3A_38 = arith.constant 0 : i32
    %scan3A_39 = arith.constant 368 : i32
    %scan3A_40 = arith.addi %scan3A_38, %scan3A_39 : i32
    %scan3A_41 = arith.constant 1 : i32
    scf.for %scan3A_98 = %scan3A_38 to %scan3A_40 step %scan3A_41  : i32 {
      %mul3A_99 = arith.constant 1 : i32
      %mul3A_100 = arith.muli %scan3A_98, %mul3A_99 : i32
      %add3A_101 = arith.constant 0 : i32
      %add3A_102 = arith.addi %add3A_101, %mul3A_100 : i32
      %broadcast_in_dim3A = arith.constant 0.000000e+00 : f32
      %broadcast_in_dim3A_103 = vector.broadcast %broadcast_in_dim3A : f32 to vector<16xf32>
      %swap3A = arith.index_cast %add3A_102 : i32 to index
      %swap3A_104 = arith.constant 0 : index
      %swap3A_105 = tpu.vector_load %arg11[%swap3A, %swap3A_104] {strides = array<i32>} : memref<800x16xf32, #tpu.memory_space<vmem>>, vector<1x16xf32>,
      %swap3A_106 = vector.shape_cast %swap3A_105 : vector<1x16xf32> to vector<16xf32>
      %swap3A_107 = vector.shape_cast %broadcast_in_dim3A_103 : vector<16xf32> to vector<1x16xf32>
      tpu.vector_store %arg11[%swap3A, %swap3A_104], %swap3A_107 {strides = array<i32>} : memref<800x16xf32, #tpu.memory_space<vmem>>, vector<1x16xf32>,
    }
    %scan3A_42 = arith.constant 368 : i32
    %scan3A_43 = arith.constant 0 : i32
    %scan3A_44 = arith.constant 8 : i32
    %scan3A_45 = arith.addi %scan3A_43, %scan3A_44 : i32
    %scan3A_46 = arith.constant 1 : i32
    scf.for %scan3A_98 = %scan3A_43 to %scan3A_45 step %scan3A_46  : i32 {
      %mul3A_99 = arith.constant 1 : i32
      %mul3A_100 = arith.muli %scan3A_98, %mul3A_99 : i32
      %add3A_101 = arith.constant 0 : i32
      %add3A_102 = arith.addi %add3A_101, %mul3A_100 : i32
      %mul3A_103 = arith.constant 2 : i32
      %mul3A_104 = arith.muli %mul3A_103, %add3A_102 : i32
      %mul3A_105 = arith.constant 2 : i32
      %mul3A_106 = arith.muli %mul3A_105, %add3A_102 : i32
      %sub3A = arith.constant 2 : i32
      %sub3A_107 = arith.subi %mul3A_106, %sub3A : i32
      %gt3A = arith.constant 0 : i32
      %gt3A_108 = arith.cmpi sgt, %add3A_102, %gt3A : i32
      %mul3A_109 = arith.constant 368 : i32
      %mul3A_110 = arith.muli %mul3A_104, %mul3A_109 : i32
      %add3A_111 = arith.addi %mul3A_0, %mul3A_110 : i32
      %convert_element_type3A = arith.extui %gt3A_108 : i1 to i32
      %cond3A = arith.constant 0 : i32
      %cond3A_112 = arith.cmpi ne, %convert_element_type3A, %cond3A : i32
      scf.if %cond3A_112 {
        %mul3A_149 = arith.constant 368 : i32
        %mul3A_150 = arith.muli %sub3A_107, %mul3A_149 : i32
        %add3A_151 = arith.addi %mul3A_0, %mul3A_150 : i32
        %mul3A_152 = arith.constant 16 : i32
        %mul3A_153 = arith.muli %arg0, %mul3A_152 : i32
        %dma_wait3A_154 = arith.constant 0 : i32
        %dma_wait3A_155 = arith.constant 0 : i32
        %dma_wait3A_156 = tpu.memref_slice %arg10[%dma_wait3A_154, %dma_wait3A_155] : memref<800x16xf32, #tpu.memory_space<vmem>> -> memref<368x16xf32, #tpu.memory_space<vmem>>
        %dma_wait3A_157 = tpu.memref_slice %arg5[%add3A_151, %mul3A_153] : memref<100096x32xf32, #tpu.memory_space<hbm>> -> memref<368x16xf32, #tpu.memory_space<hbm>>
        %dma_wait3A_158 = tpu.memref_slice %arg5[%add3A_151, %mul3A_153] : memref<100096x32xf32, #tpu.memory_space<hbm>> -> memref<368x16xf32, #tpu.memory_space<hbm>>
        %dma_wait3A_159 = arith.constant 0 : i32
        %dma_wait3A_160 = arith.constant 0 : i32
        %dma_wait3A_161 = tpu.memref_slice %arg10[%dma_wait3A_159, %dma_wait3A_160] : memref<800x16xf32, #tpu.memory_space<vmem>> -> memref<368x16xf32, #tpu.memory_space<vmem>>
        tpu.wait_dma2 semaphore(%arg17 : memref<!tpu.dma_semaphore, #tpu.memory_space<semaphore_mem>>) src(%dma_wait3A_161 : memref<368x16xf32, #tpu.memory_space<vmem>>) dst(%dma_wait3A_158 : memref<368x16xf32, #tpu.memory_space<hbm>>)
      } else {
      }
      "tpu.region"() ({
        %run_scoped3A = tpu.sem_alloc : memref<!tpu.dma_semaphore, #tpu.memory_space<semaphore_mem>>
        %dma_start3A_149 = arith.constant 0 : i32
        %dma_start3A_150 = arith.constant 0 : i32
        %dma_start3A_151 = tpu.memref_slice %arg10[%dma_start3A_149, %dma_start3A_150] : memref<800x16xf32, #tpu.memory_space<vmem>> -> memref<368x16xf32, #tpu.memory_space<vmem>>
        %dma_start3A_152 = arith.constant 0 : i32
        %dma_start3A_153 = tpu.memref_slice %arg12[%add3A_111, %dma_start3A_152] : memref<100096x16xf32, #tpu.memory_space<vmem_shared>> -> memref<368x16xf32, #tpu.memory_space<vmem_shared>>
        %dma_start3A_154 = arith.constant 0 : i32
        %dma_start3A_155 = arith.constant 0 : i32
        %dma_start3A_156 = tpu.memref_slice %arg10[%dma_start3A_154, %dma_start3A_155] : memref<800x16xf32, #tpu.memory_space<vmem>> -> memref<368x16xf32, #tpu.memory_space<vmem>>
        %dma_start3A_157 = arith.constant 0 : i32
        %dma_start3A_158 = tpu.memref_slice %arg12[%add3A_111, %dma_start3A_157] : memref<100096x16xf32, #tpu.memory_space<vmem_shared>> -> memref<368x16xf32, #tpu.memory_space<vmem_shared>>
        tpu.enqueue_dma source(%dma_start3A_158 : memref<368x16xf32, #tpu.memory_space<vmem_shared>>) target(%dma_start3A_156 : memref<368x16xf32, #tpu.memory_space<vmem>>) target_semaphore(%run_scoped3A : memref<!tpu.dma_semaphore, #tpu.memory_space<semaphore_mem>>)
        %dma_wait3A_159 = arith.constant 0 : i32
        %dma_wait3A_160 = arith.constant 0 : i32
        %dma_wait3A_161 = tpu.memref_slice %arg10[%dma_wait3A_159, %dma_wait3A_160] : memref<800x16xf32, #tpu.memory_space<vmem>> -> memref<368x16xf32, #tpu.memory_space<vmem>>
        %dma_wait3A_162 = arith.constant 0 : i32
        %dma_wait3A_163 = tpu.memref_slice %arg12[%add3A_111, %dma_wait3A_162] : memref<100096x16xf32, #tpu.memory_space<vmem_shared>> -> memref<368x16xf32, #tpu.memory_space<vmem_shared>>
        %dma_wait3A_164 = arith.constant 0 : i32
        %dma_wait3A_165 = arith.constant 0 : i32
        %dma_wait3A_166 = tpu.memref_slice %arg10[%dma_wait3A_164, %dma_wait3A_165] : memref<800x16xf32, #tpu.memory_space<vmem>> -> memref<368x16xf32, #tpu.memory_space<vmem>>
        %dma_wait3A_167 = arith.constant 0 : i32
        %dma_wait3A_168 = tpu.memref_slice %arg12[%add3A_111, %dma_wait3A_167] : memref<100096x16xf32, #tpu.memory_space<vmem_shared>> -> memref<368x16xf32, #tpu.memory_space<vmem_shared>>
        tpu.wait_dma2 semaphore(%run_scoped3A : memref<!tpu.dma_semaphore, #tpu.memory_space<semaphore_mem>>) src(%dma_wait3A_168 : memref<368x16xf32, #tpu.memory_space<vmem_shared>>) dst(%dma_wait3A_166 : memref<368x16xf32, #tpu.memory_space<vmem>>)
        tpu.yield
      }) : () -> ()
      %mul3A_113 = arith.constant 16 : i32
      %mul3A_114 = arith.muli %arg0, %mul3A_113 : i32
      %dma_start3A_115 = arith.constant 0 : i32
      %dma_start3A_116 = arith.constant 0 : i32
      %dma_start3A_117 = tpu.memref_slice %arg10[%dma_start3A_115, %dma_start3A_116] : memref<800x16xf32, #tpu.memory_space<vmem>> -> memref<368x16xf32, #tpu.memory_space<vmem>>
      %dma_start3A_118 = tpu.memref_slice %arg5[%add3A_111, %mul3A_114] : memref<100096x32xf32, #tpu.memory_space<hbm>> -> memref<368x16xf32, #tpu.memory_space<hbm>>
      %dma_start3A_119 = tpu.memref_slice %arg5[%add3A_111, %mul3A_114] : memref<100096x32xf32, #tpu.memory_space<hbm>> -> memref<368x16xf32, #tpu.memory_space<hbm>>
      %dma_start3A_120 = arith.constant 0 : i32
      %dma_start3A_121 = arith.constant 0 : i32
      %dma_start3A_122 = tpu.memref_slice %arg10[%dma_start3A_120, %dma_start3A_121] : memref<800x16xf32, #tpu.memory_space<vmem>> -> memref<368x16xf32, #tpu.memory_space<vmem>>
      tpu.enqueue_dma source(%dma_start3A_122 : memref<368x16xf32, #tpu.memory_space<vmem>>) target(%dma_start3A_119 : memref<368x16xf32, #tpu.memory_space<hbm>>) target_semaphore(%arg17 : memref<!tpu.dma_semaphore, #tpu.memory_space<semaphore_mem>>)
      "tpu.region"() ({
        %run_scoped3A = tpu.sem_alloc : memref<!tpu.dma_semaphore, #tpu.memory_space<semaphore_mem>>
        %dma_start3A_149 = arith.constant 0 : i32
        %dma_start3A_150 = arith.constant 0 : i32
        %dma_start3A_151 = tpu.memref_slice %arg11[%dma_start3A_149, %dma_start3A_150] : memref<800x16xf32, #tpu.memory_space<vmem>> -> memref<368x16xf32, #tpu.memory_space<vmem>>
        %dma_start3A_152 = arith.constant 0 : i32
        %dma_start3A_153 = tpu.memref_slice %arg12[%add3A_111, %dma_start3A_152] : memref<100096x16xf32, #tpu.memory_space<vmem_shared>> -> memref<368x16xf32, #tpu.memory_space<vmem_shared>>
        %dma_start3A_154 = arith.constant 0 : i32
        %dma_start3A_155 = tpu.memref_slice %arg12[%add3A_111, %dma_start3A_154] : memref<100096x16xf32, #tpu.memory_space<vmem_shared>> -> memref<368x16xf32, #tpu.memory_space<vmem_shared>>
        %dma_start3A_156 = arith.constant 0 : i32
        %dma_start3A_157 = arith.constant 0 : i32
        %dma_start3A_158 = tpu.memref_slice %arg11[%dma_start3A_156, %dma_start3A_157] : memref<800x16xf32, #tpu.memory_space<vmem>> -> memref<368x16xf32, #tpu.memory_space<vmem>>
        tpu.enqueue_dma source(%dma_start3A_158 : memref<368x16xf32, #tpu.memory_space<vmem>>) target(%dma_start3A_155 : memref<368x16xf32, #tpu.memory_space<vmem_shared>>) target_semaphore(%run_scoped3A : memref<!tpu.dma_semaphore, #tpu.memory_space<semaphore_mem>>)
        %dma_wait3A_159 = arith.constant 0 : i32
        %dma_wait3A_160 = arith.constant 0 : i32
        %dma_wait3A_161 = tpu.memref_slice %arg11[%dma_wait3A_159, %dma_wait3A_160] : memref<800x16xf32, #tpu.memory_space<vmem>> -> memref<368x16xf32, #tpu.memory_space<vmem>>
        %dma_wait3A_162 = arith.constant 0 : i32
        %dma_wait3A_163 = tpu.memref_slice %arg12[%add3A_111, %dma_wait3A_162] : memref<100096x16xf32, #tpu.memory_space<vmem_shared>> -> memref<368x16xf32, #tpu.memory_space<vmem_shared>>
        %dma_wait3A_164 = arith.constant 0 : i32
        %dma_wait3A_165 = tpu.memref_slice %arg12[%add3A_111, %dma_wait3A_164] : memref<100096x16xf32, #tpu.memory_space<vmem_shared>> -> memref<368x16xf32, #tpu.memory_space<vmem_shared>>
        %dma_wait3A_166 = arith.constant 0 : i32
        %dma_wait3A_167 = arith.constant 0 : i32
        %dma_wait3A_168 = tpu.memref_slice %arg11[%dma_wait3A_166, %dma_wait3A_167] : memref<800x16xf32, #tpu.memory_space<vmem>> -> memref<368x16xf32, #tpu.memory_space<vmem>>
        tpu.wait_dma2 semaphore(%run_scoped3A : memref<!tpu.dma_semaphore, #tpu.memory_space<semaphore_mem>>) src(%dma_wait3A_168 : memref<368x16xf32, #tpu.memory_space<vmem>>) dst(%dma_wait3A_165 : memref<368x16xf32, #tpu.memory_space<vmem_shared>>)
        tpu.yield
      }) : () -> ()
      %mul3A_123 = arith.constant 2 : i32
      %mul3A_124 = arith.muli %mul3A_123, %add3A_102 : i32
      %add3A_125 = arith.constant 1 : i32
      %add3A_126 = arith.addi %mul3A_124, %add3A_125 : i32
      %mul3A_127 = arith.constant 2 : i32
      %mul3A_128 = arith.muli %mul3A_127, %add3A_102 : i32
      %sub3A_129 = arith.constant 1 : i32
      %sub3A_130 = arith.subi %mul3A_128, %sub3A_129 : i32
      %gt3A_131 = arith.constant 0 : i32
      %gt3A_132 = arith.cmpi sgt, %add3A_102, %gt3A_131 : i32
      %mul3A_133 = arith.constant 368 : i32
      %mul3A_134 = arith.muli %add3A_126, %mul3A_133 : i32
      %add3A_135 = arith.addi %mul3A_0, %mul3A_134 : i32
      %convert_element_type3A_136 = arith.extui %gt3A_132 : i1 to i32
      %cond3A_137 = arith.constant 0 : i32
      %cond3A_138 = arith.cmpi ne, %convert_element_type3A_136, %cond3A_137 : i32
      scf.if %cond3A_138 {
        %mul3A_149 = arith.constant 368 : i32
        %mul3A_150 = arith.muli %sub3A_130, %mul3A_149 : i32
        %add3A_151 = arith.addi %mul3A_0, %mul3A_150 : i32
        %mul3A_152 = arith.constant 16 : i32
        %mul3A_153 = arith.muli %arg0, %mul3A_152 : i32
        %dma_wait3A_154 = arith.constant 368 : i32
        %dma_wait3A_155 = arith.constant 0 : i32
        %dma_wait3A_156 = tpu.memref_slice %arg10[%dma_wait3A_154, %dma_wait3A_155] : memref<800x16xf32, #tpu.memory_space<vmem>> -> memref<368x16xf32, #tpu.memory_space<vmem>>
        %dma_wait3A_157 = tpu.memref_slice %arg5[%add3A_151, %mul3A_153] : memref<100096x32xf32, #tpu.memory_space<hbm>> -> memref<368x16xf32, #tpu.memory_space<hbm>>
        %dma_wait3A_158 = tpu.memref_slice %arg5[%add3A_151, %mul3A_153] : memref<100096x32xf32, #tpu.memory_space<hbm>> -> memref<368x16xf32, #tpu.memory_space<hbm>>
        %dma_wait3A_159 = arith.constant 368 : i32
        %dma_wait3A_160 = arith.constant 0 : i32
        %dma_wait3A_161 = tpu.memref_slice %arg10[%dma_wait3A_159, %dma_wait3A_160] : memref<800x16xf32, #tpu.memory_space<vmem>> -> memref<368x16xf32, #tpu.memory_space<vmem>>
        tpu.wait_dma2 semaphore(%arg18 : memref<!tpu.dma_semaphore, #tpu.memory_space<semaphore_mem>>) src(%dma_wait3A_161 : memref<368x16xf32, #tpu.memory_space<vmem>>) dst(%dma_wait3A_158 : memref<368x16xf32, #tpu.memory_space<hbm>>)
      } else {
      }
      "tpu.region"() ({
        %run_scoped3A = tpu.sem_alloc : memref<!tpu.dma_semaphore, #tpu.memory_space<semaphore_mem>>
        %dma_start3A_149 = arith.constant 368 : i32
        %dma_start3A_150 = arith.constant 0 : i32
        %dma_start3A_151 = tpu.memref_slice %arg10[%dma_start3A_149, %dma_start3A_150] : memref<800x16xf32, #tpu.memory_space<vmem>> -> memref<368x16xf32, #tpu.memory_space<vmem>>
        %dma_start3A_152 = arith.constant 0 : i32
        %dma_start3A_153 = tpu.memref_slice %arg12[%add3A_135, %dma_start3A_152] : memref<100096x16xf32, #tpu.memory_space<vmem_shared>> -> memref<368x16xf32, #tpu.memory_space<vmem_shared>>
        %dma_start3A_154 = arith.constant 368 : i32
        %dma_start3A_155 = arith.constant 0 : i32
        %dma_start3A_156 = tpu.memref_slice %arg10[%dma_start3A_154, %dma_start3A_155] : memref<800x16xf32, #tpu.memory_space<vmem>> -> memref<368x16xf32, #tpu.memory_space<vmem>>
        %dma_start3A_157 = arith.constant 0 : i32
        %dma_start3A_158 = tpu.memref_slice %arg12[%add3A_135, %dma_start3A_157] : memref<100096x16xf32, #tpu.memory_space<vmem_shared>> -> memref<368x16xf32, #tpu.memory_space<vmem_shared>>
        tpu.enqueue_dma source(%dma_start3A_158 : memref<368x16xf32, #tpu.memory_space<vmem_shared>>) target(%dma_start3A_156 : memref<368x16xf32, #tpu.memory_space<vmem>>) target_semaphore(%run_scoped3A : memref<!tpu.dma_semaphore, #tpu.memory_space<semaphore_mem>>)
        %dma_wait3A_159 = arith.constant 368 : i32
        %dma_wait3A_160 = arith.constant 0 : i32
        %dma_wait3A_161 = tpu.memref_slice %arg10[%dma_wait3A_159, %dma_wait3A_160] : memref<800x16xf32, #tpu.memory_space<vmem>> -> memref<368x16xf32, #tpu.memory_space<vmem>>
        %dma_wait3A_162 = arith.constant 0 : i32
        %dma_wait3A_163 = tpu.memref_slice %arg12[%add3A_135, %dma_wait3A_162] : memref<100096x16xf32, #tpu.memory_space<vmem_shared>> -> memref<368x16xf32, #tpu.memory_space<vmem_shared>>
        %dma_wait3A_164 = arith.constant 368 : i32
        %dma_wait3A_165 = arith.constant 0 : i32
        %dma_wait3A_166 = tpu.memref_slice %arg10[%dma_wait3A_164, %dma_wait3A_165] : memref<800x16xf32, #tpu.memory_space<vmem>> -> memref<368x16xf32, #tpu.memory_space<vmem>>
        %dma_wait3A_167 = arith.constant 0 : i32
        %dma_wait3A_168 = tpu.memref_slice %arg12[%add3A_135, %dma_wait3A_167] : memref<100096x16xf32, #tpu.memory_space<vmem_shared>> -> memref<368x16xf32, #tpu.memory_space<vmem_shared>>
        tpu.wait_dma2 semaphore(%run_scoped3A : memref<!tpu.dma_semaphore, #tpu.memory_space<semaphore_mem>>) src(%dma_wait3A_168 : memref<368x16xf32, #tpu.memory_space<vmem_shared>>) dst(%dma_wait3A_166 : memref<368x16xf32, #tpu.memory_space<vmem>>)
        tpu.yield
      }) : () -> ()
      %mul3A_139 = arith.constant 16 : i32
      %mul3A_140 = arith.muli %arg0, %mul3A_139 : i32
      %dma_start3A_141 = arith.constant 368 : i32
      %dma_start3A_142 = arith.constant 0 : i32
      %dma_start3A_143 = tpu.memref_slice %arg10[%dma_start3A_141, %dma_start3A_142] : memref<800x16xf32, #tpu.memory_space<vmem>> -> memref<368x16xf32, #tpu.memory_space<vmem>>
      %dma_start3A_144 = tpu.memref_slice %arg5[%add3A_135, %mul3A_140] : memref<100096x32xf32, #tpu.memory_space<hbm>> -> memref<368x16xf32, #tpu.memory_space<hbm>>
      %dma_start3A_145 = tpu.memref_slice %arg5[%add3A_135, %mul3A_140] : memref<100096x32xf32, #tpu.memory_space<hbm>> -> memref<368x16xf32, #tpu.memory_space<hbm>>
      %dma_start3A_146 = arith.constant 368 : i32
      %dma_start3A_147 = arith.constant 0 : i32
      %dma_start3A_148 = tpu.memref_slice %arg10[%dma_start3A_146, %dma_start3A_147] : memref<800x16xf32, #tpu.memory_space<vmem>> -> memref<368x16xf32, #tpu.memory_space<vmem>>
      tpu.enqueue_dma source(%dma_start3A_148 : memref<368x16xf32, #tpu.memory_space<vmem>>) target(%dma_start3A_145 : memref<368x16xf32, #tpu.memory_space<hbm>>) target_semaphore(%arg18 : memref<!tpu.dma_semaphore, #tpu.memory_space<semaphore_mem>>)
      "tpu.region"() ({
        %run_scoped3A = tpu.sem_alloc : memref<!tpu.dma_semaphore, #tpu.memory_space<semaphore_mem>>
        %dma_start3A_149 = arith.constant 0 : i32
        %dma_start3A_150 = arith.constant 0 : i32
        %dma_start3A_151 = tpu.memref_slice %arg11[%dma_start3A_149, %dma_start3A_150] : memref<800x16xf32, #tpu.memory_space<vmem>> -> memref<368x16xf32, #tpu.memory_space<vmem>>
        %dma_start3A_152 = arith.constant 0 : i32
        %dma_start3A_153 = tpu.memref_slice %arg12[%add3A_135, %dma_start3A_152] : memref<100096x16xf32, #tpu.memory_space<vmem_shared>> -> memref<368x16xf32, #tpu.memory_space<vmem_shared>>
        %dma_start3A_154 = arith.constant 0 : i32
        %dma_start3A_155 = tpu.memref_slice %arg12[%add3A_135, %dma_start3A_154] : memref<100096x16xf32, #tpu.memory_space<vmem_shared>> -> memref<368x16xf32, #tpu.memory_space<vmem_shared>>
        %dma_start3A_156 = arith.constant 0 : i32
        %dma_start3A_157 = arith.constant 0 : i32
        %dma_start3A_158 = tpu.memref_slice %arg11[%dma_start3A_156, %dma_start3A_157] : memref<800x16xf32, #tpu.memory_space<vmem>> -> memref<368x16xf32, #tpu.memory_space<vmem>>
        tpu.enqueue_dma source(%dma_start3A_158 : memref<368x16xf32, #tpu.memory_space<vmem>>) target(%dma_start3A_155 : memref<368x16xf32, #tpu.memory_space<vmem_shared>>) target_semaphore(%run_scoped3A : memref<!tpu.dma_semaphore, #tpu.memory_space<semaphore_mem>>)
        %dma_wait3A_159 = arith.constant 0 : i32
        %dma_wait3A_160 = arith.constant 0 : i32
        %dma_wait3A_161 = tpu.memref_slice %arg11[%dma_wait3A_159, %dma_wait3A_160] : memref<800x16xf32, #tpu.memory_space<vmem>> -> memref<368x16xf32, #tpu.memory_space<vmem>>
        %dma_wait3A_162 = arith.constant 0 : i32
        %dma_wait3A_163 = tpu.memref_slice %arg12[%add3A_135, %dma_wait3A_162] : memref<100096x16xf32, #tpu.memory_space<vmem_shared>> -> memref<368x16xf32, #tpu.memory_space<vmem_shared>>
        %dma_wait3A_164 = arith.constant 0 : i32
        %dma_wait3A_165 = tpu.memref_slice %arg12[%add3A_135, %dma_wait3A_164] : memref<100096x16xf32, #tpu.memory_space<vmem_shared>> -> memref<368x16xf32, #tpu.memory_space<vmem_shared>>
        %dma_wait3A_166 = arith.constant 0 : i32
        %dma_wait3A_167 = arith.constant 0 : i32
        %dma_wait3A_168 = tpu.memref_slice %arg11[%dma_wait3A_166, %dma_wait3A_167] : memref<800x16xf32, #tpu.memory_space<vmem>> -> memref<368x16xf32, #tpu.memory_space<vmem>>
        tpu.wait_dma2 semaphore(%run_scoped3A : memref<!tpu.dma_semaphore, #tpu.memory_space<semaphore_mem>>) src(%dma_wait3A_168 : memref<368x16xf32, #tpu.memory_space<vmem>>) dst(%dma_wait3A_165 : memref<368x16xf32, #tpu.memory_space<vmem_shared>>)
        tpu.yield
      }) : () -> ()
    }
    %scan3A_47 = arith.constant 8 : i32
    %add3A_48 = arith.constant 5888 : i32
    %add3A_49 = arith.addi %mul3A_0, %add3A_48 : i32
    %add3A_50 = arith.constant 5152 : i32
    %add3A_51 = arith.addi %mul3A_0, %add3A_50 : i32
    %mul3A_52 = arith.constant 16 : i32
    %mul3A_53 = arith.muli %arg0, %mul3A_52 : i32
    %dma_wait3A_54 = arith.constant 0 : i32
    %dma_wait3A_55 = arith.constant 0 : i32
    %dma_wait3A_56 = tpu.memref_slice %arg10[%dma_wait3A_54, %dma_wait3A_55] : memref<800x16xf32, #tpu.memory_space<vmem>> -> memref<368x16xf32, #tpu.memory_space<vmem>>
    %dma_wait3A_57 = tpu.memref_slice %arg5[%add3A_51, %mul3A_53] : memref<100096x32xf32, #tpu.memory_space<hbm>> -> memref<368x16xf32, #tpu.memory_space<hbm>>
    %dma_wait3A_58 = tpu.memref_slice %arg5[%add3A_51, %mul3A_53] : memref<100096x32xf32, #tpu.memory_space<hbm>> -> memref<368x16xf32, #tpu.memory_space<hbm>>
    %dma_wait3A_59 = arith.constant 0 : i32
    %dma_wait3A_60 = arith.constant 0 : i32
    %dma_wait3A_61 = tpu.memref_slice %arg10[%dma_wait3A_59, %dma_wait3A_60] : memref<800x16xf32, #tpu.memory_space<vmem>> -> memref<368x16xf32, #tpu.memory_space<vmem>>
    tpu.wait_dma2 semaphore(%arg17 : memref<!tpu.dma_semaphore, #tpu.memory_space<semaphore_mem>>) src(%dma_wait3A_61 : memref<368x16xf32, #tpu.memory_space<vmem>>) dst(%dma_wait3A_58 : memref<368x16xf32, #tpu.memory_space<hbm>>)
    "tpu.region"() ({
      %run_scoped3A = tpu.sem_alloc : memref<!tpu.dma_semaphore, #tpu.memory_space<semaphore_mem>>
      %dma_start3A_98 = arith.constant 0 : i32
      %dma_start3A_99 = arith.constant 0 : i32
      %dma_start3A_100 = tpu.memref_slice %arg10[%dma_start3A_98, %dma_start3A_99] : memref<800x16xf32, #tpu.memory_space<vmem>> -> memref<368x16xf32, #tpu.memory_space<vmem>>
      %dma_start3A_101 = arith.constant 0 : i32
      %dma_start3A_102 = tpu.memref_slice %arg12[%add3A_49, %dma_start3A_101] : memref<100096x16xf32, #tpu.memory_space<vmem_shared>> -> memref<368x16xf32, #tpu.memory_space<vmem_shared>>
      %dma_start3A_103 = arith.constant 0 : i32
      %dma_start3A_104 = arith.constant 0 : i32
      %dma_start3A_105 = tpu.memref_slice %arg10[%dma_start3A_103, %dma_start3A_104] : memref<800x16xf32, #tpu.memory_space<vmem>> -> memref<368x16xf32, #tpu.memory_space<vmem>>
      %dma_start3A_106 = arith.constant 0 : i32
      %dma_start3A_107 = tpu.memref_slice %arg12[%add3A_49, %dma_start3A_106] : memref<100096x16xf32, #tpu.memory_space<vmem_shared>> -> memref<368x16xf32, #tpu.memory_space<vmem_shared>>
      tpu.enqueue_dma source(%dma_start3A_107 : memref<368x16xf32, #tpu.memory_space<vmem_shared>>) target(%dma_start3A_105 : memref<368x16xf32, #tpu.memory_space<vmem>>) target_semaphore(%run_scoped3A : memref<!tpu.dma_semaphore, #tpu.memory_space<semaphore_mem>>)
      %dma_wait3A_108 = arith.constant 0 : i32
      %dma_wait3A_109 = arith.constant 0 : i32
      %dma_wait3A_110 = tpu.memref_slice %arg10[%dma_wait3A_108, %dma_wait3A_109] : memref<800x16xf32, #tpu.memory_space<vmem>> -> memref<368x16xf32, #tpu.memory_space<vmem>>
      %dma_wait3A_111 = arith.constant 0 : i32
      %dma_wait3A_112 = tpu.memref_slice %arg12[%add3A_49, %dma_wait3A_111] : memref<100096x16xf32, #tpu.memory_space<vmem_shared>> -> memref<368x16xf32, #tpu.memory_space<vmem_shared>>
      %dma_wait3A_113 = arith.constant 0 : i32
      %dma_wait3A_114 = arith.constant 0 : i32
      %dma_wait3A_115 = tpu.memref_slice %arg10[%dma_wait3A_113, %dma_wait3A_114] : memref<800x16xf32, #tpu.memory_space<vmem>> -> memref<368x16xf32, #tpu.memory_space<vmem>>
      %dma_wait3A_116 = arith.constant 0 : i32
      %dma_wait3A_117 = tpu.memref_slice %arg12[%add3A_49, %dma_wait3A_116] : memref<100096x16xf32, #tpu.memory_space<vmem_shared>> -> memref<368x16xf32, #tpu.memory_space<vmem_shared>>
      tpu.wait_dma2 semaphore(%run_scoped3A : memref<!tpu.dma_semaphore, #tpu.memory_space<semaphore_mem>>) src(%dma_wait3A_117 : memref<368x16xf32, #tpu.memory_space<vmem_shared>>) dst(%dma_wait3A_115 : memref<368x16xf32, #tpu.memory_space<vmem>>)
      tpu.yield
    }) : () -> ()
    %mul3A_62 = arith.constant 16 : i32
    %mul3A_63 = arith.muli %arg0, %mul3A_62 : i32
    %dma_start3A_64 = arith.constant 0 : i32
    %dma_start3A_65 = arith.constant 0 : i32
    %dma_start3A_66 = tpu.memref_slice %arg10[%dma_start3A_64, %dma_start3A_65] : memref<800x16xf32, #tpu.memory_space<vmem>> -> memref<368x16xf32, #tpu.memory_space<vmem>>
    %dma_start3A_67 = tpu.memref_slice %arg5[%add3A_49, %mul3A_63] : memref<100096x32xf32, #tpu.memory_space<hbm>> -> memref<368x16xf32, #tpu.memory_space<hbm>>
    %dma_start3A_68 = tpu.memref_slice %arg5[%add3A_49, %mul3A_63] : memref<100096x32xf32, #tpu.memory_space<hbm>> -> memref<368x16xf32, #tpu.memory_space<hbm>>
    %dma_start3A_69 = arith.constant 0 : i32
    %dma_start3A_70 = arith.constant 0 : i32
    %dma_start3A_71 = tpu.memref_slice %arg10[%dma_start3A_69, %dma_start3A_70] : memref<800x16xf32, #tpu.memory_space<vmem>> -> memref<368x16xf32, #tpu.memory_space<vmem>>
    tpu.enqueue_dma source(%dma_start3A_71 : memref<368x16xf32, #tpu.memory_space<vmem>>) target(%dma_start3A_68 : memref<368x16xf32, #tpu.memory_space<hbm>>) target_semaphore(%arg17 : memref<!tpu.dma_semaphore, #tpu.memory_space<semaphore_mem>>)
    "tpu.region"() ({
      %run_scoped3A = tpu.sem_alloc : memref<!tpu.dma_semaphore, #tpu.memory_space<semaphore_mem>>
      %dma_start3A_98 = arith.constant 0 : i32
      %dma_start3A_99 = arith.constant 0 : i32
      %dma_start3A_100 = tpu.memref_slice %arg11[%dma_start3A_98, %dma_start3A_99] : memref<800x16xf32, #tpu.memory_space<vmem>> -> memref<368x16xf32, #tpu.memory_space<vmem>>
      %dma_start3A_101 = arith.constant 0 : i32
      %dma_start3A_102 = tpu.memref_slice %arg12[%add3A_49, %dma_start3A_101] : memref<100096x16xf32, #tpu.memory_space<vmem_shared>> -> memref<368x16xf32, #tpu.memory_space<vmem_shared>>
      %dma_start3A_103 = arith.constant 0 : i32
      %dma_start3A_104 = tpu.memref_slice %arg12[%add3A_49, %dma_start3A_103] : memref<100096x16xf32, #tpu.memory_space<vmem_shared>> -> memref<368x16xf32, #tpu.memory_space<vmem_shared>>
      %dma_start3A_105 = arith.constant 0 : i32
      %dma_start3A_106 = arith.constant 0 : i32
      %dma_start3A_107 = tpu.memref_slice %arg11[%dma_start3A_105, %dma_start3A_106] : memref<800x16xf32, #tpu.memory_space<vmem>> -> memref<368x16xf32, #tpu.memory_space<vmem>>
      tpu.enqueue_dma source(%dma_start3A_107 : memref<368x16xf32, #tpu.memory_space<vmem>>) target(%dma_start3A_104 : memref<368x16xf32, #tpu.memory_space<vmem_shared>>) target_semaphore(%run_scoped3A : memref<!tpu.dma_semaphore, #tpu.memory_space<semaphore_mem>>)
      %dma_wait3A_108 = arith.constant 0 : i32
      %dma_wait3A_109 = arith.constant 0 : i32
      %dma_wait3A_110 = tpu.memref_slice %arg11[%dma_wait3A_108, %dma_wait3A_109] : memref<800x16xf32, #tpu.memory_space<vmem>> -> memref<368x16xf32, #tpu.memory_space<vmem>>
      %dma_wait3A_111 = arith.constant 0 : i32
      %dma_wait3A_112 = tpu.memref_slice %arg12[%add3A_49, %dma_wait3A_111] : memref<100096x16xf32, #tpu.memory_space<vmem_shared>> -> memref<368x16xf32, #tpu.memory_space<vmem_shared>>
      %dma_wait3A_113 = arith.constant 0 : i32
      %dma_wait3A_114 = tpu.memref_slice %arg12[%add3A_49, %dma_wait3A_113] : memref<100096x16xf32, #tpu.memory_space<vmem_shared>> -> memref<368x16xf32, #tpu.memory_space<vmem_shared>>
      %dma_wait3A_115 = arith.constant 0 : i32
      %dma_wait3A_116 = arith.constant 0 : i32
      %dma_wait3A_117 = tpu.memref_slice %arg11[%dma_wait3A_115, %dma_wait3A_116] : memref<800x16xf32, #tpu.memory_space<vmem>> -> memref<368x16xf32, #tpu.memory_space<vmem>>
      tpu.wait_dma2 semaphore(%run_scoped3A : memref<!tpu.dma_semaphore, #tpu.memory_space<semaphore_mem>>) src(%dma_wait3A_117 : memref<368x16xf32, #tpu.memory_space<vmem>>) dst(%dma_wait3A_114 : memref<368x16xf32, #tpu.memory_space<vmem_shared>>)
      tpu.yield
    }) : () -> ()
    %add3A_72 = arith.constant 5520 : i32
    %add3A_73 = arith.addi %mul3A_0, %add3A_72 : i32
    %mul3A_74 = arith.constant 16 : i32
    %mul3A_75 = arith.muli %arg0, %mul3A_74 : i32
    %dma_wait3A_76 = arith.constant 368 : i32
    %dma_wait3A_77 = arith.constant 0 : i32
    %dma_wait3A_78 = tpu.memref_slice %arg10[%dma_wait3A_76, %dma_wait3A_77] : memref<800x16xf32, #tpu.memory_space<vmem>> -> memref<368x16xf32, #tpu.memory_space<vmem>>
    %dma_wait3A_79 = tpu.memref_slice %arg5[%add3A_73, %mul3A_75] : memref<100096x32xf32, #tpu.memory_space<hbm>> -> memref<368x16xf32, #tpu.memory_space<hbm>>
    %dma_wait3A_80 = tpu.memref_slice %arg5[%add3A_73, %mul3A_75] : memref<100096x32xf32, #tpu.memory_space<hbm>> -> memref<368x16xf32, #tpu.memory_space<hbm>>
    %dma_wait3A_81 = arith.constant 368 : i32
    %dma_wait3A_82 = arith.constant 0 : i32
    %dma_wait3A_83 = tpu.memref_slice %arg10[%dma_wait3A_81, %dma_wait3A_82] : memref<800x16xf32, #tpu.memory_space<vmem>> -> memref<368x16xf32, #tpu.memory_space<vmem>>
    tpu.wait_dma2 semaphore(%arg18 : memref<!tpu.dma_semaphore, #tpu.memory_space<semaphore_mem>>) src(%dma_wait3A_83 : memref<368x16xf32, #tpu.memory_space<vmem>>) dst(%dma_wait3A_80 : memref<368x16xf32, #tpu.memory_space<hbm>>)
    %add3A_84 = arith.constant 5888 : i32
    %add3A_85 = arith.addi %mul3A_0, %add3A_84 : i32
    %mul3A_86 = arith.constant 16 : i32
    %mul3A_87 = arith.muli %arg0, %mul3A_86 : i32
    %dma_wait3A_88 = arith.constant 0 : i32
    %dma_wait3A_89 = arith.constant 0 : i32
    %dma_wait3A_90 = tpu.memref_slice %arg10[%dma_wait3A_88, %dma_wait3A_89] : memref<800x16xf32, #tpu.memory_space<vmem>> -> memref<368x16xf32, #tpu.memory_space<vmem>>
    %dma_wait3A_91 = tpu.memref_slice %arg5[%add3A_85, %mul3A_87] : memref<100096x32xf32, #tpu.memory_space<hbm>> -> memref<368x16xf32, #tpu.memory_space<hbm>>
    %dma_wait3A_92 = tpu.memref_slice %arg5[%add3A_85, %mul3A_87] : memref<100096x32xf32, #tpu.memory_space<hbm>> -> memref<368x16xf32, #tpu.memory_space<hbm>>
    %dma_wait3A_93 = arith.constant 0 : i32
    %dma_wait3A_94 = arith.constant 0 : i32
    %dma_wait3A_95 = tpu.memref_slice %arg10[%dma_wait3A_93, %dma_wait3A_94] : memref<800x16xf32, #tpu.memory_space<vmem>> -> memref<368x16xf32, #tpu.memory_space<vmem>>
    tpu.wait_dma2 semaphore(%arg17 : memref<!tpu.dma_semaphore, #tpu.memory_space<semaphore_mem>>) src(%dma_wait3A_95 : memref<368x16xf32, #tpu.memory_space<vmem>>) dst(%dma_wait3A_92 : memref<368x16xf32, #tpu.memory_space<hbm>>)
    %barrier3A_96 = arith.constant 0 : index
    tpu.barrier barrier_id(%barrier3A_96)
    %scan3A_97 = arith.constant 1 : i32
    return
  }
}

#map = affine_map<(d0, d1) -> (0, 0)>
#map1 = affine_map<(d0, d1) -> (0)>
module attributes {stable_mosaic.version = 14 : i64} {
  func.func @k(%arg0: i32, %arg1: i32, %arg2: memref<800000x16xf32, #tpu.memory_space<hbm>>, %arg3: memref<1600000xi32, #tpu.memory_space<hbm>>, %arg4: memref<1600000xi32, #tpu.memory_space<hbm>>, %arg5: memref<100096x128xf32, #tpu.memory_space<hbm>>, %arg6: memref<800xi32, #tpu.memory_space<vmem>>, %arg7: memref<800xi32, #tpu.memory_space<vmem>>, %arg8: memref<800xi32, #tpu.memory_space<vmem>>, %arg9: memref<800xi32, #tpu.memory_space<vmem>>, %arg10: memref<800x16xf32, #tpu.memory_space<vmem>>, %arg11: memref<800x16xf32, #tpu.memory_space<vmem>>, %arg12: memref<100096x16xf32, #tpu.memory_space<vmem_shared>>, %arg13: memref<!tpu.dma_semaphore, #tpu.memory_space<semaphore_mem>>, %arg14: memref<!tpu.dma_semaphore, #tpu.memory_space<semaphore_mem>>, %arg15: memref<!tpu.dma_semaphore, #tpu.memory_space<semaphore_mem>>, %arg16: memref<!tpu.dma_semaphore, #tpu.memory_space<semaphore_mem>>, %arg17: memref<!tpu.dma_semaphore, #tpu.memory_space<semaphore_mem>>, %arg18: memref<!tpu.dma_semaphore, #tpu.memory_space<semaphore_mem>>, %arg19: memref<!tpu.dma_semaphore, #tpu.memory_space<semaphore_mem>>, %arg20: memref<!tpu.dma_semaphore, #tpu.memory_space<semaphore_mem>>) attributes {dimension_semantics = [#tpu.dimension_semantics<core_parallel>, #tpu.dimension_semantics<subcore_parallel>], iteration_bounds = array<i64: 2, 16>, scalar_prefetch = 0 : i64, scratch_operands = 15 : i64, tpu.core_type = #tpu.core_type<sc_vector_subcore>, window_params = [{transform_indices = #map}, {transform_indices = #map1}, {transform_indices = #map1}, {transform_indices = #map}]} {
    %mul3A = arith.constant 6256 : i32
    %mul3A_0 = arith.muli %arg1, %mul3A : i32
    %mul3A_1 = arith.constant 100000 : i32
    %mul3A_2 = arith.muli %arg1, %mul3A_1 : i32
    %scan3A = arith.constant 0 : i32
    %scan3A_3 = arith.constant 368 : i32
    %scan3A_4 = arith.addi %scan3A, %scan3A_3 : i32
    %scan3A_5 = arith.constant 1 : i32
    scf.for %scan3A_17 = %scan3A to %scan3A_4 step %scan3A_5  : i32 {
      %mul3A_18 = arith.constant 1 : i32
      %mul3A_19 = arith.muli %scan3A_17, %mul3A_18 : i32
      %add3A = arith.constant 0 : i32
      %add3A_20 = arith.addi %add3A, %mul3A_19 : i32
      %broadcast_in_dim3A = arith.constant 0.000000e+00 : f32
      %broadcast_in_dim3A_21 = vector.broadcast %broadcast_in_dim3A : f32 to vector<16xf32>
      %swap3A = arith.index_cast %add3A_20 : i32 to index
      %swap3A_22 = arith.constant 0 : index
      %swap3A_23 = tpu.vector_load %arg11[%swap3A, %swap3A_22] {strides = array<i32>} : memref<800x16xf32, #tpu.memory_space<vmem>>, vector<1x16xf32>,
      %swap3A_24 = vector.shape_cast %swap3A_23 : vector<1x16xf32> to vector<16xf32>
      %swap3A_25 = vector.shape_cast %broadcast_in_dim3A_21 : vector<16xf32> to vector<1x16xf32>
      tpu.vector_store %arg11[%swap3A, %swap3A_22], %swap3A_25 {strides = array<i32>} : memref<800x16xf32, #tpu.memory_space<vmem>>, vector<1x16xf32>,
    }
    %scan3A_6 = arith.constant 368 : i32
    %scan3A_7 = arith.constant 0 : i32
    %scan3A_8 = arith.constant 17 : i32
    %scan3A_9 = arith.addi %scan3A_7, %scan3A_8 : i32
    %scan3A_10 = arith.constant 1 : i32
    scf.for %scan3A_17 = %scan3A_7 to %scan3A_9 step %scan3A_10  : i32 {
      %mul3A_18 = arith.constant 1 : i32
      %mul3A_19 = arith.muli %scan3A_17, %mul3A_18 : i32
      %add3A = arith.constant 0 : i32
      %add3A_20 = arith.addi %add3A, %mul3A_19 : i32
      %mul3A_21 = arith.constant 368 : i32
      %mul3A_22 = arith.muli %add3A_20, %mul3A_21 : i32
      %add3A_23 = arith.addi %mul3A_0, %mul3A_22 : i32
      "tpu.region"() ({
        %run_scoped3A = tpu.sem_alloc : memref<!tpu.dma_semaphore, #tpu.memory_space<semaphore_mem>>
        %dma_start3A = arith.constant 0 : i32
        %dma_start3A_24 = arith.constant 0 : i32
        %dma_start3A_25 = tpu.memref_slice %arg11[%dma_start3A, %dma_start3A_24] : memref<800x16xf32, #tpu.memory_space<vmem>> -> memref<368x16xf32, #tpu.memory_space<vmem>>
        %dma_start3A_26 = arith.constant 0 : i32
        %dma_start3A_27 = tpu.memref_slice %arg12[%add3A_23, %dma_start3A_26] : memref<100096x16xf32, #tpu.memory_space<vmem_shared>> -> memref<368x16xf32, #tpu.memory_space<vmem_shared>>
        %dma_start3A_28 = arith.constant 0 : i32
        %dma_start3A_29 = tpu.memref_slice %arg12[%add3A_23, %dma_start3A_28] : memref<100096x16xf32, #tpu.memory_space<vmem_shared>> -> memref<368x16xf32, #tpu.memory_space<vmem_shared>>
        %dma_start3A_30 = arith.constant 0 : i32
        %dma_start3A_31 = arith.constant 0 : i32
        %dma_start3A_32 = tpu.memref_slice %arg11[%dma_start3A_30, %dma_start3A_31] : memref<800x16xf32, #tpu.memory_space<vmem>> -> memref<368x16xf32, #tpu.memory_space<vmem>>
        tpu.enqueue_dma source(%dma_start3A_32 : memref<368x16xf32, #tpu.memory_space<vmem>>) target(%dma_start3A_29 : memref<368x16xf32, #tpu.memory_space<vmem_shared>>) target_semaphore(%run_scoped3A : memref<!tpu.dma_semaphore, #tpu.memory_space<semaphore_mem>>)
        %dma_wait3A = arith.constant 0 : i32
        %dma_wait3A_33 = arith.constant 0 : i32
        %dma_wait3A_34 = tpu.memref_slice %arg11[%dma_wait3A, %dma_wait3A_33] : memref<800x16xf32, #tpu.memory_space<vmem>> -> memref<368x16xf32, #tpu.memory_space<vmem>>
        %dma_wait3A_35 = arith.constant 0 : i32
        %dma_wait3A_36 = tpu.memref_slice %arg12[%add3A_23, %dma_wait3A_35] : memref<100096x16xf32, #tpu.memory_space<vmem_shared>> -> memref<368x16xf32, #tpu.memory_space<vmem_shared>>
        %dma_wait3A_37 = arith.constant 0 : i32
        %dma_wait3A_38 = tpu.memref_slice %arg12[%add3A_23, %dma_wait3A_37] : memref<100096x16xf32, #tpu.memory_space<vmem_shared>> -> memref<368x16xf32, #tpu.memory_space<vmem_shared>>
        %dma_wait3A_39 = arith.constant 0 : i32
        %dma_wait3A_40 = arith.constant 0 : i32
        %dma_wait3A_41 = tpu.memref_slice %arg11[%dma_wait3A_39, %dma_wait3A_40] : memref<800x16xf32, #tpu.memory_space<vmem>> -> memref<368x16xf32, #tpu.memory_space<vmem>>
        tpu.wait_dma2 semaphore(%run_scoped3A : memref<!tpu.dma_semaphore, #tpu.memory_space<semaphore_mem>>) src(%dma_wait3A_41 : memref<368x16xf32, #tpu.memory_space<vmem>>) dst(%dma_wait3A_38 : memref<368x16xf32, #tpu.memory_space<vmem_shared>>)
        tpu.yield
      }) : () -> ()
    }
    %scan3A_11 = arith.constant 17 : i32
    %barrier3A = arith.constant 0 : index
    tpu.barrier barrier_id(%barrier3A)
    %scan3A_12 = arith.constant 0 : i32
    %scan3A_13 = arith.constant 4 : i32
    %scan3A_14 = arith.addi %scan3A_12, %scan3A_13 : i32
    %scan3A_15 = arith.constant 1 : i32
    scf.for %scan3A_17 = %scan3A_12 to %scan3A_14 step %scan3A_15  : i32 {
      %mul3A_18 = arith.constant 1 : i32
      %mul3A_19 = arith.muli %scan3A_17, %mul3A_18 : i32
      %add3A = arith.constant 0 : i32
      %add3A_20 = arith.addi %add3A, %mul3A_19 : i32
      %mul3A_21 = arith.constant 4 : i32
      %mul3A_22 = arith.muli %arg0, %mul3A_21 : i32
      %add3A_23 = arith.addi %mul3A_22, %add3A_20 : i32
      %add3A_24 = arith.constant 0 : i32
      %add3A_25 = arith.addi %mul3A_2, %add3A_24 : i32
      %dma_start3A = tpu.memref_slice %arg3[%add3A_25] : memref<1600000xi32, #tpu.memory_space<hbm>> -> memref<800xi32, #tpu.memory_space<hbm>>
      %dma_start3A_26 = tpu.memref_slice %arg3[%add3A_25] : memref<1600000xi32, #tpu.memory_space<hbm>> -> memref<800xi32, #tpu.memory_space<hbm>>
      tpu.enqueue_dma source(%dma_start3A_26 : memref<800xi32, #tpu.memory_space<hbm>>) target(%arg6 : memref<800xi32, #tpu.memory_space<vmem>>) target_semaphore(%arg13 : memref<!tpu.dma_semaphore, #tpu.memory_space<semaphore_mem>>)
      %dma_start3A_27 = tpu.memref_slice %arg4[%add3A_25] : memref<1600000xi32, #tpu.memory_space<hbm>> -> memref<800xi32, #tpu.memory_space<hbm>>
      %dma_start3A_28 = tpu.memref_slice %arg4[%add3A_25] : memref<1600000xi32, #tpu.memory_space<hbm>> -> memref<800xi32, #tpu.memory_space<hbm>>
      tpu.enqueue_dma source(%dma_start3A_28 : memref<800xi32, #tpu.memory_space<hbm>>) target(%arg8 : memref<800xi32, #tpu.memory_space<vmem>>) target_semaphore(%arg15 : memref<!tpu.dma_semaphore, #tpu.memory_space<semaphore_mem>>)
      %add3A_29 = arith.constant 800 : i32
      %add3A_30 = arith.addi %mul3A_2, %add3A_29 : i32
      %dma_start3A_31 = tpu.memref_slice %arg3[%add3A_30] : memref<1600000xi32, #tpu.memory_space<hbm>> -> memref<800xi32, #tpu.memory_space<hbm>>
      %dma_start3A_32 = tpu.memref_slice %arg3[%add3A_30] : memref<1600000xi32, #tpu.memory_space<hbm>> -> memref<800xi32, #tpu.memory_space<hbm>>
      tpu.enqueue_dma source(%dma_start3A_32 : memref<800xi32, #tpu.memory_space<hbm>>) target(%arg7 : memref<800xi32, #tpu.memory_space<vmem>>) target_semaphore(%arg14 : memref<!tpu.dma_semaphore, #tpu.memory_space<semaphore_mem>>)
      %dma_start3A_33 = tpu.memref_slice %arg4[%add3A_30] : memref<1600000xi32, #tpu.memory_space<hbm>> -> memref<800xi32, #tpu.memory_space<hbm>>
      %dma_start3A_34 = tpu.memref_slice %arg4[%add3A_30] : memref<1600000xi32, #tpu.memory_space<hbm>> -> memref<800xi32, #tpu.memory_space<hbm>>
      tpu.enqueue_dma source(%dma_start3A_34 : memref<800xi32, #tpu.memory_space<hbm>>) target(%arg9 : memref<800xi32, #tpu.memory_space<vmem>>) target_semaphore(%arg16 : memref<!tpu.dma_semaphore, #tpu.memory_space<semaphore_mem>>)
      %scan3A_35 = arith.constant 0 : i32
      %scan3A_36 = arith.constant 62 : i32
      %scan3A_37 = arith.addi %scan3A_35, %scan3A_36 : i32
      %scan3A_38 = arith.constant 1 : i32
      scf.for %scan3A_125 = %scan3A_35 to %scan3A_37 step %scan3A_38  : i32 {
        %mul3A_126 = arith.constant 1 : i32
        %mul3A_127 = arith.muli %scan3A_125, %mul3A_126 : i32
        %add3A_128 = arith.constant 0 : i32
        %add3A_129 = arith.addi %add3A_128, %mul3A_127 : i32
        %mul3A_130 = arith.constant 2 : i32
        %mul3A_131 = arith.muli %mul3A_130, %add3A_129 : i32
        %mul3A_132 = arith.constant 2 : i32
        %mul3A_133 = arith.muli %mul3A_132, %add3A_129 : i32
        %add3A_134 = arith.constant 1 : i32
        %add3A_135 = arith.addi %mul3A_133, %add3A_134 : i32
        %gt3A = arith.constant 0 : i32
        %gt3A_136 = arith.cmpi sgt, %add3A_129, %gt3A : i32
        %gt3A_137 = arith.constant 0 : i32
        %gt3A_138 = arith.cmpi sgt, %add3A_129, %gt3A_137 : i32
        %mul3A_139 = arith.constant 800 : i32
        %mul3A_140 = arith.muli %mul3A_131, %mul3A_139 : i32
        %add3A_141 = arith.addi %mul3A_2, %mul3A_140 : i32
        %dma_wait3A_142 = tpu.memref_slice %arg3[%add3A_141] : memref<1600000xi32, #tpu.memory_space<hbm>> -> memref<800xi32, #tpu.memory_space<hbm>>
        %dma_wait3A_143 = tpu.memref_slice %arg3[%add3A_141] : memref<1600000xi32, #tpu.memory_space<hbm>> -> memref<800xi32, #tpu.memory_space<hbm>>
        tpu.wait_dma2 semaphore(%arg13 : memref<!tpu.dma_semaphore, #tpu.memory_space<semaphore_mem>>) src(%dma_wait3A_143 : memref<800xi32, #tpu.memory_space<hbm>>) dst(%arg6 : memref<800xi32, #tpu.memory_space<vmem>>)
        %dma_wait3A_144 = tpu.memref_slice %arg4[%add3A_141] : memref<1600000xi32, #tpu.memory_space<hbm>> -> memref<800xi32, #tpu.memory_space<hbm>>
        %dma_wait3A_145 = tpu.memref_slice %arg4[%add3A_141] : memref<1600000xi32, #tpu.memory_space<hbm>> -> memref<800xi32, #tpu.memory_space<hbm>>
        tpu.wait_dma2 semaphore(%arg15 : memref<!tpu.dma_semaphore, #tpu.memory_space<semaphore_mem>>) src(%dma_wait3A_145 : memref<800xi32, #tpu.memory_space<hbm>>) dst(%arg8 : memref<800xi32, #tpu.memory_space<vmem>>)
        %scan3A_146 = arith.constant 0 : i32
        %scan3A_147 = arith.constant 50 : i32
        %scan3A_148 = arith.addi %scan3A_146, %scan3A_147 : i32
        %scan3A_149 = arith.constant 1 : i32
        scf.for %scan3A_203 = %scan3A_146 to %scan3A_148 step %scan3A_149  : i32 {
          %mul3A_204 = arith.constant 1 : i32
          %mul3A_205 = arith.muli %scan3A_203, %mul3A_204 : i32
          %add3A_206 = arith.constant 0 : i32
          %add3A_207 = arith.addi %add3A_206, %mul3A_205 : i32
          %mul3A_208 = arith.constant 16 : i32
          %mul3A_209 = arith.muli %add3A_207, %mul3A_208 : i32
          %get3A = arith.index_cast %mul3A_209 : i32 to index
          %get3A_210 = tpu.vector_load %arg6[%get3A] {strides = array<i32>} : memref<800xi32, #tpu.memory_space<vmem>>, vector<16xi32>,
          %get3A_211 = vector.shape_cast %get3A_210 : vector<16xi32> to vector<16xi32>
          %add3A_212 = vector.broadcast %add3A_23 : i32 to vector<16xi32>
          %add3A_213 = arith.addi %get3A_211, %add3A_212 : vector<16xi32>
          %mul3A_214 = arith.constant 16 : i32
          %mul3A_215 = arith.muli %add3A_207, %mul3A_214 : i32
          %swap3A = arith.index_cast %mul3A_215 : i32 to index
          %swap3A_216 = tpu.vector_load %arg6[%swap3A] {strides = array<i32>} : memref<800xi32, #tpu.memory_space<vmem>>, vector<16xi32>,
          %swap3A_217 = vector.shape_cast %swap3A_216 : vector<16xi32> to vector<16xi32>
          %swap3A_218 = vector.shape_cast %add3A_213 : vector<16xi32> to vector<16xi32>
          tpu.vector_store %arg6[%swap3A], %swap3A_218 {strides = array<i32>} : memref<800xi32, #tpu.memory_space<vmem>>, vector<16xi32>,
        }
        %scan3A_150 = arith.constant 50 : i32
        %dma_start3A_151 = arith.constant 0 : i32
        %dma_start3A_152 = arith.constant 0 : i32
        %dma_start3A_153 = tpu.memref_slice %arg2[%dma_start3A_151, %dma_start3A_152] : memref<800000x16xf32, #tpu.memory_space<hbm>> -> memref<800000x16xf32, #tpu.memory_space<hbm>>
        tpu.enqueue_indirect_dma source(%dma_start3A_153 : memref<800000x16xf32, #tpu.memory_space<hbm>>) target(%arg10 : memref<800x16xf32, #tpu.memory_space<vmem>>) offsets(%arg6 : memref<800xi32, #tpu.memory_space<vmem>>) semaphore(%arg17 : memref<!tpu.dma_semaphore, #tpu.memory_space<semaphore_mem>>)
        %convert_element_type3A = arith.extui %gt3A_136 : i1 to i32
        %cond3A = arith.constant 0 : i32
        %cond3A_154 = arith.cmpi ne, %convert_element_type3A, %cond3A : i32
        scf.if %cond3A_154 {
          %dma_wait3A_203 = arith.constant 0 : i32
          %dma_wait3A_204 = arith.constant 0 : i32
          %dma_wait3A_205 = tpu.memref_slice %arg12[%dma_wait3A_203, %dma_wait3A_204] : memref<100096x16xf32, #tpu.memory_space<vmem_shared>> -> memref<100096x16xf32, #tpu.memory_space<vmem_shared>>
          tpu.wait_indirect_dma semaphore(%arg20 : memref<!tpu.dma_semaphore, #tpu.memory_space<semaphore_mem>>) src(%arg11 : memref<800x16xf32, #tpu.memory_space<vmem>>) dst(%dma_wait3A_205 : memref<100096x16xf32, #tpu.memory_space<vmem_shared>>)
        } else {
        }
        %convert_element_type3A_155 = arith.extui %gt3A_138 : i1 to i32
        %cond3A_156 = arith.constant 0 : i32
        %cond3A_157 = arith.cmpi ne, %convert_element_type3A_155, %cond3A_156 : i32
        scf.if %cond3A_157 {
          %mul3A_203 = arith.constant 800 : i32
          %mul3A_204 = arith.muli %add3A_135, %mul3A_203 : i32
          %add3A_205 = arith.addi %mul3A_2, %mul3A_204 : i32
          %dma_start3A_206 = tpu.memref_slice %arg3[%add3A_205] : memref<1600000xi32, #tpu.memory_space<hbm>> -> memref<800xi32, #tpu.memory_space<hbm>>
          %dma_start3A_207 = tpu.memref_slice %arg3[%add3A_205] : memref<1600000xi32, #tpu.memory_space<hbm>> -> memref<800xi32, #tpu.memory_space<hbm>>
          tpu.enqueue_dma source(%dma_start3A_207 : memref<800xi32, #tpu.memory_space<hbm>>) target(%arg7 : memref<800xi32, #tpu.memory_space<vmem>>) target_semaphore(%arg14 : memref<!tpu.dma_semaphore, #tpu.memory_space<semaphore_mem>>)
          %dma_start3A_208 = tpu.memref_slice %arg4[%add3A_205] : memref<1600000xi32, #tpu.memory_space<hbm>> -> memref<800xi32, #tpu.memory_space<hbm>>
          %dma_start3A_209 = tpu.memref_slice %arg4[%add3A_205] : memref<1600000xi32, #tpu.memory_space<hbm>> -> memref<800xi32, #tpu.memory_space<hbm>>
          tpu.enqueue_dma source(%dma_start3A_209 : memref<800xi32, #tpu.memory_space<hbm>>) target(%arg9 : memref<800xi32, #tpu.memory_space<vmem>>) target_semaphore(%arg16 : memref<!tpu.dma_semaphore, #tpu.memory_space<semaphore_mem>>)
        } else {
        }
        %dma_wait3A_158 = arith.constant 0 : i32
        %dma_wait3A_159 = arith.constant 0 : i32
        %dma_wait3A_160 = tpu.memref_slice %arg2[%dma_wait3A_158, %dma_wait3A_159] : memref<800000x16xf32, #tpu.memory_space<hbm>> -> memref<800000x16xf32, #tpu.memory_space<hbm>>
        tpu.wait_indirect_dma semaphore(%arg17 : memref<!tpu.dma_semaphore, #tpu.memory_space<semaphore_mem>>) src(%dma_wait3A_160 : memref<800000x16xf32, #tpu.memory_space<hbm>>) dst(%arg10 : memref<800x16xf32, #tpu.memory_space<vmem>>)
        %dma_start3A_161 = arith.constant 0 : i32
        %dma_start3A_162 = arith.constant 0 : i32
        %dma_start3A_163 = tpu.memref_slice %arg12[%dma_start3A_161, %dma_start3A_162] : memref<100096x16xf32, #tpu.memory_space<vmem_shared>> -> memref<100096x16xf32, #tpu.memory_space<vmem_shared>>
        tpu.enqueue_indirect_dma source(%arg10 : memref<800x16xf32, #tpu.memory_space<vmem>>) target(%dma_start3A_163 : memref<100096x16xf32, #tpu.memory_space<vmem_shared>>) offsets(%arg8 : memref<800xi32, #tpu.memory_space<vmem>>) semaphore(%arg19 : memref<!tpu.dma_semaphore, #tpu.memory_space<semaphore_mem>>) {add = true}
        %mul3A_164 = arith.constant 2 : i32
        %mul3A_165 = arith.muli %mul3A_164, %add3A_129 : i32
        %add3A_166 = arith.constant 1 : i32
        %add3A_167 = arith.addi %mul3A_165, %add3A_166 : i32
        %mul3A_168 = arith.constant 2 : i32
        %mul3A_169 = arith.muli %mul3A_168, %add3A_129 : i32
        %add3A_170 = arith.constant 2 : i32
        %add3A_171 = arith.addi %mul3A_169, %add3A_170 : i32
        %mul3A_172 = arith.constant 800 : i32
        %mul3A_173 = arith.muli %add3A_167, %mul3A_172 : i32
        %add3A_174 = arith.addi %mul3A_2, %mul3A_173 : i32
        %dma_wait3A_175 = tpu.memref_slice %arg3[%add3A_174] : memref<1600000xi32, #tpu.memory_space<hbm>> -> memref<800xi32, #tpu.memory_space<hbm>>
        %dma_wait3A_176 = tpu.memref_slice %arg3[%add3A_174] : memref<1600000xi32, #tpu.memory_space<hbm>> -> memref<800xi32, #tpu.memory_space<hbm>>
        tpu.wait_dma2 semaphore(%arg14 : memref<!tpu.dma_semaphore, #tpu.memory_space<semaphore_mem>>) src(%dma_wait3A_176 : memref<800xi32, #tpu.memory_space<hbm>>) dst(%arg7 : memref<800xi32, #tpu.memory_space<vmem>>)
        %dma_wait3A_177 = tpu.memref_slice %arg4[%add3A_174] : memref<1600000xi32, #tpu.memory_space<hbm>> -> memref<800xi32, #tpu.memory_space<hbm>>
        %dma_wait3A_178 = tpu.memref_slice %arg4[%add3A_174] : memref<1600000xi32, #tpu.memory_space<hbm>> -> memref<800xi32, #tpu.memory_space<hbm>>
        tpu.wait_dma2 semaphore(%arg16 : memref<!tpu.dma_semaphore, #tpu.memory_space<semaphore_mem>>) src(%dma_wait3A_178 : memref<800xi32, #tpu.memory_space<hbm>>) dst(%arg9 : memref<800xi32, #tpu.memory_space<vmem>>)
        %scan3A_179 = arith.constant 0 : i32
        %scan3A_180 = arith.constant 50 : i32
        %scan3A_181 = arith.addi %scan3A_179, %scan3A_180 : i32
        %scan3A_182 = arith.constant 1 : i32
        scf.for %scan3A_203 = %scan3A_179 to %scan3A_181 step %scan3A_182  : i32 {
          %mul3A_204 = arith.constant 1 : i32
          %mul3A_205 = arith.muli %scan3A_203, %mul3A_204 : i32
          %add3A_206 = arith.constant 0 : i32
          %add3A_207 = arith.addi %add3A_206, %mul3A_205 : i32
          %mul3A_208 = arith.constant 16 : i32
          %mul3A_209 = arith.muli %add3A_207, %mul3A_208 : i32
          %get3A = arith.index_cast %mul3A_209 : i32 to index
          %get3A_210 = tpu.vector_load %arg7[%get3A] {strides = array<i32>} : memref<800xi32, #tpu.memory_space<vmem>>, vector<16xi32>,
          %get3A_211 = vector.shape_cast %get3A_210 : vector<16xi32> to vector<16xi32>
          %add3A_212 = vector.broadcast %add3A_23 : i32 to vector<16xi32>
          %add3A_213 = arith.addi %get3A_211, %add3A_212 : vector<16xi32>
          %mul3A_214 = arith.constant 16 : i32
          %mul3A_215 = arith.muli %add3A_207, %mul3A_214 : i32
          %swap3A = arith.index_cast %mul3A_215 : i32 to index
          %swap3A_216 = tpu.vector_load %arg7[%swap3A] {strides = array<i32>} : memref<800xi32, #tpu.memory_space<vmem>>, vector<16xi32>,
          %swap3A_217 = vector.shape_cast %swap3A_216 : vector<16xi32> to vector<16xi32>
          %swap3A_218 = vector.shape_cast %add3A_213 : vector<16xi32> to vector<16xi32>
          tpu.vector_store %arg7[%swap3A], %swap3A_218 {strides = array<i32>} : memref<800xi32, #tpu.memory_space<vmem>>, vector<16xi32>,
        }
        %scan3A_183 = arith.constant 50 : i32
        %dma_start3A_184 = arith.constant 0 : i32
        %dma_start3A_185 = arith.constant 0 : i32
        %dma_start3A_186 = tpu.memref_slice %arg2[%dma_start3A_184, %dma_start3A_185] : memref<800000x16xf32, #tpu.memory_space<hbm>> -> memref<800000x16xf32, #tpu.memory_space<hbm>>
        tpu.enqueue_indirect_dma source(%dma_start3A_186 : memref<800000x16xf32, #tpu.memory_space<hbm>>) target(%arg11 : memref<800x16xf32, #tpu.memory_space<vmem>>) offsets(%arg7 : memref<800xi32, #tpu.memory_space<vmem>>) semaphore(%arg18 : memref<!tpu.dma_semaphore, #tpu.memory_space<semaphore_mem>>)
        %dma_wait3A_187 = arith.constant 0 : i32
        %dma_wait3A_188 = arith.constant 0 : i32
        %dma_wait3A_189 = tpu.memref_slice %arg12[%dma_wait3A_187, %dma_wait3A_188] : memref<100096x16xf32, #tpu.memory_space<vmem_shared>> -> memref<100096x16xf32, #tpu.memory_space<vmem_shared>>
        tpu.wait_indirect_dma semaphore(%arg19 : memref<!tpu.dma_semaphore, #tpu.memory_space<semaphore_mem>>) src(%arg10 : memref<800x16xf32, #tpu.memory_space<vmem>>) dst(%dma_wait3A_189 : memref<100096x16xf32, #tpu.memory_space<vmem_shared>>)
        %mul3A_190 = arith.constant 800 : i32
        %mul3A_191 = arith.muli %add3A_171, %mul3A_190 : i32
        %add3A_192 = arith.addi %mul3A_2, %mul3A_191 : i32
        %dma_start3A_193 = tpu.memref_slice %arg3[%add3A_192] : memref<1600000xi32, #tpu.memory_space<hbm>> -> memref<800xi32, #tpu.memory_space<hbm>>
        %dma_start3A_194 = tpu.memref_slice %arg3[%add3A_192] : memref<1600000xi32, #tpu.memory_space<hbm>> -> memref<800xi32, #tpu.memory_space<hbm>>
        tpu.enqueue_dma source(%dma_start3A_194 : memref<800xi32, #tpu.memory_space<hbm>>) target(%arg6 : memref<800xi32, #tpu.memory_space<vmem>>) target_semaphore(%arg13 : memref<!tpu.dma_semaphore, #tpu.memory_space<semaphore_mem>>)
        %dma_start3A_195 = tpu.memref_slice %arg4[%add3A_192] : memref<1600000xi32, #tpu.memory_space<hbm>> -> memref<800xi32, #tpu.memory_space<hbm>>
        %dma_start3A_196 = tpu.memref_slice %arg4[%add3A_192] : memref<1600000xi32, #tpu.memory_space<hbm>> -> memref<800xi32, #tpu.memory_space<hbm>>
        tpu.enqueue_dma source(%dma_start3A_196 : memref<800xi32, #tpu.memory_space<hbm>>) target(%arg8 : memref<800xi32, #tpu.memory_space<vmem>>) target_semaphore(%arg15 : memref<!tpu.dma_semaphore, #tpu.memory_space<semaphore_mem>>)
        %dma_wait3A_197 = arith.constant 0 : i32
        %dma_wait3A_198 = arith.constant 0 : i32
        %dma_wait3A_199 = tpu.memref_slice %arg2[%dma_wait3A_197, %dma_wait3A_198] : memref<800000x16xf32, #tpu.memory_space<hbm>> -> memref<800000x16xf32, #tpu.memory_space<hbm>>
        tpu.wait_indirect_dma semaphore(%arg18 : memref<!tpu.dma_semaphore, #tpu.memory_space<semaphore_mem>>) src(%dma_wait3A_199 : memref<800000x16xf32, #tpu.memory_space<hbm>>) dst(%arg11 : memref<800x16xf32, #tpu.memory_space<vmem>>)
        %dma_start3A_200 = arith.constant 0 : i32
        %dma_start3A_201 = arith.constant 0 : i32
        %dma_start3A_202 = tpu.memref_slice %arg12[%dma_start3A_200, %dma_start3A_201] : memref<100096x16xf32, #tpu.memory_space<vmem_shared>> -> memref<100096x16xf32, #tpu.memory_space<vmem_shared>>
        tpu.enqueue_indirect_dma source(%arg11 : memref<800x16xf32, #tpu.memory_space<vmem>>) target(%dma_start3A_202 : memref<100096x16xf32, #tpu.memory_space<vmem_shared>>) offsets(%arg9 : memref<800xi32, #tpu.memory_space<vmem>>) semaphore(%arg20 : memref<!tpu.dma_semaphore, #tpu.memory_space<semaphore_mem>>) {add = true}
      }
      %scan3A_39 = arith.constant 62 : i32
      %add3A_40 = arith.constant 99200 : i32
      %add3A_41 = arith.addi %mul3A_2, %add3A_40 : i32
      %dma_wait3A = tpu.memref_slice %arg3[%add3A_41] : memref<1600000xi32, #tpu.memory_space<hbm>> -> memref<800xi32, #tpu.memory_space<hbm>>
      %dma_wait3A_42 = tpu.memref_slice %arg3[%add3A_41] : memref<1600000xi32, #tpu.memory_space<hbm>> -> memref<800xi32, #tpu.memory_space<hbm>>
      tpu.wait_dma2 semaphore(%arg13 : memref<!tpu.dma_semaphore, #tpu.memory_space<semaphore_mem>>) src(%dma_wait3A_42 : memref<800xi32, #tpu.memory_space<hbm>>) dst(%arg6 : memref<800xi32, #tpu.memory_space<vmem>>)
      %dma_wait3A_43 = tpu.memref_slice %arg4[%add3A_41] : memref<1600000xi32, #tpu.memory_space<hbm>> -> memref<800xi32, #tpu.memory_space<hbm>>
      %dma_wait3A_44 = tpu.memref_slice %arg4[%add3A_41] : memref<1600000xi32, #tpu.memory_space<hbm>> -> memref<800xi32, #tpu.memory_space<hbm>>
      tpu.wait_dma2 semaphore(%arg15 : memref<!tpu.dma_semaphore, #tpu.memory_space<semaphore_mem>>) src(%dma_wait3A_44 : memref<800xi32, #tpu.memory_space<hbm>>) dst(%arg8 : memref<800xi32, #tpu.memory_space<vmem>>)
      %scan3A_45 = arith.constant 0 : i32
      %scan3A_46 = arith.constant 50 : i32
      %scan3A_47 = arith.addi %scan3A_45, %scan3A_46 : i32
      %scan3A_48 = arith.constant 1 : i32
      scf.for %scan3A_125 = %scan3A_45 to %scan3A_47 step %scan3A_48  : i32 {
        %mul3A_126 = arith.constant 1 : i32
        %mul3A_127 = arith.muli %scan3A_125, %mul3A_126 : i32
        %add3A_128 = arith.constant 0 : i32
        %add3A_129 = arith.addi %add3A_128, %mul3A_127 : i32
        %mul3A_130 = arith.constant 16 : i32
        %mul3A_131 = arith.muli %add3A_129, %mul3A_130 : i32
        %get3A = arith.index_cast %mul3A_131 : i32 to index
        %get3A_132 = tpu.vector_load %arg6[%get3A] {strides = array<i32>} : memref<800xi32, #tpu.memory_space<vmem>>, vector<16xi32>,
        %get3A_133 = vector.shape_cast %get3A_132 : vector<16xi32> to vector<16xi32>
        %add3A_134 = vector.broadcast %add3A_23 : i32 to vector<16xi32>
        %add3A_135 = arith.addi %get3A_133, %add3A_134 : vector<16xi32>
        %mul3A_136 = arith.constant 16 : i32
        %mul3A_137 = arith.muli %add3A_129, %mul3A_136 : i32
        %swap3A = arith.index_cast %mul3A_137 : i32 to index
        %swap3A_138 = tpu.vector_load %arg6[%swap3A] {strides = array<i32>} : memref<800xi32, #tpu.memory_space<vmem>>, vector<16xi32>,
        %swap3A_139 = vector.shape_cast %swap3A_138 : vector<16xi32> to vector<16xi32>
        %swap3A_140 = vector.shape_cast %add3A_135 : vector<16xi32> to vector<16xi32>
        tpu.vector_store %arg6[%swap3A], %swap3A_140 {strides = array<i32>} : memref<800xi32, #tpu.memory_space<vmem>>, vector<16xi32>,
      }
      %scan3A_49 = arith.constant 50 : i32
      %dma_start3A_50 = arith.constant 0 : i32
      %dma_start3A_51 = arith.constant 0 : i32
      %dma_start3A_52 = tpu.memref_slice %arg2[%dma_start3A_50, %dma_start3A_51] : memref<800000x16xf32, #tpu.memory_space<hbm>> -> memref<800000x16xf32, #tpu.memory_space<hbm>>
      tpu.enqueue_indirect_dma source(%dma_start3A_52 : memref<800000x16xf32, #tpu.memory_space<hbm>>) target(%arg10 : memref<800x16xf32, #tpu.memory_space<vmem>>) offsets(%arg6 : memref<800xi32, #tpu.memory_space<vmem>>) semaphore(%arg17 : memref<!tpu.dma_semaphore, #tpu.memory_space<semaphore_mem>>)
      %dma_wait3A_53 = arith.constant 0 : i32
      %dma_wait3A_54 = arith.constant 0 : i32
      %dma_wait3A_55 = tpu.memref_slice %arg12[%dma_wait3A_53, %dma_wait3A_54] : memref<100096x16xf32, #tpu.memory_space<vmem_shared>> -> memref<100096x16xf32, #tpu.memory_space<vmem_shared>>
      tpu.wait_indirect_dma semaphore(%arg20 : memref<!tpu.dma_semaphore, #tpu.memory_space<semaphore_mem>>) src(%arg11 : memref<800x16xf32, #tpu.memory_space<vmem>>) dst(%dma_wait3A_55 : memref<100096x16xf32, #tpu.memory_space<vmem_shared>>)
      %dma_wait3A_56 = arith.constant 0 : i32
      %dma_wait3A_57 = arith.constant 0 : i32
      %dma_wait3A_58 = tpu.memref_slice %arg2[%dma_wait3A_56, %dma_wait3A_57] : memref<800000x16xf32, #tpu.memory_space<hbm>> -> memref<800000x16xf32, #tpu.memory_space<hbm>>
      tpu.wait_indirect_dma semaphore(%arg17 : memref<!tpu.dma_semaphore, #tpu.memory_space<semaphore_mem>>) src(%dma_wait3A_58 : memref<800000x16xf32, #tpu.memory_space<hbm>>) dst(%arg10 : memref<800x16xf32, #tpu.memory_space<vmem>>)
      %dma_start3A_59 = arith.constant 0 : i32
      %dma_start3A_60 = arith.constant 0 : i32
      %dma_start3A_61 = tpu.memref_slice %arg12[%dma_start3A_59, %dma_start3A_60] : memref<100096x16xf32, #tpu.memory_space<vmem_shared>> -> memref<100096x16xf32, #tpu.memory_space<vmem_shared>>
      tpu.enqueue_indirect_dma source(%arg10 : memref<800x16xf32, #tpu.memory_space<vmem>>) target(%dma_start3A_61 : memref<100096x16xf32, #tpu.memory_space<vmem_shared>>) offsets(%arg8 : memref<800xi32, #tpu.memory_space<vmem>>) semaphore(%arg19 : memref<!tpu.dma_semaphore, #tpu.memory_space<semaphore_mem>>) {add = true}
      %dma_wait3A_62 = arith.constant 0 : i32
      %dma_wait3A_63 = arith.constant 0 : i32
      %dma_wait3A_64 = tpu.memref_slice %arg12[%dma_wait3A_62, %dma_wait3A_63] : memref<100096x16xf32, #tpu.memory_space<vmem_shared>> -> memref<100096x16xf32, #tpu.memory_space<vmem_shared>>
      tpu.wait_indirect_dma semaphore(%arg19 : memref<!tpu.dma_semaphore, #tpu.memory_space<semaphore_mem>>) src(%arg10 : memref<800x16xf32, #tpu.memory_space<vmem>>) dst(%dma_wait3A_64 : memref<100096x16xf32, #tpu.memory_space<vmem_shared>>)
      %barrier3A_65 = arith.constant 0 : index
      tpu.barrier barrier_id(%barrier3A_65)
      %scan3A_66 = arith.constant 0 : i32
      %scan3A_67 = arith.constant 368 : i32
      %scan3A_68 = arith.addi %scan3A_66, %scan3A_67 : i32
      %scan3A_69 = arith.constant 1 : i32
      scf.for %scan3A_125 = %scan3A_66 to %scan3A_68 step %scan3A_69  : i32 {
        %mul3A_126 = arith.constant 1 : i32
        %mul3A_127 = arith.muli %scan3A_125, %mul3A_126 : i32
        %add3A_128 = arith.constant 0 : i32
        %add3A_129 = arith.addi %add3A_128, %mul3A_127 : i32
        %broadcast_in_dim3A = arith.constant 0.000000e+00 : f32
        %broadcast_in_dim3A_130 = vector.broadcast %broadcast_in_dim3A : f32 to vector<16xf32>
        %swap3A = arith.index_cast %add3A_129 : i32 to index
        %swap3A_131 = arith.constant 0 : index
        %swap3A_132 = tpu.vector_load %arg11[%swap3A, %swap3A_131] {strides = array<i32>} : memref<800x16xf32, #tpu.memory_space<vmem>>, vector<1x16xf32>,
        %swap3A_133 = vector.shape_cast %swap3A_132 : vector<1x16xf32> to vector<16xf32>
        %swap3A_134 = vector.shape_cast %broadcast_in_dim3A_130 : vector<16xf32> to vector<1x16xf32>
        tpu.vector_store %arg11[%swap3A, %swap3A_131], %swap3A_134 {strides = array<i32>} : memref<800x16xf32, #tpu.memory_space<vmem>>, vector<1x16xf32>,
      }
      %scan3A_70 = arith.constant 368 : i32
      %scan3A_71 = arith.constant 0 : i32
      %scan3A_72 = arith.constant 8 : i32
      %scan3A_73 = arith.addi %scan3A_71, %scan3A_72 : i32
      %scan3A_74 = arith.constant 1 : i32
      scf.for %scan3A_125 = %scan3A_71 to %scan3A_73 step %scan3A_74  : i32 {
        %mul3A_126 = arith.constant 1 : i32
        %mul3A_127 = arith.muli %scan3A_125, %mul3A_126 : i32
        %add3A_128 = arith.constant 0 : i32
        %add3A_129 = arith.addi %add3A_128, %mul3A_127 : i32
        %mul3A_130 = arith.constant 2 : i32
        %mul3A_131 = arith.muli %mul3A_130, %add3A_129 : i32
        %mul3A_132 = arith.constant 2 : i32
        %mul3A_133 = arith.muli %mul3A_132, %add3A_129 : i32
        %sub3A = arith.constant 2 : i32
        %sub3A_134 = arith.subi %mul3A_133, %sub3A : i32
        %gt3A = arith.constant 0 : i32
        %gt3A_135 = arith.cmpi sgt, %add3A_129, %gt3A : i32
        %mul3A_136 = arith.constant 368 : i32
        %mul3A_137 = arith.muli %mul3A_131, %mul3A_136 : i32
        %add3A_138 = arith.addi %mul3A_0, %mul3A_137 : i32
        %convert_element_type3A = arith.extui %gt3A_135 : i1 to i32
        %cond3A = arith.constant 0 : i32
        %cond3A_139 = arith.cmpi ne, %convert_element_type3A, %cond3A : i32
        scf.if %cond3A_139 {
          %mul3A_176 = arith.constant 368 : i32
          %mul3A_177 = arith.muli %sub3A_134, %mul3A_176 : i32
          %add3A_178 = arith.addi %mul3A_0, %mul3A_177 : i32
          %mul3A_179 = arith.constant 16 : i32
          %mul3A_180 = arith.muli %add3A_23, %mul3A_179 : i32
          %dma_wait3A_181 = arith.constant 0 : i32
          %dma_wait3A_182 = arith.constant 0 : i32
          %dma_wait3A_183 = tpu.memref_slice %arg10[%dma_wait3A_181, %dma_wait3A_182] : memref<800x16xf32, #tpu.memory_space<vmem>> -> memref<368x16xf32, #tpu.memory_space<vmem>>
          %dma_wait3A_184 = tpu.memref_slice %arg5[%add3A_178, %mul3A_180] : memref<100096x128xf32, #tpu.memory_space<hbm>> -> memref<368x16xf32, #tpu.memory_space<hbm>>
          %dma_wait3A_185 = tpu.memref_slice %arg5[%add3A_178, %mul3A_180] : memref<100096x128xf32, #tpu.memory_space<hbm>> -> memref<368x16xf32, #tpu.memory_space<hbm>>
          %dma_wait3A_186 = arith.constant 0 : i32
          %dma_wait3A_187 = arith.constant 0 : i32
          %dma_wait3A_188 = tpu.memref_slice %arg10[%dma_wait3A_186, %dma_wait3A_187] : memref<800x16xf32, #tpu.memory_space<vmem>> -> memref<368x16xf32, #tpu.memory_space<vmem>>
          tpu.wait_dma2 semaphore(%arg17 : memref<!tpu.dma_semaphore, #tpu.memory_space<semaphore_mem>>) src(%dma_wait3A_188 : memref<368x16xf32, #tpu.memory_space<vmem>>) dst(%dma_wait3A_185 : memref<368x16xf32, #tpu.memory_space<hbm>>)
        } else {
        }
        "tpu.region"() ({
          %run_scoped3A = tpu.sem_alloc : memref<!tpu.dma_semaphore, #tpu.memory_space<semaphore_mem>>
          %dma_start3A_176 = arith.constant 0 : i32
          %dma_start3A_177 = arith.constant 0 : i32
          %dma_start3A_178 = tpu.memref_slice %arg10[%dma_start3A_176, %dma_start3A_177] : memref<800x16xf32, #tpu.memory_space<vmem>> -> memref<368x16xf32, #tpu.memory_space<vmem>>
          %dma_start3A_179 = arith.constant 0 : i32
          %dma_start3A_180 = tpu.memref_slice %arg12[%add3A_138, %dma_start3A_179] : memref<100096x16xf32, #tpu.memory_space<vmem_shared>> -> memref<368x16xf32, #tpu.memory_space<vmem_shared>>
          %dma_start3A_181 = arith.constant 0 : i32
          %dma_start3A_182 = arith.constant 0 : i32
          %dma_start3A_183 = tpu.memref_slice %arg10[%dma_start3A_181, %dma_start3A_182] : memref<800x16xf32, #tpu.memory_space<vmem>> -> memref<368x16xf32, #tpu.memory_space<vmem>>
          %dma_start3A_184 = arith.constant 0 : i32
          %dma_start3A_185 = tpu.memref_slice %arg12[%add3A_138, %dma_start3A_184] : memref<100096x16xf32, #tpu.memory_space<vmem_shared>> -> memref<368x16xf32, #tpu.memory_space<vmem_shared>>
          tpu.enqueue_dma source(%dma_start3A_185 : memref<368x16xf32, #tpu.memory_space<vmem_shared>>) target(%dma_start3A_183 : memref<368x16xf32, #tpu.memory_space<vmem>>) target_semaphore(%run_scoped3A : memref<!tpu.dma_semaphore, #tpu.memory_space<semaphore_mem>>)
          %dma_wait3A_186 = arith.constant 0 : i32
          %dma_wait3A_187 = arith.constant 0 : i32
          %dma_wait3A_188 = tpu.memref_slice %arg10[%dma_wait3A_186, %dma_wait3A_187] : memref<800x16xf32, #tpu.memory_space<vmem>> -> memref<368x16xf32, #tpu.memory_space<vmem>>
          %dma_wait3A_189 = arith.constant 0 : i32
          %dma_wait3A_190 = tpu.memref_slice %arg12[%add3A_138, %dma_wait3A_189] : memref<100096x16xf32, #tpu.memory_space<vmem_shared>> -> memref<368x16xf32, #tpu.memory_space<vmem_shared>>
          %dma_wait3A_191 = arith.constant 0 : i32
          %dma_wait3A_192 = arith.constant 0 : i32
          %dma_wait3A_193 = tpu.memref_slice %arg10[%dma_wait3A_191, %dma_wait3A_192] : memref<800x16xf32, #tpu.memory_space<vmem>> -> memref<368x16xf32, #tpu.memory_space<vmem>>
          %dma_wait3A_194 = arith.constant 0 : i32
          %dma_wait3A_195 = tpu.memref_slice %arg12[%add3A_138, %dma_wait3A_194] : memref<100096x16xf32, #tpu.memory_space<vmem_shared>> -> memref<368x16xf32, #tpu.memory_space<vmem_shared>>
          tpu.wait_dma2 semaphore(%run_scoped3A : memref<!tpu.dma_semaphore, #tpu.memory_space<semaphore_mem>>) src(%dma_wait3A_195 : memref<368x16xf32, #tpu.memory_space<vmem_shared>>) dst(%dma_wait3A_193 : memref<368x16xf32, #tpu.memory_space<vmem>>)
          tpu.yield
        }) : () -> ()
        %mul3A_140 = arith.constant 16 : i32
        %mul3A_141 = arith.muli %add3A_23, %mul3A_140 : i32
        %dma_start3A_142 = arith.constant 0 : i32
        %dma_start3A_143 = arith.constant 0 : i32
        %dma_start3A_144 = tpu.memref_slice %arg10[%dma_start3A_142, %dma_start3A_143] : memref<800x16xf32, #tpu.memory_space<vmem>> -> memref<368x16xf32, #tpu.memory_space<vmem>>
        %dma_start3A_145 = tpu.memref_slice %arg5[%add3A_138, %mul3A_141] : memref<100096x128xf32, #tpu.memory_space<hbm>> -> memref<368x16xf32, #tpu.memory_space<hbm>>
        %dma_start3A_146 = tpu.memref_slice %arg5[%add3A_138, %mul3A_141] : memref<100096x128xf32, #tpu.memory_space<hbm>> -> memref<368x16xf32, #tpu.memory_space<hbm>>
        %dma_start3A_147 = arith.constant 0 : i32
        %dma_start3A_148 = arith.constant 0 : i32
        %dma_start3A_149 = tpu.memref_slice %arg10[%dma_start3A_147, %dma_start3A_148] : memref<800x16xf32, #tpu.memory_space<vmem>> -> memref<368x16xf32, #tpu.memory_space<vmem>>
        tpu.enqueue_dma source(%dma_start3A_149 : memref<368x16xf32, #tpu.memory_space<vmem>>) target(%dma_start3A_146 : memref<368x16xf32, #tpu.memory_space<hbm>>) target_semaphore(%arg17 : memref<!tpu.dma_semaphore, #tpu.memory_space<semaphore_mem>>)
        "tpu.region"() ({
          %run_scoped3A = tpu.sem_alloc : memref<!tpu.dma_semaphore, #tpu.memory_space<semaphore_mem>>
          %dma_start3A_176 = arith.constant 0 : i32
          %dma_start3A_177 = arith.constant 0 : i32
          %dma_start3A_178 = tpu.memref_slice %arg11[%dma_start3A_176, %dma_start3A_177] : memref<800x16xf32, #tpu.memory_space<vmem>> -> memref<368x16xf32, #tpu.memory_space<vmem>>
          %dma_start3A_179 = arith.constant 0 : i32
          %dma_start3A_180 = tpu.memref_slice %arg12[%add3A_138, %dma_start3A_179] : memref<100096x16xf32, #tpu.memory_space<vmem_shared>> -> memref<368x16xf32, #tpu.memory_space<vmem_shared>>
          %dma_start3A_181 = arith.constant 0 : i32
          %dma_start3A_182 = tpu.memref_slice %arg12[%add3A_138, %dma_start3A_181] : memref<100096x16xf32, #tpu.memory_space<vmem_shared>> -> memref<368x16xf32, #tpu.memory_space<vmem_shared>>
          %dma_start3A_183 = arith.constant 0 : i32
          %dma_start3A_184 = arith.constant 0 : i32
          %dma_start3A_185 = tpu.memref_slice %arg11[%dma_start3A_183, %dma_start3A_184] : memref<800x16xf32, #tpu.memory_space<vmem>> -> memref<368x16xf32, #tpu.memory_space<vmem>>
          tpu.enqueue_dma source(%dma_start3A_185 : memref<368x16xf32, #tpu.memory_space<vmem>>) target(%dma_start3A_182 : memref<368x16xf32, #tpu.memory_space<vmem_shared>>) target_semaphore(%run_scoped3A : memref<!tpu.dma_semaphore, #tpu.memory_space<semaphore_mem>>)
          %dma_wait3A_186 = arith.constant 0 : i32
          %dma_wait3A_187 = arith.constant 0 : i32
          %dma_wait3A_188 = tpu.memref_slice %arg11[%dma_wait3A_186, %dma_wait3A_187] : memref<800x16xf32, #tpu.memory_space<vmem>> -> memref<368x16xf32, #tpu.memory_space<vmem>>
          %dma_wait3A_189 = arith.constant 0 : i32
          %dma_wait3A_190 = tpu.memref_slice %arg12[%add3A_138, %dma_wait3A_189] : memref<100096x16xf32, #tpu.memory_space<vmem_shared>> -> memref<368x16xf32, #tpu.memory_space<vmem_shared>>
          %dma_wait3A_191 = arith.constant 0 : i32
          %dma_wait3A_192 = tpu.memref_slice %arg12[%add3A_138, %dma_wait3A_191] : memref<100096x16xf32, #tpu.memory_space<vmem_shared>> -> memref<368x16xf32, #tpu.memory_space<vmem_shared>>
          %dma_wait3A_193 = arith.constant 0 : i32
          %dma_wait3A_194 = arith.constant 0 : i32
          %dma_wait3A_195 = tpu.memref_slice %arg11[%dma_wait3A_193, %dma_wait3A_194] : memref<800x16xf32, #tpu.memory_space<vmem>> -> memref<368x16xf32, #tpu.memory_space<vmem>>
          tpu.wait_dma2 semaphore(%run_scoped3A : memref<!tpu.dma_semaphore, #tpu.memory_space<semaphore_mem>>) src(%dma_wait3A_195 : memref<368x16xf32, #tpu.memory_space<vmem>>) dst(%dma_wait3A_192 : memref<368x16xf32, #tpu.memory_space<vmem_shared>>)
          tpu.yield
        }) : () -> ()
        %mul3A_150 = arith.constant 2 : i32
        %mul3A_151 = arith.muli %mul3A_150, %add3A_129 : i32
        %add3A_152 = arith.constant 1 : i32
        %add3A_153 = arith.addi %mul3A_151, %add3A_152 : i32
        %mul3A_154 = arith.constant 2 : i32
        %mul3A_155 = arith.muli %mul3A_154, %add3A_129 : i32
        %sub3A_156 = arith.constant 1 : i32
        %sub3A_157 = arith.subi %mul3A_155, %sub3A_156 : i32
        %gt3A_158 = arith.constant 0 : i32
        %gt3A_159 = arith.cmpi sgt, %add3A_129, %gt3A_158 : i32
        %mul3A_160 = arith.constant 368 : i32
        %mul3A_161 = arith.muli %add3A_153, %mul3A_160 : i32
        %add3A_162 = arith.addi %mul3A_0, %mul3A_161 : i32
        %convert_element_type3A_163 = arith.extui %gt3A_159 : i1 to i32
        %cond3A_164 = arith.constant 0 : i32
        %cond3A_165 = arith.cmpi ne, %convert_element_type3A_163, %cond3A_164 : i32
        scf.if %cond3A_165 {
          %mul3A_176 = arith.constant 368 : i32
          %mul3A_177 = arith.muli %sub3A_157, %mul3A_176 : i32
          %add3A_178 = arith.addi %mul3A_0, %mul3A_177 : i32
          %mul3A_179 = arith.constant 16 : i32
          %mul3A_180 = arith.muli %add3A_23, %mul3A_179 : i32
          %dma_wait3A_181 = arith.constant 368 : i32
          %dma_wait3A_182 = arith.constant 0 : i32
          %dma_wait3A_183 = tpu.memref_slice %arg10[%dma_wait3A_181, %dma_wait3A_182] : memref<800x16xf32, #tpu.memory_space<vmem>> -> memref<368x16xf32, #tpu.memory_space<vmem>>
          %dma_wait3A_184 = tpu.memref_slice %arg5[%add3A_178, %mul3A_180] : memref<100096x128xf32, #tpu.memory_space<hbm>> -> memref<368x16xf32, #tpu.memory_space<hbm>>
          %dma_wait3A_185 = tpu.memref_slice %arg5[%add3A_178, %mul3A_180] : memref<100096x128xf32, #tpu.memory_space<hbm>> -> memref<368x16xf32, #tpu.memory_space<hbm>>
          %dma_wait3A_186 = arith.constant 368 : i32
          %dma_wait3A_187 = arith.constant 0 : i32
          %dma_wait3A_188 = tpu.memref_slice %arg10[%dma_wait3A_186, %dma_wait3A_187] : memref<800x16xf32, #tpu.memory_space<vmem>> -> memref<368x16xf32, #tpu.memory_space<vmem>>
          tpu.wait_dma2 semaphore(%arg18 : memref<!tpu.dma_semaphore, #tpu.memory_space<semaphore_mem>>) src(%dma_wait3A_188 : memref<368x16xf32, #tpu.memory_space<vmem>>) dst(%dma_wait3A_185 : memref<368x16xf32, #tpu.memory_space<hbm>>)
        } else {
        }
        "tpu.region"() ({
          %run_scoped3A = tpu.sem_alloc : memref<!tpu.dma_semaphore, #tpu.memory_space<semaphore_mem>>
          %dma_start3A_176 = arith.constant 368 : i32
          %dma_start3A_177 = arith.constant 0 : i32
          %dma_start3A_178 = tpu.memref_slice %arg10[%dma_start3A_176, %dma_start3A_177] : memref<800x16xf32, #tpu.memory_space<vmem>> -> memref<368x16xf32, #tpu.memory_space<vmem>>
          %dma_start3A_179 = arith.constant 0 : i32
          %dma_start3A_180 = tpu.memref_slice %arg12[%add3A_162, %dma_start3A_179] : memref<100096x16xf32, #tpu.memory_space<vmem_shared>> -> memref<368x16xf32, #tpu.memory_space<vmem_shared>>
          %dma_start3A_181 = arith.constant 368 : i32
          %dma_start3A_182 = arith.constant 0 : i32
          %dma_start3A_183 = tpu.memref_slice %arg10[%dma_start3A_181, %dma_start3A_182] : memref<800x16xf32, #tpu.memory_space<vmem>> -> memref<368x16xf32, #tpu.memory_space<vmem>>
          %dma_start3A_184 = arith.constant 0 : i32
          %dma_start3A_185 = tpu.memref_slice %arg12[%add3A_162, %dma_start3A_184] : memref<100096x16xf32, #tpu.memory_space<vmem_shared>> -> memref<368x16xf32, #tpu.memory_space<vmem_shared>>
          tpu.enqueue_dma source(%dma_start3A_185 : memref<368x16xf32, #tpu.memory_space<vmem_shared>>) target(%dma_start3A_183 : memref<368x16xf32, #tpu.memory_space<vmem>>) target_semaphore(%run_scoped3A : memref<!tpu.dma_semaphore, #tpu.memory_space<semaphore_mem>>)
          %dma_wait3A_186 = arith.constant 368 : i32
          %dma_wait3A_187 = arith.constant 0 : i32
          %dma_wait3A_188 = tpu.memref_slice %arg10[%dma_wait3A_186, %dma_wait3A_187] : memref<800x16xf32, #tpu.memory_space<vmem>> -> memref<368x16xf32, #tpu.memory_space<vmem>>
          %dma_wait3A_189 = arith.constant 0 : i32
          %dma_wait3A_190 = tpu.memref_slice %arg12[%add3A_162, %dma_wait3A_189] : memref<100096x16xf32, #tpu.memory_space<vmem_shared>> -> memref<368x16xf32, #tpu.memory_space<vmem_shared>>
          %dma_wait3A_191 = arith.constant 368 : i32
          %dma_wait3A_192 = arith.constant 0 : i32
          %dma_wait3A_193 = tpu.memref_slice %arg10[%dma_wait3A_191, %dma_wait3A_192] : memref<800x16xf32, #tpu.memory_space<vmem>> -> memref<368x16xf32, #tpu.memory_space<vmem>>
          %dma_wait3A_194 = arith.constant 0 : i32
          %dma_wait3A_195 = tpu.memref_slice %arg12[%add3A_162, %dma_wait3A_194] : memref<100096x16xf32, #tpu.memory_space<vmem_shared>> -> memref<368x16xf32, #tpu.memory_space<vmem_shared>>
          tpu.wait_dma2 semaphore(%run_scoped3A : memref<!tpu.dma_semaphore, #tpu.memory_space<semaphore_mem>>) src(%dma_wait3A_195 : memref<368x16xf32, #tpu.memory_space<vmem_shared>>) dst(%dma_wait3A_193 : memref<368x16xf32, #tpu.memory_space<vmem>>)
          tpu.yield
        }) : () -> ()
        %mul3A_166 = arith.constant 16 : i32
        %mul3A_167 = arith.muli %add3A_23, %mul3A_166 : i32
        %dma_start3A_168 = arith.constant 368 : i32
        %dma_start3A_169 = arith.constant 0 : i32
        %dma_start3A_170 = tpu.memref_slice %arg10[%dma_start3A_168, %dma_start3A_169] : memref<800x16xf32, #tpu.memory_space<vmem>> -> memref<368x16xf32, #tpu.memory_space<vmem>>
        %dma_start3A_171 = tpu.memref_slice %arg5[%add3A_162, %mul3A_167] : memref<100096x128xf32, #tpu.memory_space<hbm>> -> memref<368x16xf32, #tpu.memory_space<hbm>>
        %dma_start3A_172 = tpu.memref_slice %arg5[%add3A_162, %mul3A_167] : memref<100096x128xf32, #tpu.memory_space<hbm>> -> memref<368x16xf32, #tpu.memory_space<hbm>>
        %dma_start3A_173 = arith.constant 368 : i32
        %dma_start3A_174 = arith.constant 0 : i32
        %dma_start3A_175 = tpu.memref_slice %arg10[%dma_start3A_173, %dma_start3A_174] : memref<800x16xf32, #tpu.memory_space<vmem>> -> memref<368x16xf32, #tpu.memory_space<vmem>>
        tpu.enqueue_dma source(%dma_start3A_175 : memref<368x16xf32, #tpu.memory_space<vmem>>) target(%dma_start3A_172 : memref<368x16xf32, #tpu.memory_space<hbm>>) target_semaphore(%arg18 : memref<!tpu.dma_semaphore, #tpu.memory_space<semaphore_mem>>)
        "tpu.region"() ({
          %run_scoped3A = tpu.sem_alloc : memref<!tpu.dma_semaphore, #tpu.memory_space<semaphore_mem>>
          %dma_start3A_176 = arith.constant 0 : i32
          %dma_start3A_177 = arith.constant 0 : i32
          %dma_start3A_178 = tpu.memref_slice %arg11[%dma_start3A_176, %dma_start3A_177] : memref<800x16xf32, #tpu.memory_space<vmem>> -> memref<368x16xf32, #tpu.memory_space<vmem>>
          %dma_start3A_179 = arith.constant 0 : i32
          %dma_start3A_180 = tpu.memref_slice %arg12[%add3A_162, %dma_start3A_179] : memref<100096x16xf32, #tpu.memory_space<vmem_shared>> -> memref<368x16xf32, #tpu.memory_space<vmem_shared>>
          %dma_start3A_181 = arith.constant 0 : i32
          %dma_start3A_182 = tpu.memref_slice %arg12[%add3A_162, %dma_start3A_181] : memref<100096x16xf32, #tpu.memory_space<vmem_shared>> -> memref<368x16xf32, #tpu.memory_space<vmem_shared>>
          %dma_start3A_183 = arith.constant 0 : i32
          %dma_start3A_184 = arith.constant 0 : i32
          %dma_start3A_185 = tpu.memref_slice %arg11[%dma_start3A_183, %dma_start3A_184] : memref<800x16xf32, #tpu.memory_space<vmem>> -> memref<368x16xf32, #tpu.memory_space<vmem>>
          tpu.enqueue_dma source(%dma_start3A_185 : memref<368x16xf32, #tpu.memory_space<vmem>>) target(%dma_start3A_182 : memref<368x16xf32, #tpu.memory_space<vmem_shared>>) target_semaphore(%run_scoped3A : memref<!tpu.dma_semaphore, #tpu.memory_space<semaphore_mem>>)
          %dma_wait3A_186 = arith.constant 0 : i32
          %dma_wait3A_187 = arith.constant 0 : i32
          %dma_wait3A_188 = tpu.memref_slice %arg11[%dma_wait3A_186, %dma_wait3A_187] : memref<800x16xf32, #tpu.memory_space<vmem>> -> memref<368x16xf32, #tpu.memory_space<vmem>>
          %dma_wait3A_189 = arith.constant 0 : i32
          %dma_wait3A_190 = tpu.memref_slice %arg12[%add3A_162, %dma_wait3A_189] : memref<100096x16xf32, #tpu.memory_space<vmem_shared>> -> memref<368x16xf32, #tpu.memory_space<vmem_shared>>
          %dma_wait3A_191 = arith.constant 0 : i32
          %dma_wait3A_192 = tpu.memref_slice %arg12[%add3A_162, %dma_wait3A_191] : memref<100096x16xf32, #tpu.memory_space<vmem_shared>> -> memref<368x16xf32, #tpu.memory_space<vmem_shared>>
          %dma_wait3A_193 = arith.constant 0 : i32
          %dma_wait3A_194 = arith.constant 0 : i32
          %dma_wait3A_195 = tpu.memref_slice %arg11[%dma_wait3A_193, %dma_wait3A_194] : memref<800x16xf32, #tpu.memory_space<vmem>> -> memref<368x16xf32, #tpu.memory_space<vmem>>
          tpu.wait_dma2 semaphore(%run_scoped3A : memref<!tpu.dma_semaphore, #tpu.memory_space<semaphore_mem>>) src(%dma_wait3A_195 : memref<368x16xf32, #tpu.memory_space<vmem>>) dst(%dma_wait3A_192 : memref<368x16xf32, #tpu.memory_space<vmem_shared>>)
          tpu.yield
        }) : () -> ()
      }
      %scan3A_75 = arith.constant 8 : i32
      %add3A_76 = arith.constant 5888 : i32
      %add3A_77 = arith.addi %mul3A_0, %add3A_76 : i32
      %add3A_78 = arith.constant 5152 : i32
      %add3A_79 = arith.addi %mul3A_0, %add3A_78 : i32
      %mul3A_80 = arith.constant 16 : i32
      %mul3A_81 = arith.muli %add3A_23, %mul3A_80 : i32
      %dma_wait3A_82 = arith.constant 0 : i32
      %dma_wait3A_83 = arith.constant 0 : i32
      %dma_wait3A_84 = tpu.memref_slice %arg10[%dma_wait3A_82, %dma_wait3A_83] : memref<800x16xf32, #tpu.memory_space<vmem>> -> memref<368x16xf32, #tpu.memory_space<vmem>>
      %dma_wait3A_85 = tpu.memref_slice %arg5[%add3A_79, %mul3A_81] : memref<100096x128xf32, #tpu.memory_space<hbm>> -> memref<368x16xf32, #tpu.memory_space<hbm>>
      %dma_wait3A_86 = tpu.memref_slice %arg5[%add3A_79, %mul3A_81] : memref<100096x128xf32, #tpu.memory_space<hbm>> -> memref<368x16xf32, #tpu.memory_space<hbm>>
      %dma_wait3A_87 = arith.constant 0 : i32
      %dma_wait3A_88 = arith.constant 0 : i32
      %dma_wait3A_89 = tpu.memref_slice %arg10[%dma_wait3A_87, %dma_wait3A_88] : memref<800x16xf32, #tpu.memory_space<vmem>> -> memref<368x16xf32, #tpu.memory_space<vmem>>
      tpu.wait_dma2 semaphore(%arg17 : memref<!tpu.dma_semaphore, #tpu.memory_space<semaphore_mem>>) src(%dma_wait3A_89 : memref<368x16xf32, #tpu.memory_space<vmem>>) dst(%dma_wait3A_86 : memref<368x16xf32, #tpu.memory_space<hbm>>)
      "tpu.region"() ({
        %run_scoped3A = tpu.sem_alloc : memref<!tpu.dma_semaphore, #tpu.memory_space<semaphore_mem>>
        %dma_start3A_125 = arith.constant 0 : i32
        %dma_start3A_126 = arith.constant 0 : i32
        %dma_start3A_127 = tpu.memref_slice %arg10[%dma_start3A_125, %dma_start3A_126] : memref<800x16xf32, #tpu.memory_space<vmem>> -> memref<368x16xf32, #tpu.memory_space<vmem>>
        %dma_start3A_128 = arith.constant 0 : i32
        %dma_start3A_129 = tpu.memref_slice %arg12[%add3A_77, %dma_start3A_128] : memref<100096x16xf32, #tpu.memory_space<vmem_shared>> -> memref<368x16xf32, #tpu.memory_space<vmem_shared>>
        %dma_start3A_130 = arith.constant 0 : i32
        %dma_start3A_131 = arith.constant 0 : i32
        %dma_start3A_132 = tpu.memref_slice %arg10[%dma_start3A_130, %dma_start3A_131] : memref<800x16xf32, #tpu.memory_space<vmem>> -> memref<368x16xf32, #tpu.memory_space<vmem>>
        %dma_start3A_133 = arith.constant 0 : i32
        %dma_start3A_134 = tpu.memref_slice %arg12[%add3A_77, %dma_start3A_133] : memref<100096x16xf32, #tpu.memory_space<vmem_shared>> -> memref<368x16xf32, #tpu.memory_space<vmem_shared>>
        tpu.enqueue_dma source(%dma_start3A_134 : memref<368x16xf32, #tpu.memory_space<vmem_shared>>) target(%dma_start3A_132 : memref<368x16xf32, #tpu.memory_space<vmem>>) target_semaphore(%run_scoped3A : memref<!tpu.dma_semaphore, #tpu.memory_space<semaphore_mem>>)
        %dma_wait3A_135 = arith.constant 0 : i32
        %dma_wait3A_136 = arith.constant 0 : i32
        %dma_wait3A_137 = tpu.memref_slice %arg10[%dma_wait3A_135, %dma_wait3A_136] : memref<800x16xf32, #tpu.memory_space<vmem>> -> memref<368x16xf32, #tpu.memory_space<vmem>>
        %dma_wait3A_138 = arith.constant 0 : i32
        %dma_wait3A_139 = tpu.memref_slice %arg12[%add3A_77, %dma_wait3A_138] : memref<100096x16xf32, #tpu.memory_space<vmem_shared>> -> memref<368x16xf32, #tpu.memory_space<vmem_shared>>
        %dma_wait3A_140 = arith.constant 0 : i32
        %dma_wait3A_141 = arith.constant 0 : i32
        %dma_wait3A_142 = tpu.memref_slice %arg10[%dma_wait3A_140, %dma_wait3A_141] : memref<800x16xf32, #tpu.memory_space<vmem>> -> memref<368x16xf32, #tpu.memory_space<vmem>>
        %dma_wait3A_143 = arith.constant 0 : i32
        %dma_wait3A_144 = tpu.memref_slice %arg12[%add3A_77, %dma_wait3A_143] : memref<100096x16xf32, #tpu.memory_space<vmem_shared>> -> memref<368x16xf32, #tpu.memory_space<vmem_shared>>
        tpu.wait_dma2 semaphore(%run_scoped3A : memref<!tpu.dma_semaphore, #tpu.memory_space<semaphore_mem>>) src(%dma_wait3A_144 : memref<368x16xf32, #tpu.memory_space<vmem_shared>>) dst(%dma_wait3A_142 : memref<368x16xf32, #tpu.memory_space<vmem>>)
        tpu.yield
      }) : () -> ()
      %mul3A_90 = arith.constant 16 : i32
      %mul3A_91 = arith.muli %add3A_23, %mul3A_90 : i32
      %dma_start3A_92 = arith.constant 0 : i32
      %dma_start3A_93 = arith.constant 0 : i32
      %dma_start3A_94 = tpu.memref_slice %arg10[%dma_start3A_92, %dma_start3A_93] : memref<800x16xf32, #tpu.memory_space<vmem>> -> memref<368x16xf32, #tpu.memory_space<vmem>>
      %dma_start3A_95 = tpu.memref_slice %arg5[%add3A_77, %mul3A_91] : memref<100096x128xf32, #tpu.memory_space<hbm>> -> memref<368x16xf32, #tpu.memory_space<hbm>>
      %dma_start3A_96 = tpu.memref_slice %arg5[%add3A_77, %mul3A_91] : memref<100096x128xf32, #tpu.memory_space<hbm>> -> memref<368x16xf32, #tpu.memory_space<hbm>>
      %dma_start3A_97 = arith.constant 0 : i32
      %dma_start3A_98 = arith.constant 0 : i32
      %dma_start3A_99 = tpu.memref_slice %arg10[%dma_start3A_97, %dma_start3A_98] : memref<800x16xf32, #tpu.memory_space<vmem>> -> memref<368x16xf32, #tpu.memory_space<vmem>>
      tpu.enqueue_dma source(%dma_start3A_99 : memref<368x16xf32, #tpu.memory_space<vmem>>) target(%dma_start3A_96 : memref<368x16xf32, #tpu.memory_space<hbm>>) target_semaphore(%arg17 : memref<!tpu.dma_semaphore, #tpu.memory_space<semaphore_mem>>)
      "tpu.region"() ({
        %run_scoped3A = tpu.sem_alloc : memref<!tpu.dma_semaphore, #tpu.memory_space<semaphore_mem>>
        %dma_start3A_125 = arith.constant 0 : i32
        %dma_start3A_126 = arith.constant 0 : i32
        %dma_start3A_127 = tpu.memref_slice %arg11[%dma_start3A_125, %dma_start3A_126] : memref<800x16xf32, #tpu.memory_space<vmem>> -> memref<368x16xf32, #tpu.memory_space<vmem>>
        %dma_start3A_128 = arith.constant 0 : i32
        %dma_start3A_129 = tpu.memref_slice %arg12[%add3A_77, %dma_start3A_128] : memref<100096x16xf32, #tpu.memory_space<vmem_shared>> -> memref<368x16xf32, #tpu.memory_space<vmem_shared>>
        %dma_start3A_130 = arith.constant 0 : i32
        %dma_start3A_131 = tpu.memref_slice %arg12[%add3A_77, %dma_start3A_130] : memref<100096x16xf32, #tpu.memory_space<vmem_shared>> -> memref<368x16xf32, #tpu.memory_space<vmem_shared>>
        %dma_start3A_132 = arith.constant 0 : i32
        %dma_start3A_133 = arith.constant 0 : i32
        %dma_start3A_134 = tpu.memref_slice %arg11[%dma_start3A_132, %dma_start3A_133] : memref<800x16xf32, #tpu.memory_space<vmem>> -> memref<368x16xf32, #tpu.memory_space<vmem>>
        tpu.enqueue_dma source(%dma_start3A_134 : memref<368x16xf32, #tpu.memory_space<vmem>>) target(%dma_start3A_131 : memref<368x16xf32, #tpu.memory_space<vmem_shared>>) target_semaphore(%run_scoped3A : memref<!tpu.dma_semaphore, #tpu.memory_space<semaphore_mem>>)
        %dma_wait3A_135 = arith.constant 0 : i32
        %dma_wait3A_136 = arith.constant 0 : i32
        %dma_wait3A_137 = tpu.memref_slice %arg11[%dma_wait3A_135, %dma_wait3A_136] : memref<800x16xf32, #tpu.memory_space<vmem>> -> memref<368x16xf32, #tpu.memory_space<vmem>>
        %dma_wait3A_138 = arith.constant 0 : i32
        %dma_wait3A_139 = tpu.memref_slice %arg12[%add3A_77, %dma_wait3A_138] : memref<100096x16xf32, #tpu.memory_space<vmem_shared>> -> memref<368x16xf32, #tpu.memory_space<vmem_shared>>
        %dma_wait3A_140 = arith.constant 0 : i32
        %dma_wait3A_141 = tpu.memref_slice %arg12[%add3A_77, %dma_wait3A_140] : memref<100096x16xf32, #tpu.memory_space<vmem_shared>> -> memref<368x16xf32, #tpu.memory_space<vmem_shared>>
        %dma_wait3A_142 = arith.constant 0 : i32
        %dma_wait3A_143 = arith.constant 0 : i32
        %dma_wait3A_144 = tpu.memref_slice %arg11[%dma_wait3A_142, %dma_wait3A_143] : memref<800x16xf32, #tpu.memory_space<vmem>> -> memref<368x16xf32, #tpu.memory_space<vmem>>
        tpu.wait_dma2 semaphore(%run_scoped3A : memref<!tpu.dma_semaphore, #tpu.memory_space<semaphore_mem>>) src(%dma_wait3A_144 : memref<368x16xf32, #tpu.memory_space<vmem>>) dst(%dma_wait3A_141 : memref<368x16xf32, #tpu.memory_space<vmem_shared>>)
        tpu.yield
      }) : () -> ()
      %add3A_100 = arith.constant 5520 : i32
      %add3A_101 = arith.addi %mul3A_0, %add3A_100 : i32
      %mul3A_102 = arith.constant 16 : i32
      %mul3A_103 = arith.muli %add3A_23, %mul3A_102 : i32
      %dma_wait3A_104 = arith.constant 368 : i32
      %dma_wait3A_105 = arith.constant 0 : i32
      %dma_wait3A_106 = tpu.memref_slice %arg10[%dma_wait3A_104, %dma_wait3A_105] : memref<800x16xf32, #tpu.memory_space<vmem>> -> memref<368x16xf32, #tpu.memory_space<vmem>>
      %dma_wait3A_107 = tpu.memref_slice %arg5[%add3A_101, %mul3A_103] : memref<100096x128xf32, #tpu.memory_space<hbm>> -> memref<368x16xf32, #tpu.memory_space<hbm>>
      %dma_wait3A_108 = tpu.memref_slice %arg5[%add3A_101, %mul3A_103] : memref<100096x128xf32, #tpu.memory_space<hbm>> -> memref<368x16xf32, #tpu.memory_space<hbm>>
      %dma_wait3A_109 = arith.constant 368 : i32
      %dma_wait3A_110 = arith.constant 0 : i32
      %dma_wait3A_111 = tpu.memref_slice %arg10[%dma_wait3A_109, %dma_wait3A_110] : memref<800x16xf32, #tpu.memory_space<vmem>> -> memref<368x16xf32, #tpu.memory_space<vmem>>
      tpu.wait_dma2 semaphore(%arg18 : memref<!tpu.dma_semaphore, #tpu.memory_space<semaphore_mem>>) src(%dma_wait3A_111 : memref<368x16xf32, #tpu.memory_space<vmem>>) dst(%dma_wait3A_108 : memref<368x16xf32, #tpu.memory_space<hbm>>)
      %add3A_112 = arith.constant 5888 : i32
      %add3A_113 = arith.addi %mul3A_0, %add3A_112 : i32
      %mul3A_114 = arith.constant 16 : i32
      %mul3A_115 = arith.muli %add3A_23, %mul3A_114 : i32
      %dma_wait3A_116 = arith.constant 0 : i32
      %dma_wait3A_117 = arith.constant 0 : i32
      %dma_wait3A_118 = tpu.memref_slice %arg10[%dma_wait3A_116, %dma_wait3A_117] : memref<800x16xf32, #tpu.memory_space<vmem>> -> memref<368x16xf32, #tpu.memory_space<vmem>>
      %dma_wait3A_119 = tpu.memref_slice %arg5[%add3A_113, %mul3A_115] : memref<100096x128xf32, #tpu.memory_space<hbm>> -> memref<368x16xf32, #tpu.memory_space<hbm>>
      %dma_wait3A_120 = tpu.memref_slice %arg5[%add3A_113, %mul3A_115] : memref<100096x128xf32, #tpu.memory_space<hbm>> -> memref<368x16xf32, #tpu.memory_space<hbm>>
      %dma_wait3A_121 = arith.constant 0 : i32
      %dma_wait3A_122 = arith.constant 0 : i32
      %dma_wait3A_123 = tpu.memref_slice %arg10[%dma_wait3A_121, %dma_wait3A_122] : memref<800x16xf32, #tpu.memory_space<vmem>> -> memref<368x16xf32, #tpu.memory_space<vmem>>
      tpu.wait_dma2 semaphore(%arg17 : memref<!tpu.dma_semaphore, #tpu.memory_space<semaphore_mem>>) src(%dma_wait3A_123 : memref<368x16xf32, #tpu.memory_space<vmem>>) dst(%dma_wait3A_120 : memref<368x16xf32, #tpu.memory_space<hbm>>)
      %barrier3A_124 = arith.constant 0 : index
      tpu.barrier barrier_id(%barrier3A_124)
    }
    %scan3A_16 = arith.constant 4 : i32
    return
  }
}

#map = affine_map<(d0, d1) -> (0, 0)>
#map1 = affine_map<(d0, d1) -> (0)>
module attributes {stable_mosaic.version = 14 : i64} {
  func.func @k(%arg0: i32, %arg1: i32, %arg2: memref<1600000x16xf32, #tpu.memory_space<hbm>>, %arg3: memref<1600000xi32, #tpu.memory_space<hbm>>, %arg4: memref<1600000xi32, #tpu.memory_space<hbm>>, %arg5: memref<100096x256xf32, #tpu.memory_space<hbm>>, %arg6: memref<800xi32, #tpu.memory_space<vmem>>, %arg7: memref<800xi32, #tpu.memory_space<vmem>>, %arg8: memref<800xi32, #tpu.memory_space<vmem>>, %arg9: memref<800xi32, #tpu.memory_space<vmem>>, %arg10: memref<800x16xf32, #tpu.memory_space<vmem>>, %arg11: memref<800x16xf32, #tpu.memory_space<vmem>>, %arg12: memref<100096x16xf32, #tpu.memory_space<vmem_shared>>, %arg13: memref<!tpu.dma_semaphore, #tpu.memory_space<semaphore_mem>>, %arg14: memref<!tpu.dma_semaphore, #tpu.memory_space<semaphore_mem>>, %arg15: memref<!tpu.dma_semaphore, #tpu.memory_space<semaphore_mem>>, %arg16: memref<!tpu.dma_semaphore, #tpu.memory_space<semaphore_mem>>, %arg17: memref<!tpu.dma_semaphore, #tpu.memory_space<semaphore_mem>>, %arg18: memref<!tpu.dma_semaphore, #tpu.memory_space<semaphore_mem>>, %arg19: memref<!tpu.dma_semaphore, #tpu.memory_space<semaphore_mem>>, %arg20: memref<!tpu.dma_semaphore, #tpu.memory_space<semaphore_mem>>) attributes {dimension_semantics = [#tpu.dimension_semantics<core_parallel>, #tpu.dimension_semantics<subcore_parallel>], iteration_bounds = array<i64: 2, 16>, scalar_prefetch = 0 : i64, scratch_operands = 15 : i64, tpu.core_type = #tpu.core_type<sc_vector_subcore>, window_params = [{transform_indices = #map}, {transform_indices = #map1}, {transform_indices = #map1}, {transform_indices = #map}]} {
    %mul3A = arith.constant 6256 : i32
    %mul3A_0 = arith.muli %arg1, %mul3A : i32
    %mul3A_1 = arith.constant 100000 : i32
    %mul3A_2 = arith.muli %arg1, %mul3A_1 : i32
    %scan3A = arith.constant 0 : i32
    %scan3A_3 = arith.constant 368 : i32
    %scan3A_4 = arith.addi %scan3A, %scan3A_3 : i32
    %scan3A_5 = arith.constant 1 : i32
    scf.for %scan3A_17 = %scan3A to %scan3A_4 step %scan3A_5  : i32 {
      %mul3A_18 = arith.constant 1 : i32
      %mul3A_19 = arith.muli %scan3A_17, %mul3A_18 : i32
      %add3A = arith.constant 0 : i32
      %add3A_20 = arith.addi %add3A, %mul3A_19 : i32
      %broadcast_in_dim3A = arith.constant 0.000000e+00 : f32
      %broadcast_in_dim3A_21 = vector.broadcast %broadcast_in_dim3A : f32 to vector<16xf32>
      %swap3A = arith.index_cast %add3A_20 : i32 to index
      %swap3A_22 = arith.constant 0 : index
      %swap3A_23 = tpu.vector_load %arg11[%swap3A, %swap3A_22] {strides = array<i32>} : memref<800x16xf32, #tpu.memory_space<vmem>>, vector<1x16xf32>,
      %swap3A_24 = vector.shape_cast %swap3A_23 : vector<1x16xf32> to vector<16xf32>
      %swap3A_25 = vector.shape_cast %broadcast_in_dim3A_21 : vector<16xf32> to vector<1x16xf32>
      tpu.vector_store %arg11[%swap3A, %swap3A_22], %swap3A_25 {strides = array<i32>} : memref<800x16xf32, #tpu.memory_space<vmem>>, vector<1x16xf32>,
    }
    %scan3A_6 = arith.constant 368 : i32
    %scan3A_7 = arith.constant 0 : i32
    %scan3A_8 = arith.constant 17 : i32
    %scan3A_9 = arith.addi %scan3A_7, %scan3A_8 : i32
    %scan3A_10 = arith.constant 1 : i32
    scf.for %scan3A_17 = %scan3A_7 to %scan3A_9 step %scan3A_10  : i32 {
      %mul3A_18 = arith.constant 1 : i32
      %mul3A_19 = arith.muli %scan3A_17, %mul3A_18 : i32
      %add3A = arith.constant 0 : i32
      %add3A_20 = arith.addi %add3A, %mul3A_19 : i32
      %mul3A_21 = arith.constant 368 : i32
      %mul3A_22 = arith.muli %add3A_20, %mul3A_21 : i32
      %add3A_23 = arith.addi %mul3A_0, %mul3A_22 : i32
      "tpu.region"() ({
        %run_scoped3A = tpu.sem_alloc : memref<!tpu.dma_semaphore, #tpu.memory_space<semaphore_mem>>
        %dma_start3A = arith.constant 0 : i32
        %dma_start3A_24 = arith.constant 0 : i32
        %dma_start3A_25 = tpu.memref_slice %arg11[%dma_start3A, %dma_start3A_24] : memref<800x16xf32, #tpu.memory_space<vmem>> -> memref<368x16xf32, #tpu.memory_space<vmem>>
        %dma_start3A_26 = arith.constant 0 : i32
        %dma_start3A_27 = tpu.memref_slice %arg12[%add3A_23, %dma_start3A_26] : memref<100096x16xf32, #tpu.memory_space<vmem_shared>> -> memref<368x16xf32, #tpu.memory_space<vmem_shared>>
        %dma_start3A_28 = arith.constant 0 : i32
        %dma_start3A_29 = tpu.memref_slice %arg12[%add3A_23, %dma_start3A_28] : memref<100096x16xf32, #tpu.memory_space<vmem_shared>> -> memref<368x16xf32, #tpu.memory_space<vmem_shared>>
        %dma_start3A_30 = arith.constant 0 : i32
        %dma_start3A_31 = arith.constant 0 : i32
        %dma_start3A_32 = tpu.memref_slice %arg11[%dma_start3A_30, %dma_start3A_31] : memref<800x16xf32, #tpu.memory_space<vmem>> -> memref<368x16xf32, #tpu.memory_space<vmem>>
        tpu.enqueue_dma source(%dma_start3A_32 : memref<368x16xf32, #tpu.memory_space<vmem>>) target(%dma_start3A_29 : memref<368x16xf32, #tpu.memory_space<vmem_shared>>) target_semaphore(%run_scoped3A : memref<!tpu.dma_semaphore, #tpu.memory_space<semaphore_mem>>)
        %dma_wait3A = arith.constant 0 : i32
        %dma_wait3A_33 = arith.constant 0 : i32
        %dma_wait3A_34 = tpu.memref_slice %arg11[%dma_wait3A, %dma_wait3A_33] : memref<800x16xf32, #tpu.memory_space<vmem>> -> memref<368x16xf32, #tpu.memory_space<vmem>>
        %dma_wait3A_35 = arith.constant 0 : i32
        %dma_wait3A_36 = tpu.memref_slice %arg12[%add3A_23, %dma_wait3A_35] : memref<100096x16xf32, #tpu.memory_space<vmem_shared>> -> memref<368x16xf32, #tpu.memory_space<vmem_shared>>
        %dma_wait3A_37 = arith.constant 0 : i32
        %dma_wait3A_38 = tpu.memref_slice %arg12[%add3A_23, %dma_wait3A_37] : memref<100096x16xf32, #tpu.memory_space<vmem_shared>> -> memref<368x16xf32, #tpu.memory_space<vmem_shared>>
        %dma_wait3A_39 = arith.constant 0 : i32
        %dma_wait3A_40 = arith.constant 0 : i32
        %dma_wait3A_41 = tpu.memref_slice %arg11[%dma_wait3A_39, %dma_wait3A_40] : memref<800x16xf32, #tpu.memory_space<vmem>> -> memref<368x16xf32, #tpu.memory_space<vmem>>
        tpu.wait_dma2 semaphore(%run_scoped3A : memref<!tpu.dma_semaphore, #tpu.memory_space<semaphore_mem>>) src(%dma_wait3A_41 : memref<368x16xf32, #tpu.memory_space<vmem>>) dst(%dma_wait3A_38 : memref<368x16xf32, #tpu.memory_space<vmem_shared>>)
        tpu.yield
      }) : () -> ()
    }
    %scan3A_11 = arith.constant 17 : i32
    %barrier3A = arith.constant 0 : index
    tpu.barrier barrier_id(%barrier3A)
    %scan3A_12 = arith.constant 0 : i32
    %scan3A_13 = arith.constant 8 : i32
    %scan3A_14 = arith.addi %scan3A_12, %scan3A_13 : i32
    %scan3A_15 = arith.constant 1 : i32
    scf.for %scan3A_17 = %scan3A_12 to %scan3A_14 step %scan3A_15  : i32 {
      %mul3A_18 = arith.constant 1 : i32
      %mul3A_19 = arith.muli %scan3A_17, %mul3A_18 : i32
      %add3A = arith.constant 0 : i32
      %add3A_20 = arith.addi %add3A, %mul3A_19 : i32
      %mul3A_21 = arith.constant 8 : i32
      %mul3A_22 = arith.muli %arg0, %mul3A_21 : i32
      %add3A_23 = arith.addi %mul3A_22, %add3A_20 : i32
      %add3A_24 = arith.constant 0 : i32
      %add3A_25 = arith.addi %mul3A_2, %add3A_24 : i32
      %dma_start3A = tpu.memref_slice %arg3[%add3A_25] : memref<1600000xi32, #tpu.memory_space<hbm>> -> memref<800xi32, #tpu.memory_space<hbm>>
      %dma_start3A_26 = tpu.memref_slice %arg3[%add3A_25] : memref<1600000xi32, #tpu.memory_space<hbm>> -> memref<800xi32, #tpu.memory_space<hbm>>
      tpu.enqueue_dma source(%dma_start3A_26 : memref<800xi32, #tpu.memory_space<hbm>>) target(%arg6 : memref<800xi32, #tpu.memory_space<vmem>>) target_semaphore(%arg13 : memref<!tpu.dma_semaphore, #tpu.memory_space<semaphore_mem>>)
      %dma_start3A_27 = tpu.memref_slice %arg4[%add3A_25] : memref<1600000xi32, #tpu.memory_space<hbm>> -> memref<800xi32, #tpu.memory_space<hbm>>
      %dma_start3A_28 = tpu.memref_slice %arg4[%add3A_25] : memref<1600000xi32, #tpu.memory_space<hbm>> -> memref<800xi32, #tpu.memory_space<hbm>>
      tpu.enqueue_dma source(%dma_start3A_28 : memref<800xi32, #tpu.memory_space<hbm>>) target(%arg8 : memref<800xi32, #tpu.memory_space<vmem>>) target_semaphore(%arg15 : memref<!tpu.dma_semaphore, #tpu.memory_space<semaphore_mem>>)
      %add3A_29 = arith.constant 800 : i32
      %add3A_30 = arith.addi %mul3A_2, %add3A_29 : i32
      %dma_start3A_31 = tpu.memref_slice %arg3[%add3A_30] : memref<1600000xi32, #tpu.memory_space<hbm>> -> memref<800xi32, #tpu.memory_space<hbm>>
      %dma_start3A_32 = tpu.memref_slice %arg3[%add3A_30] : memref<1600000xi32, #tpu.memory_space<hbm>> -> memref<800xi32, #tpu.memory_space<hbm>>
      tpu.enqueue_dma source(%dma_start3A_32 : memref<800xi32, #tpu.memory_space<hbm>>) target(%arg7 : memref<800xi32, #tpu.memory_space<vmem>>) target_semaphore(%arg14 : memref<!tpu.dma_semaphore, #tpu.memory_space<semaphore_mem>>)
      %dma_start3A_33 = tpu.memref_slice %arg4[%add3A_30] : memref<1600000xi32, #tpu.memory_space<hbm>> -> memref<800xi32, #tpu.memory_space<hbm>>
      %dma_start3A_34 = tpu.memref_slice %arg4[%add3A_30] : memref<1600000xi32, #tpu.memory_space<hbm>> -> memref<800xi32, #tpu.memory_space<hbm>>
      tpu.enqueue_dma source(%dma_start3A_34 : memref<800xi32, #tpu.memory_space<hbm>>) target(%arg9 : memref<800xi32, #tpu.memory_space<vmem>>) target_semaphore(%arg16 : memref<!tpu.dma_semaphore, #tpu.memory_space<semaphore_mem>>)
      %scan3A_35 = arith.constant 0 : i32
      %scan3A_36 = arith.constant 62 : i32
      %scan3A_37 = arith.addi %scan3A_35, %scan3A_36 : i32
      %scan3A_38 = arith.constant 1 : i32
      scf.for %scan3A_125 = %scan3A_35 to %scan3A_37 step %scan3A_38  : i32 {
        %mul3A_126 = arith.constant 1 : i32
        %mul3A_127 = arith.muli %scan3A_125, %mul3A_126 : i32
        %add3A_128 = arith.constant 0 : i32
        %add3A_129 = arith.addi %add3A_128, %mul3A_127 : i32
        %mul3A_130 = arith.constant 2 : i32
        %mul3A_131 = arith.muli %mul3A_130, %add3A_129 : i32
        %mul3A_132 = arith.constant 2 : i32
        %mul3A_133 = arith.muli %mul3A_132, %add3A_129 : i32
        %add3A_134 = arith.constant 1 : i32
        %add3A_135 = arith.addi %mul3A_133, %add3A_134 : i32
        %gt3A = arith.constant 0 : i32
        %gt3A_136 = arith.cmpi sgt, %add3A_129, %gt3A : i32
        %gt3A_137 = arith.constant 0 : i32
        %gt3A_138 = arith.cmpi sgt, %add3A_129, %gt3A_137 : i32
        %mul3A_139 = arith.constant 800 : i32
        %mul3A_140 = arith.muli %mul3A_131, %mul3A_139 : i32
        %add3A_141 = arith.addi %mul3A_2, %mul3A_140 : i32
        %dma_wait3A_142 = tpu.memref_slice %arg3[%add3A_141] : memref<1600000xi32, #tpu.memory_space<hbm>> -> memref<800xi32, #tpu.memory_space<hbm>>
        %dma_wait3A_143 = tpu.memref_slice %arg3[%add3A_141] : memref<1600000xi32, #tpu.memory_space<hbm>> -> memref<800xi32, #tpu.memory_space<hbm>>
        tpu.wait_dma2 semaphore(%arg13 : memref<!tpu.dma_semaphore, #tpu.memory_space<semaphore_mem>>) src(%dma_wait3A_143 : memref<800xi32, #tpu.memory_space<hbm>>) dst(%arg6 : memref<800xi32, #tpu.memory_space<vmem>>)
        %dma_wait3A_144 = tpu.memref_slice %arg4[%add3A_141] : memref<1600000xi32, #tpu.memory_space<hbm>> -> memref<800xi32, #tpu.memory_space<hbm>>
        %dma_wait3A_145 = tpu.memref_slice %arg4[%add3A_141] : memref<1600000xi32, #tpu.memory_space<hbm>> -> memref<800xi32, #tpu.memory_space<hbm>>
        tpu.wait_dma2 semaphore(%arg15 : memref<!tpu.dma_semaphore, #tpu.memory_space<semaphore_mem>>) src(%dma_wait3A_145 : memref<800xi32, #tpu.memory_space<hbm>>) dst(%arg8 : memref<800xi32, #tpu.memory_space<vmem>>)
        %scan3A_146 = arith.constant 0 : i32
        %scan3A_147 = arith.constant 50 : i32
        %scan3A_148 = arith.addi %scan3A_146, %scan3A_147 : i32
        %scan3A_149 = arith.constant 1 : i32
        scf.for %scan3A_203 = %scan3A_146 to %scan3A_148 step %scan3A_149  : i32 {
          %mul3A_204 = arith.constant 1 : i32
          %mul3A_205 = arith.muli %scan3A_203, %mul3A_204 : i32
          %add3A_206 = arith.constant 0 : i32
          %add3A_207 = arith.addi %add3A_206, %mul3A_205 : i32
          %mul3A_208 = arith.constant 16 : i32
          %mul3A_209 = arith.muli %add3A_207, %mul3A_208 : i32
          %get3A = arith.index_cast %mul3A_209 : i32 to index
          %get3A_210 = tpu.vector_load %arg6[%get3A] {strides = array<i32>} : memref<800xi32, #tpu.memory_space<vmem>>, vector<16xi32>,
          %get3A_211 = vector.shape_cast %get3A_210 : vector<16xi32> to vector<16xi32>
          %add3A_212 = vector.broadcast %add3A_23 : i32 to vector<16xi32>
          %add3A_213 = arith.addi %get3A_211, %add3A_212 : vector<16xi32>
          %mul3A_214 = arith.constant 16 : i32
          %mul3A_215 = arith.muli %add3A_207, %mul3A_214 : i32
          %swap3A = arith.index_cast %mul3A_215 : i32 to index
          %swap3A_216 = tpu.vector_load %arg6[%swap3A] {strides = array<i32>} : memref<800xi32, #tpu.memory_space<vmem>>, vector<16xi32>,
          %swap3A_217 = vector.shape_cast %swap3A_216 : vector<16xi32> to vector<16xi32>
          %swap3A_218 = vector.shape_cast %add3A_213 : vector<16xi32> to vector<16xi32>
          tpu.vector_store %arg6[%swap3A], %swap3A_218 {strides = array<i32>} : memref<800xi32, #tpu.memory_space<vmem>>, vector<16xi32>,
        }
        %scan3A_150 = arith.constant 50 : i32
        %dma_start3A_151 = arith.constant 0 : i32
        %dma_start3A_152 = arith.constant 0 : i32
        %dma_start3A_153 = tpu.memref_slice %arg2[%dma_start3A_151, %dma_start3A_152] : memref<1600000x16xf32, #tpu.memory_space<hbm>> -> memref<1600000x16xf32, #tpu.memory_space<hbm>>
        tpu.enqueue_indirect_dma source(%dma_start3A_153 : memref<1600000x16xf32, #tpu.memory_space<hbm>>) target(%arg10 : memref<800x16xf32, #tpu.memory_space<vmem>>) offsets(%arg6 : memref<800xi32, #tpu.memory_space<vmem>>) semaphore(%arg17 : memref<!tpu.dma_semaphore, #tpu.memory_space<semaphore_mem>>)
        %convert_element_type3A = arith.extui %gt3A_136 : i1 to i32
        %cond3A = arith.constant 0 : i32
        %cond3A_154 = arith.cmpi ne, %convert_element_type3A, %cond3A : i32
        scf.if %cond3A_154 {
          %dma_wait3A_203 = arith.constant 0 : i32
          %dma_wait3A_204 = arith.constant 0 : i32
          %dma_wait3A_205 = tpu.memref_slice %arg12[%dma_wait3A_203, %dma_wait3A_204] : memref<100096x16xf32, #tpu.memory_space<vmem_shared>> -> memref<100096x16xf32, #tpu.memory_space<vmem_shared>>
          tpu.wait_indirect_dma semaphore(%arg20 : memref<!tpu.dma_semaphore, #tpu.memory_space<semaphore_mem>>) src(%arg11 : memref<800x16xf32, #tpu.memory_space<vmem>>) dst(%dma_wait3A_205 : memref<100096x16xf32, #tpu.memory_space<vmem_shared>>)
        } else {
        }
        %convert_element_type3A_155 = arith.extui %gt3A_138 : i1 to i32
        %cond3A_156 = arith.constant 0 : i32
        %cond3A_157 = arith.cmpi ne, %convert_element_type3A_155, %cond3A_156 : i32
        scf.if %cond3A_157 {
          %mul3A_203 = arith.constant 800 : i32
          %mul3A_204 = arith.muli %add3A_135, %mul3A_203 : i32
          %add3A_205 = arith.addi %mul3A_2, %mul3A_204 : i32
          %dma_start3A_206 = tpu.memref_slice %arg3[%add3A_205] : memref<1600000xi32, #tpu.memory_space<hbm>> -> memref<800xi32, #tpu.memory_space<hbm>>
          %dma_start3A_207 = tpu.memref_slice %arg3[%add3A_205] : memref<1600000xi32, #tpu.memory_space<hbm>> -> memref<800xi32, #tpu.memory_space<hbm>>
          tpu.enqueue_dma source(%dma_start3A_207 : memref<800xi32, #tpu.memory_space<hbm>>) target(%arg7 : memref<800xi32, #tpu.memory_space<vmem>>) target_semaphore(%arg14 : memref<!tpu.dma_semaphore, #tpu.memory_space<semaphore_mem>>)
          %dma_start3A_208 = tpu.memref_slice %arg4[%add3A_205] : memref<1600000xi32, #tpu.memory_space<hbm>> -> memref<800xi32, #tpu.memory_space<hbm>>
          %dma_start3A_209 = tpu.memref_slice %arg4[%add3A_205] : memref<1600000xi32, #tpu.memory_space<hbm>> -> memref<800xi32, #tpu.memory_space<hbm>>
          tpu.enqueue_dma source(%dma_start3A_209 : memref<800xi32, #tpu.memory_space<hbm>>) target(%arg9 : memref<800xi32, #tpu.memory_space<vmem>>) target_semaphore(%arg16 : memref<!tpu.dma_semaphore, #tpu.memory_space<semaphore_mem>>)
        } else {
        }
        %dma_wait3A_158 = arith.constant 0 : i32
        %dma_wait3A_159 = arith.constant 0 : i32
        %dma_wait3A_160 = tpu.memref_slice %arg2[%dma_wait3A_158, %dma_wait3A_159] : memref<1600000x16xf32, #tpu.memory_space<hbm>> -> memref<1600000x16xf32, #tpu.memory_space<hbm>>
        tpu.wait_indirect_dma semaphore(%arg17 : memref<!tpu.dma_semaphore, #tpu.memory_space<semaphore_mem>>) src(%dma_wait3A_160 : memref<1600000x16xf32, #tpu.memory_space<hbm>>) dst(%arg10 : memref<800x16xf32, #tpu.memory_space<vmem>>)
        %dma_start3A_161 = arith.constant 0 : i32
        %dma_start3A_162 = arith.constant 0 : i32
        %dma_start3A_163 = tpu.memref_slice %arg12[%dma_start3A_161, %dma_start3A_162] : memref<100096x16xf32, #tpu.memory_space<vmem_shared>> -> memref<100096x16xf32, #tpu.memory_space<vmem_shared>>
        tpu.enqueue_indirect_dma source(%arg10 : memref<800x16xf32, #tpu.memory_space<vmem>>) target(%dma_start3A_163 : memref<100096x16xf32, #tpu.memory_space<vmem_shared>>) offsets(%arg8 : memref<800xi32, #tpu.memory_space<vmem>>) semaphore(%arg19 : memref<!tpu.dma_semaphore, #tpu.memory_space<semaphore_mem>>) {add = true}
        %mul3A_164 = arith.constant 2 : i32
        %mul3A_165 = arith.muli %mul3A_164, %add3A_129 : i32
        %add3A_166 = arith.constant 1 : i32
        %add3A_167 = arith.addi %mul3A_165, %add3A_166 : i32
        %mul3A_168 = arith.constant 2 : i32
        %mul3A_169 = arith.muli %mul3A_168, %add3A_129 : i32
        %add3A_170 = arith.constant 2 : i32
        %add3A_171 = arith.addi %mul3A_169, %add3A_170 : i32
        %mul3A_172 = arith.constant 800 : i32
        %mul3A_173 = arith.muli %add3A_167, %mul3A_172 : i32
        %add3A_174 = arith.addi %mul3A_2, %mul3A_173 : i32
        %dma_wait3A_175 = tpu.memref_slice %arg3[%add3A_174] : memref<1600000xi32, #tpu.memory_space<hbm>> -> memref<800xi32, #tpu.memory_space<hbm>>
        %dma_wait3A_176 = tpu.memref_slice %arg3[%add3A_174] : memref<1600000xi32, #tpu.memory_space<hbm>> -> memref<800xi32, #tpu.memory_space<hbm>>
        tpu.wait_dma2 semaphore(%arg14 : memref<!tpu.dma_semaphore, #tpu.memory_space<semaphore_mem>>) src(%dma_wait3A_176 : memref<800xi32, #tpu.memory_space<hbm>>) dst(%arg7 : memref<800xi32, #tpu.memory_space<vmem>>)
        %dma_wait3A_177 = tpu.memref_slice %arg4[%add3A_174] : memref<1600000xi32, #tpu.memory_space<hbm>> -> memref<800xi32, #tpu.memory_space<hbm>>
        %dma_wait3A_178 = tpu.memref_slice %arg4[%add3A_174] : memref<1600000xi32, #tpu.memory_space<hbm>> -> memref<800xi32, #tpu.memory_space<hbm>>
        tpu.wait_dma2 semaphore(%arg16 : memref<!tpu.dma_semaphore, #tpu.memory_space<semaphore_mem>>) src(%dma_wait3A_178 : memref<800xi32, #tpu.memory_space<hbm>>) dst(%arg9 : memref<800xi32, #tpu.memory_space<vmem>>)
        %scan3A_179 = arith.constant 0 : i32
        %scan3A_180 = arith.constant 50 : i32
        %scan3A_181 = arith.addi %scan3A_179, %scan3A_180 : i32
        %scan3A_182 = arith.constant 1 : i32
        scf.for %scan3A_203 = %scan3A_179 to %scan3A_181 step %scan3A_182  : i32 {
          %mul3A_204 = arith.constant 1 : i32
          %mul3A_205 = arith.muli %scan3A_203, %mul3A_204 : i32
          %add3A_206 = arith.constant 0 : i32
          %add3A_207 = arith.addi %add3A_206, %mul3A_205 : i32
          %mul3A_208 = arith.constant 16 : i32
          %mul3A_209 = arith.muli %add3A_207, %mul3A_208 : i32
          %get3A = arith.index_cast %mul3A_209 : i32 to index
          %get3A_210 = tpu.vector_load %arg7[%get3A] {strides = array<i32>} : memref<800xi32, #tpu.memory_space<vmem>>, vector<16xi32>,
          %get3A_211 = vector.shape_cast %get3A_210 : vector<16xi32> to vector<16xi32>
          %add3A_212 = vector.broadcast %add3A_23 : i32 to vector<16xi32>
          %add3A_213 = arith.addi %get3A_211, %add3A_212 : vector<16xi32>
          %mul3A_214 = arith.constant 16 : i32
          %mul3A_215 = arith.muli %add3A_207, %mul3A_214 : i32
          %swap3A = arith.index_cast %mul3A_215 : i32 to index
          %swap3A_216 = tpu.vector_load %arg7[%swap3A] {strides = array<i32>} : memref<800xi32, #tpu.memory_space<vmem>>, vector<16xi32>,
          %swap3A_217 = vector.shape_cast %swap3A_216 : vector<16xi32> to vector<16xi32>
          %swap3A_218 = vector.shape_cast %add3A_213 : vector<16xi32> to vector<16xi32>
          tpu.vector_store %arg7[%swap3A], %swap3A_218 {strides = array<i32>} : memref<800xi32, #tpu.memory_space<vmem>>, vector<16xi32>,
        }
        %scan3A_183 = arith.constant 50 : i32
        %dma_start3A_184 = arith.constant 0 : i32
        %dma_start3A_185 = arith.constant 0 : i32
        %dma_start3A_186 = tpu.memref_slice %arg2[%dma_start3A_184, %dma_start3A_185] : memref<1600000x16xf32, #tpu.memory_space<hbm>> -> memref<1600000x16xf32, #tpu.memory_space<hbm>>
        tpu.enqueue_indirect_dma source(%dma_start3A_186 : memref<1600000x16xf32, #tpu.memory_space<hbm>>) target(%arg11 : memref<800x16xf32, #tpu.memory_space<vmem>>) offsets(%arg7 : memref<800xi32, #tpu.memory_space<vmem>>) semaphore(%arg18 : memref<!tpu.dma_semaphore, #tpu.memory_space<semaphore_mem>>)
        %dma_wait3A_187 = arith.constant 0 : i32
        %dma_wait3A_188 = arith.constant 0 : i32
        %dma_wait3A_189 = tpu.memref_slice %arg12[%dma_wait3A_187, %dma_wait3A_188] : memref<100096x16xf32, #tpu.memory_space<vmem_shared>> -> memref<100096x16xf32, #tpu.memory_space<vmem_shared>>
        tpu.wait_indirect_dma semaphore(%arg19 : memref<!tpu.dma_semaphore, #tpu.memory_space<semaphore_mem>>) src(%arg10 : memref<800x16xf32, #tpu.memory_space<vmem>>) dst(%dma_wait3A_189 : memref<100096x16xf32, #tpu.memory_space<vmem_shared>>)
        %mul3A_190 = arith.constant 800 : i32
        %mul3A_191 = arith.muli %add3A_171, %mul3A_190 : i32
        %add3A_192 = arith.addi %mul3A_2, %mul3A_191 : i32
        %dma_start3A_193 = tpu.memref_slice %arg3[%add3A_192] : memref<1600000xi32, #tpu.memory_space<hbm>> -> memref<800xi32, #tpu.memory_space<hbm>>
        %dma_start3A_194 = tpu.memref_slice %arg3[%add3A_192] : memref<1600000xi32, #tpu.memory_space<hbm>> -> memref<800xi32, #tpu.memory_space<hbm>>
        tpu.enqueue_dma source(%dma_start3A_194 : memref<800xi32, #tpu.memory_space<hbm>>) target(%arg6 : memref<800xi32, #tpu.memory_space<vmem>>) target_semaphore(%arg13 : memref<!tpu.dma_semaphore, #tpu.memory_space<semaphore_mem>>)
        %dma_start3A_195 = tpu.memref_slice %arg4[%add3A_192] : memref<1600000xi32, #tpu.memory_space<hbm>> -> memref<800xi32, #tpu.memory_space<hbm>>
        %dma_start3A_196 = tpu.memref_slice %arg4[%add3A_192] : memref<1600000xi32, #tpu.memory_space<hbm>> -> memref<800xi32, #tpu.memory_space<hbm>>
        tpu.enqueue_dma source(%dma_start3A_196 : memref<800xi32, #tpu.memory_space<hbm>>) target(%arg8 : memref<800xi32, #tpu.memory_space<vmem>>) target_semaphore(%arg15 : memref<!tpu.dma_semaphore, #tpu.memory_space<semaphore_mem>>)
        %dma_wait3A_197 = arith.constant 0 : i32
        %dma_wait3A_198 = arith.constant 0 : i32
        %dma_wait3A_199 = tpu.memref_slice %arg2[%dma_wait3A_197, %dma_wait3A_198] : memref<1600000x16xf32, #tpu.memory_space<hbm>> -> memref<1600000x16xf32, #tpu.memory_space<hbm>>
        tpu.wait_indirect_dma semaphore(%arg18 : memref<!tpu.dma_semaphore, #tpu.memory_space<semaphore_mem>>) src(%dma_wait3A_199 : memref<1600000x16xf32, #tpu.memory_space<hbm>>) dst(%arg11 : memref<800x16xf32, #tpu.memory_space<vmem>>)
        %dma_start3A_200 = arith.constant 0 : i32
        %dma_start3A_201 = arith.constant 0 : i32
        %dma_start3A_202 = tpu.memref_slice %arg12[%dma_start3A_200, %dma_start3A_201] : memref<100096x16xf32, #tpu.memory_space<vmem_shared>> -> memref<100096x16xf32, #tpu.memory_space<vmem_shared>>
        tpu.enqueue_indirect_dma source(%arg11 : memref<800x16xf32, #tpu.memory_space<vmem>>) target(%dma_start3A_202 : memref<100096x16xf32, #tpu.memory_space<vmem_shared>>) offsets(%arg9 : memref<800xi32, #tpu.memory_space<vmem>>) semaphore(%arg20 : memref<!tpu.dma_semaphore, #tpu.memory_space<semaphore_mem>>) {add = true}
      }
      %scan3A_39 = arith.constant 62 : i32
      %add3A_40 = arith.constant 99200 : i32
      %add3A_41 = arith.addi %mul3A_2, %add3A_40 : i32
      %dma_wait3A = tpu.memref_slice %arg3[%add3A_41] : memref<1600000xi32, #tpu.memory_space<hbm>> -> memref<800xi32, #tpu.memory_space<hbm>>
      %dma_wait3A_42 = tpu.memref_slice %arg3[%add3A_41] : memref<1600000xi32, #tpu.memory_space<hbm>> -> memref<800xi32, #tpu.memory_space<hbm>>
      tpu.wait_dma2 semaphore(%arg13 : memref<!tpu.dma_semaphore, #tpu.memory_space<semaphore_mem>>) src(%dma_wait3A_42 : memref<800xi32, #tpu.memory_space<hbm>>) dst(%arg6 : memref<800xi32, #tpu.memory_space<vmem>>)
      %dma_wait3A_43 = tpu.memref_slice %arg4[%add3A_41] : memref<1600000xi32, #tpu.memory_space<hbm>> -> memref<800xi32, #tpu.memory_space<hbm>>
      %dma_wait3A_44 = tpu.memref_slice %arg4[%add3A_41] : memref<1600000xi32, #tpu.memory_space<hbm>> -> memref<800xi32, #tpu.memory_space<hbm>>
      tpu.wait_dma2 semaphore(%arg15 : memref<!tpu.dma_semaphore, #tpu.memory_space<semaphore_mem>>) src(%dma_wait3A_44 : memref<800xi32, #tpu.memory_space<hbm>>) dst(%arg8 : memref<800xi32, #tpu.memory_space<vmem>>)
      %scan3A_45 = arith.constant 0 : i32
      %scan3A_46 = arith.constant 50 : i32
      %scan3A_47 = arith.addi %scan3A_45, %scan3A_46 : i32
      %scan3A_48 = arith.constant 1 : i32
      scf.for %scan3A_125 = %scan3A_45 to %scan3A_47 step %scan3A_48  : i32 {
        %mul3A_126 = arith.constant 1 : i32
        %mul3A_127 = arith.muli %scan3A_125, %mul3A_126 : i32
        %add3A_128 = arith.constant 0 : i32
        %add3A_129 = arith.addi %add3A_128, %mul3A_127 : i32
        %mul3A_130 = arith.constant 16 : i32
        %mul3A_131 = arith.muli %add3A_129, %mul3A_130 : i32
        %get3A = arith.index_cast %mul3A_131 : i32 to index
        %get3A_132 = tpu.vector_load %arg6[%get3A] {strides = array<i32>} : memref<800xi32, #tpu.memory_space<vmem>>, vector<16xi32>,
        %get3A_133 = vector.shape_cast %get3A_132 : vector<16xi32> to vector<16xi32>
        %add3A_134 = vector.broadcast %add3A_23 : i32 to vector<16xi32>
        %add3A_135 = arith.addi %get3A_133, %add3A_134 : vector<16xi32>
        %mul3A_136 = arith.constant 16 : i32
        %mul3A_137 = arith.muli %add3A_129, %mul3A_136 : i32
        %swap3A = arith.index_cast %mul3A_137 : i32 to index
        %swap3A_138 = tpu.vector_load %arg6[%swap3A] {strides = array<i32>} : memref<800xi32, #tpu.memory_space<vmem>>, vector<16xi32>,
        %swap3A_139 = vector.shape_cast %swap3A_138 : vector<16xi32> to vector<16xi32>
        %swap3A_140 = vector.shape_cast %add3A_135 : vector<16xi32> to vector<16xi32>
        tpu.vector_store %arg6[%swap3A], %swap3A_140 {strides = array<i32>} : memref<800xi32, #tpu.memory_space<vmem>>, vector<16xi32>,
      }
      %scan3A_49 = arith.constant 50 : i32
      %dma_start3A_50 = arith.constant 0 : i32
      %dma_start3A_51 = arith.constant 0 : i32
      %dma_start3A_52 = tpu.memref_slice %arg2[%dma_start3A_50, %dma_start3A_51] : memref<1600000x16xf32, #tpu.memory_space<hbm>> -> memref<1600000x16xf32, #tpu.memory_space<hbm>>
      tpu.enqueue_indirect_dma source(%dma_start3A_52 : memref<1600000x16xf32, #tpu.memory_space<hbm>>) target(%arg10 : memref<800x16xf32, #tpu.memory_space<vmem>>) offsets(%arg6 : memref<800xi32, #tpu.memory_space<vmem>>) semaphore(%arg17 : memref<!tpu.dma_semaphore, #tpu.memory_space<semaphore_mem>>)
      %dma_wait3A_53 = arith.constant 0 : i32
      %dma_wait3A_54 = arith.constant 0 : i32
      %dma_wait3A_55 = tpu.memref_slice %arg12[%dma_wait3A_53, %dma_wait3A_54] : memref<100096x16xf32, #tpu.memory_space<vmem_shared>> -> memref<100096x16xf32, #tpu.memory_space<vmem_shared>>
      tpu.wait_indirect_dma semaphore(%arg20 : memref<!tpu.dma_semaphore, #tpu.memory_space<semaphore_mem>>) src(%arg11 : memref<800x16xf32, #tpu.memory_space<vmem>>) dst(%dma_wait3A_55 : memref<100096x16xf32, #tpu.memory_space<vmem_shared>>)
      %dma_wait3A_56 = arith.constant 0 : i32
      %dma_wait3A_57 = arith.constant 0 : i32
      %dma_wait3A_58 = tpu.memref_slice %arg2[%dma_wait3A_56, %dma_wait3A_57] : memref<1600000x16xf32, #tpu.memory_space<hbm>> -> memref<1600000x16xf32, #tpu.memory_space<hbm>>
      tpu.wait_indirect_dma semaphore(%arg17 : memref<!tpu.dma_semaphore, #tpu.memory_space<semaphore_mem>>) src(%dma_wait3A_58 : memref<1600000x16xf32, #tpu.memory_space<hbm>>) dst(%arg10 : memref<800x16xf32, #tpu.memory_space<vmem>>)
      %dma_start3A_59 = arith.constant 0 : i32
      %dma_start3A_60 = arith.constant 0 : i32
      %dma_start3A_61 = tpu.memref_slice %arg12[%dma_start3A_59, %dma_start3A_60] : memref<100096x16xf32, #tpu.memory_space<vmem_shared>> -> memref<100096x16xf32, #tpu.memory_space<vmem_shared>>
      tpu.enqueue_indirect_dma source(%arg10 : memref<800x16xf32, #tpu.memory_space<vmem>>) target(%dma_start3A_61 : memref<100096x16xf32, #tpu.memory_space<vmem_shared>>) offsets(%arg8 : memref<800xi32, #tpu.memory_space<vmem>>) semaphore(%arg19 : memref<!tpu.dma_semaphore, #tpu.memory_space<semaphore_mem>>) {add = true}
      %dma_wait3A_62 = arith.constant 0 : i32
      %dma_wait3A_63 = arith.constant 0 : i32
      %dma_wait3A_64 = tpu.memref_slice %arg12[%dma_wait3A_62, %dma_wait3A_63] : memref<100096x16xf32, #tpu.memory_space<vmem_shared>> -> memref<100096x16xf32, #tpu.memory_space<vmem_shared>>
      tpu.wait_indirect_dma semaphore(%arg19 : memref<!tpu.dma_semaphore, #tpu.memory_space<semaphore_mem>>) src(%arg10 : memref<800x16xf32, #tpu.memory_space<vmem>>) dst(%dma_wait3A_64 : memref<100096x16xf32, #tpu.memory_space<vmem_shared>>)
      %barrier3A_65 = arith.constant 0 : index
      tpu.barrier barrier_id(%barrier3A_65)
      %scan3A_66 = arith.constant 0 : i32
      %scan3A_67 = arith.constant 368 : i32
      %scan3A_68 = arith.addi %scan3A_66, %scan3A_67 : i32
      %scan3A_69 = arith.constant 1 : i32
      scf.for %scan3A_125 = %scan3A_66 to %scan3A_68 step %scan3A_69  : i32 {
        %mul3A_126 = arith.constant 1 : i32
        %mul3A_127 = arith.muli %scan3A_125, %mul3A_126 : i32
        %add3A_128 = arith.constant 0 : i32
        %add3A_129 = arith.addi %add3A_128, %mul3A_127 : i32
        %broadcast_in_dim3A = arith.constant 0.000000e+00 : f32
        %broadcast_in_dim3A_130 = vector.broadcast %broadcast_in_dim3A : f32 to vector<16xf32>
        %swap3A = arith.index_cast %add3A_129 : i32 to index
        %swap3A_131 = arith.constant 0 : index
        %swap3A_132 = tpu.vector_load %arg11[%swap3A, %swap3A_131] {strides = array<i32>} : memref<800x16xf32, #tpu.memory_space<vmem>>, vector<1x16xf32>,
        %swap3A_133 = vector.shape_cast %swap3A_132 : vector<1x16xf32> to vector<16xf32>
        %swap3A_134 = vector.shape_cast %broadcast_in_dim3A_130 : vector<16xf32> to vector<1x16xf32>
        tpu.vector_store %arg11[%swap3A, %swap3A_131], %swap3A_134 {strides = array<i32>} : memref<800x16xf32, #tpu.memory_space<vmem>>, vector<1x16xf32>,
      }
      %scan3A_70 = arith.constant 368 : i32
      %scan3A_71 = arith.constant 0 : i32
      %scan3A_72 = arith.constant 8 : i32
      %scan3A_73 = arith.addi %scan3A_71, %scan3A_72 : i32
      %scan3A_74 = arith.constant 1 : i32
      scf.for %scan3A_125 = %scan3A_71 to %scan3A_73 step %scan3A_74  : i32 {
        %mul3A_126 = arith.constant 1 : i32
        %mul3A_127 = arith.muli %scan3A_125, %mul3A_126 : i32
        %add3A_128 = arith.constant 0 : i32
        %add3A_129 = arith.addi %add3A_128, %mul3A_127 : i32
        %mul3A_130 = arith.constant 2 : i32
        %mul3A_131 = arith.muli %mul3A_130, %add3A_129 : i32
        %mul3A_132 = arith.constant 2 : i32
        %mul3A_133 = arith.muli %mul3A_132, %add3A_129 : i32
        %sub3A = arith.constant 2 : i32
        %sub3A_134 = arith.subi %mul3A_133, %sub3A : i32
        %gt3A = arith.constant 0 : i32
        %gt3A_135 = arith.cmpi sgt, %add3A_129, %gt3A : i32
        %mul3A_136 = arith.constant 368 : i32
        %mul3A_137 = arith.muli %mul3A_131, %mul3A_136 : i32
        %add3A_138 = arith.addi %mul3A_0, %mul3A_137 : i32
        %convert_element_type3A = arith.extui %gt3A_135 : i1 to i32
        %cond3A = arith.constant 0 : i32
        %cond3A_139 = arith.cmpi ne, %convert_element_type3A, %cond3A : i32
        scf.if %cond3A_139 {
          %mul3A_176 = arith.constant 368 : i32
          %mul3A_177 = arith.muli %sub3A_134, %mul3A_176 : i32
          %add3A_178 = arith.addi %mul3A_0, %mul3A_177 : i32
          %mul3A_179 = arith.constant 16 : i32
          %mul3A_180 = arith.muli %add3A_23, %mul3A_179 : i32
          %dma_wait3A_181 = arith.constant 0 : i32
          %dma_wait3A_182 = arith.constant 0 : i32
          %dma_wait3A_183 = tpu.memref_slice %arg10[%dma_wait3A_181, %dma_wait3A_182] : memref<800x16xf32, #tpu.memory_space<vmem>> -> memref<368x16xf32, #tpu.memory_space<vmem>>
          %dma_wait3A_184 = tpu.memref_slice %arg5[%add3A_178, %mul3A_180] : memref<100096x256xf32, #tpu.memory_space<hbm>> -> memref<368x16xf32, #tpu.memory_space<hbm>>
          %dma_wait3A_185 = tpu.memref_slice %arg5[%add3A_178, %mul3A_180] : memref<100096x256xf32, #tpu.memory_space<hbm>> -> memref<368x16xf32, #tpu.memory_space<hbm>>
          %dma_wait3A_186 = arith.constant 0 : i32
          %dma_wait3A_187 = arith.constant 0 : i32
          %dma_wait3A_188 = tpu.memref_slice %arg10[%dma_wait3A_186, %dma_wait3A_187] : memref<800x16xf32, #tpu.memory_space<vmem>> -> memref<368x16xf32, #tpu.memory_space<vmem>>
          tpu.wait_dma2 semaphore(%arg17 : memref<!tpu.dma_semaphore, #tpu.memory_space<semaphore_mem>>) src(%dma_wait3A_188 : memref<368x16xf32, #tpu.memory_space<vmem>>) dst(%dma_wait3A_185 : memref<368x16xf32, #tpu.memory_space<hbm>>)
        } else {
        }
        "tpu.region"() ({
          %run_scoped3A = tpu.sem_alloc : memref<!tpu.dma_semaphore, #tpu.memory_space<semaphore_mem>>
          %dma_start3A_176 = arith.constant 0 : i32
          %dma_start3A_177 = arith.constant 0 : i32
          %dma_start3A_178 = tpu.memref_slice %arg10[%dma_start3A_176, %dma_start3A_177] : memref<800x16xf32, #tpu.memory_space<vmem>> -> memref<368x16xf32, #tpu.memory_space<vmem>>
          %dma_start3A_179 = arith.constant 0 : i32
          %dma_start3A_180 = tpu.memref_slice %arg12[%add3A_138, %dma_start3A_179] : memref<100096x16xf32, #tpu.memory_space<vmem_shared>> -> memref<368x16xf32, #tpu.memory_space<vmem_shared>>
          %dma_start3A_181 = arith.constant 0 : i32
          %dma_start3A_182 = arith.constant 0 : i32
          %dma_start3A_183 = tpu.memref_slice %arg10[%dma_start3A_181, %dma_start3A_182] : memref<800x16xf32, #tpu.memory_space<vmem>> -> memref<368x16xf32, #tpu.memory_space<vmem>>
          %dma_start3A_184 = arith.constant 0 : i32
          %dma_start3A_185 = tpu.memref_slice %arg12[%add3A_138, %dma_start3A_184] : memref<100096x16xf32, #tpu.memory_space<vmem_shared>> -> memref<368x16xf32, #tpu.memory_space<vmem_shared>>
          tpu.enqueue_dma source(%dma_start3A_185 : memref<368x16xf32, #tpu.memory_space<vmem_shared>>) target(%dma_start3A_183 : memref<368x16xf32, #tpu.memory_space<vmem>>) target_semaphore(%run_scoped3A : memref<!tpu.dma_semaphore, #tpu.memory_space<semaphore_mem>>)
          %dma_wait3A_186 = arith.constant 0 : i32
          %dma_wait3A_187 = arith.constant 0 : i32
          %dma_wait3A_188 = tpu.memref_slice %arg10[%dma_wait3A_186, %dma_wait3A_187] : memref<800x16xf32, #tpu.memory_space<vmem>> -> memref<368x16xf32, #tpu.memory_space<vmem>>
          %dma_wait3A_189 = arith.constant 0 : i32
          %dma_wait3A_190 = tpu.memref_slice %arg12[%add3A_138, %dma_wait3A_189] : memref<100096x16xf32, #tpu.memory_space<vmem_shared>> -> memref<368x16xf32, #tpu.memory_space<vmem_shared>>
          %dma_wait3A_191 = arith.constant 0 : i32
          %dma_wait3A_192 = arith.constant 0 : i32
          %dma_wait3A_193 = tpu.memref_slice %arg10[%dma_wait3A_191, %dma_wait3A_192] : memref<800x16xf32, #tpu.memory_space<vmem>> -> memref<368x16xf32, #tpu.memory_space<vmem>>
          %dma_wait3A_194 = arith.constant 0 : i32
          %dma_wait3A_195 = tpu.memref_slice %arg12[%add3A_138, %dma_wait3A_194] : memref<100096x16xf32, #tpu.memory_space<vmem_shared>> -> memref<368x16xf32, #tpu.memory_space<vmem_shared>>
          tpu.wait_dma2 semaphore(%run_scoped3A : memref<!tpu.dma_semaphore, #tpu.memory_space<semaphore_mem>>) src(%dma_wait3A_195 : memref<368x16xf32, #tpu.memory_space<vmem_shared>>) dst(%dma_wait3A_193 : memref<368x16xf32, #tpu.memory_space<vmem>>)
          tpu.yield
        }) : () -> ()
        %mul3A_140 = arith.constant 16 : i32
        %mul3A_141 = arith.muli %add3A_23, %mul3A_140 : i32
        %dma_start3A_142 = arith.constant 0 : i32
        %dma_start3A_143 = arith.constant 0 : i32
        %dma_start3A_144 = tpu.memref_slice %arg10[%dma_start3A_142, %dma_start3A_143] : memref<800x16xf32, #tpu.memory_space<vmem>> -> memref<368x16xf32, #tpu.memory_space<vmem>>
        %dma_start3A_145 = tpu.memref_slice %arg5[%add3A_138, %mul3A_141] : memref<100096x256xf32, #tpu.memory_space<hbm>> -> memref<368x16xf32, #tpu.memory_space<hbm>>
        %dma_start3A_146 = tpu.memref_slice %arg5[%add3A_138, %mul3A_141] : memref<100096x256xf32, #tpu.memory_space<hbm>> -> memref<368x16xf32, #tpu.memory_space<hbm>>
        %dma_start3A_147 = arith.constant 0 : i32
        %dma_start3A_148 = arith.constant 0 : i32
        %dma_start3A_149 = tpu.memref_slice %arg10[%dma_start3A_147, %dma_start3A_148] : memref<800x16xf32, #tpu.memory_space<vmem>> -> memref<368x16xf32, #tpu.memory_space<vmem>>
        tpu.enqueue_dma source(%dma_start3A_149 : memref<368x16xf32, #tpu.memory_space<vmem>>) target(%dma_start3A_146 : memref<368x16xf32, #tpu.memory_space<hbm>>) target_semaphore(%arg17 : memref<!tpu.dma_semaphore, #tpu.memory_space<semaphore_mem>>)
        "tpu.region"() ({
          %run_scoped3A = tpu.sem_alloc : memref<!tpu.dma_semaphore, #tpu.memory_space<semaphore_mem>>
          %dma_start3A_176 = arith.constant 0 : i32
          %dma_start3A_177 = arith.constant 0 : i32
          %dma_start3A_178 = tpu.memref_slice %arg11[%dma_start3A_176, %dma_start3A_177] : memref<800x16xf32, #tpu.memory_space<vmem>> -> memref<368x16xf32, #tpu.memory_space<vmem>>
          %dma_start3A_179 = arith.constant 0 : i32
          %dma_start3A_180 = tpu.memref_slice %arg12[%add3A_138, %dma_start3A_179] : memref<100096x16xf32, #tpu.memory_space<vmem_shared>> -> memref<368x16xf32, #tpu.memory_space<vmem_shared>>
          %dma_start3A_181 = arith.constant 0 : i32
          %dma_start3A_182 = tpu.memref_slice %arg12[%add3A_138, %dma_start3A_181] : memref<100096x16xf32, #tpu.memory_space<vmem_shared>> -> memref<368x16xf32, #tpu.memory_space<vmem_shared>>
          %dma_start3A_183 = arith.constant 0 : i32
          %dma_start3A_184 = arith.constant 0 : i32
          %dma_start3A_185 = tpu.memref_slice %arg11[%dma_start3A_183, %dma_start3A_184] : memref<800x16xf32, #tpu.memory_space<vmem>> -> memref<368x16xf32, #tpu.memory_space<vmem>>
          tpu.enqueue_dma source(%dma_start3A_185 : memref<368x16xf32, #tpu.memory_space<vmem>>) target(%dma_start3A_182 : memref<368x16xf32, #tpu.memory_space<vmem_shared>>) target_semaphore(%run_scoped3A : memref<!tpu.dma_semaphore, #tpu.memory_space<semaphore_mem>>)
          %dma_wait3A_186 = arith.constant 0 : i32
          %dma_wait3A_187 = arith.constant 0 : i32
          %dma_wait3A_188 = tpu.memref_slice %arg11[%dma_wait3A_186, %dma_wait3A_187] : memref<800x16xf32, #tpu.memory_space<vmem>> -> memref<368x16xf32, #tpu.memory_space<vmem>>
          %dma_wait3A_189 = arith.constant 0 : i32
          %dma_wait3A_190 = tpu.memref_slice %arg12[%add3A_138, %dma_wait3A_189] : memref<100096x16xf32, #tpu.memory_space<vmem_shared>> -> memref<368x16xf32, #tpu.memory_space<vmem_shared>>
          %dma_wait3A_191 = arith.constant 0 : i32
          %dma_wait3A_192 = tpu.memref_slice %arg12[%add3A_138, %dma_wait3A_191] : memref<100096x16xf32, #tpu.memory_space<vmem_shared>> -> memref<368x16xf32, #tpu.memory_space<vmem_shared>>
          %dma_wait3A_193 = arith.constant 0 : i32
          %dma_wait3A_194 = arith.constant 0 : i32
          %dma_wait3A_195 = tpu.memref_slice %arg11[%dma_wait3A_193, %dma_wait3A_194] : memref<800x16xf32, #tpu.memory_space<vmem>> -> memref<368x16xf32, #tpu.memory_space<vmem>>
          tpu.wait_dma2 semaphore(%run_scoped3A : memref<!tpu.dma_semaphore, #tpu.memory_space<semaphore_mem>>) src(%dma_wait3A_195 : memref<368x16xf32, #tpu.memory_space<vmem>>) dst(%dma_wait3A_192 : memref<368x16xf32, #tpu.memory_space<vmem_shared>>)
          tpu.yield
        }) : () -> ()
        %mul3A_150 = arith.constant 2 : i32
        %mul3A_151 = arith.muli %mul3A_150, %add3A_129 : i32
        %add3A_152 = arith.constant 1 : i32
        %add3A_153 = arith.addi %mul3A_151, %add3A_152 : i32
        %mul3A_154 = arith.constant 2 : i32
        %mul3A_155 = arith.muli %mul3A_154, %add3A_129 : i32
        %sub3A_156 = arith.constant 1 : i32
        %sub3A_157 = arith.subi %mul3A_155, %sub3A_156 : i32
        %gt3A_158 = arith.constant 0 : i32
        %gt3A_159 = arith.cmpi sgt, %add3A_129, %gt3A_158 : i32
        %mul3A_160 = arith.constant 368 : i32
        %mul3A_161 = arith.muli %add3A_153, %mul3A_160 : i32
        %add3A_162 = arith.addi %mul3A_0, %mul3A_161 : i32
        %convert_element_type3A_163 = arith.extui %gt3A_159 : i1 to i32
        %cond3A_164 = arith.constant 0 : i32
        %cond3A_165 = arith.cmpi ne, %convert_element_type3A_163, %cond3A_164 : i32
        scf.if %cond3A_165 {
          %mul3A_176 = arith.constant 368 : i32
          %mul3A_177 = arith.muli %sub3A_157, %mul3A_176 : i32
          %add3A_178 = arith.addi %mul3A_0, %mul3A_177 : i32
          %mul3A_179 = arith.constant 16 : i32
          %mul3A_180 = arith.muli %add3A_23, %mul3A_179 : i32
          %dma_wait3A_181 = arith.constant 368 : i32
          %dma_wait3A_182 = arith.constant 0 : i32
          %dma_wait3A_183 = tpu.memref_slice %arg10[%dma_wait3A_181, %dma_wait3A_182] : memref<800x16xf32, #tpu.memory_space<vmem>> -> memref<368x16xf32, #tpu.memory_space<vmem>>
          %dma_wait3A_184 = tpu.memref_slice %arg5[%add3A_178, %mul3A_180] : memref<100096x256xf32, #tpu.memory_space<hbm>> -> memref<368x16xf32, #tpu.memory_space<hbm>>
          %dma_wait3A_185 = tpu.memref_slice %arg5[%add3A_178, %mul3A_180] : memref<100096x256xf32, #tpu.memory_space<hbm>> -> memref<368x16xf32, #tpu.memory_space<hbm>>
          %dma_wait3A_186 = arith.constant 368 : i32
          %dma_wait3A_187 = arith.constant 0 : i32
          %dma_wait3A_188 = tpu.memref_slice %arg10[%dma_wait3A_186, %dma_wait3A_187] : memref<800x16xf32, #tpu.memory_space<vmem>> -> memref<368x16xf32, #tpu.memory_space<vmem>>
          tpu.wait_dma2 semaphore(%arg18 : memref<!tpu.dma_semaphore, #tpu.memory_space<semaphore_mem>>) src(%dma_wait3A_188 : memref<368x16xf32, #tpu.memory_space<vmem>>) dst(%dma_wait3A_185 : memref<368x16xf32, #tpu.memory_space<hbm>>)
        } else {
        }
        "tpu.region"() ({
          %run_scoped3A = tpu.sem_alloc : memref<!tpu.dma_semaphore, #tpu.memory_space<semaphore_mem>>
          %dma_start3A_176 = arith.constant 368 : i32
          %dma_start3A_177 = arith.constant 0 : i32
          %dma_start3A_178 = tpu.memref_slice %arg10[%dma_start3A_176, %dma_start3A_177] : memref<800x16xf32, #tpu.memory_space<vmem>> -> memref<368x16xf32, #tpu.memory_space<vmem>>
          %dma_start3A_179 = arith.constant 0 : i32
          %dma_start3A_180 = tpu.memref_slice %arg12[%add3A_162, %dma_start3A_179] : memref<100096x16xf32, #tpu.memory_space<vmem_shared>> -> memref<368x16xf32, #tpu.memory_space<vmem_shared>>
          %dma_start3A_181 = arith.constant 368 : i32
          %dma_start3A_182 = arith.constant 0 : i32
          %dma_start3A_183 = tpu.memref_slice %arg10[%dma_start3A_181, %dma_start3A_182] : memref<800x16xf32, #tpu.memory_space<vmem>> -> memref<368x16xf32, #tpu.memory_space<vmem>>
          %dma_start3A_184 = arith.constant 0 : i32
          %dma_start3A_185 = tpu.memref_slice %arg12[%add3A_162, %dma_start3A_184] : memref<100096x16xf32, #tpu.memory_space<vmem_shared>> -> memref<368x16xf32, #tpu.memory_space<vmem_shared>>
          tpu.enqueue_dma source(%dma_start3A_185 : memref<368x16xf32, #tpu.memory_space<vmem_shared>>) target(%dma_start3A_183 : memref<368x16xf32, #tpu.memory_space<vmem>>) target_semaphore(%run_scoped3A : memref<!tpu.dma_semaphore, #tpu.memory_space<semaphore_mem>>)
          %dma_wait3A_186 = arith.constant 368 : i32
          %dma_wait3A_187 = arith.constant 0 : i32
          %dma_wait3A_188 = tpu.memref_slice %arg10[%dma_wait3A_186, %dma_wait3A_187] : memref<800x16xf32, #tpu.memory_space<vmem>> -> memref<368x16xf32, #tpu.memory_space<vmem>>
          %dma_wait3A_189 = arith.constant 0 : i32
          %dma_wait3A_190 = tpu.memref_slice %arg12[%add3A_162, %dma_wait3A_189] : memref<100096x16xf32, #tpu.memory_space<vmem_shared>> -> memref<368x16xf32, #tpu.memory_space<vmem_shared>>
          %dma_wait3A_191 = arith.constant 368 : i32
          %dma_wait3A_192 = arith.constant 0 : i32
          %dma_wait3A_193 = tpu.memref_slice %arg10[%dma_wait3A_191, %dma_wait3A_192] : memref<800x16xf32, #tpu.memory_space<vmem>> -> memref<368x16xf32, #tpu.memory_space<vmem>>
          %dma_wait3A_194 = arith.constant 0 : i32
          %dma_wait3A_195 = tpu.memref_slice %arg12[%add3A_162, %dma_wait3A_194] : memref<100096x16xf32, #tpu.memory_space<vmem_shared>> -> memref<368x16xf32, #tpu.memory_space<vmem_shared>>
          tpu.wait_dma2 semaphore(%run_scoped3A : memref<!tpu.dma_semaphore, #tpu.memory_space<semaphore_mem>>) src(%dma_wait3A_195 : memref<368x16xf32, #tpu.memory_space<vmem_shared>>) dst(%dma_wait3A_193 : memref<368x16xf32, #tpu.memory_space<vmem>>)
          tpu.yield
        }) : () -> ()
        %mul3A_166 = arith.constant 16 : i32
        %mul3A_167 = arith.muli %add3A_23, %mul3A_166 : i32
        %dma_start3A_168 = arith.constant 368 : i32
        %dma_start3A_169 = arith.constant 0 : i32
        %dma_start3A_170 = tpu.memref_slice %arg10[%dma_start3A_168, %dma_start3A_169] : memref<800x16xf32, #tpu.memory_space<vmem>> -> memref<368x16xf32, #tpu.memory_space<vmem>>
        %dma_start3A_171 = tpu.memref_slice %arg5[%add3A_162, %mul3A_167] : memref<100096x256xf32, #tpu.memory_space<hbm>> -> memref<368x16xf32, #tpu.memory_space<hbm>>
        %dma_start3A_172 = tpu.memref_slice %arg5[%add3A_162, %mul3A_167] : memref<100096x256xf32, #tpu.memory_space<hbm>> -> memref<368x16xf32, #tpu.memory_space<hbm>>
        %dma_start3A_173 = arith.constant 368 : i32
        %dma_start3A_174 = arith.constant 0 : i32
        %dma_start3A_175 = tpu.memref_slice %arg10[%dma_start3A_173, %dma_start3A_174] : memref<800x16xf32, #tpu.memory_space<vmem>> -> memref<368x16xf32, #tpu.memory_space<vmem>>
        tpu.enqueue_dma source(%dma_start3A_175 : memref<368x16xf32, #tpu.memory_space<vmem>>) target(%dma_start3A_172 : memref<368x16xf32, #tpu.memory_space<hbm>>) target_semaphore(%arg18 : memref<!tpu.dma_semaphore, #tpu.memory_space<semaphore_mem>>)
        "tpu.region"() ({
          %run_scoped3A = tpu.sem_alloc : memref<!tpu.dma_semaphore, #tpu.memory_space<semaphore_mem>>
          %dma_start3A_176 = arith.constant 0 : i32
          %dma_start3A_177 = arith.constant 0 : i32
          %dma_start3A_178 = tpu.memref_slice %arg11[%dma_start3A_176, %dma_start3A_177] : memref<800x16xf32, #tpu.memory_space<vmem>> -> memref<368x16xf32, #tpu.memory_space<vmem>>
          %dma_start3A_179 = arith.constant 0 : i32
          %dma_start3A_180 = tpu.memref_slice %arg12[%add3A_162, %dma_start3A_179] : memref<100096x16xf32, #tpu.memory_space<vmem_shared>> -> memref<368x16xf32, #tpu.memory_space<vmem_shared>>
          %dma_start3A_181 = arith.constant 0 : i32
          %dma_start3A_182 = tpu.memref_slice %arg12[%add3A_162, %dma_start3A_181] : memref<100096x16xf32, #tpu.memory_space<vmem_shared>> -> memref<368x16xf32, #tpu.memory_space<vmem_shared>>
          %dma_start3A_183 = arith.constant 0 : i32
          %dma_start3A_184 = arith.constant 0 : i32
          %dma_start3A_185 = tpu.memref_slice %arg11[%dma_start3A_183, %dma_start3A_184] : memref<800x16xf32, #tpu.memory_space<vmem>> -> memref<368x16xf32, #tpu.memory_space<vmem>>
          tpu.enqueue_dma source(%dma_start3A_185 : memref<368x16xf32, #tpu.memory_space<vmem>>) target(%dma_start3A_182 : memref<368x16xf32, #tpu.memory_space<vmem_shared>>) target_semaphore(%run_scoped3A : memref<!tpu.dma_semaphore, #tpu.memory_space<semaphore_mem>>)
          %dma_wait3A_186 = arith.constant 0 : i32
          %dma_wait3A_187 = arith.constant 0 : i32
          %dma_wait3A_188 = tpu.memref_slice %arg11[%dma_wait3A_186, %dma_wait3A_187] : memref<800x16xf32, #tpu.memory_space<vmem>> -> memref<368x16xf32, #tpu.memory_space<vmem>>
          %dma_wait3A_189 = arith.constant 0 : i32
          %dma_wait3A_190 = tpu.memref_slice %arg12[%add3A_162, %dma_wait3A_189] : memref<100096x16xf32, #tpu.memory_space<vmem_shared>> -> memref<368x16xf32, #tpu.memory_space<vmem_shared>>
          %dma_wait3A_191 = arith.constant 0 : i32
          %dma_wait3A_192 = tpu.memref_slice %arg12[%add3A_162, %dma_wait3A_191] : memref<100096x16xf32, #tpu.memory_space<vmem_shared>> -> memref<368x16xf32, #tpu.memory_space<vmem_shared>>
          %dma_wait3A_193 = arith.constant 0 : i32
          %dma_wait3A_194 = arith.constant 0 : i32
          %dma_wait3A_195 = tpu.memref_slice %arg11[%dma_wait3A_193, %dma_wait3A_194] : memref<800x16xf32, #tpu.memory_space<vmem>> -> memref<368x16xf32, #tpu.memory_space<vmem>>
          tpu.wait_dma2 semaphore(%run_scoped3A : memref<!tpu.dma_semaphore, #tpu.memory_space<semaphore_mem>>) src(%dma_wait3A_195 : memref<368x16xf32, #tpu.memory_space<vmem>>) dst(%dma_wait3A_192 : memref<368x16xf32, #tpu.memory_space<vmem_shared>>)
          tpu.yield
        }) : () -> ()
      }
      %scan3A_75 = arith.constant 8 : i32
      %add3A_76 = arith.constant 5888 : i32
      %add3A_77 = arith.addi %mul3A_0, %add3A_76 : i32
      %add3A_78 = arith.constant 5152 : i32
      %add3A_79 = arith.addi %mul3A_0, %add3A_78 : i32
      %mul3A_80 = arith.constant 16 : i32
      %mul3A_81 = arith.muli %add3A_23, %mul3A_80 : i32
      %dma_wait3A_82 = arith.constant 0 : i32
      %dma_wait3A_83 = arith.constant 0 : i32
      %dma_wait3A_84 = tpu.memref_slice %arg10[%dma_wait3A_82, %dma_wait3A_83] : memref<800x16xf32, #tpu.memory_space<vmem>> -> memref<368x16xf32, #tpu.memory_space<vmem>>
      %dma_wait3A_85 = tpu.memref_slice %arg5[%add3A_79, %mul3A_81] : memref<100096x256xf32, #tpu.memory_space<hbm>> -> memref<368x16xf32, #tpu.memory_space<hbm>>
      %dma_wait3A_86 = tpu.memref_slice %arg5[%add3A_79, %mul3A_81] : memref<100096x256xf32, #tpu.memory_space<hbm>> -> memref<368x16xf32, #tpu.memory_space<hbm>>
      %dma_wait3A_87 = arith.constant 0 : i32
      %dma_wait3A_88 = arith.constant 0 : i32
      %dma_wait3A_89 = tpu.memref_slice %arg10[%dma_wait3A_87, %dma_wait3A_88] : memref<800x16xf32, #tpu.memory_space<vmem>> -> memref<368x16xf32, #tpu.memory_space<vmem>>
      tpu.wait_dma2 semaphore(%arg17 : memref<!tpu.dma_semaphore, #tpu.memory_space<semaphore_mem>>) src(%dma_wait3A_89 : memref<368x16xf32, #tpu.memory_space<vmem>>) dst(%dma_wait3A_86 : memref<368x16xf32, #tpu.memory_space<hbm>>)
      "tpu.region"() ({
        %run_scoped3A = tpu.sem_alloc : memref<!tpu.dma_semaphore, #tpu.memory_space<semaphore_mem>>
        %dma_start3A_125 = arith.constant 0 : i32
        %dma_start3A_126 = arith.constant 0 : i32
        %dma_start3A_127 = tpu.memref_slice %arg10[%dma_start3A_125, %dma_start3A_126] : memref<800x16xf32, #tpu.memory_space<vmem>> -> memref<368x16xf32, #tpu.memory_space<vmem>>
        %dma_start3A_128 = arith.constant 0 : i32
        %dma_start3A_129 = tpu.memref_slice %arg12[%add3A_77, %dma_start3A_128] : memref<100096x16xf32, #tpu.memory_space<vmem_shared>> -> memref<368x16xf32, #tpu.memory_space<vmem_shared>>
        %dma_start3A_130 = arith.constant 0 : i32
        %dma_start3A_131 = arith.constant 0 : i32
        %dma_start3A_132 = tpu.memref_slice %arg10[%dma_start3A_130, %dma_start3A_131] : memref<800x16xf32, #tpu.memory_space<vmem>> -> memref<368x16xf32, #tpu.memory_space<vmem>>
        %dma_start3A_133 = arith.constant 0 : i32
        %dma_start3A_134 = tpu.memref_slice %arg12[%add3A_77, %dma_start3A_133] : memref<100096x16xf32, #tpu.memory_space<vmem_shared>> -> memref<368x16xf32, #tpu.memory_space<vmem_shared>>
        tpu.enqueue_dma source(%dma_start3A_134 : memref<368x16xf32, #tpu.memory_space<vmem_shared>>) target(%dma_start3A_132 : memref<368x16xf32, #tpu.memory_space<vmem>>) target_semaphore(%run_scoped3A : memref<!tpu.dma_semaphore, #tpu.memory_space<semaphore_mem>>)
        %dma_wait3A_135 = arith.constant 0 : i32
        %dma_wait3A_136 = arith.constant 0 : i32
        %dma_wait3A_137 = tpu.memref_slice %arg10[%dma_wait3A_135, %dma_wait3A_136] : memref<800x16xf32, #tpu.memory_space<vmem>> -> memref<368x16xf32, #tpu.memory_space<vmem>>
        %dma_wait3A_138 = arith.constant 0 : i32
        %dma_wait3A_139 = tpu.memref_slice %arg12[%add3A_77, %dma_wait3A_138] : memref<100096x16xf32, #tpu.memory_space<vmem_shared>> -> memref<368x16xf32, #tpu.memory_space<vmem_shared>>
        %dma_wait3A_140 = arith.constant 0 : i32
        %dma_wait3A_141 = arith.constant 0 : i32
        %dma_wait3A_142 = tpu.memref_slice %arg10[%dma_wait3A_140, %dma_wait3A_141] : memref<800x16xf32, #tpu.memory_space<vmem>> -> memref<368x16xf32, #tpu.memory_space<vmem>>
        %dma_wait3A_143 = arith.constant 0 : i32
        %dma_wait3A_144 = tpu.memref_slice %arg12[%add3A_77, %dma_wait3A_143] : memref<100096x16xf32, #tpu.memory_space<vmem_shared>> -> memref<368x16xf32, #tpu.memory_space<vmem_shared>>
        tpu.wait_dma2 semaphore(%run_scoped3A : memref<!tpu.dma_semaphore, #tpu.memory_space<semaphore_mem>>) src(%dma_wait3A_144 : memref<368x16xf32, #tpu.memory_space<vmem_shared>>) dst(%dma_wait3A_142 : memref<368x16xf32, #tpu.memory_space<vmem>>)
        tpu.yield
      }) : () -> ()
      %mul3A_90 = arith.constant 16 : i32
      %mul3A_91 = arith.muli %add3A_23, %mul3A_90 : i32
      %dma_start3A_92 = arith.constant 0 : i32
      %dma_start3A_93 = arith.constant 0 : i32
      %dma_start3A_94 = tpu.memref_slice %arg10[%dma_start3A_92, %dma_start3A_93] : memref<800x16xf32, #tpu.memory_space<vmem>> -> memref<368x16xf32, #tpu.memory_space<vmem>>
      %dma_start3A_95 = tpu.memref_slice %arg5[%add3A_77, %mul3A_91] : memref<100096x256xf32, #tpu.memory_space<hbm>> -> memref<368x16xf32, #tpu.memory_space<hbm>>
      %dma_start3A_96 = tpu.memref_slice %arg5[%add3A_77, %mul3A_91] : memref<100096x256xf32, #tpu.memory_space<hbm>> -> memref<368x16xf32, #tpu.memory_space<hbm>>
      %dma_start3A_97 = arith.constant 0 : i32
      %dma_start3A_98 = arith.constant 0 : i32
      %dma_start3A_99 = tpu.memref_slice %arg10[%dma_start3A_97, %dma_start3A_98] : memref<800x16xf32, #tpu.memory_space<vmem>> -> memref<368x16xf32, #tpu.memory_space<vmem>>
      tpu.enqueue_dma source(%dma_start3A_99 : memref<368x16xf32, #tpu.memory_space<vmem>>) target(%dma_start3A_96 : memref<368x16xf32, #tpu.memory_space<hbm>>) target_semaphore(%arg17 : memref<!tpu.dma_semaphore, #tpu.memory_space<semaphore_mem>>)
      "tpu.region"() ({
        %run_scoped3A = tpu.sem_alloc : memref<!tpu.dma_semaphore, #tpu.memory_space<semaphore_mem>>
        %dma_start3A_125 = arith.constant 0 : i32
        %dma_start3A_126 = arith.constant 0 : i32
        %dma_start3A_127 = tpu.memref_slice %arg11[%dma_start3A_125, %dma_start3A_126] : memref<800x16xf32, #tpu.memory_space<vmem>> -> memref<368x16xf32, #tpu.memory_space<vmem>>
        %dma_start3A_128 = arith.constant 0 : i32
        %dma_start3A_129 = tpu.memref_slice %arg12[%add3A_77, %dma_start3A_128] : memref<100096x16xf32, #tpu.memory_space<vmem_shared>> -> memref<368x16xf32, #tpu.memory_space<vmem_shared>>
        %dma_start3A_130 = arith.constant 0 : i32
        %dma_start3A_131 = tpu.memref_slice %arg12[%add3A_77, %dma_start3A_130] : memref<100096x16xf32, #tpu.memory_space<vmem_shared>> -> memref<368x16xf32, #tpu.memory_space<vmem_shared>>
        %dma_start3A_132 = arith.constant 0 : i32
        %dma_start3A_133 = arith.constant 0 : i32
        %dma_start3A_134 = tpu.memref_slice %arg11[%dma_start3A_132, %dma_start3A_133] : memref<800x16xf32, #tpu.memory_space<vmem>> -> memref<368x16xf32, #tpu.memory_space<vmem>>
        tpu.enqueue_dma source(%dma_start3A_134 : memref<368x16xf32, #tpu.memory_space<vmem>>) target(%dma_start3A_131 : memref<368x16xf32, #tpu.memory_space<vmem_shared>>) target_semaphore(%run_scoped3A : memref<!tpu.dma_semaphore, #tpu.memory_space<semaphore_mem>>)
        %dma_wait3A_135 = arith.constant 0 : i32
        %dma_wait3A_136 = arith.constant 0 : i32
        %dma_wait3A_137 = tpu.memref_slice %arg11[%dma_wait3A_135, %dma_wait3A_136] : memref<800x16xf32, #tpu.memory_space<vmem>> -> memref<368x16xf32, #tpu.memory_space<vmem>>
        %dma_wait3A_138 = arith.constant 0 : i32
        %dma_wait3A_139 = tpu.memref_slice %arg12[%add3A_77, %dma_wait3A_138] : memref<100096x16xf32, #tpu.memory_space<vmem_shared>> -> memref<368x16xf32, #tpu.memory_space<vmem_shared>>
        %dma_wait3A_140 = arith.constant 0 : i32
        %dma_wait3A_141 = tpu.memref_slice %arg12[%add3A_77, %dma_wait3A_140] : memref<100096x16xf32, #tpu.memory_space<vmem_shared>> -> memref<368x16xf32, #tpu.memory_space<vmem_shared>>
        %dma_wait3A_142 = arith.constant 0 : i32
        %dma_wait3A_143 = arith.constant 0 : i32
        %dma_wait3A_144 = tpu.memref_slice %arg11[%dma_wait3A_142, %dma_wait3A_143] : memref<800x16xf32, #tpu.memory_space<vmem>> -> memref<368x16xf32, #tpu.memory_space<vmem>>
        tpu.wait_dma2 semaphore(%run_scoped3A : memref<!tpu.dma_semaphore, #tpu.memory_space<semaphore_mem>>) src(%dma_wait3A_144 : memref<368x16xf32, #tpu.memory_space<vmem>>) dst(%dma_wait3A_141 : memref<368x16xf32, #tpu.memory_space<vmem_shared>>)
        tpu.yield
      }) : () -> ()
      %add3A_100 = arith.constant 5520 : i32
      %add3A_101 = arith.addi %mul3A_0, %add3A_100 : i32
      %mul3A_102 = arith.constant 16 : i32
      %mul3A_103 = arith.muli %add3A_23, %mul3A_102 : i32
      %dma_wait3A_104 = arith.constant 368 : i32
      %dma_wait3A_105 = arith.constant 0 : i32
      %dma_wait3A_106 = tpu.memref_slice %arg10[%dma_wait3A_104, %dma_wait3A_105] : memref<800x16xf32, #tpu.memory_space<vmem>> -> memref<368x16xf32, #tpu.memory_space<vmem>>
      %dma_wait3A_107 = tpu.memref_slice %arg5[%add3A_101, %mul3A_103] : memref<100096x256xf32, #tpu.memory_space<hbm>> -> memref<368x16xf32, #tpu.memory_space<hbm>>
      %dma_wait3A_108 = tpu.memref_slice %arg5[%add3A_101, %mul3A_103] : memref<100096x256xf32, #tpu.memory_space<hbm>> -> memref<368x16xf32, #tpu.memory_space<hbm>>
      %dma_wait3A_109 = arith.constant 368 : i32
      %dma_wait3A_110 = arith.constant 0 : i32
      %dma_wait3A_111 = tpu.memref_slice %arg10[%dma_wait3A_109, %dma_wait3A_110] : memref<800x16xf32, #tpu.memory_space<vmem>> -> memref<368x16xf32, #tpu.memory_space<vmem>>
      tpu.wait_dma2 semaphore(%arg18 : memref<!tpu.dma_semaphore, #tpu.memory_space<semaphore_mem>>) src(%dma_wait3A_111 : memref<368x16xf32, #tpu.memory_space<vmem>>) dst(%dma_wait3A_108 : memref<368x16xf32, #tpu.memory_space<hbm>>)
      %add3A_112 = arith.constant 5888 : i32
      %add3A_113 = arith.addi %mul3A_0, %add3A_112 : i32
      %mul3A_114 = arith.constant 16 : i32
      %mul3A_115 = arith.muli %add3A_23, %mul3A_114 : i32
      %dma_wait3A_116 = arith.constant 0 : i32
      %dma_wait3A_117 = arith.constant 0 : i32
      %dma_wait3A_118 = tpu.memref_slice %arg10[%dma_wait3A_116, %dma_wait3A_117] : memref<800x16xf32, #tpu.memory_space<vmem>> -> memref<368x16xf32, #tpu.memory_space<vmem>>
      %dma_wait3A_119 = tpu.memref_slice %arg5[%add3A_113, %mul3A_115] : memref<100096x256xf32, #tpu.memory_space<hbm>> -> memref<368x16xf32, #tpu.memory_space<hbm>>
      %dma_wait3A_120 = tpu.memref_slice %arg5[%add3A_113, %mul3A_115] : memref<100096x256xf32, #tpu.memory_space<hbm>> -> memref<368x16xf32, #tpu.memory_space<hbm>>
      %dma_wait3A_121 = arith.constant 0 : i32
      %dma_wait3A_122 = arith.constant 0 : i32
      %dma_wait3A_123 = tpu.memref_slice %arg10[%dma_wait3A_121, %dma_wait3A_122] : memref<800x16xf32, #tpu.memory_space<vmem>> -> memref<368x16xf32, #tpu.memory_space<vmem>>
      tpu.wait_dma2 semaphore(%arg17 : memref<!tpu.dma_semaphore, #tpu.memory_space<semaphore_mem>>) src(%dma_wait3A_123 : memref<368x16xf32, #tpu.memory_space<vmem>>) dst(%dma_wait3A_120 : memref<368x16xf32, #tpu.memory_space<hbm>>)
      %barrier3A_124 = arith.constant 0 : index
      tpu.barrier barrier_id(%barrier3A_124)
    }
    %scan3A_16 = arith.constant 8 : i32
    return
  }
}

module attributes {stable_mosaic.version = 14 : i64} {
  func.func @_scale0_body(%arg0: i32, %arg1: memref<2000x16xf32, #tpu.memory_space<vmem>>, %arg2: memref<1x2000x16xf32, #tpu.memory_space<vmem>>, %arg3: memref<1x2000x16xf32, #tpu.memory_space<vmem>>, %arg4: memref<2000x16xf32, #tpu.memory_space<vmem>>, %arg5: memref<2000x16xf32, #tpu.memory_space<vmem>>) attributes {dimension_semantics = [#tpu.dimension_semantics<arbitrary>], iteration_bounds = array<i64: 50>, scalar_prefetch = 0 : i64, scratch_operands = 0 : i64, tpu.core_type = #tpu.core_type<tc>, window_params = [{transform_indices = @transform_0, window_bounds = array<i64: 2000, 16>}, {transform_indices = @transform_1, window_bounds = array<i64: 1, 2000, 16>}, {transform_indices = @transform_2, window_bounds = array<i64: 1, 2000, 16>}, {transform_indices = @transform_3, window_bounds = array<i64: 2000, 16>}, {transform_indices = @transform_4, window_bounds = array<i64: 2000, 16>}]} {
    %get3A = arith.constant 0 : index
    %get3A_0 = arith.constant 0 : index
    %get3A_1 = arith.constant 0 : index
    %get3A_2 = vector.load %arg2[%get3A, %get3A_0, %get3A_1] : memref<1x2000x16xf32, #tpu.memory_space<vmem>>, vector<1x2000x16xf32>
    %get3A_3 = vector.shape_cast %get3A_2 : vector<1x2000x16xf32> to vector<2000x16xf32>
    %get3A_4 = arith.constant 0 : index
    %get3A_5 = arith.constant 0 : index
    %get3A_6 = arith.constant 0 : index
    %get3A_7 = vector.load %arg3[%get3A_4, %get3A_5, %get3A_6] : memref<1x2000x16xf32, #tpu.memory_space<vmem>>, vector<1x2000x16xf32>
    %get3A_8 = vector.shape_cast %get3A_7 : vector<1x2000x16xf32> to vector<2000x16xf32>
    %add3A = arith.addf %get3A_3, %get3A_8 : vector<2000x16xf32>
    %add3A_9 = arith.constant 1.000000e+00 : f32
    %add3A_10 = vector.broadcast %add3A_9 : f32 to vector<2000x16xf32>
    %add3A_11 = arith.addf %add3A, %add3A_10 : vector<2000x16xf32>
    %rsqrt3A = math.rsqrt %add3A_11 : vector<2000x16xf32>
    %swap3A = arith.constant 0 : index
    %swap3A_12 = arith.constant 0 : index
    %swap3A_13 = vector.load %arg5[%swap3A, %swap3A_12] : memref<2000x16xf32, #tpu.memory_space<vmem>>, vector<2000x16xf32>
    tpu.vector_store %arg5[%swap3A, %swap3A_12], %rsqrt3A {strides = array<i32>} : memref<2000x16xf32, #tpu.memory_space<vmem>>, vector<2000x16xf32>,
    %get3A_14 = arith.constant 0 : index
    %get3A_15 = arith.constant 0 : index
    %get3A_16 = vector.load %arg1[%get3A_14, %get3A_15] : memref<2000x16xf32, #tpu.memory_space<vmem>>, vector<2000x16xf32>
    %slice3A = vector.extract_strided_slice %rsqrt3A {offsets = [0, 0], sizes = [2000, 1], strides = [1, 1]} : vector<2000x16xf32> to vector<2000x1xf32>
    %mul3A = vector.broadcast %slice3A : vector<2000x1xf32> to vector<2000x16xf32>
    %mul3A_17 = arith.mulf %get3A_16, %mul3A : vector<2000x16xf32>
    %swap3A_18 = arith.constant 0 : index
    %swap3A_19 = arith.constant 0 : index
    %swap3A_20 = vector.load %arg4[%swap3A_18, %swap3A_19] : memref<2000x16xf32, #tpu.memory_space<vmem>>, vector<2000x16xf32>
    tpu.vector_store %arg4[%swap3A_18, %swap3A_19], %mul3A_17 {strides = array<i32>} : memref<2000x16xf32, #tpu.memory_space<vmem>>, vector<2000x16xf32>,
    return
  }
  func.func @transform_0(%arg0: i32) -> (i32, i32) {
    %c0_i32 = arith.constant 0 : i32
    %c0_i32_0 = arith.constant 0 : i32
    return %arg0, %c0_i32 : i32, i32
  }
  func.func @transform_1(%arg0: i32) -> (i32, i32, i32) {
    %c0_i32 = arith.constant 0 : i32
    %c0_i32_0 = arith.constant 0 : i32
    %c0_i32_1 = arith.constant 0 : i32
    return %c0_i32, %arg0, %c0_i32_0 : i32, i32, i32
  }
  func.func @transform_2(%arg0: i32) -> (i32, i32, i32) {
    %c1_i32 = arith.constant 1 : i32
    %c0_i32 = arith.constant 0 : i32
    %c0_i32_0 = arith.constant 0 : i32
    return %c1_i32, %arg0, %c0_i32 : i32, i32, i32
  }
  func.func @transform_3(%arg0: i32) -> (i32, i32) {
    %c0_i32 = arith.constant 0 : i32
    %c0_i32_0 = arith.constant 0 : i32
    return %arg0, %c0_i32 : i32, i32
  }
  func.func @transform_4(%arg0: i32) -> (i32, i32) {
    %c0_i32 = arith.constant 0 : i32
    %c0_i32_0 = arith.constant 0 : i32
    return %arg0, %c0_i32 : i32, i32
  }
}

module attributes {stable_mosaic.version = 14 : i64} {
  func.func @_layer1_body(%arg0: i32, %arg1: memref<2000x32xf32, #tpu.memory_space<vmem>>, %arg2: memref<2000x16xf32, #tpu.memory_space<vmem>>, %arg3: memref<2000x16xf32, #tpu.memory_space<vmem>>, %arg4: memref<1x128xf32, #tpu.memory_space<vmem>>, %arg5: memref<16x128xf32, #tpu.memory_space<vmem>>, %arg6: memref<2000x128xf32, #tpu.memory_space<vmem>>) attributes {dimension_semantics = [#tpu.dimension_semantics<arbitrary>], iteration_bounds = array<i64: 50>, scalar_prefetch = 0 : i64, scratch_operands = 0 : i64, tpu.core_type = #tpu.core_type<tc>, window_params = [{transform_indices = @transform_0, window_bounds = array<i64: 2000, 32>}, {transform_indices = @transform_1, window_bounds = array<i64: 2000, 16>}, {transform_indices = @transform_2, window_bounds = array<i64: 2000, 16>}, {pipeline_mode = #tpu.pipeline_mode<synchronous>, transform_indices = @transform_3, window_bounds = array<i64: 1, 128>}, {pipeline_mode = #tpu.pipeline_mode<synchronous>, transform_indices = @transform_4, window_bounds = array<i64: 16, 128>}, {transform_indices = @transform_5, window_bounds = array<i64: 2000, 128>}]} {
    %get3A = arith.constant 0 : index
    %get3A_0 = arith.constant 0 : index
    %get3A_1 = vector.load %arg3[%get3A, %get3A_0] : memref<2000x16xf32, #tpu.memory_space<vmem>>, vector<2000x1xf32>
    %get3A_2 = arith.constant 0 : index
    %get3A_3 = arith.constant 0 : index
    %get3A_4 = vector.load %arg1[%get3A_2, %get3A_3] : memref<2000x32xf32, #tpu.memory_space<vmem>>, vector<2000x16xf32>
    %get3A_5 = arith.constant 0 : index
    %get3A_6 = arith.constant 16 : index
    %get3A_7 = vector.load %arg1[%get3A_5, %get3A_6] : memref<2000x32xf32, #tpu.memory_space<vmem>>, vector<2000x16xf32>
    %add3A = arith.addf %get3A_4, %get3A_7 : vector<2000x16xf32>
    %get3A_8 = arith.constant 0 : index
    %get3A_9 = arith.constant 0 : index
    %get3A_10 = vector.load %arg2[%get3A_8, %get3A_9] : memref<2000x16xf32, #tpu.memory_space<vmem>>, vector<2000x16xf32>
    %add3A_11 = arith.addf %add3A, %get3A_10 : vector<2000x16xf32>
    %mul3A = vector.broadcast %get3A_1 : vector<2000x1xf32> to vector<2000x16xf32>
    %mul3A_12 = arith.mulf %add3A_11, %mul3A : vector<2000x16xf32>
    %get3A_13 = arith.constant 0 : index
    %get3A_14 = arith.constant 0 : index
    %get3A_15 = vector.load %arg5[%get3A_13, %get3A_14] : memref<16x128xf32, #tpu.memory_space<vmem>>, vector<16x128xf32>
    %dot_general3A = arith.constant dense<0.000000e+00> : vector<2000x128xf32>
    %dot_general3A_16 = tpu.matmul %mul3A_12, %get3A_15, %dot_general3A {dimension_numbers = #tpu.dot_dimension_numbers<[1], [0], [0], [1], [0, 0, 1, 1], [], []>, transpose_lhs_hint = false} : vector<2000x16xf32>, vector<16x128xf32>, vector<2000x128xf32> -> vector<2000x128xf32>
    %get3A_17 = arith.constant 0 : index
    %get3A_18 = arith.constant 0 : index
    %get3A_19 = vector.load %arg4[%get3A_17, %get3A_18] : memref<1x128xf32, #tpu.memory_space<vmem>>, vector<1x128xf32>
    %add3A_20 = vector.broadcast %get3A_19 : vector<1x128xf32> to vector<2000x128xf32>
    %add3A_21 = arith.addf %dot_general3A_16, %add3A_20 : vector<2000x128xf32>
    %max3A = arith.constant 0.000000e+00 : f32
    %max3A_22 = vector.broadcast %max3A : f32 to vector<2000x128xf32>
    %max3A_23 = arith.maximumf %add3A_21, %max3A_22 : vector<2000x128xf32>
    %mul3A_24 = vector.broadcast %get3A_1 : vector<2000x1xf32> to vector<2000x128xf32>
    %mul3A_25 = arith.mulf %max3A_23, %mul3A_24 : vector<2000x128xf32>
    %swap3A = arith.constant 0 : index
    %swap3A_26 = arith.constant 0 : index
    %swap3A_27 = vector.load %arg6[%swap3A, %swap3A_26] : memref<2000x128xf32, #tpu.memory_space<vmem>>, vector<2000x128xf32>
    tpu.vector_store %arg6[%swap3A, %swap3A_26], %mul3A_25 {strides = array<i32>} : memref<2000x128xf32, #tpu.memory_space<vmem>>, vector<2000x128xf32>,
    return
  }
  func.func @transform_0(%arg0: i32) -> (i32, i32) {
    %c0_i32 = arith.constant 0 : i32
    %c0_i32_0 = arith.constant 0 : i32
    return %arg0, %c0_i32 : i32, i32
  }
  func.func @transform_1(%arg0: i32) -> (i32, i32) {
    %c0_i32 = arith.constant 0 : i32
    %c0_i32_0 = arith.constant 0 : i32
    return %arg0, %c0_i32 : i32, i32
  }
  func.func @transform_2(%arg0: i32) -> (i32, i32) {
    %c0_i32 = arith.constant 0 : i32
    %c0_i32_0 = arith.constant 0 : i32
    return %arg0, %c0_i32 : i32, i32
  }
  func.func @transform_3(%arg0: i32) -> (i32, i32) {
    %c0_i32 = arith.constant 0 : i32
    %c0_i32_0 = arith.constant 0 : i32
    %c0_i32_1 = arith.constant 0 : i32
    return %c0_i32, %c0_i32_0 : i32, i32
  }
  func.func @transform_4(%arg0: i32) -> (i32, i32) {
    %c0_i32 = arith.constant 0 : i32
    %c0_i32_0 = arith.constant 0 : i32
    %c0_i32_1 = arith.constant 0 : i32
    return %c0_i32, %c0_i32_0 : i32, i32
  }
  func.func @transform_5(%arg0: i32) -> (i32, i32) {
    %c0_i32 = arith.constant 0 : i32
    %c0_i32_0 = arith.constant 0 : i32
    return %arg0, %c0_i32 : i32, i32
  }
}

module attributes {stable_mosaic.version = 14 : i64} {
  func.func @_layer2_body(%arg0: i32, %arg1: memref<2000x128xf32, #tpu.memory_space<vmem>>, %arg2: memref<2000x128xf32, #tpu.memory_space<vmem>>, %arg3: memref<2000x16xf32, #tpu.memory_space<vmem>>, %arg4: memref<1x256xf32, #tpu.memory_space<vmem>>, %arg5: memref<128x256xf32, #tpu.memory_space<vmem>>, %arg6: memref<2000x256xf32, #tpu.memory_space<vmem>>) attributes {dimension_semantics = [#tpu.dimension_semantics<arbitrary>], iteration_bounds = array<i64: 50>, scalar_prefetch = 0 : i64, scratch_operands = 0 : i64, tpu.core_type = #tpu.core_type<tc>, window_params = [{transform_indices = @transform_0, window_bounds = array<i64: 2000, 128>}, {transform_indices = @transform_1, window_bounds = array<i64: 2000, 128>}, {transform_indices = @transform_2, window_bounds = array<i64: 2000, 16>}, {pipeline_mode = #tpu.pipeline_mode<synchronous>, transform_indices = @transform_3, window_bounds = array<i64: 1, 256>}, {pipeline_mode = #tpu.pipeline_mode<synchronous>, transform_indices = @transform_4, window_bounds = array<i64: 128, 256>}, {transform_indices = @transform_5, window_bounds = array<i64: 2000, 256>}]} {
    %get3A = arith.constant 0 : index
    %get3A_0 = arith.constant 0 : index
    %get3A_1 = vector.load %arg3[%get3A, %get3A_0] : memref<2000x16xf32, #tpu.memory_space<vmem>>, vector<2000x1xf32>
    %get3A_2 = arith.constant 0 : index
    %get3A_3 = arith.constant 0 : index
    %get3A_4 = vector.load %arg1[%get3A_2, %get3A_3] : memref<2000x128xf32, #tpu.memory_space<vmem>>, vector<2000x128xf32>
    %get3A_5 = arith.constant 0 : index
    %get3A_6 = arith.constant 0 : index
    %get3A_7 = vector.load %arg2[%get3A_5, %get3A_6] : memref<2000x128xf32, #tpu.memory_space<vmem>>, vector<2000x128xf32>
    %add3A = arith.addf %get3A_4, %get3A_7 : vector<2000x128xf32>
    %mul3A = vector.broadcast %get3A_1 : vector<2000x1xf32> to vector<2000x128xf32>
    %mul3A_8 = arith.mulf %add3A, %mul3A : vector<2000x128xf32>
    %get3A_9 = arith.constant 0 : index
    %get3A_10 = arith.constant 0 : index
    %get3A_11 = vector.load %arg5[%get3A_9, %get3A_10] : memref<128x256xf32, #tpu.memory_space<vmem>>, vector<128x256xf32>
    %dot_general3A = arith.constant dense<0.000000e+00> : vector<2000x256xf32>
    %dot_general3A_12 = tpu.matmul %mul3A_8, %get3A_11, %dot_general3A {dimension_numbers = #tpu.dot_dimension_numbers<[1], [0], [0], [1], [0, 0, 1, 1], [], []>, transpose_lhs_hint = false} : vector<2000x128xf32>, vector<128x256xf32>, vector<2000x256xf32> -> vector<2000x256xf32>
    %get3A_13 = arith.constant 0 : index
    %get3A_14 = arith.constant 0 : index
    %get3A_15 = vector.load %arg4[%get3A_13, %get3A_14] : memref<1x256xf32, #tpu.memory_space<vmem>>, vector<1x256xf32>
    %add3A_16 = vector.broadcast %get3A_15 : vector<1x256xf32> to vector<2000x256xf32>
    %add3A_17 = arith.addf %dot_general3A_12, %add3A_16 : vector<2000x256xf32>
    %max3A = arith.constant 0.000000e+00 : f32
    %max3A_18 = vector.broadcast %max3A : f32 to vector<2000x256xf32>
    %max3A_19 = arith.maximumf %add3A_17, %max3A_18 : vector<2000x256xf32>
    %mul3A_20 = vector.broadcast %get3A_1 : vector<2000x1xf32> to vector<2000x256xf32>
    %mul3A_21 = arith.mulf %max3A_19, %mul3A_20 : vector<2000x256xf32>
    %swap3A = arith.constant 0 : index
    %swap3A_22 = arith.constant 0 : index
    %swap3A_23 = vector.load %arg6[%swap3A, %swap3A_22] : memref<2000x256xf32, #tpu.memory_space<vmem>>, vector<2000x256xf32>
    tpu.vector_store %arg6[%swap3A, %swap3A_22], %mul3A_21 {strides = array<i32>} : memref<2000x256xf32, #tpu.memory_space<vmem>>, vector<2000x256xf32>,
    return
  }
  func.func @transform_0(%arg0: i32) -> (i32, i32) {
    %c0_i32 = arith.constant 0 : i32
    %c0_i32_0 = arith.constant 0 : i32
    return %arg0, %c0_i32 : i32, i32
  }
  func.func @transform_1(%arg0: i32) -> (i32, i32) {
    %c0_i32 = arith.constant 0 : i32
    %c0_i32_0 = arith.constant 0 : i32
    return %arg0, %c0_i32 : i32, i32
  }
  func.func @transform_2(%arg0: i32) -> (i32, i32) {
    %c0_i32 = arith.constant 0 : i32
    %c0_i32_0 = arith.constant 0 : i32
    return %arg0, %c0_i32 : i32, i32
  }
  func.func @transform_3(%arg0: i32) -> (i32, i32) {
    %c0_i32 = arith.constant 0 : i32
    %c0_i32_0 = arith.constant 0 : i32
    %c0_i32_1 = arith.constant 0 : i32
    return %c0_i32, %c0_i32_0 : i32, i32
  }
  func.func @transform_4(%arg0: i32) -> (i32, i32) {
    %c0_i32 = arith.constant 0 : i32
    %c0_i32_0 = arith.constant 0 : i32
    %c0_i32_1 = arith.constant 0 : i32
    return %c0_i32, %c0_i32_0 : i32, i32
  }
  func.func @transform_5(%arg0: i32) -> (i32, i32) {
    %c0_i32 = arith.constant 0 : i32
    %c0_i32_0 = arith.constant 0 : i32
    return %arg0, %c0_i32 : i32, i32
  }
}

module attributes {stable_mosaic.version = 14 : i64} {
  func.func @_head_body(%arg0: i32, %arg1: memref<2000x256xf32, #tpu.memory_space<vmem>>, %arg2: memref<2000x256xf32, #tpu.memory_space<vmem>>, %arg3: memref<2000x16xf32, #tpu.memory_space<vmem>>, %arg4: memref<1x256xf32, #tpu.memory_space<vmem>>, %arg5: memref<256x256xf32, #tpu.memory_space<vmem>>, %arg6: memref<2000x8xi32, #tpu.memory_space<vmem>>, %arg7: memref<256x64xf32, #tpu.memory_space<vmem>>, %arg8: memref<1x64xf32, #tpu.memory_space<vmem>>, %arg9: memref<256x64xf32, #tpu.memory_space<vmem>>, %arg10: memref<1x64xf32, #tpu.memory_space<vmem>>, %arg11: memref<256x64xf32, #tpu.memory_space<vmem>>, %arg12: memref<256x64xf32, #tpu.memory_space<vmem>>, %arg13: memref<256x256xf32, #tpu.memory_space<vmem>>, %arg14: memref<256x8xf32, #tpu.memory_space<vmem>>) attributes {dimension_semantics = [#tpu.dimension_semantics<arbitrary>], iteration_bounds = array<i64: 50>, scalar_prefetch = 0 : i64, scratch_operands = 2 : i64, tpu.core_type = #tpu.core_type<tc>, window_params = [{transform_indices = @transform_0, window_bounds = array<i64: 2000, 256>}, {transform_indices = @transform_1, window_bounds = array<i64: 2000, 256>}, {transform_indices = @transform_2, window_bounds = array<i64: 2000, 16>}, {pipeline_mode = #tpu.pipeline_mode<synchronous>, transform_indices = @transform_3, window_bounds = array<i64: 1, 256>}, {pipeline_mode = #tpu.pipeline_mode<synchronous>, transform_indices = @transform_4, window_bounds = array<i64: 256, 256>}, {transform_indices = @transform_5, window_bounds = array<i64: 2000, 8>}, {pipeline_mode = #tpu.pipeline_mode<synchronous>, transform_indices = @transform_6, window_bounds = array<i64: 256, 64>}, {pipeline_mode = #tpu.pipeline_mode<synchronous>, transform_indices = @transform_7, window_bounds = array<i64: 1, 64>}, {pipeline_mode = #tpu.pipeline_mode<synchronous>, transform_indices = @transform_8, window_bounds = array<i64: 256, 64>}, {pipeline_mode = #tpu.pipeline_mode<synchronous>, transform_indices = @transform_9, window_bounds = array<i64: 1, 64>}, {pipeline_mode = #tpu.pipeline_mode<synchronous>, transform_indices = @transform_10, window_bounds = array<i64: 256, 64>}, {pipeline_mode = #tpu.pipeline_mode<synchronous>, transform_indices = @transform_11, window_bounds = array<i64: 256, 64>}]} {
    %eq3A = arith.constant 0 : i32
    %eq3A_0 = arith.cmpi eq, %arg0, %eq3A : i32
    %convert_element_type3A = arith.extui %eq3A_0 : i1 to i32
    %cond3A = arith.constant 0 : i32
    %cond3A_1 = arith.cmpi ne, %convert_element_type3A, %cond3A : i32
    scf.if %cond3A_1 {
      %broadcast_in_dim3A_53 = arith.constant 0.000000e+00 : f32
      %broadcast_in_dim3A_54 = vector.broadcast %broadcast_in_dim3A_53 : f32 to vector<256x256xf32>
      %swap3A_55 = arith.constant 0 : index
      %swap3A_56 = arith.constant 0 : index
      %swap3A_57 = vector.load %arg13[%swap3A_55, %swap3A_56] : memref<256x256xf32, #tpu.memory_space<vmem>>, vector<256x256xf32>
      tpu.vector_store %arg13[%swap3A_55, %swap3A_56], %broadcast_in_dim3A_54 {strides = array<i32>} : memref<256x256xf32, #tpu.memory_space<vmem>>, vector<256x256xf32>,
      %broadcast_in_dim3A_58 = arith.constant 0.000000e+00 : f32
      %broadcast_in_dim3A_59 = vector.broadcast %broadcast_in_dim3A_58 : f32 to vector<256x8xf32>
      %swap3A_60 = arith.constant 0 : index
      %swap3A_61 = arith.constant 0 : index
      %swap3A_62 = vector.load %arg14[%swap3A_60, %swap3A_61] : memref<256x8xf32, #tpu.memory_space<vmem>>, vector<256x8xf32>
      tpu.vector_store %arg14[%swap3A_60, %swap3A_61], %broadcast_in_dim3A_59 {strides = array<i32>} : memref<256x8xf32, #tpu.memory_space<vmem>>, vector<256x8xf32>,
    } else {
    }
    %get3A = arith.constant 0 : index
    %get3A_2 = arith.constant 0 : index
    %get3A_3 = vector.load %arg3[%get3A, %get3A_2] : memref<2000x16xf32, #tpu.memory_space<vmem>>, vector<2000x1xf32>
    %get3A_4 = arith.constant 0 : index
    %get3A_5 = arith.constant 0 : index
    %get3A_6 = vector.load %arg1[%get3A_4, %get3A_5] : memref<2000x256xf32, #tpu.memory_space<vmem>>, vector<2000x256xf32>
    %get3A_7 = arith.constant 0 : index
    %get3A_8 = arith.constant 0 : index
    %get3A_9 = vector.load %arg2[%get3A_7, %get3A_8] : memref<2000x256xf32, #tpu.memory_space<vmem>>, vector<2000x256xf32>
    %add3A = arith.addf %get3A_6, %get3A_9 : vector<2000x256xf32>
    %mul3A = vector.broadcast %get3A_3 : vector<2000x1xf32> to vector<2000x256xf32>
    %mul3A_10 = arith.mulf %add3A, %mul3A : vector<2000x256xf32>
    %get3A_11 = arith.constant 0 : index
    %get3A_12 = arith.constant 0 : index
    %get3A_13 = vector.load %arg5[%get3A_11, %get3A_12] : memref<256x256xf32, #tpu.memory_space<vmem>>, vector<256x256xf32>
    %dot_general3A = arith.constant dense<0.000000e+00> : vector<2000x256xf32>
    %dot_general3A_14 = tpu.matmul %mul3A_10, %get3A_13, %dot_general3A {dimension_numbers = #tpu.dot_dimension_numbers<[1], [0], [0], [1], [0, 0, 1, 1], [], []>, transpose_lhs_hint = false} : vector<2000x256xf32>, vector<256x256xf32>, vector<2000x256xf32> -> vector<2000x256xf32>
    %get3A_15 = arith.constant 0 : index
    %get3A_16 = arith.constant 0 : index
    %get3A_17 = vector.load %arg4[%get3A_15, %get3A_16] : memref<1x256xf32, #tpu.memory_space<vmem>>, vector<1x256xf32>
    %add3A_18 = vector.broadcast %get3A_17 : vector<1x256xf32> to vector<2000x256xf32>
    %add3A_19 = arith.addf %dot_general3A_14, %add3A_18 : vector<2000x256xf32>
    %max3A = arith.constant 0.000000e+00 : f32
    %max3A_20 = vector.broadcast %max3A : f32 to vector<2000x256xf32>
    %max3A_21 = arith.maximumf %add3A_19, %max3A_20 : vector<2000x256xf32>
    %get3A_22 = arith.constant 0 : index
    %get3A_23 = arith.constant 0 : index
    %get3A_24 = vector.load %arg6[%get3A_22, %get3A_23] : memref<2000x8xi32, #tpu.memory_space<vmem>>, vector<2000x1xi32>
    %iota3A = tpu.iota {dimensions = array<i32: 1>} : vector<2000x256xi32>
    %eq3A_25 = vector.broadcast %get3A_24 : vector<2000x1xi32> to vector<2000x256xi32>
    %eq3A_26 = arith.cmpi eq, %eq3A_25, %iota3A : vector<2000x256xi32>
    %jit3A = arith.constant 1.000000e+00 : f32
    %jit3A_27 = arith.constant 0.000000e+00 : f32
    %broadcast_in_dim3A = vector.broadcast %jit3A : f32 to vector<2000x256xf32>
    %broadcast_in_dim3A_28 = vector.broadcast %jit3A_27 : f32 to vector<2000x256xf32>
    %select_n3A = arith.select %eq3A_26, %broadcast_in_dim3A, %broadcast_in_dim3A_28 : vector<2000x256xi1>, vector<2000x256xf32>
    %get3A_29 = arith.constant 0 : index
    %get3A_30 = arith.constant 0 : index
    %get3A_31 = vector.load %arg13[%get3A_29, %get3A_30] : memref<256x256xf32, #tpu.memory_space<vmem>>, vector<256x256xf32>
    %dot_general3A_32 = arith.constant dense<0.000000e+00> : vector<256x256xf32>
    %dot_general3A_33 = tpu.matmul %select_n3A, %max3A_21, %dot_general3A_32 {dimension_numbers = #tpu.dot_dimension_numbers<[0], [0], [1], [1], [0, 1, 1, 1], [], []>, transpose_lhs_hint = false} : vector<2000x256xf32>, vector<2000x256xf32>, vector<256x256xf32> -> vector<256x256xf32>
    %add3A_34 = arith.addf %get3A_31, %dot_general3A_33 : vector<256x256xf32>
    %swap3A = arith.constant 0 : index
    %swap3A_35 = arith.constant 0 : index
    %swap3A_36 = vector.load %arg13[%swap3A, %swap3A_35] : memref<256x256xf32, #tpu.memory_space<vmem>>, vector<256x256xf32>
    tpu.vector_store %arg13[%swap3A, %swap3A_35], %add3A_34 {strides = array<i32>} : memref<256x256xf32, #tpu.memory_space<vmem>>, vector<256x256xf32>,
    %get3A_37 = arith.constant 0 : index
    %get3A_38 = arith.constant 0 : index
    %get3A_39 = vector.load %arg14[%get3A_37, %get3A_38] : memref<256x8xf32, #tpu.memory_space<vmem>>, vector<256x8xf32>
    %broadcast_in_dim3A_40 = arith.constant 1.000000e+00 : f32
    %broadcast_in_dim3A_41 = vector.broadcast %broadcast_in_dim3A_40 : f32 to vector<2000x8xf32>
    %dot_general3A_42 = arith.constant dense<0.000000e+00> : vector<256x8xf32>
    %dot_general3A_43 = tpu.matmul %select_n3A, %broadcast_in_dim3A_41, %dot_general3A_42 {dimension_numbers = #tpu.dot_dimension_numbers<[0], [0], [1], [1], [0, 1, 1, 1], [], []>, transpose_lhs_hint = false} : vector<2000x256xf32>, vector<2000x8xf32>, vector<256x8xf32> -> vector<256x8xf32>
    %add3A_44 = arith.addf %get3A_39, %dot_general3A_43 : vector<256x8xf32>
    %swap3A_45 = arith.constant 0 : index
    %swap3A_46 = arith.constant 0 : index
    %swap3A_47 = vector.load %arg14[%swap3A_45, %swap3A_46] : memref<256x8xf32, #tpu.memory_space<vmem>>, vector<256x8xf32>
    tpu.vector_store %arg14[%swap3A_45, %swap3A_46], %add3A_44 {strides = array<i32>} : memref<256x8xf32, #tpu.memory_space<vmem>>, vector<256x8xf32>,
    %eq3A_48 = arith.constant 49 : i32
    %eq3A_49 = arith.cmpi eq, %arg0, %eq3A_48 : i32
    %convert_element_type3A_50 = arith.extui %eq3A_49 : i1 to i32
    %cond3A_51 = arith.constant 0 : i32
    %cond3A_52 = arith.cmpi ne, %convert_element_type3A_50, %cond3A_51 : i32
    scf.if %cond3A_52 {
      %get3A_53 = arith.constant 0 : index
      %get3A_54 = arith.constant 0 : index
      %get3A_55 = vector.load %arg13[%get3A_53, %get3A_54] : memref<256x256xf32, #tpu.memory_space<vmem>>, vector<256x256xf32>
      %get3A_56 = arith.constant 0 : index
      %get3A_57 = arith.constant 0 : index
      %get3A_58 = vector.load %arg14[%get3A_56, %get3A_57] : memref<256x8xf32, #tpu.memory_space<vmem>>, vector<256x1xf32>
      %max3A_59 = arith.constant 1.000000e+00 : f32
      %max3A_60 = vector.broadcast %max3A_59 : f32 to vector<256x1xf32>
      %max3A_61 = arith.maximumf %get3A_58, %max3A_60 : vector<256x1xf32>
      %div3A = vector.broadcast %max3A_61 : vector<256x1xf32> to vector<256x256xf32>
      %div3A_62 = arith.divf %get3A_55, %div3A : vector<256x256xf32>
      %get3A_63 = arith.constant 0 : index
      %get3A_64 = arith.constant 0 : index
      %get3A_65 = vector.load %arg7[%get3A_63, %get3A_64] : memref<256x64xf32, #tpu.memory_space<vmem>>, vector<256x64xf32>
      %dot_general3A_66 = arith.constant dense<0.000000e+00> : vector<256x64xf32>
      %dot_general3A_67 = tpu.matmul %div3A_62, %get3A_65, %dot_general3A_66 {dimension_numbers = #tpu.dot_dimension_numbers<[1], [0], [0], [1], [0, 0, 1, 1], [], []>, transpose_lhs_hint = false} : vector<256x256xf32>, vector<256x64xf32>, vector<256x64xf32> -> vector<256x64xf32>
      %get3A_68 = arith.constant 0 : index
      %get3A_69 = arith.constant 0 : index
      %get3A_70 = vector.load %arg8[%get3A_68, %get3A_69] : memref<1x64xf32, #tpu.memory_space<vmem>>, vector<1x64xf32>
      %add3A_71 = vector.broadcast %get3A_70 : vector<1x64xf32> to vector<256x64xf32>
      %add3A_72 = arith.addf %dot_general3A_67, %add3A_71 : vector<256x64xf32>
      %swap3A_73 = arith.constant 0 : index
      %swap3A_74 = arith.constant 0 : index
      %swap3A_75 = vector.load %arg11[%swap3A_73, %swap3A_74] : memref<256x64xf32, #tpu.memory_space<vmem>>, vector<256x64xf32>
      tpu.vector_store %arg11[%swap3A_73, %swap3A_74], %add3A_72 {strides = array<i32>} : memref<256x64xf32, #tpu.memory_space<vmem>>, vector<256x64xf32>,
      %get3A_76 = arith.constant 0 : index
      %get3A_77 = arith.constant 0 : index
      %get3A_78 = vector.load %arg9[%get3A_76, %get3A_77] : memref<256x64xf32, #tpu.memory_space<vmem>>, vector<256x64xf32>
      %dot_general3A_79 = arith.constant dense<0.000000e+00> : vector<256x64xf32>
      %dot_general3A_80 = tpu.matmul %div3A_62, %get3A_78, %dot_general3A_79 {dimension_numbers = #tpu.dot_dimension_numbers<[1], [0], [0], [1], [0, 0, 1, 1], [], []>, transpose_lhs_hint = false} : vector<256x256xf32>, vector<256x64xf32>, vector<256x64xf32> -> vector<256x64xf32>
      %get3A_81 = arith.constant 0 : index
      %get3A_82 = arith.constant 0 : index
      %get3A_83 = vector.load %arg10[%get3A_81, %get3A_82] : memref<1x64xf32, #tpu.memory_space<vmem>>, vector<1x64xf32>
      %add3A_84 = vector.broadcast %get3A_83 : vector<1x64xf32> to vector<256x64xf32>
      %add3A_85 = arith.addf %dot_general3A_80, %add3A_84 : vector<256x64xf32>
      %swap3A_86 = arith.constant 0 : index
      %swap3A_87 = arith.constant 0 : index
      %swap3A_88 = vector.load %arg12[%swap3A_86, %swap3A_87] : memref<256x64xf32, #tpu.memory_space<vmem>>, vector<256x64xf32>
      tpu.vector_store %arg12[%swap3A_86, %swap3A_87], %add3A_85 {strides = array<i32>} : memref<256x64xf32, #tpu.memory_space<vmem>>, vector<256x64xf32>,
    } else {
    }
    return
  }
  func.func @transform_0(%arg0: i32) -> (i32, i32) {
    %c0_i32 = arith.constant 0 : i32
    %c0_i32_0 = arith.constant 0 : i32
    return %arg0, %c0_i32 : i32, i32
  }
  func.func @transform_1(%arg0: i32) -> (i32, i32) {
    %c0_i32 = arith.constant 0 : i32
    %c0_i32_0 = arith.constant 0 : i32
    return %arg0, %c0_i32 : i32, i32
  }
  func.func @transform_2(%arg0: i32) -> (i32, i32) {
    %c0_i32 = arith.constant 0 : i32
    %c0_i32_0 = arith.constant 0 : i32
    return %arg0, %c0_i32 : i32, i32
  }
  func.func @transform_3(%arg0: i32) -> (i32, i32) {
    %c0_i32 = arith.constant 0 : i32
    %c0_i32_0 = arith.constant 0 : i32
    %c0_i32_1 = arith.constant 0 : i32
    return %c0_i32, %c0_i32_0 : i32, i32
  }
  func.func @transform_4(%arg0: i32) -> (i32, i32) {
    %c0_i32 = arith.constant 0 : i32
    %c0_i32_0 = arith.constant 0 : i32
    %c0_i32_1 = arith.constant 0 : i32
    return %c0_i32, %c0_i32_0 : i32, i32
  }
  func.func @transform_5(%arg0: i32) -> (i32, i32) {
    %c0_i32 = arith.constant 0 : i32
    %c0_i32_0 = arith.constant 0 : i32
    return %arg0, %c0_i32 : i32, i32
  }
  func.func @transform_6(%arg0: i32) -> (i32, i32) {
    %c0_i32 = arith.constant 0 : i32
    %c0_i32_0 = arith.constant 0 : i32
    %c0_i32_1 = arith.constant 0 : i32
    return %c0_i32, %c0_i32_0 : i32, i32
  }
  func.func @transform_7(%arg0: i32) -> (i32, i32) {
    %c0_i32 = arith.constant 0 : i32
    %c0_i32_0 = arith.constant 0 : i32
    %c0_i32_1 = arith.constant 0 : i32
    return %c0_i32, %c0_i32_0 : i32, i32
  }
  func.func @transform_8(%arg0: i32) -> (i32, i32) {
    %c0_i32 = arith.constant 0 : i32
    %c0_i32_0 = arith.constant 0 : i32
    %c0_i32_1 = arith.constant 0 : i32
    return %c0_i32, %c0_i32_0 : i32, i32
  }
  func.func @transform_9(%arg0: i32) -> (i32, i32) {
    %c0_i32 = arith.constant 0 : i32
    %c0_i32_0 = arith.constant 0 : i32
    %c0_i32_1 = arith.constant 0 : i32
    return %c0_i32, %c0_i32_0 : i32, i32
  }
  func.func @transform_10(%arg0: i32) -> (i32, i32) {
    %c0_i32 = arith.constant 0 : i32
    %c0_i32_0 = arith.constant 0 : i32
    %c0_i32_1 = arith.constant 0 : i32
    return %c0_i32, %c0_i32_0 : i32, i32
  }
  func.func @transform_11(%arg0: i32) -> (i32, i32) {
    %c0_i32 = arith.constant 0 : i32
    %c0_i32_0 = arith.constant 0 : i32
    %c0_i32_1 = arith.constant 0 : i32
    return %c0_i32, %c0_i32_0 : i32, i32
  }
}

</mosaic_0001>

<sc_bundles>
// kernel: kernel.10.cloned.1.call-start
scs
__scs_entry_jumppad:
0x0: {  	(pc) =	sbr.rel $0x88, $3  }
0x1: {  	(tag) =	ssettag $0x0;
	lr =	simm.s32 $0x1  }
0x2: {  	[smem:$0x3F94] =	sst lr;
	_ =	strace $0xD0000000  }
0x3: {  	_ = 	snop  }
0x4: {  	_ = 	snop  }
0x5: {  	_ = 	snop  }
0x6: {  	_ = 	snop  }
0x7: {  	_ = 	snop  }
__scs_overlays_trampoline_lowered:
0x8: {  	[smem:$0x3FA3] =	sst s0  }
0x9: {  	[smem:$0x3FA4] =	sst s1  }
0xa: {  	[smem:$0x3FA5] =	sst s2  }
0xb: {  	[smem:$0x3FA6] =	sst s3  }
0xc: {  	[smem:$0x3FA7] =	sst s4  }
0xd: {  	[smem:$0x3FA8] =	sst s5  }
0xe: {  	[smem:$0x3FA9] =	sst s6  }
0xf: {  	[smem:$0x3FAA] =	sst s7  }
0x10: {  	[smem:$0x3FAB] =	sst s8  }
0x11: {  	[smem:$0x3FAC] =	sst s9;
	s0 =	simm.s32 @!p0 $0x0  }
0x12: {  	s1 =	sld [smem:$0x3F92];
	s0 =	simm.s32 @p0 $0x1  }
0x13: {  	[smem:$0x3FAD] =	sst s0;
	s0 =	simm.s32 @!p1 $0x0  }
0x14: {  	s2 =	sld [smem:$0x3F91];
	s0 =	simm.s32 @p1 $0x1  }
0x15: {  	[smem:$0x3FAE] =	sst s0;
	s0 =	simm.s32 @!p2 $0x0  }
0x16: {  	s3 =	sld [smem:$0x3FDB];
	s0 =	simm.s32 @p2 $0x1  }
0x17: {  	s4 =	simm.s32 $0x1BF5;
	[smem:$0x3FB0] =	sst s0  }
0x18: {  	s0 =	sld [smem:$0x3F93];
	_ =	swait.ge [sflag:s4], $0x0  }
0x19: {  	s7 =	sld [smem:$0x3F94]  }
0x1a: {  	s8 =	sadd.s32 $0xFFFFE003, lr  }
0x1b: {  	s9 =	sadd.s32 $0xFFFFFEF7, lr;
	s5 =	simm.s32 $0xFFFFFFFF;
	p2 =	slt.u32 s8, $0xFFFFF086  }
0x1c: {  	p1 =	slt.u32 s9, $0xF7A;
	s5 =	simm.s32 @!p2 $0x0  }
0x1d: {  	s5 =	simm.s32 @p1 $0x1;
	p0 =	seq.s32 s7, s2  }
0x1e: {  	s7 =	smul.u32 @!p0 $0xF7A, s2;
	p2 =	seq.s32 @!p0 s5, $0x0  }
0x1f: {  	s9 =	smul.u32 $0xF7A, s1;
	s8 =	simm.s32 @!p0 $0x1BF5;
	p2 =	por !p2, p0  }
0x20: {  	[sflag:s8] =	ssyncset.s32 @!p0 $0xFFFFF086;
	s6 =	sadd.s32 @!p0 s3, s7;
	s7 =	simm.s32 @!p0 $0x108  }
0x21: {  	s3 =	sadd.s32 s3, s9;
	s6 =	sadd.s32 @!p0 $0x88, s6;
	s7 =	simm.s32 @p2 $0x1082  }
0x22: {  	[simem:s7], [sflag:s8] =	dma.local @!p0 [hbm:s6], $0xF7A  }
0x23: {  	s9 =	sor.u32 $0xD0000000, s2;
	s6 =	simm.s32 $0x108;
	_ =	swait.ge @!p0 [sflag:s8], $0x0  }
0x24: {  	s3 =	sadd.s32 $0x88, s3;
	s6 =	simm.s32 @!p1 $0x1082;
	[sflag:s4] =	ssyncset.s32 $0xFFFFF086  }
0x25: {  	[simem:s6], [sflag:s4] =	dma.local [hbm:s3], $0xF7A  }
0x26: {  	[smem:$0x3F94] =	sst s1;
	(tag) =	ssettag s2;
	_ =	strace s9  }
0x27: {  	s1 =	sld [smem:$0x3FA4]  }
0x28: {  	s2 =	sld [smem:$0x3FA5]  }
0x29: {  	s4 =	sld [smem:$0x3FA7]  }
0x2a: {  	p0 =	seq.s32 s5, $0x0;
	s5 =	sld [smem:$0x3FA8]  }
0x2b: {  	s6 =	sld [smem:$0x3FA9]  }
0x2c: {  	s7 =	sld [smem:$0x3FAA]  }
0x2d: {  	s3 =	simm.s32 $0x108;
	s8 =	sld [smem:$0x3FAB]  }
0x2e: {  	s3 =	simm.s32 @!p0 $0x1082;
	s9 =	sld [smem:$0x3FAC]  }
0x2f: {  	lr =	sadd.s32 s0, s3;
	s0 =	sld [smem:$0x3FA3]  }
0x30: {  	s3 =	sld [smem:$0x3FA6]  }
0x31: {  	[smem:$0x3FAF] =	sst s10  }
0x32: {  	s10 =	sld [smem:$0x3FAD];
	_ =	sdelay $0x3  }
0x33: {  	p0 =	seq.s32 s10, $0x1;
	s10 =	sld [smem:$0x3FAF];
	_ =	sdelay $0x3  }
0x34: {  	[smem:$0x3FAF] =	sst s10  }
0x35: {  	s10 =	sld [smem:$0x3FAE];
	_ =	sdelay $0x3  }
0x36: {  	p1 =	seq.s32 s10, $0x1;
	s10 =	sld [smem:$0x3FAF];
	_ =	sdelay $0x3  }
0x37: {  	[smem:$0x3FAF] =	sst s10  }
0x38: {  	s10 =	sld [smem:$0x3FB0]  }
0x39: {  	_ = 	snop;
	(pc) =	sbr.ind lr, $3  }
0x3a: {  	_ = 	snop  }
0x3b: {  	_ = 	snop  }
0x3c: {  	p2 =	seq.s32 s10, $0x1;
	s10 =	sld [smem:$0x3FAF]  }
0x3d: {  	_ =	shalt  }
0x3e: {  	_ =	shalt  }
0x3f: {  	_ =	shalt  }
0x40: {  	_ =	shalt  }
0x41: {  	_ =	shalt  }
0x42: {  	_ =	shalt  }
0x43: {  	_ =	shalt  }
0x44: {  	_ =	shalt  }
0x45: {  	_ =	shalt  }
0x46: {  	_ =	shalt  }
0x47: {  	_ =	shalt  }
0x48: {  	_ =	shalt  }
0x49: {  	_ =	shalt  }
0x4a: {  	_ =	shalt  }
0x4b: {  	_ =	shalt  }
0x4c: {  	_ =	shalt  }
0x4d: {  	_ =	shalt  }
0x4e: {  	_ =	shalt  }
0x4f: {  	_ =	shalt  }
0x50: {  	_ =	shalt  }
0x51: {  	_ =	shalt  }
0x52: {  	_ =	shalt  }
0x53: {  	_ =	shalt  }
0x54: {  	_ =	shalt  }
0x55: {  	_ =	shalt  }
0x56: {  	_ =	shalt  }
0x57: {  	_ =	shalt  }
0x58: {  	_ =	shalt  }
0x59: {  	_ =	shalt  }
0x5a: {  	_ =	shalt  }
0x5b: {  	_ =	shalt  }
0x5c: {  	_ =	shalt  }
0x5d: {  	_ =	shalt  }
0x5e: {  	_ =	shalt  }
0x5f: {  	_ =	shalt  }
0x60: {  	_ =	shalt  }
0x61: {  	_ =	shalt  }
0x62: {  	_ =	shalt  }
0x63: {  	_ =	shalt  }
0x64: {  	_ =	shalt  }
0x65: {  	_ =	shalt  }
0x66: {  	_ =	shalt  }
0x67: {  	_ =	shalt  }
0x68: {  	_ =	shalt  }
0x69: {  	_ =	shalt  }
0x6a: {  	_ =	shalt  }
0x6b: {  	_ =	shalt  }
0x6c: {  	_ =	shalt  }
0x6d: {  	_ =	shalt  }
0x6e: {  	_ =	shalt  }
0x6f: {  	_ =	shalt  }
0x70: {  	_ =	shalt  }
0x71: {  	_ =	shalt  }
0x72: {  	_ =	shalt  }
0x73: {  	_ =	shalt  }
0x74: {  	_ =	shalt  }
0x75: {  	_ =	shalt  }
0x76: {  	_ =	shalt  }
0x77: {  	_ =	shalt  }
0x78: {  	_ =	shalt  }
0x79: {  	_ =	shalt  }
0x7a: {  	_ =	shalt  }
0x7b: {  	_ =	shalt  }
0x7c: {  	_ =	shalt  }
0x7d: {  	_ =	shalt  }
0x7e: {  	_ =	shalt  }
0x7f: {  	_ =	shalt  }
0x80: {  	_ =	shalt  }
0x81: {  	_ =	shalt  }
0x82: {  	_ =	shalt  }
0x83: {  	_ =	shalt  }
0x84: {  	_ =	shalt  }
0x85: {  	_ =	shalt  }
0x86: {  	_ =	shalt  }
0x87: {  	_ =	shalt  }
.Lfunc_end0:
.L_simem_size_0:
called_computation.1_lowered:
.L_overlay_start_0:
0x88: {  	s2 =	sld [smem:$0x3FD9]  }
0x89: {  	s3 =	sld [smem:$0x3FFE];
	_ =	sdelay $0x1  }
0x8a: {  	s1 =	srdreg.scid  }
0x8b: {  	s0 =	sand.u32 $0x1, s1  }
0x8c: {  	s16 =	sshll.u32 s0, $0xA;
	s2 =	sadd.s32 s3, s2  }
0x8d: {  	s2 =	sadd.s32 s2, s16  }
0x8e: {  	[smem:$0x3FBB] =	sst s2  }
0x8f: {  	_ = 	snop  }
0x90: {  	(tm) =	ssettm $0x1  }
0x91: {  	s17 =	sld [smem:$0x3FFB];
	_ =	sdelay $0x3  }
0x92: {  	_ =	strace s17  }
0x93: {  	s2 =	sld [smem:$0x3FFC];
	_ =	sdelay $0x3  }
0x94: {  	_ =	strace s2  }
0x95: {  	s2 =	sld [smem:$0x3FFD];
	_ =	sdelay $0x3  }
0x96: {  	_ =	strace s2  }
0x97: {  	_ =	strace $0x8FFFFFFF  }
0x98: {  	s18 =	sld [smem:$0x3FDB];
	_ =	sdelay $0x1  }
0x99: {  	s19 =	simm.s32 $_scs_section_size  }
0x9a: {  	s4 =	simm.s32 $_size__tile_overlayer_lowered;
	s5 =	simm.s32 $_tile_overlayer_lowered  }
0x9b: {  	s22 =	simm.s32 $0x1BFF;
	s21 =	sshll.u32 s5, $0x1;
	s2 =	sadd.s32 s19, s18  }
0x9c: {  	s6 =	simm.s32 $0x0;
	s20 =	sshll.u32 s4, $0x1;
	s4 =	sadd.s32 s21, s2  }
0x9d: {  	[timem:s6], [sflag:s22] =	dma.local [hbm:s4], s20  }
0x9e: {  	_ =	swait.ge [sflag:s22], s20  }
0x9f: {  	s3 =	ssub.s32 $0x0, s20;
	[sflag:s22] =	ssyncset.done $0x0  }
0xa0: {  	[sflag:s22] =	ssyncadd.s32 s3;
	_ =	sdelay $0x1  }
0xa1: {  	s23 =	simm.s32 $0x1B8B  }
0xa2: {  	_ =	swait.ge [sflag:s23], $0x1  }
0xa3: {  	[sflag:s23] =	ssyncset.done $0x0  }
0xa4: {  	s25 =	simm.s32 $0x1B8E;
	s24 =	sld [smem:$0x3FFE];
	[sflag:s23] =	ssyncadd.s32 $0xFFFFFFFF  }
0xa5: {  	s26 =	simm.s32 $execute0_lowered;
	[smem:$0x3FD2] =	sst s25  }
0xa6: {  	s4 =	sshll.u32 s26, $0x1;
	_ =	strace $0x80000046;
	[dreg:$0x1] =	wrdreg $0xFFFFFFFF  }
0xa7: {  	s28 =	simm.s32 $_size_execute0_lowered;
	s2 =	sadd.s32 s2, s4;
	[dreg:$0x0] =	wrdreg $0x0  }
0xa8: {  	s4 =	sshll.u32 s28, $0x1;
	[dreg:$0x2] =	wrdreg s2  }
0xa9: {  	[dreg:$0x3] =	wrdreg s4  }
0xaa: {  	[dreg:$0x4] =	wrdreg $0xC0  }
0xab: {  	_ =	task [dreg:s6], $0x5FFFF  }
0xac: {  	[dreg:$0x1] =	wrdreg $0xFFFFFFFF  }
0xad: {  	[dreg:$0x0] =	wrdreg $0x60  }
0xae: {  	[dreg:$0x2] =	wrdreg s24  }
0xaf: {  	[dreg:$0x3] =	wrdreg $0x59680  }
0xb0: {  	[dreg:$0x4] =	wrdreg $0x9  }
0xb1: {  	_ =	task.clear_ibuf [dreg:s6], $0x5FFFF;
	_ =	strace $0x90000046  }
0xb2: {  	s29 =	simm.s32 $0x9;
	_ =	strace $0x80000048  }
0xb3: {  	_ =	swait.ge [sflag:s29], $0x1  }
0xb4: {  	[sflag:s29] =	ssyncadd.s32 $0xFFFFFFFF  }
0xb5: {  	_ =	strace $0x90000048  }
0xb6: {  	_ =	sfence  }
0xb7: {  	s30 =	sld [smem:$0x0];
	_ =	sdelay $0x2  }
0xb8: {  	s31 =	sshll.u32 s1, $0xD;
	s1 =	sshrl.u32 s1, $0x2  }
0xb9: {  	s3 =	sand.u32 $0x4000, s31;
	s1 =	sadd.s32 s1, s30  }
0xba: {  	s0 =	sor.u32 s3, s0;
	s1 =	sshll.u32 s1, $0x11  }
0xbb: {  	s0 =	sor.u32 s1, s0  }
0xbc: {  	s0 =	sadd.s32 $0x8F2B, s0  }
0xbd: {  	[sflag:s0] =	ssyncadd.remote.s32 $0x1  }
0xbe: {  	_ =	sfence.sel $0xFFFF  }
0xbf: {  	[dreg:$0x0] =	wrdreg $0xFFFFFFFF;
	(pc) =	sbr.abs _section_cstart, $3  }
0xc0: {  	[dreg:$0x1] =	wrdreg $0xFFFFFFFF  }
0xc1: {  	_ =	task.clear_ibuf [dreg:s6], $0x2FFFF;
	_ =	strace $0x9FFFFFFF  }
0xc2: {  	(tm) =	ssettm $0x7FFFFFFF  }
0xc3: {  	_ =	shalt  }
tec
execute0_lowered:
.L_overlay_start_1:
0x0: {  	(tag) =	ssettag $0x1  }
0x1: {  	s0 =	srdreg.scid  }
0x2: {  	s5 =	rddreg [dreg:$0x0];
	s4 =	sand.u32 $0x1, s0  }
0x3: {  	s0 =	stileid.u32;
	s6 =	smul.u32 $0xC3500, s4  }
0x4: {  	s2 =	rddreg [dreg:$0x1];
	s3 =	simm.s32 $0x0;
	s7 =	smul.u32 $0xC350, s0  }
0x5: {  	s24 =	simm.s32 $0x4268;
	s25 =	simm.s32 $0x1;
	s8 =	smul.u32 $0x187000, s4  }
0x6: {  	s28 =	simm.s32 $0x0;
	[smem:$0x7FF] =	sst s3;
	s26 =	smul.u32 $0x18700, s0  }
0x7: {  	s9 =	smul.u32 $0x61C00, s0;
	_ =	strace $0x80000047;
	s4 =	ssub.s32 $0x2, s4  }
0x8: {  	s30 =	sshrl.u32 s4, $0x1;
	s6 =	sadd.s32 s7, s6;
	s29 =	sadd.s32 s26, s8  }
0x9: {  	s31 =	sshrl.u32 s9, $0x2;
	s7 =	ssub.s32 s4, s30;
	s6 =	sshrl.u32 s6, $0x3  }
0xa: {  	s26 =	simm.s32 $0x3E8;
	s4 =	sadd.s32 s31, s2;
	s22 =	sadd.s32 s6, s5  }
0xb: {  	s6 =	sshrl.u32 s29, $0x3;
	s8 =	sadd.s32 $0x4500, s4;
	s9 =	sadd.s32 $0x5C00, s4  }
0xc: {  	s10 =	sadd.s32 $0x7300, s4;
	s11 =	sadd.s32 $0x8A00, s4;
	s12 =	sadd.s32 $0xA100, s4  }
0xd: {  	s13 =	sadd.s32 $0xB800, s4;
	s14 =	sadd.s32 $0xCF00, s4;
	s15 =	sadd.s32 $0xE600, s4  }
0xe: {  	s16 =	sadd.s32 $0xFD00, s4;
	s17 =	sadd.s32 $0x11400, s4;
	s18 =	sadd.s32 $0x12B00, s4  }
0xf: {  	s19 =	sadd.s32 $0x14200, s4;
	s20 =	sadd.s32 $0x15900, s4;
	s21 =	sadd.s32 $0x17000, s4  }
0x10: {  	s23 =	sadd.s32 s6, s5;
	s5 =	smax.u32 s7, $0x1;
	s6 =	sadd.s32 $0x1700, s4  }
0x11: {  	v0 =	vimm.f32 $1.000000000e+00;
	v1 =	vimm.f32 $0.0e+00;
	s7 =	sadd.s32 $0x2E00, s4;
	s22 =	sadd.s32 $0x4400, s22;
	s23 =	sadd.s32 $0x66000, s23  }
.LBB2_1:
0x12: {  	s29 =	simm.s32 $0x0  }
.LBB2_2:
0x13: {  	p0 =	sne.s32 s29, $0xF9C0  }
.Ltmp0:
0x14: {  	_ = 	snop;
	(pc) =	sbr.rel @p0 .LBB2_2-.Ltmp0, $3  }
0x15: {  	_ =	sdelay $0x1  }
0x16: {  	s30 =	sshra.s32 s29, $0x2  }
0x17: {  	s29 =	sadd.s32 $0x40, s29;
	[tilespmem:s30+$0x3E8] =	vst v0  }
0x18: {  	s29 =	simm.s32 $0x40;
	s30 =	simm.s32 $0x0  }
.LBB2_4:
0x19: {  	p0 =	sne.s32 s29, $0x5BC0;
	[tilespmem:s30+$0x4268] =	vst v1;
	s30 =	smov.u32 s29;
	s29 =	sadd.s32 $0x40, s29  }
.Ltmp1:
0x1a: {  	(pc) =	sbr.rel @p0 .LBB2_4-.Ltmp1, $2  }
0x1b: {  	_ =	sdelay $0x2  }
0x1c: {  	s30 =	sshra.s32 s30, $0x2  }
0x1d: {  	[tilespmem:s30+$0x4268] =	vst v1  }
0x1e: {  	[spmem:s4] =	stream.linear.scatter [tilespmem:s24], [sflag:$0x1], $0x1700, $0x38;
	[tilespmem:$0x1E068] =	vst v63  }
0x1f: {  	_ =	swait.ge [sflag:s25], $0x1700  }
0x20: {  	[sflag:s25] =	ssyncset.done $0x0  }
0x21: {  	[sflag:s25] =	ssyncadd.s32 $0xFFFFE900  }
0x22: {  	[spmem:s6] =	stream.linear.scatter [tilespmem:s24], [sflag:$0x1], $0x1700, $0x38;
	[tilespmem:$0x1E068] =	vst v63  }
0x23: {  	_ =	swait.ge [sflag:s25], $0x1700  }
0x24: {  	[sflag:s25] =	ssyncset.done $0x0  }
0x25: {  	[sflag:s25] =	ssyncadd.s32 $0xFFFFE900  }
0x26: {  	[spmem:s7] =	stream.linear.scatter [tilespmem:s24], [sflag:$0x1], $0x1700, $0x38;
	[tilespmem:$0x1E068] =	vst v63  }
0x27: {  	_ =	swait.ge [sflag:s25], $0x1700  }
0x28: {  	[sflag:s25] =	ssyncset.done $0x0  }
0x29: {  	[sflag:s25] =	ssyncadd.s32 $0xFFFFE900  }
0x2a: {  	[spmem:s8] =	stream.linear.scatter [tilespmem:s24], [sflag:$0x1], $0x1700, $0x38;
	[tilespmem:$0x1E068] =	vst v63  }
0x2b: {  	_ =	swait.ge [sflag:s25], $0x1700  }
0x2c: {  	[sflag:s25] =	ssyncset.done $0x0  }
0x2d: {  	[sflag:s25] =	ssyncadd.s32 $0xFFFFE900  }
0x2e: {  	[spmem:s9] =	stream.linear.scatter [tilespmem:s24], [sflag:$0x1], $0x1700, $0x38;
	[tilespmem:$0x1E068] =	vst v63  }
0x2f: {  	_ =	swait.ge [sflag:s25], $0x1700  }
0x30: {  	[sflag:s25] =	ssyncset.done $0x0  }
0x31: {  	[sflag:s25] =	ssyncadd.s32 $0xFFFFE900  }
0x32: {  	[spmem:s10] =	stream.linear.scatter [tilespmem:s24], [sflag:$0x1], $0x1700, $0x38;
	[tilespmem:$0x1E068] =	vst v63  }
0x33: {  	_ =	swait.ge [sflag:s25], $0x1700  }
0x34: {  	[sflag:s25] =	ssyncset.done $0x0  }
0x35: {  	[sflag:s25] =	ssyncadd.s32 $0xFFFFE900  }
0x36: {  	[spmem:s11] =	stream.linear.scatter [tilespmem:s24], [sflag:$0x1], $0x1700, $0x38;
	[tilespmem:$0x1E068] =	vst v63  }
0x37: {  	_ =	swait.ge [sflag:s25], $0x1700  }
0x38: {  	[sflag:s25] =	ssyncset.done $0x0  }
0x39: {  	[sflag:s25] =	ssyncadd.s32 $0xFFFFE900  }
0x3a: {  	[spmem:s12] =	stream.linear.scatter [tilespmem:s24], [sflag:$0x1], $0x1700, $0x38;
	[tilespmem:$0x1E068] =	vst v63  }
0x3b: {  	_ =	swait.ge [sflag:s25], $0x1700  }
0x3c: {  	[sflag:s25] =	ssyncset.done $0x0  }
0x3d: {  	[sflag:s25] =	ssyncadd.s32 $0xFFFFE900  }
0x3e: {  	[spmem:s13] =	stream.linear.scatter [tilespmem:s24], [sflag:$0x1], $0x1700, $0x38;
	[tilespmem:$0x1E068] =	vst v63  }
0x3f: {  	_ =	swait.ge [sflag:s25], $0x1700  }
0x40: {  	[sflag:s25] =	ssyncset.done $0x0  }
0x41: {  	[sflag:s25] =	ssyncadd.s32 $0xFFFFE900  }
0x42: {  	[spmem:s14] =	stream.linear.scatter [tilespmem:s24], [sflag:$0x1], $0x1700, $0x38;
	[tilespmem:$0x1E068] =	vst v63  }
0x43: {  	_ =	swait.ge [sflag:s25], $0x1700  }
0x44: {  	[sflag:s25] =	ssyncset.done $0x0  }
0x45: {  	[sflag:s25] =	ssyncadd.s32 $0xFFFFE900  }
0x46: {  	[spmem:s15] =	stream.linear.scatter [tilespmem:s24], [sflag:$0x1], $0x1700, $0x38;
	[tilespmem:$0x1E068] =	vst v63  }
0x47: {  	_ =	swait.ge [sflag:s25], $0x1700  }
0x48: {  	[sflag:s25] =	ssyncset.done $0x0  }
0x49: {  	[sflag:s25] =	ssyncadd.s32 $0xFFFFE900  }
0x4a: {  	[spmem:s16] =	stream.linear.scatter [tilespmem:s24], [sflag:$0x1], $0x1700, $0x38;
	[tilespmem:$0x1E068] =	vst v63  }
0x4b: {  	_ =	swait.ge [sflag:s25], $0x1700  }
0x4c: {  	[sflag:s25] =	ssyncset.done $0x0  }
0x4d: {  	[sflag:s25] =	ssyncadd.s32 $0xFFFFE900  }
0x4e: {  	[spmem:s17] =	stream.linear.scatter [tilespmem:s24], [sflag:$0x1], $0x1700, $0x38;
	[tilespmem:$0x1E068] =	vst v63  }
0x4f: {  	_ =	swait.ge [sflag:s25], $0x1700  }
0x50: {  	[sflag:s25] =	ssyncset.done $0x0  }
0x51: {  	[sflag:s25] =	ssyncadd.s32 $0xFFFFE900  }
0x52: {  	[spmem:s18] =	stream.linear.scatter [tilespmem:s24], [sflag:$0x1], $0x1700, $0x38;
	[tilespmem:$0x1E068] =	vst v63  }
0x53: {  	_ =	swait.ge [sflag:s25], $0x1700  }
0x54: {  	[sflag:s25] =	ssyncset.done $0x0  }
0x55: {  	[sflag:s25] =	ssyncadd.s32 $0xFFFFE900  }
0x56: {  	[spmem:s19] =	stream.linear.scatter [tilespmem:s24], [sflag:$0x1], $0x1700, $0x38;
	[tilespmem:$0x1E068] =	vst v63  }
0x57: {  	_ =	swait.ge [sflag:s25], $0x1700  }
0x58: {  	[sflag:s25] =	ssyncset.done $0x0  }
0x59: {  	[sflag:s25] =	ssyncadd.s32 $0xFFFFE900  }
0x5a: {  	[spmem:s20] =	stream.linear.scatter [tilespmem:s24], [sflag:$0x1], $0x1700, $0x38;
	[tilespmem:$0x1E068] =	vst v63  }
0x5b: {  	_ =	swait.ge [sflag:s25], $0x1700  }
0x5c: {  	[sflag:s25] =	ssyncset.done $0x0  }
0x5d: {  	[sflag:s25] =	ssyncadd.s32 $0xFFFFE900  }
0x5e: {  	[spmem:s21] =	stream.linear.scatter [tilespmem:s24], [sflag:$0x1], $0x1700, $0x38;
	[tilespmem:$0x1E068] =	vst v63  }
0x5f: {  	_ =	swait.ge [sflag:s25], $0x1700  }
0x60: {  	[sflag:s25] =	ssyncset.done $0x0  }
0x61: {  	[sflag:s25] =	ssyncadd.s32 $0xFFFFE900  }
0x62: {  	s29 =	sadd.s32 $0x0, s22;
	[bflag:$0x0] =	sbarrier.arrive $0xFFFF  }
0x63: {  	[tilespmem:s3], [sflag:$0x1] =	stream.linear.gather [hbm4b:s29+s3], $0x3E8, $0x38;
	[tilespmem:$0x1E068] =	vst v63  }
0x64: {  	_ =	swait.ge [sflag:s25], $0x3E8  }
0x65: {  	[sflag:s25] =	ssyncset.done $0x0  }
0x66: {  	[sflag:s25] =	ssyncadd.s32 $0xFFFFFC18  }
0x67: {  	[spmem:s2] =	stream.indirect.scatter.add.f32 [tilespmem:s26], [sflag:$0x1], $0x10, s3, s26, $0xb8;
	[tilespmem:$0x1E068] =	vst v63  }
0x68: {  	_ =	swait.ge [sflag:s25], $0x3E80  }
0x69: {  	s30 =	simm.s32 $0xFA;
	s29 =	simm.s32 $0x7D;
	[sflag:s25] =	ssyncset.done $0x0  }
.LBB2_6:
0x6a: {  	s31 =	sadd.s32 s29, s22  }
0x6b: {  	[sflag:s25] =	ssyncadd.s32 $0xFFFFC180;
	s29 =	smov.u32 s30;
	s1 =	sadd.s32 $0x7D, s30  }
0x6c: {  	[tilespmem:s3], [sflag:$0x1] =	stream.linear.gather [hbm4b:s31+s3], $0x3E8, $0x38;
	[tilespmem:$0x1E068] =	vst v63  }
0x6d: {  	p0 =	sne.s32 s30, $0x17ED;
	_ =	swait.ge [sflag:s25], $0x3E8  }
.Ltmp2:
0x6e: {  	[sflag:s25] =	ssyncset.done $0x0;
	(pc) =	sbr.rel @p0 .LBB2_6-.Ltmp2, $4  }
0x6f: {  	[sflag:s25] =	ssyncadd.s32 $0xFFFFFC18  }
0x70: {  	[spmem:s2] =	stream.indirect.scatter.add.f32 [tilespmem:s26], [sflag:$0x1], $0x10, s3, s26, $0xb8;
	[tilespmem:$0x1E068] =	vst v63  }
0x71: {  	_ =	swait.ge [sflag:s25], $0x3E80  }
0x72: {  	s30 =	smov.u32 s1;
	[sflag:s25] =	ssyncset.done $0x0  }
0x73: {  	s1 =	sadd.s32 s29, s22;
	[sflag:s25] =	ssyncadd.s32 $0xFFFFC180  }
0x74: {  	[tilespmem:s3], [sflag:$0x1] =	stream.linear.gather [hbm4b:s1+s3], $0x3E8, $0x38;
	[tilespmem:$0x1E068] =	vst v63  }
0x75: {  	_ =	swait.ge [sflag:s25], $0x3E8  }
0x76: {  	[sflag:s25] =	ssyncset.done $0x0  }
0x77: {  	[sflag:s25] =	ssyncadd.s32 $0xFFFFFC18  }
0x78: {  	[spmem:s2] =	stream.indirect.scatter.add.f32 [tilespmem:s26], [sflag:$0x1], $0x10, s3, s26, $0xb8;
	[tilespmem:$0x1E068] =	vst v63  }
0x79: {  	_ =	swait.ge [sflag:s25], $0x3E80  }
0x7a: {  	[sflag:s25] =	ssyncset.done $0x0  }
0x7b: {  	[sflag:s25] =	ssyncadd.s32 $0xFFFFC180  }
0x7c: {  	[bflag:$0x0] =	sbarrier.arrive $0xFFFF  }
0x7d: {  	[tilespmem:s24], [sflag:$0x1] =	stream.linear.gather [spmem:s4], $0x1700, $0x38;
	[tilespmem:$0x1E068] =	vst v63  }
0x7e: {  	_ =	swait.ge [sflag:s25], $0x1700  }
0x7f: {  	[sflag:s25] =	ssyncset.done $0x0  }
0x80: {  	s31 =	sadd.s32 $0x0, s23;
	[sflag:s25] =	ssyncadd.s32 $0xFFFFE900  }
0x81: {  	[hbm4b:s31+s3] =	stream.linear.scatter [tilespmem:s24], [sflag:$0x1], $0x1700, $0x38;
	[tilespmem:$0x1E068] =	vst v63  }
0x82: {  	_ =	swait.ge [sflag:s25], $0x1700  }
0x83: {  	s29 =	simm.s32 $0x2E0;
	s30 =	smov.u32 s4;
	[sflag:s25] =	ssyncset.done $0x0  }
.LBB2_8:
0x84: {  	p0 =	sne.s32 s29, $0x2E00;
	[sflag:s25] =	ssyncadd.s32 $0xFFFFE900;
	s30 =	sadd.s32 $0x1700, s30  }
0x85: {  	[tilespmem:s24], [sflag:$0x1] =	stream.linear.gather [spmem:s30], $0x1700, $0x38;
	[tilespmem:$0x1E068] =	vst v63  }
0x86: {  	s1 =	smov.u32 s29;
	s29 =	sadd.s32 $0x2E0, s29;
	_ =	swait.ge [sflag:s25], $0x1700  }
.Ltmp3:
0x87: {  	[sflag:s25] =	ssyncset.done $0x0;
	(pc) =	sbr.rel @p0 .LBB2_8-.Ltmp3, $4  }
0x88: {  	s1 =	sadd.s32 s1, s23;
	[sflag:s25] =	ssyncadd.s32 $0xFFFFE900  }
0x89: {  	[hbm4b:s1+s3] =	stream.linear.scatter [tilespmem:s24], [sflag:$0x1], $0x1700, $0x38;
	[tilespmem:$0x1E068] =	vst v63  }
0x8a: {  	_ =	swait.ge [sflag:s25], $0x1700  }
0x8b: {  	[sflag:s25] =	ssyncset.done $0x0  }
0x8c: {  	s28 =	sadd.s32 $0x1, s28  }
0x8d: {  	p0 =	sne.s32 s28, s5  }
.Ltmp4:
0x8e: {  	_ = 	snop;
	(pc) =	sbr.rel @p0 .LBB2_1-.Ltmp4, $2  }
0x8f: {  	_ =	sdelay $0x2  }
0x90: {  	[sflag:s25] =	ssyncadd.s32 $0xFFFFE900  }
0x91: {  	_ =	sfence.sel $0x180000  }
0x92: {  	[bflag:$0x0] =	sbarrier.arrive $0xFFFF  }
0x93: {  	_ =	strace $0x90000047  }
0x94: {  	[bflag:$0x2] =	sbarrier.arrive $0xFFFF  }
0x95: {  	p0 =	sne.s32 s0, $0x0;
	s0 =	rddreg [dreg:$0x2]  }
0x96: {  	s0 =	sadd.s32 @!p0 $0x100000, s0  }
0x97: {  	[sflag:s0] =	ssyncadd.tile.s32 @!p0 $0x1;
	_ =	shalt  }
.Lfunc_end2:
_tile_overlayer_lowered:
.L_overlay_start_2:
0x98: {  	(tag) =	ssettag $0x2  }
0x99: {  	s0 =	rddreg [dreg:$0x0];
	s2 =	stileid.u32  }
0x9a: {  	s1 =	rddreg [dreg:$0x1];
	p0 =	sne.s32 s2, $0x0  }
0x9b: {  	s3 =	rddreg [dreg:$0x2];
	[bflag:$0x3] =	sbarrier.arrive $0xFFFF;
	s2 =	simm.s32 @!p0 $0x1C01  }
0x9c: {  	[timem:s3], [sflag:s2] =	dma.local @!p0 [hbm:s0], s1  }
0x9d: {  	s0 =	simm.s32 @!p0 $0x1  }
0x9e: {  	_ =	swait.ge @!p0 [sflag:s0], s1  }
0x9f: {  	s1 =	ssub.s32 @!p0 $0x0, s1;
	[sflag:s0] =	ssyncset.done @!p0 $0x0  }
0xa0: {  	[sflag:s0] =	ssyncadd.s32 @!p0 s1  }
0xa1: {  	[bflag:$0x3] =	sbarrier.arrive $0xFFFF  }
0xa2: {  	_ =	shalt  }

// kernel: kernel.13.cloned.1.call-start
scs
__scs_entry_jumppad:
0x0: {  	(pc) =	sbr.rel $0x88, $3  }
0x1: {  	(tag) =	ssettag $0x0;
	lr =	simm.s32 $0x1  }
0x2: {  	[smem:$0x3F94] =	sst lr;
	_ =	strace $0xD0000000  }
0x3: {  	_ = 	snop  }
0x4: {  	_ = 	snop  }
0x5: {  	_ = 	snop  }
0x6: {  	_ = 	snop  }
0x7: {  	_ = 	snop  }
__scs_overlays_trampoline_lowered:
0x8: {  	[smem:$0x3FA3] =	sst s0  }
0x9: {  	[smem:$0x3FA4] =	sst s1  }
0xa: {  	[smem:$0x3FA5] =	sst s2  }
0xb: {  	[smem:$0x3FA6] =	sst s3  }
0xc: {  	[smem:$0x3FA7] =	sst s4  }
0xd: {  	[smem:$0x3FA8] =	sst s5  }
0xe: {  	[smem:$0x3FA9] =	sst s6  }
0xf: {  	[smem:$0x3FAA] =	sst s7  }
0x10: {  	[smem:$0x3FAB] =	sst s8  }
0x11: {  	[smem:$0x3FAC] =	sst s9;
	s0 =	simm.s32 @!p0 $0x0  }
0x12: {  	s1 =	sld [smem:$0x3F92];
	s0 =	simm.s32 @p0 $0x1  }
0x13: {  	[smem:$0x3FAD] =	sst s0;
	s0 =	simm.s32 @!p1 $0x0  }
0x14: {  	s2 =	sld [smem:$0x3F91];
	s0 =	simm.s32 @p1 $0x1  }
0x15: {  	[smem:$0x3FAE] =	sst s0;
	s0 =	simm.s32 @!p2 $0x0  }
0x16: {  	s3 =	sld [smem:$0x3FDB];
	s0 =	simm.s32 @p2 $0x1  }
0x17: {  	s4 =	simm.s32 $0x1BF5;
	[smem:$0x3FB0] =	sst s0  }
0x18: {  	s0 =	sld [smem:$0x3F93];
	_ =	swait.ge [sflag:s4], $0x0  }
0x19: {  	s7 =	sld [smem:$0x3F94]  }
0x1a: {  	s8 =	sadd.s32 $0xFFFFE003, lr  }
0x1b: {  	s9 =	sadd.s32 $0xFFFFFEF7, lr;
	s5 =	simm.s32 $0xFFFFFFFF;
	p2 =	slt.u32 s8, $0xFFFFF086  }
0x1c: {  	p1 =	slt.u32 s9, $0xF7A;
	s5 =	simm.s32 @!p2 $0x0  }
0x1d: {  	s5 =	simm.s32 @p1 $0x1;
	p0 =	seq.s32 s7, s2  }
0x1e: {  	s7 =	smul.u32 @!p0 $0xF7A, s2;
	p2 =	seq.s32 @!p0 s5, $0x0  }
0x1f: {  	s9 =	smul.u32 $0xF7A, s1;
	s8 =	simm.s32 @!p0 $0x1BF5;
	p2 =	por !p2, p0  }
0x20: {  	[sflag:s8] =	ssyncset.s32 @!p0 $0xFFFFF086;
	s6 =	sadd.s32 @!p0 s3, s7;
	s7 =	simm.s32 @!p0 $0x108  }
0x21: {  	s3 =	sadd.s32 s3, s9;
	s6 =	sadd.s32 @!p0 $0x88, s6;
	s7 =	simm.s32 @p2 $0x1082  }
0x22: {  	[simem:s7], [sflag:s8] =	dma.local @!p0 [hbm:s6], $0xF7A  }
0x23: {  	s9 =	sor.u32 $0xD0000000, s2;
	s6 =	simm.s32 $0x108;
	_ =	swait.ge @!p0 [sflag:s8], $0x0  }
0x24: {  	s3 =	sadd.s32 $0x88, s3;
	s6 =	simm.s32 @!p1 $0x1082;
	[sflag:s4] =	ssyncset.s32 $0xFFFFF086  }
0x25: {  	[simem:s6], [sflag:s4] =	dma.local [hbm:s3], $0xF7A  }
0x26: {  	[smem:$0x3F94] =	sst s1;
	(tag) =	ssettag s2;
	_ =	strace s9  }
0x27: {  	s1 =	sld [smem:$0x3FA4]  }
0x28: {  	s2 =	sld [smem:$0x3FA5]  }
0x29: {  	s4 =	sld [smem:$0x3FA7]  }
0x2a: {  	p0 =	seq.s32 s5, $0x0;
	s5 =	sld [smem:$0x3FA8]  }
0x2b: {  	s6 =	sld [smem:$0x3FA9]  }
0x2c: {  	s7 =	sld [smem:$0x3FAA]  }
0x2d: {  	s3 =	simm.s32 $0x108;
	s8 =	sld [smem:$0x3FAB]  }
0x2e: {  	s3 =	simm.s32 @!p0 $0x1082;
	s9 =	sld [smem:$0x3FAC]  }
0x2f: {  	lr =	sadd.s32 s0, s3;
	s0 =	sld [smem:$0x3FA3]  }
0x30: {  	s3 =	sld [smem:$0x3FA6]  }
0x31: {  	[smem:$0x3FAF] =	sst s10  }
0x32: {  	s10 =	sld [smem:$0x3FAD];
	_ =	sdelay $0x3  }
0x33: {  	p0 =	seq.s32 s10, $0x1;
	s10 =	sld [smem:$0x3FAF];
	_ =	sdelay $0x3  }
0x34: {  	[smem:$0x3FAF] =	sst s10  }
0x35: {  	s10 =	sld [smem:$0x3FAE];
	_ =	sdelay $0x3  }
0x36: {  	p1 =	seq.s32 s10, $0x1;
	s10 =	sld [smem:$0x3FAF];
	_ =	sdelay $0x3  }
0x37: {  	[smem:$0x3FAF] =	sst s10  }
0x38: {  	s10 =	sld [smem:$0x3FB0]  }
0x39: {  	_ = 	snop;
	(pc) =	sbr.ind lr, $3  }
0x3a: {  	_ = 	snop  }
0x3b: {  	_ = 	snop  }
0x3c: {  	p2 =	seq.s32 s10, $0x1;
	s10 =	sld [smem:$0x3FAF]  }
0x3d: {  	_ =	shalt  }
0x3e: {  	_ =	shalt  }
0x3f: {  	_ =	shalt  }
0x40: {  	_ =	shalt  }
0x41: {  	_ =	shalt  }
0x42: {  	_ =	shalt  }
0x43: {  	_ =	shalt  }
0x44: {  	_ =	shalt  }
0x45: {  	_ =	shalt  }
0x46: {  	_ =	shalt  }
0x47: {  	_ =	shalt  }
0x48: {  	_ =	shalt  }
0x49: {  	_ =	shalt  }
0x4a: {  	_ =	shalt  }
0x4b: {  	_ =	shalt  }
0x4c: {  	_ =	shalt  }
0x4d: {  	_ =	shalt  }
0x4e: {  	_ =	shalt  }
0x4f: {  	_ =	shalt  }
0x50: {  	_ =	shalt  }
0x51: {  	_ =	shalt  }
0x52: {  	_ =	shalt  }
0x53: {  	_ =	shalt  }
0x54: {  	_ =	shalt  }
0x55: {  	_ =	shalt  }
0x56: {  	_ =	shalt  }
0x57: {  	_ =	shalt  }
0x58: {  	_ =	shalt  }
0x59: {  	_ =	shalt  }
0x5a: {  	_ =	shalt  }
0x5b: {  	_ =	shalt  }
0x5c: {  	_ =	shalt  }
0x5d: {  	_ =	shalt  }
0x5e: {  	_ =	shalt  }
0x5f: {  	_ =	shalt  }
0x60: {  	_ =	shalt  }
0x61: {  	_ =	shalt  }
0x62: {  	_ =	shalt  }
0x63: {  	_ =	shalt  }
0x64: {  	_ =	shalt  }
0x65: {  	_ =	shalt  }
0x66: {  	_ =	shalt  }
0x67: {  	_ =	shalt  }
0x68: {  	_ =	shalt  }
0x69: {  	_ =	shalt  }
0x6a: {  	_ =	shalt  }
0x6b: {  	_ =	shalt  }
0x6c: {  	_ =	shalt  }
0x6d: {  	_ =	shalt  }
0x6e: {  	_ =	shalt  }
0x6f: {  	_ =	shalt  }
0x70: {  	_ =	shalt  }
0x71: {  	_ =	shalt  }
0x72: {  	_ =	shalt  }
0x73: {  	_ =	shalt  }
0x74: {  	_ =	shalt  }
0x75: {  	_ =	shalt  }
0x76: {  	_ =	shalt  }
0x77: {  	_ =	shalt  }
0x78: {  	_ =	shalt  }
0x79: {  	_ =	shalt  }
0x7a: {  	_ =	shalt  }
0x7b: {  	_ =	shalt  }
0x7c: {  	_ =	shalt  }
0x7d: {  	_ =	shalt  }
0x7e: {  	_ =	shalt  }
0x7f: {  	_ =	shalt  }
0x80: {  	_ =	shalt  }
0x81: {  	_ =	shalt  }
0x82: {  	_ =	shalt  }
0x83: {  	_ =	shalt  }
0x84: {  	_ =	shalt  }
0x85: {  	_ =	shalt  }
0x86: {  	_ =	shalt  }
0x87: {  	_ =	shalt  }
.Lfunc_end0:
.L_simem_size_0:
called_computation.2_lowered:
.L_overlay_start_0:
0x88: {  	s2 =	sld [smem:$0x3FD9]  }
0x89: {  	s3 =	sld [smem:$0x3FFE];
	_ =	sdelay $0x1  }
0x8a: {  	s1 =	srdreg.scid  }
0x8b: {  	s0 =	sand.u32 $0x1, s1  }
0x8c: {  	s16 =	sshll.u32 s0, $0xA;
	s2 =	sadd.s32 s3, s2  }
0x8d: {  	s2 =	sadd.s32 s2, s16  }
0x8e: {  	[smem:$0x3FBB] =	sst s2  }
0x8f: {  	_ = 	snop  }
0x90: {  	(tm) =	ssettm $0x1  }
0x91: {  	s17 =	sld [smem:$0x3FFB];
	_ =	sdelay $0x3  }
0x92: {  	_ =	strace s17  }
0x93: {  	s2 =	sld [smem:$0x3FFC];
	_ =	sdelay $0x3  }
0x94: {  	_ =	strace s2  }
0x95: {  	s2 =	sld [smem:$0x3FFD];
	_ =	sdelay $0x3  }
0x96: {  	_ =	strace s2  }
0x97: {  	_ =	strace $0x8FFFFFFF  }
0x98: {  	s18 =	sld [smem:$0x3FDB];
	_ =	sdelay $0x1  }
0x99: {  	s19 =	simm.s32 $_scs_section_size  }
0x9a: {  	s4 =	simm.s32 $_size__tile_overlayer_lowered;
	s5 =	simm.s32 $_tile_overlayer_lowered  }
0x9b: {  	s22 =	simm.s32 $0x1BFF;
	s21 =	sshll.u32 s5, $0x1;
	s2 =	sadd.s32 s19, s18  }
0x9c: {  	s6 =	simm.s32 $0x0;
	s20 =	sshll.u32 s4, $0x1;
	s4 =	sadd.s32 s21, s2  }
0x9d: {  	[timem:s6], [sflag:s22] =	dma.local [hbm:s4], s20  }
0x9e: {  	_ =	swait.ge [sflag:s22], s20  }
0x9f: {  	s3 =	ssub.s32 $0x0, s20;
	[sflag:s22] =	ssyncset.done $0x0  }
0xa0: {  	[sflag:s22] =	ssyncadd.s32 s3;
	_ =	sdelay $0x1  }
0xa1: {  	s23 =	simm.s32 $0x1B8B  }
0xa2: {  	_ =	swait.ge [sflag:s23], $0x1  }
0xa3: {  	[sflag:s23] =	ssyncset.done $0x0  }
0xa4: {  	s25 =	simm.s32 $0x1B8E;
	s24 =	sld [smem:$0x3FFE];
	[sflag:s23] =	ssyncadd.s32 $0xFFFFFFFF  }
0xa5: {  	s26 =	simm.s32 $execute0_lowered;
	[smem:$0x3FD2] =	sst s25  }
0xa6: {  	s4 =	sshll.u32 s26, $0x1;
	_ =	strace $0x80000049;
	[dreg:$0x1] =	wrdreg $0xFFFFFFFF  }
0xa7: {  	s28 =	simm.s32 $_size_execute0_lowered;
	s2 =	sadd.s32 s2, s4;
	[dreg:$0x0] =	wrdreg $0x0  }
0xa8: {  	s4 =	sshll.u32 s28, $0x1;
	[dreg:$0x2] =	wrdreg s2  }
0xa9: {  	[dreg:$0x3] =	wrdreg s4  }
0xaa: {  	[dreg:$0x4] =	wrdreg $0xC0  }
0xab: {  	_ =	task [dreg:s6], $0x5FFFF  }
0xac: {  	[dreg:$0x1] =	wrdreg $0xFFFFFFFF  }
0xad: {  	[dreg:$0x0] =	wrdreg $0x60  }
0xae: {  	[dreg:$0x2] =	wrdreg s24  }
0xaf: {  	[dreg:$0x3] =	wrdreg $0x70800  }
0xb0: {  	[dreg:$0x4] =	wrdreg $0x9  }
0xb1: {  	_ =	task.clear_ibuf [dreg:s6], $0x5FFFF;
	_ =	strace $0x90000049  }
0xb2: {  	s29 =	simm.s32 $0x9;
	_ =	strace $0x8000004B  }
0xb3: {  	_ =	swait.ge [sflag:s29], $0x1  }
0xb4: {  	[sflag:s29] =	ssyncadd.s32 $0xFFFFFFFF  }
0xb5: {  	_ =	strace $0x9000004B  }
0xb6: {  	_ =	sfence  }
0xb7: {  	s30 =	sld [smem:$0x0];
	_ =	sdelay $0x2  }
0xb8: {  	s31 =	sshll.u32 s1, $0xD;
	s1 =	sshrl.u32 s1, $0x2  }
0xb9: {  	s3 =	sand.u32 $0x4000, s31;
	s1 =	sadd.s32 s1, s30  }
0xba: {  	s0 =	sor.u32 s3, s0;
	s1 =	sshll.u32 s1, $0x11  }
0xbb: {  	s0 =	sor.u32 s1, s0  }
0xbc: {  	s0 =	sadd.s32 $0x8F2B, s0  }
0xbd: {  	[sflag:s0] =	ssyncadd.remote.s32 $0x1  }
0xbe: {  	_ =	sfence.sel $0xFFFF  }
0xbf: {  	[dreg:$0x0] =	wrdreg $0xFFFFFFFF;
	(pc) =	sbr.abs _section_cstart, $3  }
0xc0: {  	[dreg:$0x1] =	wrdreg $0xFFFFFFFF  }
0xc1: {  	_ =	task.clear_ibuf [dreg:s6], $0x2FFFF;
	_ =	strace $0x9FFFFFFF  }
0xc2: {  	(tm) =	ssettm $0x7FFFFFFF  }
0xc3: {  	_ =	shalt  }
tec
execute0_lowered:
.L_overlay_start_1:
0x0: {  	(tag) =	ssettag $0x1  }
0x1: {  	s0 =	rddreg [dreg:$0x0]  }
0x2: {  	s1 =	rddreg [dreg:$0x1];
	s2 =	srdreg.scid  }
0x3: {  	s3 =	simm.s32 $0x0;
	s16 =	stileid.u32;
	s28 =	simm.s32 $0x960  }
0x4: {  	s30 =	simm.s32 $0x1;
	s31 =	simm.s32 $0x3;
	s6 =	smul.u32 $0xC800, s16  }
0x5: {  	s2 =	sand.u32 $0x1, s2;
	[smem:$0x7FF] =	sst s3;
	s21 =	smul.u32 $0x1870, s16  }
0x6: {  	s4 =	sadd.s32 $0x66000, s0;
	s7 =	sadd.s32 $0xF9C00, s0;
	s15 =	smul.u32 $0x61C00, s16  }
0x7: {  	s8 =	sadd.s32 $0xC7C00, s0;
	s5 =	smul.u32 $0xC8000, s2;
	_ =	strace $0x8000004A  }
0x8: {  	s9 =	ssub.s32 $0x2, s2;
	s13 =	sshll.u32 s2, $0x4;
	s2 =	sshll.u32 s2, $0x1  }
0x9: {  	s20 =	sshrl.u32 s9, $0x1;
	s25 =	sadd.s32 $0x1700, s21;
	s29 =	sshrl.u32 s15, $0x2  }
0xa: {  	s15 =	smul.u32 $0x30E00, s16;
	s6 =	sadd.s32 s6, s5;
	s5 =	sadd.s32 $0x12BC00, s0  }
0xb: {  	s0 =	ssub.s32 s9, s20;
	s14 =	sshll.u32 s25, $0x4;
	s9 =	sadd.s32 $0x170, s21  }
0xc: {  	s10 =	sshrl.u32 s6, $0x3;
	s24 =	sor.u32 $0x640, s6;
	s0 =	smax.u32 s0, $0x1  }
0xd: {  	s26 =	sadd.s32 s14, s1;
	s2 =	sadd.s32 s5, s2;
	[dreg:$0x9] =	wrdreg s0  }
0xe: {  	s14 =	sadd.s32 s29, s1;
	s18 =	sor.u32 s13, s15;
	[dreg:$0x7] =	wrdreg s26  }
0xf: {  	s21 =	sshll.u32 s9, $0x5;
	s12 =	sadd.s32 s7, s10;
	[dreg:$0xa] =	wrdreg s14  }
0x10: {  	s11 =	sor.u32 $0x64, s10;
	s22 =	sadd.s32 s8, s10;
	[dreg:$0x3] =	wrdreg s12  }
0x11: {  	s29 =	sshrl.u32 s18, $0x3;
	s15 =	sadd.s32 $0xCF00, s14;
	[dreg:$0x4] =	wrdreg s22  }
0x12: {  	s23 =	sadd.s32 s7, s11;
	s11 =	sadd.s32 s8, s11;
	[dreg:$0x1a] =	wrdreg s15  }
0x13: {  	s12 =	sshll.u32 s25, $0x2;
	s22 =	sadd.s32 $0x189C, s10;
	[dreg:$0x5] =	wrdreg s23  }
0x14: {  	s25 =	sadd.s32 $0x8A00, s18;
	s15 =	simm.s32 $0x20;
	[dreg:$0x6] =	wrdreg s11  }
0x15: {  	s2 =	sadd.s32 s12, s2;
	s12 =	sshrl.u32 s24, $0x3;
	s10 =	sadd.s32 s7, s22  }
0x16: {  	s23 =	sadd.s32 $0xC80, s6;
	s6 =	sadd.s32 $0x960, s6;
	[dreg:$0x8] =	wrdreg s2  }
0x17: {  	s11 =	sadd.s32 $0x8A00, s14;
	s2 =	sshll.u32 s9, $0x4;
	[dreg:$0xe] =	wrdreg s10  }
0x18: {  	s16 =	sadd.s32 s7, s12;
	s17 =	sadd.s32 s8, s12;
	[dreg:$0x17] =	wrdreg s11  }
0x19: {  	s9 =	sadd.s32 s8, s22;
	s24 =	sshrl.u32 s23, $0x3;
	[dreg:$0xc] =	wrdreg s16  }
0x1a: {  	s6 =	sshrl.u32 s6, $0x3;
	s10 =	sadd.s32 $0x7300, s14;
	[dreg:$0xd] =	wrdreg s17  }
0x1b: {  	s12 =	sadd.s32 $0xA100, s14;
	s23 =	sadd.s32 $0x12B00, s14;
	[dreg:$0xf] =	wrdreg s9  }
0x1c: {  	s11 =	simm.s32 $0x8;
	s0 =	sadd.s32 s2, s1;
	[dreg:$0x16] =	wrdreg s10  }
0x1d: {  	s2 =	sor.u32 s13, s21;
	s19 =	sadd.s32 s24, s8;
	[dreg:$0x18] =	wrdreg s12  }
0x1e: {  	s20 =	sadd.s32 s24, s7;
	s21 =	sadd.s32 s6, s8;
	[dreg:$0x1e] =	wrdreg s23  }
0x1f: {  	s22 =	sadd.s32 s6, s7;
	s7 =	sadd.s32 s5, s29;
	[dreg:$0xb] =	wrdreg s0  }
0x20: {  	s6 =	sshrl.u32 s25, $0x3;
	s8 =	sadd.s32 $0x4500, s14;
	[dreg:$0x10] =	wrdreg s7  }
0x21: {  	s9 =	sadd.s32 $0x5C00, s14;
	s13 =	sadd.s32 $0xB800, s14;
	[dreg:$0x14] =	wrdreg s8  }
0x22: {  	s16 =	sadd.s32 $0xE600, s14;
	s17 =	sadd.s32 $0xFD00, s14;
	[dreg:$0x15] =	wrdreg s9  }
0x23: {  	s24 =	sadd.s32 $0x14200, s14;
	s29 =	sadd.s32 $0x15900, s14;
	[dreg:$0x19] =	wrdreg s13  }
0x24: {  	s23 =	simm.s32 $0x640;
	s12 =	simm.s32 $0x10;
	[dreg:$0x1b] =	wrdreg s16  }
0x25: {  	s10 =	simm.s32 $0x0;
	s2 =	sshrl.u32 s2, $0x3;
	[dreg:$0x1c] =	wrdreg s17  }
0x26: {  	s25 =	sadd.s32 s6, s5;
	s0 =	sadd.s32 $0x5C00, s18;
	[dreg:$0x1f] =	wrdreg s24  }
0x27: {  	s7 =	sadd.s32 $0x2E00, s14;
	s18 =	sadd.s32 $0x11400, s14;
	[smem:$0x7FD] =	sst s29  }
0x28: {  	s17 =	simm.s32 $0x3E80;
	s24 =	simm.s32 $0x320;
	s6 =	simm.s32 $0x2  }
0x29: {  	s8 =	simm.s32 $0x7;
	s9 =	simm.s32 $0x6;
	[dreg:$0x12] =	wrdreg s0  }
0x2a: {  	s16 =	simm.s32 $0x2380;
	s2 =	sadd.s32 s5, s2;
	[dreg:$0x13] =	wrdreg s7  }
0x2b: {  	[dreg:$0x1d] =	wrdreg s18;
	s18 =	simm.s32 $0x9;
	s0 =	simm.s32 $0xC80  }
0x2c: {  	v0 =	vimm.f32 $0.0e+00;
	s7 =	simm.s32 $0x4;
	[dreg:$0x11] =	wrdreg s2;
	s2 =	simm.s32 $0x5  }
.LBB2_1:
0x2d: {  	[smem:$0x7FC] =	sst s10;
	s10 =	simm.s32 $0x40;
	s13 =	simm.s32 $0x0  }
.LBB2_2:
0x2e: {  	p0 =	sne.s32 s10, $0x5BC0;
	[tilespmem:s13+$0x3E80] =	vst v0;
	s13 =	smov.u32 s10;
	s10 =	sadd.s32 $0x40, s10  }
.Ltmp0:
0x2f: {  	(pc) =	sbr.rel @p0 .LBB2_2-.Ltmp0, $2  }
0x30: {  	_ =	sdelay $0x2  }
0x31: {  	s13 =	sshra.s32 s13, $0x2  }
0x32: {  	[tilespmem:s13+$0x3E80] =	vst v0  }
0x33: {  	[spmem:s14] =	stream.linear.scatter [tilespmem:s17], [sflag:$0x9], $0x1700, $0x38;
	[tilespmem:$0x1F780] =	vst v63  }
0x34: {  	_ =	swait.ge [sflag:s18], $0x1700  }
0x35: {  	[sflag:s18] =	ssyncset.done $0x0  }
0x36: {  	s10 =	rddreg [dreg:$0xb];
	[sflag:s18] =	ssyncadd.s32 $0xFFFFE900  }
0x37: {  	[spmem:s10] =	stream.linear.scatter [tilespmem:s17], [sflag:$0x9], $0x1700, $0x38;
	[tilespmem:$0x1F780] =	vst v63  }
0x38: {  	_ =	swait.ge [sflag:s18], $0x1700  }
0x39: {  	[sflag:s18] =	ssyncset.done $0x0  }
0x3a: {  	s29 =	rddreg [dreg:$0x13];
	[sflag:s18] =	ssyncadd.s32 $0xFFFFE900  }
0x3b: {  	[spmem:s29] =	stream.linear.scatter [tilespmem:s17], [sflag:$0x9], $0x1700, $0x38;
	[tilespmem:$0x1F780] =	vst v63  }
0x3c: {  	_ =	swait.ge [sflag:s18], $0x1700  }
0x3d: {  	[sflag:s18] =	ssyncset.done $0x0  }
0x3e: {  	s13 =	rddreg [dreg:$0x14];
	[sflag:s18] =	ssyncadd.s32 $0xFFFFE900  }
0x3f: {  	[spmem:s13] =	stream.linear.scatter [tilespmem:s17], [sflag:$0x9], $0x1700, $0x38;
	[tilespmem:$0x1F780] =	vst v63  }
0x40: {  	_ =	swait.ge [sflag:s18], $0x1700  }
0x41: {  	[sflag:s18] =	ssyncset.done $0x0  }
0x42: {  	s29 =	rddreg [dreg:$0x15];
	[sflag:s18] =	ssyncadd.s32 $0xFFFFE900  }
0x43: {  	[spmem:s29] =	stream.linear.scatter [tilespmem:s17], [sflag:$0x9], $0x1700, $0x38;
	[tilespmem:$0x1F780] =	vst v63  }
0x44: {  	_ =	swait.ge [sflag:s18], $0x1700  }
0x45: {  	[sflag:s18] =	ssyncset.done $0x0  }
0x46: {  	s13 =	rddreg [dreg:$0x16];
	[sflag:s18] =	ssyncadd.s32 $0xFFFFE900  }
0x47: {  	[spmem:s13] =	stream.linear.scatter [tilespmem:s17], [sflag:$0x9], $0x1700, $0x38;
	[tilespmem:$0x1F780] =	vst v63  }
0x48: {  	_ =	swait.ge [sflag:s18], $0x1700  }
0x49: {  	[sflag:s18] =	ssyncset.done $0x0  }
0x4a: {  	s29 =	rddreg [dreg:$0x17];
	[sflag:s18] =	ssyncadd.s32 $0xFFFFE900  }
0x4b: {  	[spmem:s29] =	stream.linear.scatter [tilespmem:s17], [sflag:$0x9], $0x1700, $0x38;
	[tilespmem:$0x1F780] =	vst v63  }
0x4c: {  	_ =	swait.ge [sflag:s18], $0x1700  }
0x4d: {  	[sflag:s18] =	ssyncset.done $0x0  }
0x4e: {  	s13 =	rddreg [dreg:$0x18];
	[sflag:s18] =	ssyncadd.s32 $0xFFFFE900  }
0x4f: {  	[spmem:s13] =	stream.linear.scatter [tilespmem:s17], [sflag:$0x9], $0x1700, $0x38;
	[tilespmem:$0x1F780] =	vst v63  }
0x50: {  	_ =	swait.ge [sflag:s18], $0x1700  }
0x51: {  	[sflag:s18] =	ssyncset.done $0x0  }
0x52: {  	s29 =	rddreg [dreg:$0x19];
	[sflag:s18] =	ssyncadd.s32 $0xFFFFE900  }
0x53: {  	[spmem:s29] =	stream.linear.scatter [tilespmem:s17], [sflag:$0x9], $0x1700, $0x38;
	[tilespmem:$0x1F780] =	vst v63  }
0x54: {  	_ =	swait.ge [sflag:s18], $0x1700  }
0x55: {  	[sflag:s18] =	ssyncset.done $0x0  }
0x56: {  	s13 =	rddreg [dreg:$0x1a];
	[sflag:s18] =	ssyncadd.s32 $0xFFFFE900  }
0x57: {  	[spmem:s13] =	stream.linear.scatter [tilespmem:s17], [sflag:$0x9], $0x1700, $0x38;
	[tilespmem:$0x1F780] =	vst v63  }
0x58: {  	_ =	swait.ge [sflag:s18], $0x1700  }
0x59: {  	[sflag:s18] =	ssyncset.done $0x0  }
0x5a: {  	s29 =	rddreg [dreg:$0x1b];
	[sflag:s18] =	ssyncadd.s32 $0xFFFFE900  }
0x5b: {  	[spmem:s29] =	stream.linear.scatter [tilespmem:s17], [sflag:$0x9], $0x1700, $0x38;
	[tilespmem:$0x1F780] =	vst v63  }
0x5c: {  	_ =	swait.ge [sflag:s18], $0x1700  }
0x5d: {  	[sflag:s18] =	ssyncset.done $0x0  }
0x5e: {  	s13 =	rddreg [dreg:$0x1c];
	[sflag:s18] =	ssyncadd.s32 $0xFFFFE900  }
0x5f: {  	[spmem:s13] =	stream.linear.scatter [tilespmem:s17], [sflag:$0x9], $0x1700, $0x38;
	[tilespmem:$0x1F780] =	vst v63  }
0x60: {  	_ =	swait.ge [sflag:s18], $0x1700  }
0x61: {  	[sflag:s18] =	ssyncset.done $0x0  }
0x62: {  	s29 =	rddreg [dreg:$0x1d];
	[sflag:s18] =	ssyncadd.s32 $0xFFFFE900  }
0x63: {  	[spmem:s29] =	stream.linear.scatter [tilespmem:s17], [sflag:$0x9], $0x1700, $0x38;
	[tilespmem:$0x1F780] =	vst v63  }
0x64: {  	_ =	swait.ge [sflag:s18], $0x1700  }
0x65: {  	[sflag:s18] =	ssyncset.done $0x0  }
0x66: {  	s13 =	rddreg [dreg:$0x1e];
	[sflag:s18] =	ssyncadd.s32 $0xFFFFE900  }
0x67: {  	[spmem:s13] =	stream.linear.scatter [tilespmem:s17], [sflag:$0x9], $0x1700, $0x38;
	[tilespmem:$0x1F780] =	vst v63  }
0x68: {  	_ =	swait.ge [sflag:s18], $0x1700  }
0x69: {  	[sflag:s18] =	ssyncset.done $0x0  }
0x6a: {  	s29 =	rddreg [dreg:$0x1f];
	[sflag:s18] =	ssyncadd.s32 $0xFFFFE900  }
0x6b: {  	[spmem:s29] =	stream.linear.scatter [tilespmem:s17], [sflag:$0x9], $0x1700, $0x38;
	[tilespmem:$0x1F780] =	vst v63  }
0x6c: {  	_ =	swait.ge [sflag:s18], $0x1700  }
0x6d: {  	s13 =	sld [smem:$0x7FD]  }
0x6e: {  	[sflag:s18] =	ssyncset.done $0x0  }
0x6f: {  	[sflag:s18] =	ssyncadd.s32 $0xFFFFE900  }
0x70: {  	[spmem:s13] =	stream.linear.scatter [tilespmem:s17], [sflag:$0x9], $0x1700, $0x38;
	[tilespmem:$0x1F780] =	vst v63  }
0x71: {  	_ =	swait.ge [sflag:s18], $0x1700  }
0x72: {  	[sflag:s18] =	ssyncset.done $0x0  }
0x73: {  	[sflag:s18] =	ssyncadd.s32 $0xFFFFE900  }
0x74: {  	[spmem:s26] =	stream.linear.scatter [tilespmem:s17], [sflag:$0x9], $0x1700, $0x38;
	[tilespmem:$0x1F780] =	vst v63  }
0x75: {  	_ =	swait.ge [sflag:s18], $0x1700  }
0x76: {  	[sflag:s18] =	ssyncset.done $0x0  }
0x77: {  	[sflag:s18] =	ssyncadd.s32 $0xFFFFE900  }
0x78: {  	[bflag:$0x0] =	sbarrier.arrive $0xFFFF  }
0x79: {  	s10 =	simm.s32 $0x0;
	s29 =	rddreg [dreg:$0x3]  }
0x7a: {  	[tilespmem:s10], [sflag:$0x1] =	stream.linear.gather [hbm4b:s29+s10], $0x320, $0x38;
	[tilespmem:$0x1F780] =	vst v63  }
0x7b: {  	s26 =	rddreg [dreg:$0x4]  }
0x7c: {  	[tilespmem:s23], [sflag:$0x3] =	stream.linear.gather [hbm4b:s26+s10], $0x320, $0x38;
	[tilespmem:$0x1F780] =	vst v63  }
0x7d: {  	s29 =	rddreg [dreg:$0x5]  }
0x7e: {  	[tilespmem:s24], [sflag:$0x2] =	stream.linear.gather [hbm4b:s29+s10], $0x320, $0x38;
	[tilespmem:$0x1F780] =	vst v63  }
0x7f: {  	s26 =	rddreg [dreg:$0x6]  }
0x80: {  	[tilespmem:s28], [sflag:$0x4] =	stream.linear.gather [hbm4b:s26+s10], $0x320, $0x38;
	[tilespmem:$0x1F780] =	vst v63  }
0x81: {  	_ =	swait.ge [sflag:s30], $0x320  }
0x82: {  	[sflag:s30] =	ssyncset.done $0x0  }
0x83: {  	[sflag:s30] =	ssyncadd.s32 $0xFFFFFCE0  }
0x84: {  	_ =	swait.ge [sflag:s31], $0x320  }
0x85: {  	[sflag:s31] =	ssyncset.done $0x0  }
0x86: {  	[sflag:s31] =	ssyncadd.s32 $0xFFFFFCE0  }
0x87: {  	[tilespmem:s0], [sflag:$0x5] =	stream.indirect.gather [hbm4b:s4+s24], $0x10, s10, s24, $0xb8;
	[tilespmem:$0x1F780] =	vst v63  }
0x88: {  	_ =	swait.ge [sflag:s2], $0x3200  }
0x89: {  	[sflag:s2] =	ssyncset.done $0x0  }
0x8a: {  	[sflag:s2] =	ssyncadd.s32 $0xFFFFCE00  }
0x8b: {  	[spmem:s1] =	stream.indirect.scatter.add.f32 [tilespmem:s0], [sflag:$0x7], $0x10, s23, s24, $0xb8;
	[tilespmem:$0x1F780] =	vst v63  }
0x8c: {  	_ =	swait.ge [sflag:s6], $0x320  }
0x8d: {  	[sflag:s6] =	ssyncset.done $0x0  }
0x8e: {  	[sflag:s6] =	ssyncadd.s32 $0xFFFFFCE0  }
0x8f: {  	_ =	swait.ge [sflag:s7], $0x320  }
0x90: {  	[sflag:s7] =	ssyncset.done $0x0  }
0x91: {  	[sflag:s7] =	ssyncadd.s32 $0xFFFFFCE0  }
0x92: {  	[tilespmem:s17], [sflag:$0x6] =	stream.indirect.gather [hbm4b:s4+s24], $0x10, s24, s24, $0xb8;
	[tilespmem:$0x1F780] =	vst v63  }
0x93: {  	_ =	swait.ge [sflag:s8], $0x3200  }
0x94: {  	[sflag:s8] =	ssyncset.done $0x0  }
0x95: {  	s29 =	rddreg [dreg:$0xc];
	[sflag:s8] =	ssyncadd.s32 $0xFFFFCE00  }
0x96: {  	[tilespmem:s10], [sflag:$0x1] =	stream.linear.gather [hbm4b:s29+s10], $0x320, $0x38;
	[tilespmem:$0x1F780] =	vst v63  }
0x97: {  	s26 =	rddreg [dreg:$0xd]  }
0x98: {  	[tilespmem:s23], [sflag:$0x3] =	stream.linear.gather [hbm4b:s26+s10], $0x320, $0x38;
	[tilespmem:$0x1F780] =	vst v63  }
0x99: {  	_ =	swait.ge [sflag:s9], $0x3200  }
0x9a: {  	[sflag:s9] =	ssyncset.done $0x0  }
0x9b: {  	[sflag:s9] =	ssyncadd.s32 $0xFFFFCE00  }
0x9c: {  	[spmem:s1] =	stream.indirect.scatter.add.f32 [tilespmem:s17], [sflag:$0x8], $0x10, s28, s24, $0xb8;
	[tilespmem:$0x1F780] =	vst v63  }
0x9d: {  	_ =	swait.ge [sflag:s30], $0x320  }
0x9e: {  	[sflag:s30] =	ssyncset.done $0x0  }
0x9f: {  	[sflag:s30] =	ssyncadd.s32 $0xFFFFFCE0  }
0xa0: {  	_ =	swait.ge [sflag:s31], $0x320  }
0xa1: {  	[sflag:s31] =	ssyncset.done $0x0  }
0xa2: {  	[sflag:s31] =	ssyncadd.s32 $0xFFFFFCE0  }
0xa3: {  	[tilespmem:s0], [sflag:$0x5] =	stream.indirect.gather [hbm4b:s4+s24], $0x10, s3, s24, $0xb8;
	[tilespmem:$0x1F780] =	vst v63  }
0xa4: {  	_ =	swait.ge [sflag:s11], $0x3200  }
0xa5: {  	[sflag:s11] =	ssyncset.done $0x0  }
0xa6: {  	s29 =	sadd.s32 $0x0, s22;
	[sflag:s11] =	ssyncadd.s32 $0xFFFFCE00  }
0xa7: {  	[tilespmem:s24], [sflag:$0x2] =	stream.linear.gather [hbm4b:s29+s3], $0x320, $0x38;
	[tilespmem:$0x1F780] =	vst v63  }
0xa8: {  	s13 =	sadd.s32 $0x0, s21  }
0xa9: {  	[tilespmem:s28], [sflag:$0x4] =	stream.linear.gather [hbm4b:s13+s3], $0x320, $0x38;
	[tilespmem:$0x1F780] =	vst v63  }
0xaa: {  	_ =	swait.ge [sflag:s2], $0x3200  }
0xab: {  	[sflag:s2] =	ssyncset.done $0x0  }
0xac: {  	[sflag:s2] =	ssyncadd.s32 $0xFFFFCE00  }
0xad: {  	[spmem:s1] =	stream.indirect.scatter.add.f32 [tilespmem:s0], [sflag:$0x7], $0x10, s23, s24, $0xb8;
	[tilespmem:$0x1F780] =	vst v63  }
0xae: {  	_ =	swait.ge [sflag:s6], $0x320  }
0xaf: {  	[sflag:s6] =	ssyncset.done $0x0  }
0xb0: {  	[sflag:s6] =	ssyncadd.s32 $0xFFFFFCE0  }
0xb1: {  	_ =	swait.ge [sflag:s7], $0x320  }
0xb2: {  	[sflag:s7] =	ssyncset.done $0x0  }
0xb3: {  	[sflag:s7] =	ssyncadd.s32 $0xFFFFFCE0  }
0xb4: {  	[tilespmem:s17], [sflag:$0x6] =	stream.indirect.gather [hbm4b:s4+s24], $0x10, s24, s24, $0xb8;
	[tilespmem:$0x1F780] =	vst v63  }
0xb5: {  	_ =	swait.ge [sflag:s8], $0x3200  }
0xb6: {  	[sflag:s8] =	ssyncset.done $0x0  }
0xb7: {  	s26 =	sadd.s32 $0x0, s20;
	[sflag:s8] =	ssyncadd.s32 $0xFFFFCE00  }
0xb8: {  	[tilespmem:s3], [sflag:$0x1] =	stream.linear.gather [hbm4b:s26+s3], $0x320, $0x38;
	[tilespmem:$0x1F780] =	vst v63  }
0xb9: {  	s29 =	sadd.s32 $0x0, s19  }
0xba: {  	[tilespmem:s23], [sflag:$0x3] =	stream.linear.gather [hbm4b:s29+s3], $0x320, $0x38;
	[tilespmem:$0x1F780] =	vst v63  }
0xbb: {  	_ =	swait.ge [sflag:s9], $0x3200  }
0xbc: {  	[sflag:s9] =	ssyncset.done $0x0  }
0xbd: {  	s10 =	simm.s32 $0xC8;
	[sflag:s9] =	ssyncadd.s32 $0xFFFFCE00  }
.LBB2_4:
0xbe: {  	[spmem:s1] =	stream.indirect.scatter.add.f32 [tilespmem:s17], [sflag:$0x8], $0x10, s28, s24, $0xb8;
	[tilespmem:$0x1F780] =	vst v63  }
0xbf: {  	s13 =	smov.u32 s10  }
0xc0: {  	p0 =	sne.s32 s10, $0x16A8;
	s10 =	sadd.s32 $0xC8, s10;
	_ =	swait.ge [sflag:s30], $0x320  }
0xc1: {  	[sflag:s30] =	ssyncset.done $0x0  }
0xc2: {  	[sflag:s30] =	ssyncadd.s32 $0xFFFFFCE0  }
0xc3: {  	_ =	swait.ge [sflag:s31], $0x320  }
0xc4: {  	[sflag:s31] =	ssyncset.done $0x0  }
0xc5: {  	[sflag:s31] =	ssyncadd.s32 $0xFFFFFCE0  }
0xc6: {  	[tilespmem:s0], [sflag:$0x5] =	stream.indirect.gather [hbm4b:s4+s24], $0x10, s3, s24, $0xb8;
	[tilespmem:$0x1F780] =	vst v63  }
0xc7: {  	_ =	swait.ge [sflag:s11], $0x3200  }
0xc8: {  	[sflag:s11] =	ssyncset.done $0x0  }
0xc9: {  	s29 =	sadd.s32 s13, s22;
	[sflag:s11] =	ssyncadd.s32 $0xFFFFCE00  }
0xca: {  	[tilespmem:s24], [sflag:$0x2] =	stream.linear.gather [hbm4b:s29+s3], $0x320, $0x38;
	[tilespmem:$0x1F780] =	vst v63  }
0xcb: {  	s29 =	sadd.s32 s13, s21  }
0xcc: {  	[tilespmem:s28], [sflag:$0x4] =	stream.linear.gather [hbm4b:s29+s3], $0x320, $0x38;
	[tilespmem:$0x1F780] =	vst v63  }
0xcd: {  	_ =	swait.ge [sflag:s2], $0x3200  }
0xce: {  	[sflag:s2] =	ssyncset.done $0x0  }
0xcf: {  	[sflag:s2] =	ssyncadd.s32 $0xFFFFCE00  }
0xd0: {  	[spmem:s1] =	stream.indirect.scatter.add.f32 [tilespmem:s0], [sflag:$0x7], $0x10, s23, s24, $0xb8;
	[tilespmem:$0x1F780] =	vst v63  }
0xd1: {  	_ =	swait.ge [sflag:s6], $0x320  }
0xd2: {  	[sflag:s6] =	ssyncset.done $0x0  }
0xd3: {  	[sflag:s6] =	ssyncadd.s32 $0xFFFFFCE0  }
0xd4: {  	_ =	swait.ge [sflag:s7], $0x320  }
0xd5: {  	[sflag:s7] =	ssyncset.done $0x0  }
0xd6: {  	[sflag:s7] =	ssyncadd.s32 $0xFFFFFCE0  }
0xd7: {  	[tilespmem:s17], [sflag:$0x6] =	stream.indirect.gather [hbm4b:s4+s24], $0x10, s24, s24, $0xb8;
	[tilespmem:$0x1F780] =	vst v63  }
0xd8: {  	_ =	swait.ge [sflag:s8], $0x3200  }
0xd9: {  	[sflag:s8] =	ssyncset.done $0x0  }
0xda: {  	s29 =	sadd.s32 s13, s20;
	[sflag:s8] =	ssyncadd.s32 $0xFFFFCE00  }
0xdb: {  	[tilespmem:s3], [sflag:$0x1] =	stream.linear.gather [hbm4b:s29+s3], $0x320, $0x38;
	[tilespmem:$0x1F780] =	vst v63  }
.Ltmp1:
0xdc: {  	s13 =	sadd.s32 s13, s19;
	(pc) =	sbr.rel @p0 .LBB2_4-.Ltmp1, $4  }
0xdd: {  	[tilespmem:s23], [sflag:$0x3] =	stream.linear.gather [hbm4b:s13+s3], $0x320, $0x38;
	[tilespmem:$0x1F780] =	vst v63  }
0xde: {  	_ =	swait.ge [sflag:s9], $0x3200  }
0xdf: {  	[sflag:s9] =	ssyncset.done $0x0  }
0xe0: {  	[sflag:s9] =	ssyncadd.s32 $0xFFFFCE00  }
0xe1: {  	[spmem:s1] =	stream.indirect.scatter.add.f32 [tilespmem:s17], [sflag:$0x8], $0x10, s28, s24, $0xb8;
	[tilespmem:$0x1F780] =	vst v63  }
0xe2: {  	_ =	swait.ge [sflag:s30], $0x320  }
0xe3: {  	[sflag:s30] =	ssyncset.done $0x0  }
0xe4: {  	[sflag:s30] =	ssyncadd.s32 $0xFFFFFCE0  }
0xe5: {  	_ =	swait.ge [sflag:s31], $0x320  }
0xe6: {  	[sflag:s31] =	ssyncset.done $0x0  }
0xe7: {  	s10 =	simm.s32 $0x0;
	[sflag:s31] =	ssyncadd.s32 $0xFFFFFCE0  }
0xe8: {  	[tilespmem:s0], [sflag:$0x5] =	stream.indirect.gather [hbm4b:s4+s24], $0x10, s10, s24, $0xb8;
	[tilespmem:$0x1F780] =	vst v63  }
0xe9: {  	_ =	swait.ge [sflag:s11], $0x3200  }
0xea: {  	[sflag:s11] =	ssyncset.done $0x0  }
0xeb: {  	s13 =	rddreg [dreg:$0xe];
	[sflag:s11] =	ssyncadd.s32 $0xFFFFCE00  }
0xec: {  	[tilespmem:s24], [sflag:$0x2] =	stream.linear.gather [hbm4b:s13+s10], $0x320, $0x38;
	[tilespmem:$0x1F780] =	vst v63  }
0xed: {  	s29 =	rddreg [dreg:$0xf]  }
0xee: {  	[tilespmem:s28], [sflag:$0x4] =	stream.linear.gather [hbm4b:s29+s10], $0x320, $0x38;
	[tilespmem:$0x1F780] =	vst v63  }
0xef: {  	_ =	swait.ge [sflag:s2], $0x3200  }
0xf0: {  	[sflag:s2] =	ssyncset.done $0x0  }
0xf1: {  	[sflag:s2] =	ssyncadd.s32 $0xFFFFCE00  }
0xf2: {  	[spmem:s1] =	stream.indirect.scatter.add.f32 [tilespmem:s0], [sflag:$0x7], $0x10, s23, s24, $0xb8;
	[tilespmem:$0x1F780] =	vst v63  }
0xf3: {  	_ =	swait.ge [sflag:s6], $0x320  }
0xf4: {  	[sflag:s6] =	ssyncset.done $0x0  }
0xf5: {  	[sflag:s6] =	ssyncadd.s32 $0xFFFFFCE0  }
0xf6: {  	_ =	swait.ge [sflag:s7], $0x320  }
0xf7: {  	[sflag:s7] =	ssyncset.done $0x0  }
0xf8: {  	[sflag:s7] =	ssyncadd.s32 $0xFFFFFCE0  }
0xf9: {  	[tilespmem:s17], [sflag:$0x6] =	stream.indirect.gather [hbm4b:s4+s24], $0x10, s24, s24, $0xb8;
	[tilespmem:$0x1F780] =	vst v63  }
0xfa: {  	_ =	swait.ge [sflag:s8], $0x3200  }
0xfb: {  	[sflag:s8] =	ssyncset.done $0x0  }
0xfc: {  	[sflag:s8] =	ssyncadd.s32 $0xFFFFCE00  }
0xfd: {  	_ =	swait.ge [sflag:s9], $0x3200  }
0xfe: {  	[sflag:s9] =	ssyncset.done $0x0  }
0xff: {  	[sflag:s9] =	ssyncadd.s32 $0xFFFFCE00  }
0x100: {  	[spmem:s1] =	stream.indirect.scatter.add.f32 [tilespmem:s17], [sflag:$0x8], $0x10, s28, s24, $0xb8;
	[tilespmem:$0x1F780] =	vst v63  }
0x101: {  	_ =	swait.ge [sflag:s11], $0x3200  }
0x102: {  	[sflag:s11] =	ssyncset.done $0x0  }
0x103: {  	[sflag:s11] =	ssyncadd.s32 $0xFFFFCE00  }
0x104: {  	s13 =	simm.s32 $0x0;
	s10 =	simm.s32 $0x40;
	[bflag:$0x0] =	sbarrier.arrive $0xFFFF  }
.LBB2_6:
0x105: {  	p0 =	sne.s32 s10, $0x5BC0;
	[tilespmem:s13+$0x3E80] =	vst v0;
	s13 =	smov.u32 s10;
	s10 =	sadd.s32 $0x40, s10  }
.Ltmp2:
0x106: {  	(pc) =	sbr.rel @p0 .LBB2_6-.Ltmp2, $2  }
0x107: {  	_ =	sdelay $0x2  }
0x108: {  	s13 =	sshra.s32 s13, $0x2  }
0x109: {  	[tilespmem:s13+$0x3E80] =	vst v0  }
0x10a: {  	[tilespmem:s0], [sflag:$0x9] =	stream.linear.gather [spmem:s14], $0x1700, $0x38;
	[tilespmem:$0x1F780] =	vst v63  }
0x10b: {  	_ =	swait.ge [sflag:s18], $0x1700  }
0x10c: {  	[sflag:s18] =	ssyncset.done $0x0  }
0x10d: {  	s1 =	rddreg [dreg:$0x10];
	[sflag:s18] =	ssyncadd.s32 $0xFFFFE900  }
0x10e: {  	[hbm4b:s1+s12] =	stream.strided.scatter [tilespmem:s0], [sflag:$0x5], $0x1700, s15, s12, $0x38;
	[tilespmem:$0x1F780] =	vst v63  }
0x10f: {  	_ = 	snop  }
0x110: {  	[spmem:s14] =	stream.linear.scatter [tilespmem:s17], [sflag:$0x9], $0x1700, $0x38;
	[tilespmem:$0x1F780] =	vst v63  }
0x111: {  	_ =	swait.ge [sflag:s18], $0x1700  }
0x112: {  	[sflag:s18] =	ssyncset.done $0x0  }
0x113: {  	s14 =	rddreg [dreg:$0xb];
	[sflag:s18] =	ssyncadd.s32 $0xFFFFE900  }
0x114: {  	[tilespmem:s16], [sflag:$0x9] =	stream.linear.gather [spmem:s14], $0x1700, $0x38;
	[tilespmem:$0x1F780] =	vst v63  }
0x115: {  	_ =	swait.ge [sflag:s18], $0x1700  }
0x116: {  	[sflag:s18] =	ssyncset.done $0x0  }
0x117: {  	s10 =	rddreg [dreg:$0x11];
	[sflag:s18] =	ssyncadd.s32 $0xFFFFE900  }
0x118: {  	[hbm4b:s10+s12] =	stream.strided.scatter [tilespmem:s16], [sflag:$0x6], $0x1700, s15, s12, $0x38;
	[tilespmem:$0x1F780] =	vst v63  }
0x119: {  	_ = 	snop  }
0x11a: {  	[spmem:s14] =	stream.linear.scatter [tilespmem:s17], [sflag:$0x9], $0x1700, $0x38;
	[tilespmem:$0x1F780] =	vst v63  }
0x11b: {  	_ =	swait.ge [sflag:s18], $0x1700  }
0x11c: {  	[sflag:s18] =	ssyncset.done $0x0  }
0x11d: {  	[sflag:s18] =	ssyncadd.s32 $0xFFFFE900  }
0x11e: {  	_ =	swait.ge [sflag:s2], $0x1700  }
0x11f: {  	[sflag:s2] =	ssyncset.done $0x0;
	s29 =	rddreg [dreg:$0x14]  }
0x120: {  	[sflag:s2] =	ssyncadd.s32 $0xFFFFE900;
	s26 =	sadd.s32 $0xFFFFE900, s29  }
0x121: {  	[tilespmem:s0], [sflag:$0x9] =	stream.linear.gather [spmem:s26], $0x1700, $0x38;
	[tilespmem:$0x1F780] =	vst v63  }
0x122: {  	_ =	swait.ge [sflag:s18], $0x1700  }
0x123: {  	s1 =	rddreg [dreg:$0x12]  }
0x124: {  	[sflag:s18] =	ssyncset.done $0x0;
	s14 =	sshrl.u32 s1, $0x3  }
0x125: {  	[sflag:s18] =	ssyncadd.s32 $0xFFFFE900;
	s13 =	sadd.s32 s5, s14  }
0x126: {  	[hbm4b:s13+s12] =	stream.strided.scatter [tilespmem:s0], [sflag:$0x5], $0x1700, s15, s12, $0x38;
	[tilespmem:$0x1F780] =	vst v63  }
0x127: {  	_ = 	snop  }
0x128: {  	[spmem:s26] =	stream.linear.scatter [tilespmem:s17], [sflag:$0x9], $0x1700, $0x38;
	[tilespmem:$0x1F780] =	vst v63  }
0x129: {  	_ =	swait.ge [sflag:s18], $0x1700  }
0x12a: {  	[sflag:s18] =	ssyncset.done $0x0  }
0x12b: {  	[sflag:s18] =	ssyncadd.s32 $0xFFFFE900  }
0x12c: {  	_ =	swait.ge [sflag:s9], $0x1700  }
0x12d: {  	[sflag:s9] =	ssyncset.done $0x0  }
0x12e: {  	[sflag:s9] =	ssyncadd.s32 $0xFFFFE900  }
0x12f: {  	[tilespmem:s16], [sflag:$0x9] =	stream.linear.gather [spmem:s29], $0x1700, $0x38;
	[tilespmem:$0x1F780] =	vst v63  }
0x130: {  	_ =	swait.ge [sflag:s18], $0x1700  }
0x131: {  	[sflag:s18] =	ssyncset.done $0x0  }
0x132: {  	s26 =	sadd.s32 $0x0, s25;
	[sflag:s18] =	ssyncadd.s32 $0xFFFFE900  }
0x133: {  	[hbm4b:s26+s12] =	stream.strided.scatter [tilespmem:s16], [sflag:$0x6], $0x1700, s15, s12, $0x38;
	[tilespmem:$0x1F780] =	vst v63  }
0x134: {  	_ = 	snop  }
0x135: {  	[spmem:s29] =	stream.linear.scatter [tilespmem:s17], [sflag:$0x9], $0x1700, $0x38;
	[tilespmem:$0x1F780] =	vst v63  }
0x136: {  	_ =	swait.ge [sflag:s18], $0x1700  }
0x137: {  	s10 =	simm.s32 $0xB80;
	s13 =	smov.u32 s1;
	[sflag:s18] =	ssyncset.done $0x0  }
.LBB2_8:
0x138: {  	[sflag:s18] =	ssyncadd.s32 $0xFFFFE900;
	s29 =	sadd.s32 $0x2E00, s29;
	s13 =	sadd.s32 $0x5C00, s13  }
0x139: {  	p0 =	sne.s32 s10, $0x4500;
	s14 =	smov.u32 s10;
	s10 =	sadd.s32 $0xB80, s10  }
0x13a: {  	_ =	swait.ge [sflag:s2], $0x1700  }
0x13b: {  	[sflag:s2] =	ssyncset.done $0x0  }
0x13c: {  	s26 =	sadd.s32 $0xFFFFE900, s29;
	[sflag:s2] =	ssyncadd.s32 $0xFFFFE900  }
0x13d: {  	[tilespmem:s0], [sflag:$0x9] =	stream.linear.gather [spmem:s26], $0x1700, $0x38;
	[tilespmem:$0x1F780] =	vst v63  }
0x13e: {  	_ =	swait.ge [sflag:s18], $0x1700  }
0x13f: {  	s1 =	sshrl.u32 s13, $0x3;
	[sflag:s18] =	ssyncset.done $0x0  }
0x140: {  	s1 =	sadd.s32 s5, s1;
	[sflag:s18] =	ssyncadd.s32 $0xFFFFE900  }
0x141: {  	[hbm4b:s1+s12] =	stream.strided.scatter [tilespmem:s0], [sflag:$0x5], $0x1700, s15, s12, $0x38;
	[tilespmem:$0x1F780] =	vst v63  }
0x142: {  	_ = 	snop  }
0x143: {  	[spmem:s26] =	stream.linear.scatter [tilespmem:s17], [sflag:$0x9], $0x1700, $0x38;
	[tilespmem:$0x1F780] =	vst v63  }
0x144: {  	_ =	swait.ge [sflag:s18], $0x1700  }
0x145: {  	[sflag:s18] =	ssyncset.done $0x0  }
0x146: {  	[sflag:s18] =	ssyncadd.s32 $0xFFFFE900  }
0x147: {  	_ =	swait.ge [sflag:s9], $0x1700  }
0x148: {  	[sflag:s9] =	ssyncset.done $0x0  }
0x149: {  	[sflag:s9] =	ssyncadd.s32 $0xFFFFE900  }
0x14a: {  	[tilespmem:s16], [sflag:$0x9] =	stream.linear.gather [spmem:s29], $0x1700, $0x38;
	[tilespmem:$0x1F780] =	vst v63  }
0x14b: {  	_ =	swait.ge [sflag:s18], $0x1700  }
0x14c: {  	[sflag:s18] =	ssyncset.done $0x0  }
0x14d: {  	s1 =	sadd.s32 s14, s25;
	[sflag:s18] =	ssyncadd.s32 $0xFFFFE900  }
0x14e: {  	[hbm4b:s1+s12] =	stream.strided.scatter [tilespmem:s16], [sflag:$0x6], $0x1700, s15, s12, $0x38;
	[tilespmem:$0x1F780] =	vst v63  }
.Ltmp3:
0x14f: {  	_ = 	snop;
	(pc) =	sbr.rel @p0 .LBB2_8-.Ltmp3, $4  }
0x150: {  	_ = 	snop  }
0x151: {  	[spmem:s29] =	stream.linear.scatter [tilespmem:s17], [sflag:$0x9], $0x1700, $0x38;
	[tilespmem:$0x1F780] =	vst v63  }
0x152: {  	_ =	swait.ge [sflag:s18], $0x1700  }
0x153: {  	[sflag:s18] =	ssyncset.done $0x0  }
0x154: {  	[sflag:s18] =	ssyncadd.s32 $0xFFFFE900  }
0x155: {  	_ =	swait.ge [sflag:s2], $0x1700  }
0x156: {  	[sflag:s2] =	ssyncset.done $0x0  }
0x157: {  	s26 =	rddreg [dreg:$0x7];
	[sflag:s2] =	ssyncadd.s32 $0xFFFFE900  }
0x158: {  	[tilespmem:s0], [sflag:$0x9] =	stream.linear.gather [spmem:s26], $0x1700, $0x38;
	[tilespmem:$0x1F780] =	vst v63  }
0x159: {  	_ =	swait.ge [sflag:s18], $0x1700  }
0x15a: {  	[sflag:s18] =	ssyncset.done $0x0  }
0x15b: {  	s1 =	rddreg [dreg:$0x8];
	[sflag:s18] =	ssyncadd.s32 $0xFFFFE900  }
0x15c: {  	[hbm4b:s1+s12] =	stream.strided.scatter [tilespmem:s0], [sflag:$0x5], $0x1700, s15, s12, $0x38;
	[tilespmem:$0x1F780] =	vst v63  }
0x15d: {  	_ = 	snop  }
0x15e: {  	[spmem:s26] =	stream.linear.scatter [tilespmem:s17], [sflag:$0x9], $0x1700, $0x38;
	[tilespmem:$0x1F780] =	vst v63  }
0x15f: {  	_ =	swait.ge [sflag:s18], $0x1700  }
0x160: {  	[sflag:s18] =	ssyncset.done $0x0  }
0x161: {  	[sflag:s18] =	ssyncadd.s32 $0xFFFFE900  }
0x162: {  	_ =	swait.ge [sflag:s9], $0x1700  }
0x163: {  	[sflag:s9] =	ssyncset.done $0x0  }
0x164: {  	[sflag:s9] =	ssyncadd.s32 $0xFFFFE900  }
0x165: {  	_ =	swait.ge [sflag:s2], $0x1700  }
0x166: {  	s10 =	sld [smem:$0x7FC];
	_ =	sdelay $0x2  }
0x167: {  	s29 =	rddreg [dreg:$0x9];
	s10 =	sadd.s32 $0x1, s10  }
0x168: {  	p0 =	sne.s32 s10, s29  }
.Ltmp4:
0x169: {  	[sflag:s2] =	ssyncset.done $0x0;
	(pc) =	sbr.rel @p0 .LBB2_1-.Ltmp4, $4  }
0x16a: {  	[sflag:s2] =	ssyncadd.s32 $0xFFFFE900  }
0x16b: {  	[bflag:$0x0] =	sbarrier.arrive $0xFFFF  }
0x16c: {  	s1 =	rddreg [dreg:$0x1]  }
0x16d: {  	s14 =	rddreg [dreg:$0xa]  }
0x16e: {  	_ =	sfence.sel $0x180000  }
0x16f: {  	[bflag:$0x0] =	sbarrier.arrive $0xFFFF  }
0x170: {  	_ =	strace $0x9000004A  }
0x171: {  	s0 =	stileid.u32;
	[bflag:$0x2] =	sbarrier.arrive $0xFFFF  }
0x172: {  	p0 =	sne.s32 s0, $0x0;
	s0 =	rddreg [dreg:$0x2]  }
0x173: {  	s0 =	sadd.s32 @!p0 $0x100000, s0  }
0x174: {  	[sflag:s0] =	ssyncadd.tile.s32 @!p0 $0x1;
	_ =	shalt  }
.Lfunc_end2:
_tile_overlayer_lowered:
.L_overlay_start_2:
0x175: {  	(tag) =	ssettag $0x2  }
0x176: {  	s0 =	rddreg [dreg:$0x0];
	s2 =	stileid.u32  }
0x177: {  	s1 =	rddreg [dreg:$0x1];
	p0 =	sne.s32 s2, $0x0  }
0x178: {  	s3 =	rddreg [dreg:$0x2];
	[bflag:$0x3] =	sbarrier.arrive $0xFFFF;
	s2 =	simm.s32 @!p0 $0x1C09  }
0x179: {  	[timem:s3], [sflag:s2] =	dma.local @!p0 [hbm:s0], s1  }
0x17a: {  	s0 =	simm.s32 @!p0 $0x9  }
0x17b: {  	_ =	swait.ge @!p0 [sflag:s0], s1  }
0x17c: {  	s1 =	ssub.s32 @!p0 $0x0, s1;
	[sflag:s0] =	ssyncset.done @!p0 $0x0  }
0x17d: {  	[sflag:s0] =	ssyncadd.s32 @!p0 s1  }
0x17e: {  	[bflag:$0x3] =	sbarrier.arrive $0xFFFF  }
0x17f: {  	_ =	shalt  }

// kernel: kernel.16.cloned.1.call-start
scs
__scs_entry_jumppad:
0x0: {  	(pc) =	sbr.rel $0x88, $3  }
0x1: {  	(tag) =	ssettag $0x0;
	lr =	simm.s32 $0x1  }
0x2: {  	[smem:$0x3F94] =	sst lr;
	_ =	strace $0xD0000000  }
0x3: {  	_ = 	snop  }
0x4: {  	_ = 	snop  }
0x5: {  	_ = 	snop  }
0x6: {  	_ = 	snop  }
0x7: {  	_ = 	snop  }
__scs_overlays_trampoline_lowered:
0x8: {  	[smem:$0x3FA3] =	sst s0  }
0x9: {  	[smem:$0x3FA4] =	sst s1  }
0xa: {  	[smem:$0x3FA5] =	sst s2  }
0xb: {  	[smem:$0x3FA6] =	sst s3  }
0xc: {  	[smem:$0x3FA7] =	sst s4  }
0xd: {  	[smem:$0x3FA8] =	sst s5  }
0xe: {  	[smem:$0x3FA9] =	sst s6  }
0xf: {  	[smem:$0x3FAA] =	sst s7  }
0x10: {  	[smem:$0x3FAB] =	sst s8  }
0x11: {  	[smem:$0x3FAC] =	sst s9;
	s0 =	simm.s32 @!p0 $0x0  }
0x12: {  	s1 =	sld [smem:$0x3F92];
	s0 =	simm.s32 @p0 $0x1  }
0x13: {  	[smem:$0x3FAD] =	sst s0;
	s0 =	simm.s32 @!p1 $0x0  }
0x14: {  	s2 =	sld [smem:$0x3F91];
	s0 =	simm.s32 @p1 $0x1  }
0x15: {  	[smem:$0x3FAE] =	sst s0;
	s0 =	simm.s32 @!p2 $0x0  }
0x16: {  	s3 =	sld [smem:$0x3FDB];
	s0 =	simm.s32 @p2 $0x1  }
0x17: {  	s4 =	simm.s32 $0x1BF5;
	[smem:$0x3FB0] =	sst s0  }
0x18: {  	s0 =	sld [smem:$0x3F93];
	_ =	swait.ge [sflag:s4], $0x0  }
0x19: {  	s7 =	sld [smem:$0x3F94]  }
0x1a: {  	s8 =	sadd.s32 $0xFFFFE003, lr  }
0x1b: {  	s9 =	sadd.s32 $0xFFFFFEF7, lr;
	s5 =	simm.s32 $0xFFFFFFFF;
	p2 =	slt.u32 s8, $0xFFFFF086  }
0x1c: {  	p1 =	slt.u32 s9, $0xF7A;
	s5 =	simm.s32 @!p2 $0x0  }
0x1d: {  	s5 =	simm.s32 @p1 $0x1;
	p0 =	seq.s32 s7, s2  }
0x1e: {  	s7 =	smul.u32 @!p0 $0xF7A, s2;
	p2 =	seq.s32 @!p0 s5, $0x0  }
0x1f: {  	s9 =	smul.u32 $0xF7A, s1;
	s8 =	simm.s32 @!p0 $0x1BF5;
	p2 =	por !p2, p0  }
0x20: {  	[sflag:s8] =	ssyncset.s32 @!p0 $0xFFFFF086;
	s6 =	sadd.s32 @!p0 s3, s7;
	s7 =	simm.s32 @!p0 $0x108  }
0x21: {  	s3 =	sadd.s32 s3, s9;
	s6 =	sadd.s32 @!p0 $0x88, s6;
	s7 =	simm.s32 @p2 $0x1082  }
0x22: {  	[simem:s7], [sflag:s8] =	dma.local @!p0 [hbm:s6], $0xF7A  }
0x23: {  	s9 =	sor.u32 $0xD0000000, s2;
	s6 =	simm.s32 $0x108;
	_ =	swait.ge @!p0 [sflag:s8], $0x0  }
0x24: {  	s3 =	sadd.s32 $0x88, s3;
	s6 =	simm.s32 @!p1 $0x1082;
	[sflag:s4] =	ssyncset.s32 $0xFFFFF086  }
0x25: {  	[simem:s6], [sflag:s4] =	dma.local [hbm:s3], $0xF7A  }
0x26: {  	[smem:$0x3F94] =	sst s1;
	(tag) =	ssettag s2;
	_ =	strace s9  }
0x27: {  	s1 =	sld [smem:$0x3FA4]  }
0x28: {  	s2 =	sld [smem:$0x3FA5]  }
0x29: {  	s4 =	sld [smem:$0x3FA7]  }
0x2a: {  	p0 =	seq.s32 s5, $0x0;
	s5 =	sld [smem:$0x3FA8]  }
0x2b: {  	s6 =	sld [smem:$0x3FA9]  }
0x2c: {  	s7 =	sld [smem:$0x3FAA]  }
0x2d: {  	s3 =	simm.s32 $0x108;
	s8 =	sld [smem:$0x3FAB]  }
0x2e: {  	s3 =	simm.s32 @!p0 $0x1082;
	s9 =	sld [smem:$0x3FAC]  }
0x2f: {  	lr =	sadd.s32 s0, s3;
	s0 =	sld [smem:$0x3FA3]  }
0x30: {  	s3 =	sld [smem:$0x3FA6]  }
0x31: {  	[smem:$0x3FAF] =	sst s10  }
0x32: {  	s10 =	sld [smem:$0x3FAD];
	_ =	sdelay $0x3  }
0x33: {  	p0 =	seq.s32 s10, $0x1;
	s10 =	sld [smem:$0x3FAF];
	_ =	sdelay $0x3  }
0x34: {  	[smem:$0x3FAF] =	sst s10  }
0x35: {  	s10 =	sld [smem:$0x3FAE];
	_ =	sdelay $0x3  }
0x36: {  	p1 =	seq.s32 s10, $0x1;
	s10 =	sld [smem:$0x3FAF];
	_ =	sdelay $0x3  }
0x37: {  	[smem:$0x3FAF] =	sst s10  }
0x38: {  	s10 =	sld [smem:$0x3FB0]  }
0x39: {  	_ = 	snop;
	(pc) =	sbr.ind lr, $3  }
0x3a: {  	_ = 	snop  }
0x3b: {  	_ = 	snop  }
0x3c: {  	p2 =	seq.s32 s10, $0x1;
	s10 =	sld [smem:$0x3FAF]  }
0x3d: {  	_ =	shalt  }
0x3e: {  	_ =	shalt  }
0x3f: {  	_ =	shalt  }
0x40: {  	_ =	shalt  }
0x41: {  	_ =	shalt  }
0x42: {  	_ =	shalt  }
0x43: {  	_ =	shalt  }
0x44: {  	_ =	shalt  }
0x45: {  	_ =	shalt  }
0x46: {  	_ =	shalt  }
0x47: {  	_ =	shalt  }
0x48: {  	_ =	shalt  }
0x49: {  	_ =	shalt  }
0x4a: {  	_ =	shalt  }
0x4b: {  	_ =	shalt  }
0x4c: {  	_ =	shalt  }
0x4d: {  	_ =	shalt  }
0x4e: {  	_ =	shalt  }
0x4f: {  	_ =	shalt  }
0x50: {  	_ =	shalt  }
0x51: {  	_ =	shalt  }
0x52: {  	_ =	shalt  }
0x53: {  	_ =	shalt  }
0x54: {  	_ =	shalt  }
0x55: {  	_ =	shalt  }
0x56: {  	_ =	shalt  }
0x57: {  	_ =	shalt  }
0x58: {  	_ =	shalt  }
0x59: {  	_ =	shalt  }
0x5a: {  	_ =	shalt  }
0x5b: {  	_ =	shalt  }
0x5c: {  	_ =	shalt  }
0x5d: {  	_ =	shalt  }
0x5e: {  	_ =	shalt  }
0x5f: {  	_ =	shalt  }
0x60: {  	_ =	shalt  }
0x61: {  	_ =	shalt  }
0x62: {  	_ =	shalt  }
0x63: {  	_ =	shalt  }
0x64: {  	_ =	shalt  }
0x65: {  	_ =	shalt  }
0x66: {  	_ =	shalt  }
0x67: {  	_ =	shalt  }
0x68: {  	_ =	shalt  }
0x69: {  	_ =	shalt  }
0x6a: {  	_ =	shalt  }
0x6b: {  	_ =	shalt  }
0x6c: {  	_ =	shalt  }
0x6d: {  	_ =	shalt  }
0x6e: {  	_ =	shalt  }
0x6f: {  	_ =	shalt  }
0x70: {  	_ =	shalt  }
0x71: {  	_ =	shalt  }
0x72: {  	_ =	shalt  }
0x73: {  	_ =	shalt  }
0x74: {  	_ =	shalt  }
0x75: {  	_ =	shalt  }
0x76: {  	_ =	shalt  }
0x77: {  	_ =	shalt  }
0x78: {  	_ =	shalt  }
0x79: {  	_ =	shalt  }
0x7a: {  	_ =	shalt  }
0x7b: {  	_ =	shalt  }
0x7c: {  	_ =	shalt  }
0x7d: {  	_ =	shalt  }
0x7e: {  	_ =	shalt  }
0x7f: {  	_ =	shalt  }
0x80: {  	_ =	shalt  }
0x81: {  	_ =	shalt  }
0x82: {  	_ =	shalt  }
0x83: {  	_ =	shalt  }
0x84: {  	_ =	shalt  }
0x85: {  	_ =	shalt  }
0x86: {  	_ =	shalt  }
0x87: {  	_ =	shalt  }
.Lfunc_end0:
.L_simem_size_0:
called_computation.3_lowered:
.L_overlay_start_0:
0x88: {  	s2 =	sld [smem:$0x3FD9]  }
0x89: {  	s3 =	sld [smem:$0x3FFE];
	_ =	sdelay $0x1  }
0x8a: {  	s1 =	srdreg.scid  }
0x8b: {  	s0 =	sand.u32 $0x1, s1  }
0x8c: {  	s16 =	sshll.u32 s0, $0xA;
	s2 =	sadd.s32 s3, s2  }
0x8d: {  	s2 =	sadd.s32 s2, s16  }
0x8e: {  	[smem:$0x3FBB] =	sst s2  }
0x8f: {  	_ = 	snop  }
0x90: {  	(tm) =	ssettm $0x1  }
0x91: {  	s17 =	sld [smem:$0x3FFB];
	_ =	sdelay $0x3  }
0x92: {  	_ =	strace s17  }
0x93: {  	s2 =	sld [smem:$0x3FFC];
	_ =	sdelay $0x3  }
0x94: {  	_ =	strace s2  }
0x95: {  	s2 =	sld [smem:$0x3FFD];
	_ =	sdelay $0x3  }
0x96: {  	_ =	strace s2  }
0x97: {  	_ =	strace $0x8FFFFFFF  }
0x98: {  	s18 =	sld [smem:$0x3FDB];
	_ =	sdelay $0x1  }
0x99: {  	s19 =	simm.s32 $_scs_section_size  }
0x9a: {  	s4 =	simm.s32 $_size__tile_overlayer_lowered;
	s5 =	simm.s32 $_tile_overlayer_lowered  }
0x9b: {  	s22 =	simm.s32 $0x1BFF;
	s21 =	sshll.u32 s5, $0x1;
	s2 =	sadd.s32 s19, s18  }
0x9c: {  	s6 =	simm.s32 $0x0;
	s20 =	sshll.u32 s4, $0x1;
	s4 =	sadd.s32 s21, s2  }
0x9d: {  	[timem:s6], [sflag:s22] =	dma.local [hbm:s4], s20  }
0x9e: {  	_ =	swait.ge [sflag:s22], s20  }
0x9f: {  	s3 =	ssub.s32 $0x0, s20;
	[sflag:s22] =	ssyncset.done $0x0  }
0xa0: {  	[sflag:s22] =	ssyncadd.s32 s3;
	_ =	sdelay $0x1  }
0xa1: {  	s23 =	simm.s32 $0x1B8B  }
0xa2: {  	_ =	swait.ge [sflag:s23], $0x1  }
0xa3: {  	[sflag:s23] =	ssyncset.done $0x0  }
0xa4: {  	s25 =	simm.s32 $0x1B8E;
	s24 =	sld [smem:$0x3FFE];
	[sflag:s23] =	ssyncadd.s32 $0xFFFFFFFF  }
0xa5: {  	s26 =	simm.s32 $execute0_lowered;
	[smem:$0x3FD2] =	sst s25  }
0xa6: {  	s4 =	sshll.u32 s26, $0x1;
	_ =	strace $0x8000004C;
	[dreg:$0x1] =	wrdreg $0xFFFFFFFF  }
0xa7: {  	s28 =	simm.s32 $_size_execute0_lowered;
	s2 =	sadd.s32 s2, s4;
	[dreg:$0x0] =	wrdreg $0x0  }
0xa8: {  	s4 =	sshll.u32 s28, $0x1;
	[dreg:$0x2] =	wrdreg s2  }
0xa9: {  	[dreg:$0x3] =	wrdreg s4  }
0xaa: {  	[dreg:$0x4] =	wrdreg $0xC0  }
0xab: {  	_ =	task [dreg:s6], $0x5FFFF  }
0xac: {  	[dreg:$0x1] =	wrdreg $0xFFFFFFFF  }
0xad: {  	[dreg:$0x0] =	wrdreg $0x60  }
0xae: {  	[dreg:$0x2] =	wrdreg s24  }
0xaf: {  	[dreg:$0x3] =	wrdreg $0x70800  }
0xb0: {  	[dreg:$0x4] =	wrdreg $0x9  }
0xb1: {  	_ =	task.clear_ibuf [dreg:s6], $0x5FFFF;
	_ =	strace $0x9000004C  }
0xb2: {  	s29 =	simm.s32 $0x9;
	_ =	strace $0x8000004E  }
0xb3: {  	_ =	swait.ge [sflag:s29], $0x1  }
0xb4: {  	[sflag:s29] =	ssyncadd.s32 $0xFFFFFFFF  }
0xb5: {  	_ =	strace $0x9000004E  }
0xb6: {  	_ =	sfence  }
0xb7: {  	s30 =	sld [smem:$0x0];
	_ =	sdelay $0x2  }
0xb8: {  	s31 =	sshll.u32 s1, $0xD;
	s1 =	sshrl.u32 s1, $0x2  }
0xb9: {  	s3 =	sand.u32 $0x4000, s31;
	s1 =	sadd.s32 s1, s30  }
0xba: {  	s0 =	sor.u32 s3, s0;
	s1 =	sshll.u32 s1, $0x11  }
0xbb: {  	s0 =	sor.u32 s1, s0  }
0xbc: {  	s0 =	sadd.s32 $0x8F2B, s0  }
0xbd: {  	[sflag:s0] =	ssyncadd.remote.s32 $0x1  }
0xbe: {  	_ =	sfence.sel $0xFFFF  }
0xbf: {  	[dreg:$0x0] =	wrdreg $0xFFFFFFFF;
	(pc) =	sbr.abs _section_cstart, $3  }
0xc0: {  	[dreg:$0x1] =	wrdreg $0xFFFFFFFF  }
0xc1: {  	_ =	task.clear_ibuf [dreg:s6], $0x2FFFF;
	_ =	strace $0x9FFFFFFF  }
0xc2: {  	(tm) =	ssettm $0x7FFFFFFF  }
0xc3: {  	_ =	shalt  }
tec
execute0_lowered:
.L_overlay_start_1:
0x0: {  	(tag) =	ssettag $0x1  }
0x1: {  	s0 =	rddreg [dreg:$0x0]  }
0x2: {  	s1 =	rddreg [dreg:$0x1]  }
0x3: {  	s2 =	simm.s32 $0x0;
	s3 =	srdreg.scid;
	s12 =	stileid.u32  }
0x4: {  	[smem:$0x7FF] =	sst s2;
	s3 =	sand.u32 $0x1, s3;
	s9 =	smul.u32 $0x186A0, s12  }
0x5: {  	s4 =	sadd.s32 $0x314800, s0;
	s5 =	sadd.s32 $0x35200, s0;
	s15 =	smul.u32 $0x1870, s12  }
0x6: {  	s6 =	sadd.s32 $0x4400, s0;
	s13 =	sadd.s32 $0xC7C00, s0;
	s22 =	smul.u32 $0xC3800, s12  }
0x7: {  	_ =	strace $0x8000004D;
	s7 =	ssub.s32 $0x2, s3;
	s11 =	sshll.u32 s3, $0x2  }
0x8: {  	[dreg:$0x3] =	wrdreg s13;
	s8 =	sshrl.u32 s7, $0x1;
	s10 =	sshrl.u32 s9, $0x3  }
0x9: {  	[dreg:$0x4] =	wrdreg s11;
	s19 =	sshll.u32 s15, $0x4;
	s14 =	sadd.s32 $0x640, s9  }
0xa: {  	[dreg:$0xc] =	wrdreg s22;
	s26 =	ssub.s32 s7, s8;
	s16 =	sadd.s32 s5, s10  }
0xb: {  	s10 =	sadd.s32 s6, s10;
	s20 =	sadd.s32 $0x17000, s19;
	[dreg:$0x5] =	wrdreg s16  }
0xc: {  	s8 =	sadd.s32 $0x320, s9;
	[dreg:$0x6] =	wrdreg s10;
	s10 =	sadd.s32 s20, s1  }
0xd: {  	s7 =	sadd.s32 $0x170, s15;
	s9 =	sadd.s32 s13, s20;
	[dreg:$0x9] =	wrdreg s10  }
0xe: {  	s17 =	sshrl.u32 s8, $0x3;
	s0 =	smax.u32 s26, $0x1;
	[dreg:$0xa] =	wrdreg s9  }
0xf: {  	s24 =	sshll.u32 s7, $0x4;
	s7 =	sshll.u32 s7, $0x7;
	[dreg:$0xb] =	wrdreg s0  }
0x10: {  	s21 =	smul.u32 $0x61C00, s12;
	s18 =	sadd.s32 s5, s17;
	[dreg:$0x11] =	wrdreg s7  }
0x11: {  	s11 =	sadd.s32 s6, s17;
	[dreg:$0x7] =	wrdreg s18  }
0x12: {  	s23 =	sshrl.u32 s21, $0x2;
	s25 =	sadd.s32 s24, s1;
	[dreg:$0x8] =	wrdreg s11  }
0x13: {  	s10 =	sadd.s32 s23, s1;
	[dreg:$0xe] =	wrdreg s25  }
0x14: {  	s9 =	sadd.s32 $0x2E00, s10;
	[dreg:$0xd] =	wrdreg s10  }
0x15: {  	s12 =	sadd.s32 $0x4500, s10;
	[dreg:$0xf] =	wrdreg s9  }
0x16: {  	s15 =	sadd.s32 $0x5C00, s10;
	[dreg:$0x10] =	wrdreg s12  }
0x17: {  	s16 =	sadd.s32 $0x7300, s10;
	[dreg:$0x14] =	wrdreg s15  }
0x18: {  	s30 =	simm.s32 $0x9;
	s17 =	sadd.s32 $0x8A00, s10;
	[dreg:$0x15] =	wrdreg s16  }
0x19: {  	s31 =	simm.s32 $0x320;
	s18 =	sadd.s32 $0xA100, s10;
	[dreg:$0x16] =	wrdreg s17  }
0x1a: {  	s28 =	simm.s32 $0x2;
	s19 =	sadd.s32 $0xB800, s10;
	[dreg:$0x17] =	wrdreg s18  }
0x1b: {  	s29 =	simm.s32 $0x4;
	s20 =	sadd.s32 $0xCF00, s10;
	[dreg:$0x18] =	wrdreg s19  }
0x1c: {  	s3 =	sshll.u32 s3, $0x6;
	s21 =	sadd.s32 $0xE600, s10;
	[dreg:$0x19] =	wrdreg s20  }
0x1d: {  	s26 =	sor.u32 s3, s22;
	s22 =	sadd.s32 $0xFD00, s10;
	[dreg:$0x1a] =	wrdreg s21  }
0x1e: {  	s0 =	sadd.s32 $0x17000, s26;
	s23 =	sadd.s32 $0x11400, s10;
	[dreg:$0x1b] =	wrdreg s22  }
0x1f: {  	s11 =	sadd.s32 $0x22800, s26;
	s24 =	sadd.s32 $0x12B00, s10;
	[dreg:$0x1c] =	wrdreg s23  }
0x20: {  	s0 =	sshrl.u32 s0, $0x3;
	s25 =	sadd.s32 $0x14200, s10;
	[dreg:$0x1d] =	wrdreg s24  }
0x21: {  	s26 =	sadd.s32 $0x15900, s10;
	s10 =	simm.s32 $0x6;
	[dreg:$0x1e] =	wrdreg s25  }
0x22: {  	s3 =	sshrl.u32 s11, $0x3;
	s0 =	sadd.s32 s0, s13;
	[dreg:$0x1f] =	wrdreg s26  }
0x23: {  	s24 =	simm.s32 $0x3E80;
	s25 =	simm.s32 $0x640;
	s17 =	simm.s32 $0x3  }
0x24: {  	s21 =	simm.s32 $0xC80;
	s26 =	simm.s32 $0x5;
	s9 =	simm.s32 $0x7  }
0x25: {  	s12 =	simm.s32 $0x10;
	s16 =	simm.s32 $0x2380;
	s11 =	simm.s32 $0x0  }
0x26: {  	s3 =	sadd.s32 s3, s13;
	[dreg:$0x13] =	wrdreg s0;
	s0 =	simm.s32 $0x960  }
0x27: {  	v0 =	vimm.f32 $0.0e+00;
	s13 =	simm.s32 $0x80;
	[dreg:$0x12] =	wrdreg s3;
	s3 =	simm.s32 $0x1  }
.LBB2_1:
0x28: {  	[smem:$0x7FD] =	sst s11;
	s7 =	simm.s32 $0x40;
	s11 =	simm.s32 $0x0  }
.LBB2_2:
0x29: {  	p0 =	sne.s32 s7, $0x5BC0;
	[tilespmem:s11+$0x3E80] =	vst v0;
	s11 =	smov.u32 s7;
	s7 =	sadd.s32 $0x40, s7  }
.Ltmp0:
0x2a: {  	(pc) =	sbr.rel @p0 .LBB2_2-.Ltmp0, $2  }
0x2b: {  	_ =	sdelay $0x2  }
0x2c: {  	s11 =	sshra.s32 s11, $0x2  }
0x2d: {  	[tilespmem:s11+$0x3E80] =	vst v0;
	s7 =	rddreg [dreg:$0xd]  }
0x2e: {  	[spmem:s7] =	stream.linear.scatter [tilespmem:s24], [sflag:$0x9], $0x1700, $0x38;
	[tilespmem:$0x1F780] =	vst v63  }
0x2f: {  	_ =	swait.ge [sflag:s30], $0x1700  }
0x30: {  	[sflag:s30] =	ssyncset.done $0x0  }
0x31: {  	s22 =	rddreg [dreg:$0xe];
	[sflag:s30] =	ssyncadd.s32 $0xFFFFE900  }
0x32: {  	[spmem:s22] =	stream.linear.scatter [tilespmem:s24], [sflag:$0x9], $0x1700, $0x38;
	[tilespmem:$0x1F780] =	vst v63  }
0x33: {  	_ =	swait.ge [sflag:s30], $0x1700  }
0x34: {  	[sflag:s30] =	ssyncset.done $0x0  }
0x35: {  	s23 =	rddreg [dreg:$0xf];
	[sflag:s30] =	ssyncadd.s32 $0xFFFFE900  }
0x36: {  	[spmem:s23] =	stream.linear.scatter [tilespmem:s24], [sflag:$0x9], $0x1700, $0x38;
	[tilespmem:$0x1F780] =	vst v63  }
0x37: {  	_ =	swait.ge [sflag:s30], $0x1700  }
0x38: {  	[sflag:s30] =	ssyncset.done $0x0  }
0x39: {  	s11 =	rddreg [dreg:$0x10];
	[sflag:s30] =	ssyncadd.s32 $0xFFFFE900  }
0x3a: {  	[spmem:s11] =	stream.linear.scatter [tilespmem:s24], [sflag:$0x9], $0x1700, $0x38;
	[tilespmem:$0x1F780] =	vst v63  }
0x3b: {  	_ =	swait.ge [sflag:s30], $0x1700  }
0x3c: {  	[sflag:s30] =	ssyncset.done $0x0  }
0x3d: {  	s15 =	rddreg [dreg:$0x14];
	[sflag:s30] =	ssyncadd.s32 $0xFFFFE900  }
0x3e: {  	[spmem:s15] =	stream.linear.scatter [tilespmem:s24], [sflag:$0x9], $0x1700, $0x38;
	[tilespmem:$0x1F780] =	vst v63  }
0x3f: {  	_ =	swait.ge [sflag:s30], $0x1700  }
0x40: {  	[sflag:s30] =	ssyncset.done $0x0  }
0x41: {  	s18 =	rddreg [dreg:$0x15];
	[sflag:s30] =	ssyncadd.s32 $0xFFFFE900  }
0x42: {  	[spmem:s18] =	stream.linear.scatter [tilespmem:s24], [sflag:$0x9], $0x1700, $0x38;
	[tilespmem:$0x1F780] =	vst v63  }
0x43: {  	_ =	swait.ge [sflag:s30], $0x1700  }
0x44: {  	[sflag:s30] =	ssyncset.done $0x0  }
0x45: {  	s19 =	rddreg [dreg:$0x16];
	[sflag:s30] =	ssyncadd.s32 $0xFFFFE900  }
0x46: {  	[spmem:s19] =	stream.linear.scatter [tilespmem:s24], [sflag:$0x9], $0x1700, $0x38;
	[tilespmem:$0x1F780] =	vst v63  }
0x47: {  	_ =	swait.ge [sflag:s30], $0x1700  }
0x48: {  	[sflag:s30] =	ssyncset.done $0x0  }
0x49: {  	s20 =	rddreg [dreg:$0x17];
	[sflag:s30] =	ssyncadd.s32 $0xFFFFE900  }
0x4a: {  	[spmem:s20] =	stream.linear.scatter [tilespmem:s24], [sflag:$0x9], $0x1700, $0x38;
	[tilespmem:$0x1F780] =	vst v63  }
0x4b: {  	_ =	swait.ge [sflag:s30], $0x1700  }
0x4c: {  	[sflag:s30] =	ssyncset.done $0x0  }
0x4d: {  	s22 =	rddreg [dreg:$0x18];
	[sflag:s30] =	ssyncadd.s32 $0xFFFFE900  }
0x4e: {  	[spmem:s22] =	stream.linear.scatter [tilespmem:s24], [sflag:$0x9], $0x1700, $0x38;
	[tilespmem:$0x1F780] =	vst v63  }
0x4f: {  	_ =	swait.ge [sflag:s30], $0x1700  }
0x50: {  	[sflag:s30] =	ssyncset.done $0x0  }
0x51: {  	s23 =	rddreg [dreg:$0x19];
	[sflag:s30] =	ssyncadd.s32 $0xFFFFE900  }
0x52: {  	[spmem:s23] =	stream.linear.scatter [tilespmem:s24], [sflag:$0x9], $0x1700, $0x38;
	[tilespmem:$0x1F780] =	vst v63  }
0x53: {  	_ =	swait.ge [sflag:s30], $0x1700  }
0x54: {  	[sflag:s30] =	ssyncset.done $0x0  }
0x55: {  	s11 =	rddreg [dreg:$0x1a];
	[sflag:s30] =	ssyncadd.s32 $0xFFFFE900  }
0x56: {  	[spmem:s11] =	stream.linear.scatter [tilespmem:s24], [sflag:$0x9], $0x1700, $0x38;
	[tilespmem:$0x1F780] =	vst v63  }
0x57: {  	_ =	swait.ge [sflag:s30], $0x1700  }
0x58: {  	[sflag:s30] =	ssyncset.done $0x0  }
0x59: {  	s15 =	rddreg [dreg:$0x1b];
	[sflag:s30] =	ssyncadd.s32 $0xFFFFE900  }
0x5a: {  	[spmem:s15] =	stream.linear.scatter [tilespmem:s24], [sflag:$0x9], $0x1700, $0x38;
	[tilespmem:$0x1F780] =	vst v63  }
0x5b: {  	_ =	swait.ge [sflag:s30], $0x1700  }
0x5c: {  	[sflag:s30] =	ssyncset.done $0x0  }
0x5d: {  	s18 =	rddreg [dreg:$0x1c];
	[sflag:s30] =	ssyncadd.s32 $0xFFFFE900  }
0x5e: {  	[spmem:s18] =	stream.linear.scatter [tilespmem:s24], [sflag:$0x9], $0x1700, $0x38;
	[tilespmem:$0x1F780] =	vst v63  }
0x5f: {  	_ =	swait.ge [sflag:s30], $0x1700  }
0x60: {  	[sflag:s30] =	ssyncset.done $0x0  }
0x61: {  	s19 =	rddreg [dreg:$0x1d];
	[sflag:s30] =	ssyncadd.s32 $0xFFFFE900  }
0x62: {  	[spmem:s19] =	stream.linear.scatter [tilespmem:s24], [sflag:$0x9], $0x1700, $0x38;
	[tilespmem:$0x1F780] =	vst v63  }
0x63: {  	_ =	swait.ge [sflag:s30], $0x1700  }
0x64: {  	[sflag:s30] =	ssyncset.done $0x0  }
0x65: {  	s20 =	rddreg [dreg:$0x1e];
	[sflag:s30] =	ssyncadd.s32 $0xFFFFE900  }
0x66: {  	[spmem:s20] =	stream.linear.scatter [tilespmem:s24], [sflag:$0x9], $0x1700, $0x38;
	[tilespmem:$0x1F780] =	vst v63  }
0x67: {  	_ =	swait.ge [sflag:s30], $0x1700  }
0x68: {  	[sflag:s30] =	ssyncset.done $0x0  }
0x69: {  	s22 =	rddreg [dreg:$0x1f];
	[sflag:s30] =	ssyncadd.s32 $0xFFFFE900  }
0x6a: {  	[spmem:s22] =	stream.linear.scatter [tilespmem:s24], [sflag:$0x9], $0x1700, $0x38;
	[tilespmem:$0x1F780] =	vst v63  }
0x6b: {  	_ =	swait.ge [sflag:s30], $0x1700  }
0x6c: {  	[sflag:s30] =	ssyncset.done $0x0  }
0x6d: {  	s23 =	rddreg [dreg:$0x9];
	[sflag:s30] =	ssyncadd.s32 $0xFFFFE900  }
0x6e: {  	[spmem:s23] =	stream.linear.scatter [tilespmem:s24], [sflag:$0x9], $0x1700, $0x38;
	[tilespmem:$0x1F780] =	vst v63  }
0x6f: {  	_ =	swait.ge [sflag:s30], $0x1700  }
0x70: {  	[sflag:s30] =	ssyncset.done $0x0  }
0x71: {  	[sflag:s30] =	ssyncadd.s32 $0xFFFFE900  }
0x72: {  	[bflag:$0x0] =	sbarrier.arrive $0xFFFF  }
0x73: {  	s23 =	rddreg [dreg:$0x13]  }
0x74: {  	s7 =	simm.s32 $0x0;
	s11 =	rddreg [dreg:$0x12]  }
.LBB2_4:
0x75: {  	s15 =	rddreg [dreg:$0x5]  }
0x76: {  	s18 =	simm.s32 $0x0;
	s22 =	rddreg [dreg:$0x6]  }
0x77: {  	[tilespmem:s18], [sflag:$0x1] =	stream.linear.gather [hbm4b:s15+s18], $0x320, $0x38;
	[tilespmem:$0x1F780] =	vst v63  }
0x78: {  	s19 =	rddreg [dreg:$0x7]  }
0x79: {  	[tilespmem:s25], [sflag:$0x3] =	stream.linear.gather [hbm4b:s22+s18], $0x320, $0x38;
	[tilespmem:$0x1F780] =	vst v63  }
0x7a: {  	s22 =	rddreg [dreg:$0x4]  }
0x7b: {  	[tilespmem:s31], [sflag:$0x2] =	stream.linear.gather [hbm4b:s19+s18], $0x320, $0x38;
	[tilespmem:$0x1F780] =	vst v63  }
0x7c: {  	s20 =	rddreg [dreg:$0x8];
	s15 =	sadd.s32 s22, s7  }
0x7d: {  	[tilespmem:s0], [sflag:$0x4] =	stream.linear.gather [hbm4b:s20+s18], $0x320, $0x38;
	[tilespmem:$0x1F780] =	vst v63  }
0x7e: {  	[smem:$0x7FC] =	sst s15;
	v1 =	vmov s15;
	s20 =	simm.s32 $0x0  }
.LBB2_5:
0x7f: {  	_ =	swait.ge [sflag:s3], $0x320  }
0x80: {  	[sflag:s3] =	ssyncset.done $0x0  }
0x81: {  	[sflag:s3] =	ssyncadd.s32 $0xFFFFFCE0  }
0x82: {  	_ =	swait.ge [sflag:s17], $0x320  }
0x83: {  	[sflag:s17] =	ssyncset.done $0x0  }
0x84: {  	s22 =	simm.s32 $0x0;
	s18 =	simm.s32 $0x40;
	[sflag:s17] =	ssyncadd.s32 $0xFFFFFCE0  }
.LBB2_6:
0x85: {  	p0 =	sne.s32 s18, $0xC40;
	v2 =	vld [tilespmem:s22+$0x0];
	_ =	sdelay $0x1  }
.Ltmp1:
0x86: {  	(pc) =	sbr.rel @p0 .LBB2_6-.Ltmp1, $3  }
0x87: {  	_ =	sdelay $0x1  }
0x88: {  	v2 =	vadd.s32 v1, v2  }
0x89: {  	[tilespmem:s22+$0x0] =	vst v2;
	s22 =	sshra.s32 s18, $0x2;
	s18 =	sadd.s32 $0x40, s18  }
0x8a: {  	v2 =	vld [tilespmem:s22+$0x0];
	_ =	sdelay $0x4  }
0x8b: {  	p0 =	seq.s32 s20, $0x0;
	v2 =	vadd.s32 v1, v2  }
0x8c: {  	s18 =	simm.s32 @!p0 $0x8;
	[tilespmem:s22+$0x0] =	vst v2;
	s22 =	smul.u32 @!p0 $0x640, s20  }
0x8d: {  	[tilespmem:s21], [sflag:$0x5] =	stream.indirect.gather [hbm4b:s4+s31], $0x10, s2, s31, $0xb8;
	[tilespmem:$0x1F780] =	vst v63  }
0x8e: {  	_ =	swait.ge @!p0 [sflag:s18], $0x3200  }
0x8f: {  	s22 =	sadd.s32 @!p0 s22, s8;
	[sflag:s18] =	ssyncset.done @!p0 $0x0  }
0x90: {  	[sflag:s18] =	ssyncadd.s32 @!p0 $0xFFFFCE00;
	s18 =	sshrl.u32 @!p0 s22, $0x3  }
0x91: {  	s19 =	simm.s32 @!p0 $0x0;
	s15 =	simm.s32 @!p0 $0x320;
	s22 =	sadd.s32 @!p0 s5, s18  }
0x92: {  	[tilespmem:s15], [sflag:$0x2] =	stream.linear.gather @!p0 [hbm4b:s22+s19], $0x320, $0x38;
	[tilespmem:$0x1F780] =	vst v63  }
0x93: {  	s15 =	sadd.s32 @!p0 s6, s18;
	s18 =	simm.s32 @!p0 $0x960  }
0x94: {  	[tilespmem:s18], [sflag:$0x4] =	stream.linear.gather @!p0 [hbm4b:s15+s19], $0x320, $0x38;
	[tilespmem:$0x1F780] =	vst v63  }
0x95: {  	_ =	swait.ge [sflag:s26], $0x3200  }
0x96: {  	[sflag:s26] =	ssyncset.done $0x0  }
0x97: {  	[sflag:s26] =	ssyncadd.s32 $0xFFFFCE00  }
0x98: {  	[spmem:s1] =	stream.indirect.scatter.add.f32 [tilespmem:s21], [sflag:$0x7], $0x10, s25, s31, $0xb8;
	[tilespmem:$0x1F780] =	vst v63  }
0x99: {  	_ =	swait.ge [sflag:s28], $0x320  }
0x9a: {  	[sflag:s28] =	ssyncset.done $0x0  }
0x9b: {  	[sflag:s28] =	ssyncadd.s32 $0xFFFFFCE0  }
0x9c: {  	_ =	swait.ge [sflag:s29], $0x320  }
0x9d: {  	[sflag:s29] =	ssyncset.done $0x0  }
0x9e: {  	s22 =	simm.s32 $0x0;
	s18 =	simm.s32 $0x40;
	[sflag:s29] =	ssyncadd.s32 $0xFFFFFCE0  }
.LBB2_8:
0x9f: {  	p0 =	sne.s32 s18, $0xC40;
	v2 =	vld [tilespmem:s22+$0x320];
	_ =	sdelay $0x1  }
.Ltmp2:
0xa0: {  	(pc) =	sbr.rel @p0 .LBB2_8-.Ltmp2, $3  }
0xa1: {  	_ =	sdelay $0x1  }
0xa2: {  	v2 =	vadd.s32 v1, v2  }
0xa3: {  	[tilespmem:s22+$0x320] =	vst v2;
	s22 =	sshra.s32 s18, $0x2;
	s18 =	sadd.s32 $0x40, s18  }
0xa4: {  	v2 =	vld [tilespmem:s22+$0x320];
	_ =	sdelay $0x4  }
0xa5: {  	v2 =	vadd.s32 v1, v2  }
0xa6: {  	s15 =	smul.u32 $0x640, s20;
	[tilespmem:s22+$0x320] =	vst v2  }
0xa7: {  	[tilespmem:s24], [sflag:$0x6] =	stream.indirect.gather [hbm4b:s4+s31], $0x10, s31, s31, $0xb8;
	[tilespmem:$0x1F780] =	vst v63  }
0xa8: {  	s15 =	sadd.s32 s15, s14;
	_ =	swait.ge [sflag:s9], $0x3200  }
0xa9: {  	s15 =	sshrl.u32 s15, $0x3;
	[sflag:s9] =	ssyncset.done $0x0  }
0xaa: {  	s20 =	sadd.s32 $0x1, s20;
	s18 =	sadd.s32 s5, s15;
	[sflag:s9] =	ssyncadd.s32 $0xFFFFCE00  }
0xab: {  	[tilespmem:s2], [sflag:$0x1] =	stream.linear.gather [hbm4b:s18+s2], $0x320, $0x38;
	[tilespmem:$0x1F780] =	vst v63  }
0xac: {  	p0 =	sne.s32 s20, $0x3E;
	s15 =	sadd.s32 s6, s15  }
0xad: {  	[tilespmem:s25], [sflag:$0x3] =	stream.linear.gather [hbm4b:s15+s2], $0x320, $0x38;
	[tilespmem:$0x1F780] =	vst v63  }
.Ltmp3:
0xae: {  	_ = 	snop;
	(pc) =	sbr.rel @p0 .LBB2_5-.Ltmp3, $4  }
0xaf: {  	_ =	swait.ge [sflag:s10], $0x3200  }
0xb0: {  	[sflag:s10] =	ssyncset.done $0x0  }
0xb1: {  	[sflag:s10] =	ssyncadd.s32 $0xFFFFCE00  }
0xb2: {  	[spmem:s1] =	stream.indirect.scatter.add.f32 [tilespmem:s24], [sflag:$0x8], $0x10, s0, s31, $0xb8;
	[tilespmem:$0x1F780] =	vst v63  }
0xb3: {  	_ =	swait.ge [sflag:s3], $0x320  }
0xb4: {  	[sflag:s3] =	ssyncset.done $0x0  }
0xb5: {  	[sflag:s3] =	ssyncadd.s32 $0xFFFFFCE0  }
0xb6: {  	_ =	swait.ge [sflag:s17], $0x320  }
0xb7: {  	[sflag:s17] =	ssyncset.done $0x0  }
0xb8: {  	s20 =	simm.s32 $0x0;
	s18 =	simm.s32 $0x40;
	[sflag:s17] =	ssyncadd.s32 $0xFFFFFCE0  }
.LBB2_11:
0xb9: {  	p0 =	sne.s32 s18, $0xC40;
	v2 =	vld [tilespmem:s20+$0x0];
	_ =	sdelay $0x1  }
.Ltmp4:
0xba: {  	(pc) =	sbr.rel @p0 .LBB2_11-.Ltmp4, $3  }
0xbb: {  	_ =	sdelay $0x1  }
0xbc: {  	v2 =	vadd.s32 v1, v2  }
0xbd: {  	[tilespmem:s20+$0x0] =	vst v2;
	s20 =	sshra.s32 s18, $0x2;
	s18 =	sadd.s32 $0x40, s18  }
0xbe: {  	v2 =	vld [tilespmem:s20+$0x0];
	_ =	sdelay $0x4  }
0xbf: {  	v1 =	vadd.s32 v1, v2  }
0xc0: {  	s15 =	simm.s32 $0x0;
	s22 =	simm.s32 $0x8;
	[tilespmem:s20+$0x0] =	vst v1  }
0xc1: {  	[tilespmem:s21], [sflag:$0x5] =	stream.indirect.gather [hbm4b:s4+s31], $0x10, s15, s31, $0xb8;
	[tilespmem:$0x1F780] =	vst v63  }
0xc2: {  	_ =	swait.ge [sflag:s22], $0x3200  }
0xc3: {  	[sflag:s22] =	ssyncset.done $0x0  }
0xc4: {  	[sflag:s22] =	ssyncadd.s32 $0xFFFFCE00  }
0xc5: {  	_ =	swait.ge [sflag:s26], $0x3200  }
0xc6: {  	[sflag:s26] =	ssyncset.done $0x0  }
0xc7: {  	[sflag:s26] =	ssyncadd.s32 $0xFFFFCE00  }
0xc8: {  	[spmem:s1] =	stream.indirect.scatter.add.f32 [tilespmem:s21], [sflag:$0x7], $0x10, s25, s31, $0xb8;
	[tilespmem:$0x1F780] =	vst v63  }
0xc9: {  	_ =	swait.ge [sflag:s9], $0x3200  }
0xca: {  	[sflag:s9] =	ssyncset.done $0x0  }
0xcb: {  	[sflag:s9] =	ssyncadd.s32 $0xFFFFCE00  }
0xcc: {  	s18 =	simm.s32 $0x40;
	s20 =	simm.s32 $0x0;
	[bflag:$0x0] =	sbarrier.arrive $0xFFFF  }
.LBB2_13:
0xcd: {  	p0 =	seq.s32 s18, $0x5BC0;
	[tilespmem:s20+$0x3E80] =	vst v0;
	s15 =	smov.u32 s18;
	s18 =	sadd.s32 $0x40, s18  }
.Ltmp5:
0xce: {  	(pc) =	sbr.rel @!p0 .LBB2_13-.Ltmp5, $2  }
0xcf: {  	_ =	sdelay $0x2  }
0xd0: {  	s20 =	sshra.s32 s15, $0x2  }
0xd1: {  	s15 =	sld [smem:$0x7FC]  }
0xd2: {  	[tilespmem:s20+$0x3E80] =	vst v0;
	s22 =	rddreg [dreg:$0xd]  }
0xd3: {  	[tilespmem:s21], [sflag:$0x9] =	stream.linear.gather [spmem:s22], $0x1700, $0x38;
	[tilespmem:$0x1F780] =	vst v63  }
0xd4: {  	_ =	swait.ge [sflag:s30], $0x1700  }
0xd5: {  	s15 =	sshll.u32 s15, $0x4;
	s18 =	rddreg [dreg:$0xc]  }
0xd6: {  	s18 =	sadd.s32 s15, s18  }
0xd7: {  	[sflag:s30] =	ssyncset.done $0x0;
	s19 =	rddreg [dreg:$0x3];
	s18 =	sshrl.u32 s18, $0x3  }
0xd8: {  	[sflag:s30] =	ssyncadd.s32 $0xFFFFE900;
	s18 =	sadd.s32 s19, s18  }
0xd9: {  	[hbm4b:s18+s12] =	stream.strided.scatter [tilespmem:s21], [sflag:$0x5], $0x1700, s13, s12, $0x38;
	[tilespmem:$0x1F780] =	vst v63  }
0xda: {  	_ = 	snop  }
0xdb: {  	[spmem:s22] =	stream.linear.scatter [tilespmem:s24], [sflag:$0x9], $0x1700, $0x38;
	[tilespmem:$0x1F780] =	vst v63  }
0xdc: {  	_ =	swait.ge [sflag:s30], $0x1700  }
0xdd: {  	[sflag:s30] =	ssyncset.done $0x0  }
0xde: {  	s18 =	rddreg [dreg:$0xe];
	[sflag:s30] =	ssyncadd.s32 $0xFFFFE900  }
0xdf: {  	[tilespmem:s16], [sflag:$0x9] =	stream.linear.gather [spmem:s18], $0x1700, $0x38;
	[tilespmem:$0x1F780] =	vst v63  }
0xe0: {  	_ =	swait.ge [sflag:s30], $0x1700  }
0xe1: {  	s22 =	rddreg [dreg:$0x11]  }
0xe2: {  	s15 =	sadd.s32 s15, s22  }
0xe3: {  	[sflag:s30] =	ssyncset.done $0x0;
	s15 =	sshrl.u32 s15, $0x3  }
0xe4: {  	[sflag:s30] =	ssyncadd.s32 $0xFFFFE900;
	s15 =	sadd.s32 s19, s15  }
0xe5: {  	[hbm4b:s15+s12] =	stream.strided.scatter [tilespmem:s16], [sflag:$0x6], $0x1700, s13, s12, $0x38;
	[tilespmem:$0x1F780] =	vst v63  }
0xe6: {  	_ = 	snop  }
0xe7: {  	[spmem:s18] =	stream.linear.scatter [tilespmem:s24], [sflag:$0x9], $0x1700, $0x38;
	[tilespmem:$0x1F780] =	vst v63  }
0xe8: {  	_ =	swait.ge [sflag:s30], $0x1700  }
0xe9: {  	[sflag:s30] =	ssyncset.done $0x0  }
0xea: {  	[sflag:s30] =	ssyncadd.s32 $0xFFFFE900  }
0xeb: {  	_ =	swait.ge [sflag:s26], $0x1700  }
0xec: {  	[sflag:s26] =	ssyncset.done $0x0;
	s22 =	rddreg [dreg:$0x10]  }
0xed: {  	[sflag:s26] =	ssyncadd.s32 $0xFFFFE900;
	s20 =	sadd.s32 $0xFFFFE900, s22  }
0xee: {  	[tilespmem:s21], [sflag:$0x9] =	stream.linear.gather [spmem:s20], $0x1700, $0x38;
	[tilespmem:$0x1F780] =	vst v63  }
0xef: {  	_ =	swait.ge [sflag:s30], $0x1700  }
0xf0: {  	[sflag:s30] =	ssyncset.done $0x0  }
0xf1: {  	s19 =	sadd.s32 $0x0, s23;
	[sflag:s30] =	ssyncadd.s32 $0xFFFFE900  }
0xf2: {  	[hbm4b:s19+s12] =	stream.strided.scatter [tilespmem:s21], [sflag:$0x5], $0x1700, s13, s12, $0x38;
	[tilespmem:$0x1F780] =	vst v63  }
0xf3: {  	_ = 	snop  }
0xf4: {  	[spmem:s20] =	stream.linear.scatter [tilespmem:s24], [sflag:$0x9], $0x1700, $0x38;
	[tilespmem:$0x1F780] =	vst v63  }
0xf5: {  	_ =	swait.ge [sflag:s30], $0x1700  }
0xf6: {  	[sflag:s30] =	ssyncset.done $0x0  }
0xf7: {  	[sflag:s30] =	ssyncadd.s32 $0xFFFFE900  }
0xf8: {  	_ =	swait.ge [sflag:s10], $0x1700  }
0xf9: {  	[sflag:s10] =	ssyncset.done $0x0  }
0xfa: {  	[sflag:s10] =	ssyncadd.s32 $0xFFFFE900  }
0xfb: {  	[tilespmem:s16], [sflag:$0x9] =	stream.linear.gather [spmem:s22], $0x1700, $0x38;
	[tilespmem:$0x1F780] =	vst v63  }
0xfc: {  	_ =	swait.ge [sflag:s30], $0x1700  }
0xfd: {  	[sflag:s30] =	ssyncset.done $0x0  }
0xfe: {  	s20 =	sadd.s32 $0x0, s11;
	[sflag:s30] =	ssyncadd.s32 $0xFFFFE900  }
0xff: {  	[hbm4b:s20+s12] =	stream.strided.scatter [tilespmem:s16], [sflag:$0x6], $0x1700, s13, s12, $0x38;
	[tilespmem:$0x1F780] =	vst v63  }
0x100: {  	_ = 	snop  }
0x101: {  	[spmem:s22] =	stream.linear.scatter [tilespmem:s24], [sflag:$0x9], $0x1700, $0x38;
	[tilespmem:$0x1F780] =	vst v63  }
0x102: {  	_ =	swait.ge [sflag:s30], $0x1700  }
0x103: {  	s20 =	simm.s32 $0x2E00;
	[sflag:s30] =	ssyncset.done $0x0  }
.LBB2_15:
0x104: {  	p0 =	sne.s32 s20, $0x11400;
	[sflag:s30] =	ssyncadd.s32 $0xFFFFE900;
	s22 =	sadd.s32 $0x2E00, s22  }
0x105: {  	s15 =	smov.u32 s20;
	s20 =	sadd.s32 $0x2E00, s20  }
0x106: {  	_ =	swait.ge [sflag:s26], $0x1700  }
0x107: {  	[sflag:s26] =	ssyncset.done $0x0  }
0x108: {  	s18 =	sadd.s32 $0xFFFFE900, s22;
	[sflag:s26] =	ssyncadd.s32 $0xFFFFE900  }
0x109: {  	[tilespmem:s21], [sflag:$0x9] =	stream.linear.gather [spmem:s18], $0x1700, $0x38;
	[tilespmem:$0x1F780] =	vst v63  }
0x10a: {  	_ =	swait.ge [sflag:s30], $0x1700  }
0x10b: {  	[sflag:s30] =	ssyncset.done $0x0  }
0x10c: {  	s19 =	sadd.s32 s15, s23;
	[sflag:s30] =	ssyncadd.s32 $0xFFFFE900  }
0x10d: {  	[hbm4b:s19+s12] =	stream.strided.scatter [tilespmem:s21], [sflag:$0x5], $0x1700, s13, s12, $0x38;
	[tilespmem:$0x1F780] =	vst v63  }
0x10e: {  	_ = 	snop  }
0x10f: {  	[spmem:s18] =	stream.linear.scatter [tilespmem:s24], [sflag:$0x9], $0x1700, $0x38;
	[tilespmem:$0x1F780] =	vst v63  }
0x110: {  	_ =	swait.ge [sflag:s30], $0x1700  }
0x111: {  	[sflag:s30] =	ssyncset.done $0x0  }
0x112: {  	[sflag:s30] =	ssyncadd.s32 $0xFFFFE900  }
0x113: {  	_ =	swait.ge [sflag:s10], $0x1700  }
0x114: {  	[sflag:s10] =	ssyncset.done $0x0  }
0x115: {  	[sflag:s10] =	ssyncadd.s32 $0xFFFFE900  }
0x116: {  	[tilespmem:s16], [sflag:$0x9] =	stream.linear.gather [spmem:s22], $0x1700, $0x38;
	[tilespmem:$0x1F780] =	vst v63  }
0x117: {  	_ =	swait.ge [sflag:s30], $0x1700  }
0x118: {  	[sflag:s30] =	ssyncset.done $0x0  }
0x119: {  	s15 =	sadd.s32 s15, s11;
	[sflag:s30] =	ssyncadd.s32 $0xFFFFE900  }
0x11a: {  	[hbm4b:s15+s12] =	stream.strided.scatter [tilespmem:s16], [sflag:$0x6], $0x1700, s13, s12, $0x38;
	[tilespmem:$0x1F780] =	vst v63  }
.Ltmp6:
0x11b: {  	_ = 	snop;
	(pc) =	sbr.rel @p0 .LBB2_15-.Ltmp6, $4  }
0x11c: {  	_ = 	snop  }
0x11d: {  	[spmem:s22] =	stream.linear.scatter [tilespmem:s24], [sflag:$0x9], $0x1700, $0x38;
	[tilespmem:$0x1F780] =	vst v63  }
0x11e: {  	_ =	swait.ge [sflag:s30], $0x1700  }
0x11f: {  	[sflag:s30] =	ssyncset.done $0x0  }
0x120: {  	[sflag:s30] =	ssyncadd.s32 $0xFFFFE900  }
0x121: {  	_ =	swait.ge [sflag:s26], $0x1700  }
0x122: {  	[sflag:s26] =	ssyncset.done $0x0  }
0x123: {  	s18 =	rddreg [dreg:$0x9];
	[sflag:s26] =	ssyncadd.s32 $0xFFFFE900  }
0x124: {  	[tilespmem:s21], [sflag:$0x9] =	stream.linear.gather [spmem:s18], $0x1700, $0x38;
	[tilespmem:$0x1F780] =	vst v63  }
0x125: {  	_ =	swait.ge [sflag:s30], $0x1700  }
0x126: {  	s15 =	sld [smem:$0x7FC];
	_ =	sdelay $0x2  }
0x127: {  	[sflag:s30] =	ssyncset.done $0x0;
	s19 =	rddreg [dreg:$0xa];
	s15 =	sshll.u32 s15, $0x1  }
0x128: {  	[sflag:s30] =	ssyncadd.s32 $0xFFFFE900;
	s15 =	sadd.s32 s15, s19  }
0x129: {  	[hbm4b:s15+s12] =	stream.strided.scatter [tilespmem:s21], [sflag:$0x5], $0x1700, s13, s12, $0x38;
	[tilespmem:$0x1F780] =	vst v63  }
0x12a: {  	_ = 	snop  }
0x12b: {  	[spmem:s18] =	stream.linear.scatter [tilespmem:s24], [sflag:$0x9], $0x1700, $0x38;
	[tilespmem:$0x1F780] =	vst v63  }
0x12c: {  	_ =	swait.ge [sflag:s30], $0x1700  }
0x12d: {  	[sflag:s30] =	ssyncset.done $0x0  }
0x12e: {  	[sflag:s30] =	ssyncadd.s32 $0xFFFFE900  }
0x12f: {  	_ =	swait.ge [sflag:s10], $0x1700  }
0x130: {  	s7 =	sadd.s32 $0x1, s7;
	[sflag:s10] =	ssyncset.done $0x0  }
0x131: {  	p0 =	sne.s32 s7, $0x4;
	[sflag:s10] =	ssyncadd.s32 $0xFFFFE900  }
.Ltmp7:
0x132: {  	_ =	swait.ge [sflag:s26], $0x1700;
	(pc) =	sbr.rel @p0 .LBB2_4-.Ltmp7, $4  }
0x133: {  	[sflag:s26] =	ssyncset.done $0x0  }
0x134: {  	[sflag:s26] =	ssyncadd.s32 $0xFFFFE900  }
0x135: {  	[bflag:$0x0] =	sbarrier.arrive $0xFFFF  }
0x136: {  	s11 =	sadd.s32 $0x2, s11;
	s23 =	sadd.s32 $0x2, s23  }
0x137: {  	s11 =	sld [smem:$0x7FD];
	_ =	sdelay $0x2  }
0x138: {  	s7 =	rddreg [dreg:$0xb];
	s11 =	sadd.s32 $0x1, s11  }
0x139: {  	p0 =	sne.s32 s11, s7  }
.Ltmp8:
0x13a: {  	_ = 	snop;
	(pc) =	sbr.rel @p0 .LBB2_1-.Ltmp8, $1  }
0x13b: {  	_ =	sdelay $0x3  }
0x13c: {  	_ =	sfence.sel $0x180000  }
0x13d: {  	[bflag:$0x0] =	sbarrier.arrive $0xFFFF  }
0x13e: {  	_ =	strace $0x9000004D  }
0x13f: {  	s0 =	stileid.u32;
	[bflag:$0x2] =	sbarrier.arrive $0xFFFF  }
0x140: {  	p0 =	sne.s32 s0, $0x0;
	s0 =	rddreg [dreg:$0x2]  }
0x141: {  	s0 =	sadd.s32 @!p0 $0x100000, s0  }
0x142: {  	[sflag:s0] =	ssyncadd.tile.s32 @!p0 $0x1;
	_ =	shalt  }
.Lfunc_end2:
_tile_overlayer_lowered:
.L_overlay_start_2:
0x143: {  	(tag) =	ssettag $0x2  }
0x144: {  	s0 =	rddreg [dreg:$0x0];
	s2 =	stileid.u32  }
0x145: {  	s1 =	rddreg [dreg:$0x1];
	p0 =	sne.s32 s2, $0x0  }
0x146: {  	s3 =	rddreg [dreg:$0x2];
	[bflag:$0x3] =	sbarrier.arrive $0xFFFF;
	s2 =	simm.s32 @!p0 $0x1C09  }
0x147: {  	[timem:s3], [sflag:s2] =	dma.local @!p0 [hbm:s0], s1  }
0x148: {  	s0 =	simm.s32 @!p0 $0x9  }
0x149: {  	_ =	swait.ge @!p0 [sflag:s0], s1  }
0x14a: {  	s1 =	ssub.s32 @!p0 $0x0, s1;
	[sflag:s0] =	ssyncset.done @!p0 $0x0  }
0x14b: {  	[sflag:s0] =	ssyncadd.s32 @!p0 s1  }
0x14c: {  	[bflag:$0x3] =	sbarrier.arrive $0xFFFF  }
0x14d: {  	_ =	shalt  }

// kernel: kernel.19.cloned.1.call-start
scs
__scs_entry_jumppad:
0x0: {  	(pc) =	sbr.rel $0x88, $3  }
0x1: {  	(tag) =	ssettag $0x0;
	lr =	simm.s32 $0x1  }
0x2: {  	[smem:$0x3F94] =	sst lr;
	_ =	strace $0xD0000000  }
0x3: {  	_ = 	snop  }
0x4: {  	_ = 	snop  }
0x5: {  	_ = 	snop  }
0x6: {  	_ = 	snop  }
0x7: {  	_ = 	snop  }
__scs_overlays_trampoline_lowered:
0x8: {  	[smem:$0x3FA3] =	sst s0  }
0x9: {  	[smem:$0x3FA4] =	sst s1  }
0xa: {  	[smem:$0x3FA5] =	sst s2  }
0xb: {  	[smem:$0x3FA6] =	sst s3  }
0xc: {  	[smem:$0x3FA7] =	sst s4  }
0xd: {  	[smem:$0x3FA8] =	sst s5  }
0xe: {  	[smem:$0x3FA9] =	sst s6  }
0xf: {  	[smem:$0x3FAA] =	sst s7  }
0x10: {  	[smem:$0x3FAB] =	sst s8  }
0x11: {  	[smem:$0x3FAC] =	sst s9;
	s0 =	simm.s32 @!p0 $0x0  }
0x12: {  	s1 =	sld [smem:$0x3F92];
	s0 =	simm.s32 @p0 $0x1  }
0x13: {  	[smem:$0x3FAD] =	sst s0;
	s0 =	simm.s32 @!p1 $0x0  }
0x14: {  	s2 =	sld [smem:$0x3F91];
	s0 =	simm.s32 @p1 $0x1  }
0x15: {  	[smem:$0x3FAE] =	sst s0;
	s0 =	simm.s32 @!p2 $0x0  }
0x16: {  	s3 =	sld [smem:$0x3FDB];
	s0 =	simm.s32 @p2 $0x1  }
0x17: {  	s4 =	simm.s32 $0x1BF5;
	[smem:$0x3FB0] =	sst s0  }
0x18: {  	s0 =	sld [smem:$0x3F93];
	_ =	swait.ge [sflag:s4], $0x0  }
0x19: {  	s7 =	sld [smem:$0x3F94]  }
0x1a: {  	s8 =	sadd.s32 $0xFFFFE003, lr  }
0x1b: {  	s9 =	sadd.s32 $0xFFFFFEF7, lr;
	s5 =	simm.s32 $0xFFFFFFFF;
	p2 =	slt.u32 s8, $0xFFFFF086  }
0x1c: {  	p1 =	slt.u32 s9, $0xF7A;
	s5 =	simm.s32 @!p2 $0x0  }
0x1d: {  	s5 =	simm.s32 @p1 $0x1;
	p0 =	seq.s32 s7, s2  }
0x1e: {  	s7 =	smul.u32 @!p0 $0xF7A, s2;
	p2 =	seq.s32 @!p0 s5, $0x0  }
0x1f: {  	s9 =	smul.u32 $0xF7A, s1;
	s8 =	simm.s32 @!p0 $0x1BF5;
	p2 =	por !p2, p0  }
0x20: {  	[sflag:s8] =	ssyncset.s32 @!p0 $0xFFFFF086;
	s6 =	sadd.s32 @!p0 s3, s7;
	s7 =	simm.s32 @!p0 $0x108  }
0x21: {  	s3 =	sadd.s32 s3, s9;
	s6 =	sadd.s32 @!p0 $0x88, s6;
	s7 =	simm.s32 @p2 $0x1082  }
0x22: {  	[simem:s7], [sflag:s8] =	dma.local @!p0 [hbm:s6], $0xF7A  }
0x23: {  	s9 =	sor.u32 $0xD0000000, s2;
	s6 =	simm.s32 $0x108;
	_ =	swait.ge @!p0 [sflag:s8], $0x0  }
0x24: {  	s3 =	sadd.s32 $0x88, s3;
	s6 =	simm.s32 @!p1 $0x1082;
	[sflag:s4] =	ssyncset.s32 $0xFFFFF086  }
0x25: {  	[simem:s6], [sflag:s4] =	dma.local [hbm:s3], $0xF7A  }
0x26: {  	[smem:$0x3F94] =	sst s1;
	(tag) =	ssettag s2;
	_ =	strace s9  }
0x27: {  	s1 =	sld [smem:$0x3FA4]  }
0x28: {  	s2 =	sld [smem:$0x3FA5]  }
0x29: {  	s4 =	sld [smem:$0x3FA7]  }
0x2a: {  	p0 =	seq.s32 s5, $0x0;
	s5 =	sld [smem:$0x3FA8]  }
0x2b: {  	s6 =	sld [smem:$0x3FA9]  }
0x2c: {  	s7 =	sld [smem:$0x3FAA]  }
0x2d: {  	s3 =	simm.s32 $0x108;
	s8 =	sld [smem:$0x3FAB]  }
0x2e: {  	s3 =	simm.s32 @!p0 $0x1082;
	s9 =	sld [smem:$0x3FAC]  }
0x2f: {  	lr =	sadd.s32 s0, s3;
	s0 =	sld [smem:$0x3FA3]  }
0x30: {  	s3 =	sld [smem:$0x3FA6]  }
0x31: {  	[smem:$0x3FAF] =	sst s10  }
0x32: {  	s10 =	sld [smem:$0x3FAD];
	_ =	sdelay $0x3  }
0x33: {  	p0 =	seq.s32 s10, $0x1;
	s10 =	sld [smem:$0x3FAF];
	_ =	sdelay $0x3  }
0x34: {  	[smem:$0x3FAF] =	sst s10  }
0x35: {  	s10 =	sld [smem:$0x3FAE];
	_ =	sdelay $0x3  }
0x36: {  	p1 =	seq.s32 s10, $0x1;
	s10 =	sld [smem:$0x3FAF];
	_ =	sdelay $0x3  }
0x37: {  	[smem:$0x3FAF] =	sst s10  }
0x38: {  	s10 =	sld [smem:$0x3FB0]  }
0x39: {  	_ = 	snop;
	(pc) =	sbr.ind lr, $3  }
0x3a: {  	_ = 	snop  }
0x3b: {  	_ = 	snop  }
0x3c: {  	p2 =	seq.s32 s10, $0x1;
	s10 =	sld [smem:$0x3FAF]  }
0x3d: {  	_ =	shalt  }
0x3e: {  	_ =	shalt  }
0x3f: {  	_ =	shalt  }
0x40: {  	_ =	shalt  }
0x41: {  	_ =	shalt  }
0x42: {  	_ =	shalt  }
0x43: {  	_ =	shalt  }
0x44: {  	_ =	shalt  }
0x45: {  	_ =	shalt  }
0x46: {  	_ =	shalt  }
0x47: {  	_ =	shalt  }
0x48: {  	_ =	shalt  }
0x49: {  	_ =	shalt  }
0x4a: {  	_ =	shalt  }
0x4b: {  	_ =	shalt  }
0x4c: {  	_ =	shalt  }
0x4d: {  	_ =	shalt  }
0x4e: {  	_ =	shalt  }
0x4f: {  	_ =	shalt  }
0x50: {  	_ =	shalt  }
0x51: {  	_ =	shalt  }
0x52: {  	_ =	shalt  }
0x53: {  	_ =	shalt  }
0x54: {  	_ =	shalt  }
0x55: {  	_ =	shalt  }
0x56: {  	_ =	shalt  }
0x57: {  	_ =	shalt  }
0x58: {  	_ =	shalt  }
0x59: {  	_ =	shalt  }
0x5a: {  	_ =	shalt  }
0x5b: {  	_ =	shalt  }
0x5c: {  	_ =	shalt  }
0x5d: {  	_ =	shalt  }
0x5e: {  	_ =	shalt  }
0x5f: {  	_ =	shalt  }
0x60: {  	_ =	shalt  }
0x61: {  	_ =	shalt  }
0x62: {  	_ =	shalt  }
0x63: {  	_ =	shalt  }
0x64: {  	_ =	shalt  }
0x65: {  	_ =	shalt  }
0x66: {  	_ =	shalt  }
0x67: {  	_ =	shalt  }
0x68: {  	_ =	shalt  }
0x69: {  	_ =	shalt  }
0x6a: {  	_ =	shalt  }
0x6b: {  	_ =	shalt  }
0x6c: {  	_ =	shalt  }
0x6d: {  	_ =	shalt  }
0x6e: {  	_ =	shalt  }
0x6f: {  	_ =	shalt  }
0x70: {  	_ =	shalt  }
0x71: {  	_ =	shalt  }
0x72: {  	_ =	shalt  }
0x73: {  	_ =	shalt  }
0x74: {  	_ =	shalt  }
0x75: {  	_ =	shalt  }
0x76: {  	_ =	shalt  }
0x77: {  	_ =	shalt  }
0x78: {  	_ =	shalt  }
0x79: {  	_ =	shalt  }
0x7a: {  	_ =	shalt  }
0x7b: {  	_ =	shalt  }
0x7c: {  	_ =	shalt  }
0x7d: {  	_ =	shalt  }
0x7e: {  	_ =	shalt  }
0x7f: {  	_ =	shalt  }
0x80: {  	_ =	shalt  }
0x81: {  	_ =	shalt  }
0x82: {  	_ =	shalt  }
0x83: {  	_ =	shalt  }
0x84: {  	_ =	shalt  }
0x85: {  	_ =	shalt  }
0x86: {  	_ =	shalt  }
0x87: {  	_ =	shalt  }
.Lfunc_end0:
.L_simem_size_0:
called_computation.4_lowered:
.L_overlay_start_0:
0x88: {  	s2 =	sld [smem:$0x3FD9]  }
0x89: {  	s3 =	sld [smem:$0x3FFE];
	_ =	sdelay $0x1  }
0x8a: {  	s1 =	srdreg.scid  }
0x8b: {  	s0 =	sand.u32 $0x1, s1  }
0x8c: {  	s16 =	sshll.u32 s0, $0xA;
	s2 =	sadd.s32 s3, s2  }
0x8d: {  	s2 =	sadd.s32 s2, s16  }
0x8e: {  	[smem:$0x3FBB] =	sst s2  }
0x8f: {  	_ = 	snop  }
0x90: {  	(tm) =	ssettm $0x1  }
0x91: {  	s17 =	sld [smem:$0x3FFB];
	_ =	sdelay $0x3  }
0x92: {  	_ =	strace s17  }
0x93: {  	s2 =	sld [smem:$0x3FFC];
	_ =	sdelay $0x3  }
0x94: {  	_ =	strace s2  }
0x95: {  	s2 =	sld [smem:$0x3FFD];
	_ =	sdelay $0x3  }
0x96: {  	_ =	strace s2  }
0x97: {  	_ =	strace $0x8FFFFFFF  }
0x98: {  	s18 =	sld [smem:$0x3FDB];
	_ =	sdelay $0x1  }
0x99: {  	s19 =	simm.s32 $_scs_section_size  }
0x9a: {  	s4 =	simm.s32 $_size__tile_overlayer_lowered;
	s5 =	simm.s32 $_tile_overlayer_lowered  }
0x9b: {  	s22 =	simm.s32 $0x1BFF;
	s21 =	sshll.u32 s5, $0x1;
	s2 =	sadd.s32 s19, s18  }
0x9c: {  	s6 =	simm.s32 $0x0;
	s20 =	sshll.u32 s4, $0x1;
	s4 =	sadd.s32 s21, s2  }
0x9d: {  	[timem:s6], [sflag:s22] =	dma.local [hbm:s4], s20  }
0x9e: {  	_ =	swait.ge [sflag:s22], s20  }
0x9f: {  	s3 =	ssub.s32 $0x0, s20;
	[sflag:s22] =	ssyncset.done $0x0  }
0xa0: {  	[sflag:s22] =	ssyncadd.s32 s3;
	_ =	sdelay $0x1  }
0xa1: {  	s23 =	simm.s32 $0x1B8B  }
0xa2: {  	_ =	swait.ge [sflag:s23], $0x1  }
0xa3: {  	[sflag:s23] =	ssyncset.done $0x0  }
0xa4: {  	s25 =	simm.s32 $0x1B8E;
	s24 =	sld [smem:$0x3FFE];
	[sflag:s23] =	ssyncadd.s32 $0xFFFFFFFF  }
0xa5: {  	s26 =	simm.s32 $execute0_lowered;
	[smem:$0x3FD2] =	sst s25  }
0xa6: {  	s4 =	sshll.u32 s26, $0x1;
	_ =	strace $0x80000052;
	[dreg:$0x1] =	wrdreg $0xFFFFFFFF  }
0xa7: {  	s28 =	simm.s32 $_size_execute0_lowered;
	s2 =	sadd.s32 s2, s4;
	[dreg:$0x0] =	wrdreg $0x0  }
0xa8: {  	s4 =	sshll.u32 s28, $0x1;
	[dreg:$0x2] =	wrdreg s2  }
0xa9: {  	[dreg:$0x3] =	wrdreg s4  }
0xaa: {  	[dreg:$0x4] =	wrdreg $0xC0  }
0xab: {  	_ =	task [dreg:s6], $0x5FFFF  }
0xac: {  	[dreg:$0x1] =	wrdreg $0xFFFFFFFF  }
0xad: {  	[dreg:$0x0] =	wrdreg $0x60  }
0xae: {  	[dreg:$0x2] =	wrdreg s24  }
0xaf: {  	[dreg:$0x3] =	wrdreg $0x70800  }
0xb0: {  	[dreg:$0x4] =	wrdreg $0x9  }
0xb1: {  	_ =	task.clear_ibuf [dreg:s6], $0x5FFFF;
	_ =	strace $0x90000052  }
0xb2: {  	s29 =	simm.s32 $0x9;
	_ =	strace $0x80000054  }
0xb3: {  	_ =	swait.ge [sflag:s29], $0x1  }
0xb4: {  	[sflag:s29] =	ssyncadd.s32 $0xFFFFFFFF  }
0xb5: {  	_ =	strace $0x90000054  }
0xb6: {  	_ =	sfence  }
0xb7: {  	s30 =	sld [smem:$0x0];
	_ =	sdelay $0x2  }
0xb8: {  	s31 =	sshll.u32 s1, $0xD;
	s1 =	sshrl.u32 s1, $0x2  }
0xb9: {  	s3 =	sand.u32 $0x4000, s31;
	s1 =	sadd.s32 s1, s30  }
0xba: {  	s0 =	sor.u32 s3, s0;
	s1 =	sshll.u32 s1, $0x11  }
0xbb: {  	s0 =	sor.u32 s1, s0  }
0xbc: {  	s0 =	sadd.s32 $0x8F2B, s0  }
0xbd: {  	[sflag:s0] =	ssyncadd.remote.s32 $0x1  }
0xbe: {  	_ =	sfence.sel $0xFFFF  }
0xbf: {  	[dreg:$0x0] =	wrdreg $0xFFFFFFFF;
	(pc) =	sbr.abs _section_cstart, $3  }
0xc0: {  	[dreg:$0x1] =	wrdreg $0xFFFFFFFF  }
0xc1: {  	_ =	task.clear_ibuf [dreg:s6], $0x2FFFF;
	_ =	strace $0x9FFFFFFF  }
0xc2: {  	(tm) =	ssettm $0x7FFFFFFF  }
0xc3: {  	_ =	shalt  }
tec
execute0_lowered:
.L_overlay_start_1:
0x0: {  	(tag) =	ssettag $0x1  }
0x1: {  	s0 =	rddreg [dreg:$0x0]  }
0x2: {  	s1 =	rddreg [dreg:$0x1]  }
0x3: {  	s2 =	simm.s32 $0x0;
	s3 =	srdreg.scid;
	s11 =	stileid.u32  }
0x4: {  	[smem:$0x7FF] =	sst s2;
	s4 =	sadd.s32 $0xC7C00, s0;
	s10 =	smul.u32 $0x186A0, s11  }
0x5: {  	s3 =	sand.u32 $0x1, s3;
	s5 =	sadd.s32 $0x96E00, s0;
	s15 =	smul.u32 $0x1870, s11  }
0x6: {  	s6 =	sadd.s32 $0x4400, s0;
	s12 =	sadd.s32 $0x9F0400, s0;
	s22 =	smul.u32 $0x61C00, s11  }
0x7: {  	s11 =	smul.u32 $0x187000, s11;
	_ =	strace $0x80000053;
	s7 =	ssub.s32 $0x2, s3  }
0x8: {  	s16 =	sshll.u32 s3, $0x3;
	[dreg:$0x3] =	wrdreg s12;
	s8 =	sshrl.u32 s7, $0x1  }
0x9: {  	[dreg:$0x4] =	wrdreg s16;
	s17 =	sshrl.u32 s10, $0x3;
	s9 =	sadd.s32 $0x320, s10  }
0xa: {  	[dreg:$0xc] =	wrdreg s11;
	s26 =	ssub.s32 s7, s8;
	s13 =	sadd.s32 s5, s17  }
0xb: {  	s8 =	sadd.s32 s6, s17;
	s18 =	sshrl.u32 s9, $0x3;
	[dreg:$0x5] =	wrdreg s13  }
0xc: {  	s20 =	sadd.s32 $0x1700, s15;
	[dreg:$0x6] =	wrdreg s8;
	s19 =	sadd.s32 s5, s18  }
0xd: {  	s21 =	sshll.u32 s20, $0x4;
	s8 =	sadd.s32 s6, s18;
	[dreg:$0x7] =	wrdreg s19  }
0xe: {  	s14 =	sadd.s32 $0x640, s10;
	s10 =	sadd.s32 s21, s1;
	[dreg:$0x8] =	wrdreg s8  }
0xf: {  	s7 =	sadd.s32 $0x170, s15;
	s0 =	smax.u32 s26, $0x1;
	[dreg:$0x9] =	wrdreg s10  }
0x10: {  	s24 =	sshll.u32 s7, $0x4;
	s7 =	sshll.u32 s7, $0x8;
	[dreg:$0xb] =	wrdreg s0  }
0x11: {  	s23 =	sshrl.u32 s22, $0x2;
	s25 =	sadd.s32 s24, s1;
	[dreg:$0x11] =	wrdreg s7  }
0x12: {  	s8 =	sshll.u32 s20, $0x5;
	s10 =	sadd.s32 s23, s1;
	[dreg:$0xe] =	wrdreg s25  }
0x13: {  	s8 =	sadd.s32 s12, s8;
	[dreg:$0xd] =	wrdreg s10  }
0x14: {  	s13 =	sadd.s32 $0x4500, s10;
	[dreg:$0xa] =	wrdreg s8  }
0x15: {  	s30 =	simm.s32 $0x9;
	s15 =	sadd.s32 $0x5C00, s10;
	[dreg:$0x10] =	wrdreg s13  }
0x16: {  	s31 =	simm.s32 $0x320;
	s16 =	sadd.s32 $0x7300, s10;
	[dreg:$0x14] =	wrdreg s15  }
0x17: {  	s28 =	simm.s32 $0x2;
	s17 =	sadd.s32 $0x8A00, s10;
	[dreg:$0x15] =	wrdreg s16  }
0x18: {  	s29 =	simm.s32 $0x4;
	s18 =	sadd.s32 $0xA100, s10;
	[dreg:$0x16] =	wrdreg s17  }
0x19: {  	s3 =	sshll.u32 s3, $0x7;
	s19 =	sadd.s32 $0xB800, s10;
	[dreg:$0x17] =	wrdreg s18  }
0x1a: {  	s26 =	sor.u32 s3, s11;
	s20 =	sadd.s32 $0xCF00, s10;
	[dreg:$0x18] =	wrdreg s19  }
0x1b: {  	s11 =	sadd.s32 $0x45000, s26;
	s21 =	sadd.s32 $0xE600, s10;
	[dreg:$0x19] =	wrdreg s20  }
0x1c: {  	s0 =	sadd.s32 $0x2E000, s26;
	s22 =	sadd.s32 $0xFD00, s10;
	[dreg:$0x1a] =	wrdreg s21  }
0x1d: {  	s3 =	sshrl.u32 s11, $0x3;
	s23 =	sadd.s32 $0x11400, s10;
	[dreg:$0x1b] =	wrdreg s22  }
0x1e: {  	s0 =	sshrl.u32 s0, $0x3;
	s24 =	sadd.s32 $0x12B00, s10;
	[dreg:$0x1c] =	wrdreg s23  }
0x1f: {  	s25 =	sadd.s32 $0x14200, s10;
	s26 =	sadd.s32 $0x15900, s10;
	[dreg:$0x1d] =	wrdreg s24  }
0x20: {  	s11 =	simm.s32 $0x0;
	s8 =	sadd.s32 $0x2E00, s10;
	[dreg:$0x1e] =	wrdreg s25  }
0x21: {  	s3 =	sadd.s32 s3, s12;
	s0 =	sadd.s32 s0, s12;
	[dreg:$0x1f] =	wrdreg s26  }
0x22: {  	s24 =	simm.s32 $0x3E80;
	s25 =	simm.s32 $0x640;
	s17 =	simm.s32 $0x3  }
0x23: {  	s21 =	simm.s32 $0xC80;
	s26 =	simm.s32 $0x5;
	[dreg:$0xf] =	wrdreg s8  }
0x24: {  	s10 =	simm.s32 $0x6;
	s12 =	simm.s32 $0x10;
	[dreg:$0x12] =	wrdreg s3  }
0x25: {  	s13 =	simm.s32 $0x100;
	s16 =	simm.s32 $0x2380;
	[dreg:$0x13] =	wrdreg s0  }
0x26: {  	v0 =	vimm.f32 $0.0e+00;
	s0 =	simm.s32 $0x960;
	s3 =	simm.s32 $0x1;
	s8 =	simm.s32 $0x7  }
.LBB2_1:
0x27: {  	[smem:$0x7FD] =	sst s11;
	s7 =	simm.s32 $0x40;
	s11 =	simm.s32 $0x0  }
.LBB2_2:
0x28: {  	p0 =	sne.s32 s7, $0x5BC0;
	[tilespmem:s11+$0x3E80] =	vst v0;
	s11 =	smov.u32 s7;
	s7 =	sadd.s32 $0x40, s7  }
.Ltmp0:
0x29: {  	(pc) =	sbr.rel @p0 .LBB2_2-.Ltmp0, $2  }
0x2a: {  	_ =	sdelay $0x2  }
0x2b: {  	s11 =	sshra.s32 s11, $0x2  }
0x2c: {  	[tilespmem:s11+$0x3E80] =	vst v0;
	s7 =	rddreg [dreg:$0xd]  }
0x2d: {  	[spmem:s7] =	stream.linear.scatter [tilespmem:s24], [sflag:$0x9], $0x1700, $0x38;
	[tilespmem:$0x1F780] =	vst v63  }
0x2e: {  	_ =	swait.ge [sflag:s30], $0x1700  }
0x2f: {  	[sflag:s30] =	ssyncset.done $0x0  }
0x30: {  	s22 =	rddreg [dreg:$0xe];
	[sflag:s30] =	ssyncadd.s32 $0xFFFFE900  }
0x31: {  	[spmem:s22] =	stream.linear.scatter [tilespmem:s24], [sflag:$0x9], $0x1700, $0x38;
	[tilespmem:$0x1F780] =	vst v63  }
0x32: {  	_ =	swait.ge [sflag:s30], $0x1700  }
0x33: {  	[sflag:s30] =	ssyncset.done $0x0  }
0x34: {  	s23 =	rddreg [dreg:$0xf];
	[sflag:s30] =	ssyncadd.s32 $0xFFFFE900  }
0x35: {  	[spmem:s23] =	stream.linear.scatter [tilespmem:s24], [sflag:$0x9], $0x1700, $0x38;
	[tilespmem:$0x1F780] =	vst v63  }
0x36: {  	_ =	swait.ge [sflag:s30], $0x1700  }
0x37: {  	[sflag:s30] =	ssyncset.done $0x0  }
0x38: {  	s11 =	rddreg [dreg:$0x10];
	[sflag:s30] =	ssyncadd.s32 $0xFFFFE900  }
0x39: {  	[spmem:s11] =	stream.linear.scatter [tilespmem:s24], [sflag:$0x9], $0x1700, $0x38;
	[tilespmem:$0x1F780] =	vst v63  }
0x3a: {  	_ =	swait.ge [sflag:s30], $0x1700  }
0x3b: {  	[sflag:s30] =	ssyncset.done $0x0  }
0x3c: {  	s15 =	rddreg [dreg:$0x14];
	[sflag:s30] =	ssyncadd.s32 $0xFFFFE900  }
0x3d: {  	[spmem:s15] =	stream.linear.scatter [tilespmem:s24], [sflag:$0x9], $0x1700, $0x38;
	[tilespmem:$0x1F780] =	vst v63  }
0x3e: {  	_ =	swait.ge [sflag:s30], $0x1700  }
0x3f: {  	[sflag:s30] =	ssyncset.done $0x0  }
0x40: {  	s18 =	rddreg [dreg:$0x15];
	[sflag:s30] =	ssyncadd.s32 $0xFFFFE900  }
0x41: {  	[spmem:s18] =	stream.linear.scatter [tilespmem:s24], [sflag:$0x9], $0x1700, $0x38;
	[tilespmem:$0x1F780] =	vst v63  }
0x42: {  	_ =	swait.ge [sflag:s30], $0x1700  }
0x43: {  	[sflag:s30] =	ssyncset.done $0x0  }
0x44: {  	s19 =	rddreg [dreg:$0x16];
	[sflag:s30] =	ssyncadd.s32 $0xFFFFE900  }
0x45: {  	[spmem:s19] =	stream.linear.scatter [tilespmem:s24], [sflag:$0x9], $0x1700, $0x38;
	[tilespmem:$0x1F780] =	vst v63  }
0x46: {  	_ =	swait.ge [sflag:s30], $0x1700  }
0x47: {  	[sflag:s30] =	ssyncset.done $0x0  }
0x48: {  	s20 =	rddreg [dreg:$0x17];
	[sflag:s30] =	ssyncadd.s32 $0xFFFFE900  }
0x49: {  	[spmem:s20] =	stream.linear.scatter [tilespmem:s24], [sflag:$0x9], $0x1700, $0x38;
	[tilespmem:$0x1F780] =	vst v63  }
0x4a: {  	_ =	swait.ge [sflag:s30], $0x1700  }
0x4b: {  	[sflag:s30] =	ssyncset.done $0x0  }
0x4c: {  	s22 =	rddreg [dreg:$0x18];
	[sflag:s30] =	ssyncadd.s32 $0xFFFFE900  }
0x4d: {  	[spmem:s22] =	stream.linear.scatter [tilespmem:s24], [sflag:$0x9], $0x1700, $0x38;
	[tilespmem:$0x1F780] =	vst v63  }
0x4e: {  	_ =	swait.ge [sflag:s30], $0x1700  }
0x4f: {  	[sflag:s30] =	ssyncset.done $0x0  }
0x50: {  	s23 =	rddreg [dreg:$0x19];
	[sflag:s30] =	ssyncadd.s32 $0xFFFFE900  }
0x51: {  	[spmem:s23] =	stream.linear.scatter [tilespmem:s24], [sflag:$0x9], $0x1700, $0x38;
	[tilespmem:$0x1F780] =	vst v63  }
0x52: {  	_ =	swait.ge [sflag:s30], $0x1700  }
0x53: {  	[sflag:s30] =	ssyncset.done $0x0  }
0x54: {  	s11 =	rddreg [dreg:$0x1a];
	[sflag:s30] =	ssyncadd.s32 $0xFFFFE900  }
0x55: {  	[spmem:s11] =	stream.linear.scatter [tilespmem:s24], [sflag:$0x9], $0x1700, $0x38;
	[tilespmem:$0x1F780] =	vst v63  }
0x56: {  	_ =	swait.ge [sflag:s30], $0x1700  }
0x57: {  	[sflag:s30] =	ssyncset.done $0x0  }
0x58: {  	s15 =	rddreg [dreg:$0x1b];
	[sflag:s30] =	ssyncadd.s32 $0xFFFFE900  }
0x59: {  	[spmem:s15] =	stream.linear.scatter [tilespmem:s24], [sflag:$0x9], $0x1700, $0x38;
	[tilespmem:$0x1F780] =	vst v63  }
0x5a: {  	_ =	swait.ge [sflag:s30], $0x1700  }
0x5b: {  	[sflag:s30] =	ssyncset.done $0x0  }
0x5c: {  	s18 =	rddreg [dreg:$0x1c];
	[sflag:s30] =	ssyncadd.s32 $0xFFFFE900  }
0x5d: {  	[spmem:s18] =	stream.linear.scatter [tilespmem:s24], [sflag:$0x9], $0x1700, $0x38;
	[tilespmem:$0x1F780] =	vst v63  }
0x5e: {  	_ =	swait.ge [sflag:s30], $0x1700  }
0x5f: {  	[sflag:s30] =	ssyncset.done $0x0  }
0x60: {  	s19 =	rddreg [dreg:$0x1d];
	[sflag:s30] =	ssyncadd.s32 $0xFFFFE900  }
0x61: {  	[spmem:s19] =	stream.linear.scatter [tilespmem:s24], [sflag:$0x9], $0x1700, $0x38;
	[tilespmem:$0x1F780] =	vst v63  }
0x62: {  	_ =	swait.ge [sflag:s30], $0x1700  }
0x63: {  	[sflag:s30] =	ssyncset.done $0x0  }
0x64: {  	s20 =	rddreg [dreg:$0x1e];
	[sflag:s30] =	ssyncadd.s32 $0xFFFFE900  }
0x65: {  	[spmem:s20] =	stream.linear.scatter [tilespmem:s24], [sflag:$0x9], $0x1700, $0x38;
	[tilespmem:$0x1F780] =	vst v63  }
0x66: {  	_ =	swait.ge [sflag:s30], $0x1700  }
0x67: {  	[sflag:s30] =	ssyncset.done $0x0  }
0x68: {  	s22 =	rddreg [dreg:$0x1f];
	[sflag:s30] =	ssyncadd.s32 $0xFFFFE900  }
0x69: {  	[spmem:s22] =	stream.linear.scatter [tilespmem:s24], [sflag:$0x9], $0x1700, $0x38;
	[tilespmem:$0x1F780] =	vst v63  }
0x6a: {  	_ =	swait.ge [sflag:s30], $0x1700  }
0x6b: {  	[sflag:s30] =	ssyncset.done $0x0  }
0x6c: {  	s23 =	rddreg [dreg:$0x9];
	[sflag:s30] =	ssyncadd.s32 $0xFFFFE900  }
0x6d: {  	[spmem:s23] =	stream.linear.scatter [tilespmem:s24], [sflag:$0x9], $0x1700, $0x38;
	[tilespmem:$0x1F780] =	vst v63  }
0x6e: {  	_ =	swait.ge [sflag:s30], $0x1700  }
0x6f: {  	[sflag:s30] =	ssyncset.done $0x0  }
0x70: {  	[sflag:s30] =	ssyncadd.s32 $0xFFFFE900  }
0x71: {  	[bflag:$0x0] =	sbarrier.arrive $0xFFFF  }
0x72: {  	s23 =	rddreg [dreg:$0x13]  }
0x73: {  	s7 =	simm.s32 $0x0;
	s11 =	rddreg [dreg:$0x12]  }
.LBB2_4:
0x74: {  	s15 =	rddreg [dreg:$0x5]  }
0x75: {  	s18 =	simm.s32 $0x0;
	s22 =	rddreg [dreg:$0x6]  }
0x76: {  	[tilespmem:s18], [sflag:$0x1] =	stream.linear.gather [hbm4b:s15+s18], $0x320, $0x38;
	[tilespmem:$0x1F780] =	vst v63  }
0x77: {  	s19 =	rddreg [dreg:$0x7]  }
0x78: {  	[tilespmem:s25], [sflag:$0x3] =	stream.linear.gather [hbm4b:s22+s18], $0x320, $0x38;
	[tilespmem:$0x1F780] =	vst v63  }
0x79: {  	s22 =	rddreg [dreg:$0x4]  }
0x7a: {  	[tilespmem:s31], [sflag:$0x2] =	stream.linear.gather [hbm4b:s19+s18], $0x320, $0x38;
	[tilespmem:$0x1F780] =	vst v63  }
0x7b: {  	s20 =	rddreg [dreg:$0x8];
	s15 =	sadd.s32 s22, s7  }
0x7c: {  	[tilespmem:s0], [sflag:$0x4] =	stream.linear.gather [hbm4b:s20+s18], $0x320, $0x38;
	[tilespmem:$0x1F780] =	vst v63  }
0x7d: {  	[smem:$0x7FC] =	sst s15;
	v1 =	vmov s15;
	s20 =	simm.s32 $0x0  }
.LBB2_5:
0x7e: {  	_ =	swait.ge [sflag:s3], $0x320  }
0x7f: {  	[sflag:s3] =	ssyncset.done $0x0  }
0x80: {  	[sflag:s3] =	ssyncadd.s32 $0xFFFFFCE0  }
0x81: {  	_ =	swait.ge [sflag:s17], $0x320  }
0x82: {  	[sflag:s17] =	ssyncset.done $0x0  }
0x83: {  	s22 =	simm.s32 $0x0;
	s18 =	simm.s32 $0x40;
	[sflag:s17] =	ssyncadd.s32 $0xFFFFFCE0  }
.LBB2_6:
0x84: {  	p0 =	sne.s32 s18, $0xC40;
	v2 =	vld [tilespmem:s22+$0x0];
	_ =	sdelay $0x1  }
.Ltmp1:
0x85: {  	(pc) =	sbr.rel @p0 .LBB2_6-.Ltmp1, $3  }
0x86: {  	_ =	sdelay $0x1  }
0x87: {  	v2 =	vadd.s32 v1, v2  }
0x88: {  	[tilespmem:s22+$0x0] =	vst v2;
	s22 =	sshra.s32 s18, $0x2;
	s18 =	sadd.s32 $0x40, s18  }
0x89: {  	v2 =	vld [tilespmem:s22+$0x0];
	_ =	sdelay $0x4  }
0x8a: {  	p0 =	seq.s32 s20, $0x0;
	v2 =	vadd.s32 v1, v2  }
0x8b: {  	s18 =	simm.s32 @!p0 $0x8;
	[tilespmem:s22+$0x0] =	vst v2;
	s22 =	smul.u32 @!p0 $0x640, s20  }
0x8c: {  	[tilespmem:s21], [sflag:$0x5] =	stream.indirect.gather [hbm4b:s4+s31], $0x10, s2, s31, $0xb8;
	[tilespmem:$0x1F780] =	vst v63  }
0x8d: {  	_ =	swait.ge @!p0 [sflag:s18], $0x3200  }
0x8e: {  	s22 =	sadd.s32 @!p0 s22, s9;
	[sflag:s18] =	ssyncset.done @!p0 $0x0  }
0x8f: {  	[sflag:s18] =	ssyncadd.s32 @!p0 $0xFFFFCE00;
	s18 =	sshrl.u32 @!p0 s22, $0x3  }
0x90: {  	s19 =	simm.s32 @!p0 $0x0;
	s15 =	simm.s32 @!p0 $0x320;
	s22 =	sadd.s32 @!p0 s5, s18  }
0x91: {  	[tilespmem:s15], [sflag:$0x2] =	stream.linear.gather @!p0 [hbm4b:s22+s19], $0x320, $0x38;
	[tilespmem:$0x1F780] =	vst v63  }
0x92: {  	s15 =	sadd.s32 @!p0 s6, s18;
	s18 =	simm.s32 @!p0 $0x960  }
0x93: {  	[tilespmem:s18], [sflag:$0x4] =	stream.linear.gather @!p0 [hbm4b:s15+s19], $0x320, $0x38;
	[tilespmem:$0x1F780] =	vst v63  }
0x94: {  	_ =	swait.ge [sflag:s26], $0x3200  }
0x95: {  	[sflag:s26] =	ssyncset.done $0x0  }
0x96: {  	[sflag:s26] =	ssyncadd.s32 $0xFFFFCE00  }
0x97: {  	[spmem:s1] =	stream.indirect.scatter.add.f32 [tilespmem:s21], [sflag:$0x7], $0x10, s25, s31, $0xb8;
	[tilespmem:$0x1F780] =	vst v63  }
0x98: {  	_ =	swait.ge [sflag:s28], $0x320  }
0x99: {  	[sflag:s28] =	ssyncset.done $0x0  }
0x9a: {  	[sflag:s28] =	ssyncadd.s32 $0xFFFFFCE0  }
0x9b: {  	_ =	swait.ge [sflag:s29], $0x320  }
0x9c: {  	[sflag:s29] =	ssyncset.done $0x0  }
0x9d: {  	s22 =	simm.s32 $0x0;
	s18 =	simm.s32 $0x40;
	[sflag:s29] =	ssyncadd.s32 $0xFFFFFCE0  }
.LBB2_8:
0x9e: {  	p0 =	sne.s32 s18, $0xC40;
	v2 =	vld [tilespmem:s22+$0x320];
	_ =	sdelay $0x1  }
.Ltmp2:
0x9f: {  	(pc) =	sbr.rel @p0 .LBB2_8-.Ltmp2, $3  }
0xa0: {  	_ =	sdelay $0x1  }
0xa1: {  	v2 =	vadd.s32 v1, v2  }
0xa2: {  	[tilespmem:s22+$0x320] =	vst v2;
	s22 =	sshra.s32 s18, $0x2;
	s18 =	sadd.s32 $0x40, s18  }
0xa3: {  	v2 =	vld [tilespmem:s22+$0x320];
	_ =	sdelay $0x4  }
0xa4: {  	v2 =	vadd.s32 v1, v2  }
0xa5: {  	s15 =	smul.u32 $0x640, s20;
	[tilespmem:s22+$0x320] =	vst v2  }
0xa6: {  	[tilespmem:s24], [sflag:$0x6] =	stream.indirect.gather [hbm4b:s4+s31], $0x10, s31, s31, $0xb8;
	[tilespmem:$0x1F780] =	vst v63  }
0xa7: {  	s15 =	sadd.s32 s15, s14;
	_ =	swait.ge [sflag:s8], $0x3200  }
0xa8: {  	s15 =	sshrl.u32 s15, $0x3;
	[sflag:s8] =	ssyncset.done $0x0  }
0xa9: {  	s20 =	sadd.s32 $0x1, s20;
	s18 =	sadd.s32 s5, s15;
	[sflag:s8] =	ssyncadd.s32 $0xFFFFCE00  }
0xaa: {  	[tilespmem:s2], [sflag:$0x1] =	stream.linear.gather [hbm4b:s18+s2], $0x320, $0x38;
	[tilespmem:$0x1F780] =	vst v63  }
0xab: {  	p0 =	sne.s32 s20, $0x3E;
	s15 =	sadd.s32 s6, s15  }
0xac: {  	[tilespmem:s25], [sflag:$0x3] =	stream.linear.gather [hbm4b:s15+s2], $0x320, $0x38;
	[tilespmem:$0x1F780] =	vst v63  }
.Ltmp3:
0xad: {  	_ = 	snop;
	(pc) =	sbr.rel @p0 .LBB2_5-.Ltmp3, $4  }
0xae: {  	_ =	swait.ge [sflag:s10], $0x3200  }
0xaf: {  	[sflag:s10] =	ssyncset.done $0x0  }
0xb0: {  	[sflag:s10] =	ssyncadd.s32 $0xFFFFCE00  }
0xb1: {  	[spmem:s1] =	stream.indirect.scatter.add.f32 [tilespmem:s24], [sflag:$0x8], $0x10, s0, s31, $0xb8;
	[tilespmem:$0x1F780] =	vst v63  }
0xb2: {  	_ =	swait.ge [sflag:s3], $0x320  }
0xb3: {  	[sflag:s3] =	ssyncset.done $0x0  }
0xb4: {  	[sflag:s3] =	ssyncadd.s32 $0xFFFFFCE0  }
0xb5: {  	_ =	swait.ge [sflag:s17], $0x320  }
0xb6: {  	[sflag:s17] =	ssyncset.done $0x0  }
0xb7: {  	s20 =	simm.s32 $0x0;
	s18 =	simm.s32 $0x40;
	[sflag:s17] =	ssyncadd.s32 $0xFFFFFCE0  }
.LBB2_11:
0xb8: {  	p0 =	sne.s32 s18, $0xC40;
	v2 =	vld [tilespmem:s20+$0x0];
	_ =	sdelay $0x1  }
.Ltmp4:
0xb9: {  	(pc) =	sbr.rel @p0 .LBB2_11-.Ltmp4, $3  }
0xba: {  	_ =	sdelay $0x1  }
0xbb: {  	v2 =	vadd.s32 v1, v2  }
0xbc: {  	[tilespmem:s20+$0x0] =	vst v2;
	s20 =	sshra.s32 s18, $0x2;
	s18 =	sadd.s32 $0x40, s18  }
0xbd: {  	v2 =	vld [tilespmem:s20+$0x0];
	_ =	sdelay $0x4  }
0xbe: {  	v1 =	vadd.s32 v1, v2  }
0xbf: {  	s15 =	simm.s32 $0x0;
	s22 =	simm.s32 $0x8;
	[tilespmem:s20+$0x0] =	vst v1  }
0xc0: {  	[tilespmem:s21], [sflag:$0x5] =	stream.indirect.gather [hbm4b:s4+s31], $0x10, s15, s31, $0xb8;
	[tilespmem:$0x1F780] =	vst v63  }
0xc1: {  	_ =	swait.ge [sflag:s22], $0x3200  }
0xc2: {  	[sflag:s22] =	ssyncset.done $0x0  }
0xc3: {  	[sflag:s22] =	ssyncadd.s32 $0xFFFFCE00  }
0xc4: {  	_ =	swait.ge [sflag:s26], $0x3200  }
0xc5: {  	[sflag:s26] =	ssyncset.done $0x0  }
0xc6: {  	[sflag:s26] =	ssyncadd.s32 $0xFFFFCE00  }
0xc7: {  	[spmem:s1] =	stream.indirect.scatter.add.f32 [tilespmem:s21], [sflag:$0x7], $0x10, s25, s31, $0xb8;
	[tilespmem:$0x1F780] =	vst v63  }
0xc8: {  	_ =	swait.ge [sflag:s8], $0x3200  }
0xc9: {  	[sflag:s8] =	ssyncset.done $0x0  }
0xca: {  	[sflag:s8] =	ssyncadd.s32 $0xFFFFCE00  }
0xcb: {  	s18 =	simm.s32 $0x40;
	s20 =	simm.s32 $0x0;
	[bflag:$0x0] =	sbarrier.arrive $0xFFFF  }
.LBB2_13:
0xcc: {  	p0 =	seq.s32 s18, $0x5BC0;
	[tilespmem:s20+$0x3E80] =	vst v0;
	s15 =	smov.u32 s18;
	s18 =	sadd.s32 $0x40, s18  }
.Ltmp5:
0xcd: {  	(pc) =	sbr.rel @!p0 .LBB2_13-.Ltmp5, $2  }
0xce: {  	_ =	sdelay $0x2  }
0xcf: {  	s20 =	sshra.s32 s15, $0x2  }
0xd0: {  	s15 =	sld [smem:$0x7FC]  }
0xd1: {  	[tilespmem:s20+$0x3E80] =	vst v0;
	s22 =	rddreg [dreg:$0xd]  }
0xd2: {  	[tilespmem:s21], [sflag:$0x9] =	stream.linear.gather [spmem:s22], $0x1700, $0x38;
	[tilespmem:$0x1F780] =	vst v63  }
0xd3: {  	_ =	swait.ge [sflag:s30], $0x1700  }
0xd4: {  	s15 =	sshll.u32 s15, $0x4;
	s18 =	rddreg [dreg:$0xc]  }
0xd5: {  	s18 =	sadd.s32 s15, s18  }
0xd6: {  	[sflag:s30] =	ssyncset.done $0x0;
	s19 =	rddreg [dreg:$0x3];
	s18 =	sshrl.u32 s18, $0x3  }
0xd7: {  	[sflag:s30] =	ssyncadd.s32 $0xFFFFE900;
	s18 =	sadd.s32 s19, s18  }
0xd8: {  	[hbm4b:s18+s12] =	stream.strided.scatter [tilespmem:s21], [sflag:$0x5], $0x1700, s13, s12, $0x38;
	[tilespmem:$0x1F780] =	vst v63  }
0xd9: {  	_ = 	snop  }
0xda: {  	[spmem:s22] =	stream.linear.scatter [tilespmem:s24], [sflag:$0x9], $0x1700, $0x38;
	[tilespmem:$0x1F780] =	vst v63  }
0xdb: {  	_ =	swait.ge [sflag:s30], $0x1700  }
0xdc: {  	[sflag:s30] =	ssyncset.done $0x0  }
0xdd: {  	s18 =	rddreg [dreg:$0xe];
	[sflag:s30] =	ssyncadd.s32 $0xFFFFE900  }
0xde: {  	[tilespmem:s16], [sflag:$0x9] =	stream.linear.gather [spmem:s18], $0x1700, $0x38;
	[tilespmem:$0x1F780] =	vst v63  }
0xdf: {  	_ =	swait.ge [sflag:s30], $0x1700  }
0xe0: {  	s22 =	rddreg [dreg:$0x11]  }
0xe1: {  	s15 =	sadd.s32 s15, s22  }
0xe2: {  	[sflag:s30] =	ssyncset.done $0x0;
	s15 =	sshrl.u32 s15, $0x3  }
0xe3: {  	[sflag:s30] =	ssyncadd.s32 $0xFFFFE900;
	s15 =	sadd.s32 s19, s15  }
0xe4: {  	[hbm4b:s15+s12] =	stream.strided.scatter [tilespmem:s16], [sflag:$0x6], $0x1700, s13, s12, $0x38;
	[tilespmem:$0x1F780] =	vst v63  }
0xe5: {  	_ = 	snop  }
0xe6: {  	[spmem:s18] =	stream.linear.scatter [tilespmem:s24], [sflag:$0x9], $0x1700, $0x38;
	[tilespmem:$0x1F780] =	vst v63  }
0xe7: {  	_ =	swait.ge [sflag:s30], $0x1700  }
0xe8: {  	[sflag:s30] =	ssyncset.done $0x0  }
0xe9: {  	[sflag:s30] =	ssyncadd.s32 $0xFFFFE900  }
0xea: {  	_ =	swait.ge [sflag:s26], $0x1700  }
0xeb: {  	[sflag:s26] =	ssyncset.done $0x0;
	s22 =	rddreg [dreg:$0x10]  }
0xec: {  	[sflag:s26] =	ssyncadd.s32 $0xFFFFE900;
	s20 =	sadd.s32 $0xFFFFE900, s22  }
0xed: {  	[tilespmem:s21], [sflag:$0x9] =	stream.linear.gather [spmem:s20], $0x1700, $0x38;
	[tilespmem:$0x1F780] =	vst v63  }
0xee: {  	_ =	swait.ge [sflag:s30], $0x1700  }
0xef: {  	[sflag:s30] =	ssyncset.done $0x0  }
0xf0: {  	s19 =	sadd.s32 $0x0, s23;
	[sflag:s30] =	ssyncadd.s32 $0xFFFFE900  }
0xf1: {  	[hbm4b:s19+s12] =	stream.strided.scatter [tilespmem:s21], [sflag:$0x5], $0x1700, s13, s12, $0x38;
	[tilespmem:$0x1F780] =	vst v63  }
0xf2: {  	_ = 	snop  }
0xf3: {  	[spmem:s20] =	stream.linear.scatter [tilespmem:s24], [sflag:$0x9], $0x1700, $0x38;
	[tilespmem:$0x1F780] =	vst v63  }
0xf4: {  	_ =	swait.ge [sflag:s30], $0x1700  }
0xf5: {  	[sflag:s30] =	ssyncset.done $0x0  }
0xf6: {  	[sflag:s30] =	ssyncadd.s32 $0xFFFFE900  }
0xf7: {  	_ =	swait.ge [sflag:s10], $0x1700  }
0xf8: {  	[sflag:s10] =	ssyncset.done $0x0  }
0xf9: {  	[sflag:s10] =	ssyncadd.s32 $0xFFFFE900  }
0xfa: {  	[tilespmem:s16], [sflag:$0x9] =	stream.linear.gather [spmem:s22], $0x1700, $0x38;
	[tilespmem:$0x1F780] =	vst v63  }
0xfb: {  	_ =	swait.ge [sflag:s30], $0x1700  }
0xfc: {  	[sflag:s30] =	ssyncset.done $0x0  }
0xfd: {  	s20 =	sadd.s32 $0x0, s11;
	[sflag:s30] =	ssyncadd.s32 $0xFFFFE900  }
0xfe: {  	[hbm4b:s20+s12] =	stream.strided.scatter [tilespmem:s16], [sflag:$0x6], $0x1700, s13, s12, $0x38;
	[tilespmem:$0x1F780] =	vst v63  }
0xff: {  	_ = 	snop  }
0x100: {  	[spmem:s22] =	stream.linear.scatter [tilespmem:s24], [sflag:$0x9], $0x1700, $0x38;
	[tilespmem:$0x1F780] =	vst v63  }
0x101: {  	_ =	swait.ge [sflag:s30], $0x1700  }
0x102: {  	s20 =	simm.s32 $0x5C00;
	[sflag:s30] =	ssyncset.done $0x0  }
.LBB2_15:
0x103: {  	p0 =	sne.s32 s20, $0x22800;
	[sflag:s30] =	ssyncadd.s32 $0xFFFFE900;
	s22 =	sadd.s32 $0x2E00, s22  }
0x104: {  	s15 =	smov.u32 s20;
	s20 =	sadd.s32 $0x5C00, s20  }
0x105: {  	_ =	swait.ge [sflag:s26], $0x1700  }
0x106: {  	[sflag:s26] =	ssyncset.done $0x0  }
0x107: {  	s18 =	sadd.s32 $0xFFFFE900, s22;
	[sflag:s26] =	ssyncadd.s32 $0xFFFFE900  }
0x108: {  	[tilespmem:s21], [sflag:$0x9] =	stream.linear.gather [spmem:s18], $0x1700, $0x38;
	[tilespmem:$0x1F780] =	vst v63  }
0x109: {  	_ =	swait.ge [sflag:s30], $0x1700  }
0x10a: {  	[sflag:s30] =	ssyncset.done $0x0  }
0x10b: {  	s19 =	sadd.s32 s15, s23;
	[sflag:s30] =	ssyncadd.s32 $0xFFFFE900  }
0x10c: {  	[hbm4b:s19+s12] =	stream.strided.scatter [tilespmem:s21], [sflag:$0x5], $0x1700, s13, s12, $0x38;
	[tilespmem:$0x1F780] =	vst v63  }
0x10d: {  	_ = 	snop  }
0x10e: {  	[spmem:s18] =	stream.linear.scatter [tilespmem:s24], [sflag:$0x9], $0x1700, $0x38;
	[tilespmem:$0x1F780] =	vst v63  }
0x10f: {  	_ =	swait.ge [sflag:s30], $0x1700  }
0x110: {  	[sflag:s30] =	ssyncset.done $0x0  }
0x111: {  	[sflag:s30] =	ssyncadd.s32 $0xFFFFE900  }
0x112: {  	_ =	swait.ge [sflag:s10], $0x1700  }
0x113: {  	[sflag:s10] =	ssyncset.done $0x0  }
0x114: {  	[sflag:s10] =	ssyncadd.s32 $0xFFFFE900  }
0x115: {  	[tilespmem:s16], [sflag:$0x9] =	stream.linear.gather [spmem:s22], $0x1700, $0x38;
	[tilespmem:$0x1F780] =	vst v63  }
0x116: {  	_ =	swait.ge [sflag:s30], $0x1700  }
0x117: {  	[sflag:s30] =	ssyncset.done $0x0  }
0x118: {  	s15 =	sadd.s32 s15, s11;
	[sflag:s30] =	ssyncadd.s32 $0xFFFFE900  }
0x119: {  	[hbm4b:s15+s12] =	stream.strided.scatter [tilespmem:s16], [sflag:$0x6], $0x1700, s13, s12, $0x38;
	[tilespmem:$0x1F780] =	vst v63  }
.Ltmp6:
0x11a: {  	_ = 	snop;
	(pc) =	sbr.rel @p0 .LBB2_15-.Ltmp6, $4  }
0x11b: {  	_ = 	snop  }
0x11c: {  	[spmem:s22] =	stream.linear.scatter [tilespmem:s24], [sflag:$0x9], $0x1700, $0x38;
	[tilespmem:$0x1F780] =	vst v63  }
0x11d: {  	_ =	swait.ge [sflag:s30], $0x1700  }
0x11e: {  	[sflag:s30] =	ssyncset.done $0x0  }
0x11f: {  	[sflag:s30] =	ssyncadd.s32 $0xFFFFE900  }
0x120: {  	_ =	swait.ge [sflag:s26], $0x1700  }
0x121: {  	[sflag:s26] =	ssyncset.done $0x0  }
0x122: {  	s18 =	rddreg [dreg:$0x9];
	[sflag:s26] =	ssyncadd.s32 $0xFFFFE900  }
0x123: {  	[tilespmem:s21], [sflag:$0x9] =	stream.linear.gather [spmem:s18], $0x1700, $0x38;
	[tilespmem:$0x1F780] =	vst v63  }
0x124: {  	_ =	swait.ge [sflag:s30], $0x1700  }
0x125: {  	s15 =	sld [smem:$0x7FC];
	_ =	sdelay $0x2  }
0x126: {  	[sflag:s30] =	ssyncset.done $0x0;
	s19 =	rddreg [dreg:$0xa];
	s15 =	sshll.u32 s15, $0x1  }
0x127: {  	[sflag:s30] =	ssyncadd.s32 $0xFFFFE900;
	s15 =	sadd.s32 s15, s19  }
0x128: {  	[hbm4b:s15+s12] =	stream.strided.scatter [tilespmem:s21], [sflag:$0x5], $0x1700, s13, s12, $0x38;
	[tilespmem:$0x1F780] =	vst v63  }
0x129: {  	_ = 	snop  }
0x12a: {  	[spmem:s18] =	stream.linear.scatter [tilespmem:s24], [sflag:$0x9], $0x1700, $0x38;
	[tilespmem:$0x1F780] =	vst v63  }
0x12b: {  	_ =	swait.ge [sflag:s30], $0x1700  }
0x12c: {  	[sflag:s30] =	ssyncset.done $0x0  }
0x12d: {  	[sflag:s30] =	ssyncadd.s32 $0xFFFFE900  }
0x12e: {  	_ =	swait.ge [sflag:s10], $0x1700  }
0x12f: {  	s7 =	sadd.s32 $0x1, s7;
	[sflag:s10] =	ssyncset.done $0x0  }
0x130: {  	p0 =	sne.s32 s7, $0x8;
	[sflag:s10] =	ssyncadd.s32 $0xFFFFE900  }
.Ltmp7:
0x131: {  	_ =	swait.ge [sflag:s26], $0x1700;
	(pc) =	sbr.rel @p0 .LBB2_4-.Ltmp7, $4  }
0x132: {  	[sflag:s26] =	ssyncset.done $0x0  }
0x133: {  	[sflag:s26] =	ssyncadd.s32 $0xFFFFE900  }
0x134: {  	[bflag:$0x0] =	sbarrier.arrive $0xFFFF  }
0x135: {  	s11 =	sadd.s32 $0x2, s11;
	s23 =	sadd.s32 $0x2, s23  }
0x136: {  	s11 =	sld [smem:$0x7FD];
	_ =	sdelay $0x2  }
0x137: {  	s7 =	rddreg [dreg:$0xb];
	s11 =	sadd.s32 $0x1, s11  }
0x138: {  	p0 =	sne.s32 s11, s7  }
.Ltmp8:
0x139: {  	_ = 	snop;
	(pc) =	sbr.rel @p0 .LBB2_1-.Ltmp8, $1  }
0x13a: {  	_ =	sdelay $0x3  }
0x13b: {  	_ =	sfence.sel $0x180000  }
0x13c: {  	[bflag:$0x0] =	sbarrier.arrive $0xFFFF  }
0x13d: {  	_ =	strace $0x90000053  }
0x13e: {  	s0 =	stileid.u32;
	[bflag:$0x2] =	sbarrier.arrive $0xFFFF  }
0x13f: {  	p0 =	sne.s32 s0, $0x0;
	s0 =	rddreg [dreg:$0x2]  }
0x140: {  	s0 =	sadd.s32 @!p0 $0x100000, s0  }
0x141: {  	[sflag:s0] =	ssyncadd.tile.s32 @!p0 $0x1;
	_ =	shalt  }
.Lfunc_end2:
_tile_overlayer_lowered:
.L_overlay_start_2:
0x142: {  	(tag) =	ssettag $0x2  }
0x143: {  	s0 =	rddreg [dreg:$0x0];
	s2 =	stileid.u32  }
0x144: {  	s1 =	rddreg [dreg:$0x1];
	p0 =	sne.s32 s2, $0x0  }
0x145: {  	s3 =	rddreg [dreg:$0x2];
	[bflag:$0x3] =	sbarrier.arrive $0xFFFF;
	s2 =	simm.s32 @!p0 $0x1C09  }
0x146: {  	[timem:s3], [sflag:s2] =	dma.local @!p0 [hbm:s0], s1  }
0x147: {  	s0 =	simm.s32 @!p0 $0x9  }
0x148: {  	_ =	swait.ge @!p0 [sflag:s0], s1  }
0x149: {  	s1 =	ssub.s32 @!p0 $0x0, s1;
	[sflag:s0] =	ssyncset.done @!p0 $0x0  }
0x14a: {  	[sflag:s0] =	ssyncadd.s32 @!p0 s1  }
0x14b: {  	[bflag:$0x3] =	sbarrier.arrive $0xFFFF  }
0x14c: {  	_ =	shalt  }

// kernel: sparse-core-data-format-call.cloned.1.call-start
scs
called_computation_lowered:
.L_overlay_start_0:
0x0: {  	s1 =	sld [smem:$0x3FD9]  }
0x1: {  	s2 =	sld [smem:$0x3FFE];
	_ =	sdelay $0x1  }
0x2: {  	s3 =	srdreg.scid  }
0x3: {  	s0 =	sand.u32 $0x1, s3  }
0x4: {  	s17 =	sshll.u32 s0, $0xA;
	s1 =	sadd.s32 s2, s1  }
0x5: {  	s1 =	sadd.s32 s1, s17  }
0x6: {  	[smem:$0x3FBB] =	sst s1  }
0x7: {  	_ = 	snop  }
0x8: {  	(tm) =	ssettm $0x1  }
0x9: {  	s18 =	sld [smem:$0x3FFB];
	_ =	sdelay $0x3  }
0xa: {  	_ =	strace s18  }
0xb: {  	s1 =	sld [smem:$0x3FFC];
	_ =	sdelay $0x3  }
0xc: {  	_ =	strace s1  }
0xd: {  	s1 =	sld [smem:$0x3FFD];
	_ =	sdelay $0x3  }
0xe: {  	_ =	strace s1  }
0xf: {  	_ =	strace $0x8FFFFFFF  }
0x10: {  	s19 =	sld [smem:$0x3FDB];
	_ =	sdelay $0x1  }
0x11: {  	s20 =	simm.s32 $_scs_section_size  }
0x12: {  	s4 =	simm.s32 $_size__tile_overlayer_lowered;
	s5 =	simm.s32 $_tile_overlayer_lowered  }
0x13: {  	s23 =	simm.s32 $0x1BFF;
	s22 =	sshll.u32 s5, $0x1;
	s1 =	sadd.s32 s20, s19  }
0x14: {  	s6 =	simm.s32 $0x0;
	s21 =	sshll.u32 s4, $0x1;
	s4 =	sadd.s32 s22, s1  }
0x15: {  	[timem:s6], [sflag:s23] =	dma.local [hbm:s4], s21  }
0x16: {  	_ =	swait.ge [sflag:s23], s21  }
0x17: {  	s2 =	ssub.s32 $0x0, s21;
	[sflag:s23] =	ssyncset.done $0x0  }
0x18: {  	[sflag:s23] =	ssyncadd.s32 s2;
	_ =	sdelay $0x1  }
0x19: {  	s24 =	simm.s32 $0x1B8B  }
0x1a: {  	_ =	swait.ge [sflag:s24], $0x1  }
0x1b: {  	[sflag:s24] =	ssyncset.done $0x0  }
0x1c: {  	s26 =	simm.s32 $0x1B8E;
	s25 =	sld [smem:$0x3FFE];
	[sflag:s24] =	ssyncadd.s32 $0xFFFFFFFF  }
0x1d: {  	s27 =	simm.s32 $execute0_lowered;
	[smem:$0x3FD2] =	sst s26  }
0x1e: {  	s4 =	sshll.u32 s27, $0x1;
	_ =	strace $0x8000004F;
	[dreg:$0x1] =	wrdreg $0xFFFFFFFF  }
0x1f: {  	s28 =	simm.s32 $_size_execute0_lowered;
	s1 =	sadd.s32 s1, s4;
	[dreg:$0x0] =	wrdreg $0x0  }
0x20: {  	s4 =	sshll.u32 s28, $0x1;
	[dreg:$0x2] =	wrdreg s1  }
0x21: {  	[dreg:$0x3] =	wrdreg s4  }
0x22: {  	[dreg:$0x4] =	wrdreg $0xC0  }
0x23: {  	_ =	task [dreg:s6], $0x5FFFF  }
0x24: {  	[dreg:$0x1] =	wrdreg $0xFFFFFFFF  }
0x25: {  	[dreg:$0x0] =	wrdreg $0x60  }
0x26: {  	[dreg:$0x2] =	wrdreg s25  }
0x27: {  	[dreg:$0x3] =	wrdreg $0x9  }
0x28: {  	_ =	task.clear_ibuf [dreg:s6], $0x4FFFF;
	_ =	strace $0x9000004F  }
0x29: {  	s29 =	simm.s32 $0x9;
	_ =	strace $0x80000051  }
0x2a: {  	_ =	swait.ge [sflag:s29], $0x1  }
0x2b: {  	[sflag:s29] =	ssyncadd.s32 $0xFFFFFFFF  }
0x2c: {  	_ =	strace $0x90000051  }
0x2d: {  	_ =	sfence  }
0x2e: {  	s30 =	sld [smem:$0x0];
	_ =	sdelay $0x2  }
0x2f: {  	s31 =	sshll.u32 s3, $0xD;
	s3 =	sshrl.u32 s3, $0x2  }
0x30: {  	s2 =	sand.u32 $0x4000, s31;
	s1 =	sadd.s32 s3, s30  }
0x31: {  	s0 =	sor.u32 s2, s0;
	s1 =	sshll.u32 s1, $0x11  }
0x32: {  	s0 =	sor.u32 s1, s0  }
0x33: {  	s0 =	sadd.s32 $0x8F2B, s0  }
0x34: {  	[sflag:s0] =	ssyncadd.remote.s32 $0x1  }
0x35: {  	_ =	sfence.sel $0xFFFF  }
0x36: {  	[dreg:$0x0] =	wrdreg $0xFFFFFFFF;
	(pc) =	sbr.abs _section_cstart, $3  }
0x37: {  	[dreg:$0x1] =	wrdreg $0xFFFFFFFF  }
0x38: {  	_ =	task.clear_ibuf [dreg:s6], $0x2FFFF;
	_ =	strace $0x9FFFFFFF  }
0x39: {  	(tm) =	ssettm $0x7FFFFFFF  }
tec
execute0_lowered:
.L_overlay_start_1:
0x0: {  	(tag) =	ssettag $0x1  }
0x1: {  	s0 =	srdreg.scid  }
0x2: {  	s5 =	rddreg [dreg:$0x0];
	s1 =	stileid.u32;
	s4 =	simm.s32 $0x1  }
0x3: {  	s6 =	simm.s32 $0x2;
	s8 =	simm.s32 $0x0;
	s2 =	sshll.u32 s0, $0x4  }
0x4: {  	s9 =	simm.s32 $0x0;
	s13 =	simm.s32 $0x0;
	s2 =	sand.u32 $0x10, s2  }
.Ltmp0:
0x5: {  	s10 =	simm.s32 $0x0;
	s3 =	sor.u32 s1, s2;
	(pc) =	sbr.rel .LBB1_1-.Ltmp0, $4  }
0x6: {  	s0 =	rddreg [dreg:$0x1];
	_ =	strace $0x80000050;
	s3 =	sshll.u32 s3, $0x3  }
0x7: {  	s12 =	simm.s32 $0x0;
	[sflag:s4] =	ssyncpa.u1 $0x0;
	s7 =	ssub.s32 $0x30D0, s3  }
0x8: {  	s2 =	sadd.s32 $0x49B200, s5;
	[sflag:s6] =	ssyncpa.u1 $0x0;
	s6 =	sshrl.u32 s7, $0x8  }
0x9: {  	s5 =	sadd.s32 $0xC7C00, s5;
	s11 =	smov.u32 s3;
	s7 =	sadd.s32 $0x2, s6  }
.LBB1_9:
0xa: {  	s15 =	sshll.u32 s12, $0xE  }
0xb: {  	s16 =	sshll.u32 s10, $0x8;
	s15 =	sand.u32 $0x4000, s15  }
0xc: {  	s16 =	sadd.s32 s5, s16;
	s15 =	sor.u32 $0x8000, s15  }
0xd: {  	[hbm4b:s16+s8] =	stream.linear.scatter [tilespmem:s15], [sflag:$0x2], s14, $0x38;
	[tilespmem:$0x10000] =	vst v63  }
.LBB1_10:
0xe: {  	p0 =	slt.u32 s12, $0x2  }
0xf: {  	p1 =	sgt.s32 @!p0 s13, $0x30CC  }
0x10: {  	s14 =	smov.u32 s13;
	s15 =	sshra.s32 @!p0 s13, $0x1F;
	p1 =	por !p1, p0  }
0x11: {  	s13 =	sand.u32 @!p0 s15, s13;
	s14 =	simm.s32 @p1 $0x30CC  }
0x12: {  	s13 =	ssub.s32 @!p0 s14, s13  }
0x13: {  	s13 =	sadd.s32 @!p0 $0xFFFFCF34, s13  }
0x14: {  	s14 =	sshll.u32 @!p0 s13, $0xD  }
0x15: {  	p1 =	sgt.s32 @!p0 s13, $0x7;
	s13 =	ssub.s32 @!p0 $0x10000, s14  }
0x16: {  	s15 =	sadd.s32 $0x100, s11;
	p1 =	por !p1, p0;
	s13 =	sshrl.u32 @!p0 s13, $0x2  }
0x17: {  	s13 =	simm.s32 @!p1 $0x0;
	p1 =	sgt.s32 s15, $0x30D3  }
0x18: {  	s15 =	smov.u32 @p1 s3;
	p1 =	sne.s32 s12, s7  }
.Ltmp1:
0x19: {  	_ = 	snop;
	(pc) =	sbr.rel @!p1 .LBB1_11-.Ltmp1, $4  }
0x1a: {  	s14 =	simm.s32 @!p0 $0x2  }
0x1b: {  	s9 =	sadd.s32 $0x4000, s9;
	_ =	swait.ge @!p0 [sflag:s14], s13;
	s16 =	ssub.s32 @!p0 $0x0, s13  }
0x1c: {  	s13 =	smov.u32 s10;
	s12 =	sadd.s32 $0x1, s12;
	[sflag:s14] =	ssyncset.done @!p0 $0x0  }
0x1d: {  	s10 =	smov.u32 s11;
	s11 =	smov.u32 s15;
	[sflag:s14] =	ssyncadd.s32 @!p0 s16  }
.LBB1_1:
0x1e: {  	p0 =	sgt.u32 s12, s6  }
0x1f: {  	p1 =	sgt.s32 @!p0 s11, $0x30CC  }
0x20: {  	s14 =	smov.u32 s11;
	s15 =	sshra.s32 @!p0 s11, $0x1F;
	p1 =	por !p1, p0  }
0x21: {  	s15 =	sand.u32 @!p0 s15, s11;
	s14 =	simm.s32 @p1 $0x30CC  }
0x22: {  	s14 =	ssub.s32 @!p0 s14, s15  }
0x23: {  	s14 =	sadd.s32 @!p0 $0xFFFFCF34, s14  }
0x24: {  	s17 =	simm.s32 @!p0 $0x0;
	s15 =	sxor.u32 @!p0 $0xFFFFFFFF, s12;
	s16 =	sshll.u32 @!p0 s14, $0xD  }
0x25: {  	s15 =	sshll.u32 @!p0 s15, $0xE;
	p1 =	sgt.s32 @!p0 s14, $0x7;
	s14 =	ssub.s32 @!p0 $0x10000, s16  }
0x26: {  	p1 =	por !p1, p0;
	s16 =	sshll.u32 @!p0 s11, $0x8;
	s14 =	sshrl.u32 @!p0 s14, $0x2  }
0x27: {  	s15 =	sand.u32 @!p0 $0x4000, s15;
	s16 =	sadd.s32 @!p0 s2, s16;
	s14 =	simm.s32 @!p1 $0x0  }
0x28: {  	[tilespmem:s15], [sflag:$0x1] =	stream.linear.gather @!p0 [hbm4b:s16+s17], s14, $0x38;
	[tilespmem:$0x10000] =	vst v63  }
0x29: {  	p0 =	seq.s32 s12, $0x0  }
0x2a: {  	p1 =	sge.u32 @!p0 s12, s7  }
0x2b: {  	p0 =	por p0, p1  }
.Ltmp2:
0x2c: {  	_ = 	snop;
	(pc) =	sbr.rel @p0 .LBB1_10-.Ltmp2, $1  }
0x2d: {  	_ =	sdelay $0x3  }
0x2e: {  	p0 =	sgt.s32 s10, $0x30CC;
	s14 =	smov.u32 s10;
	s15 =	sshra.s32 s10, $0x1F  }
0x2f: {  	s14 =	simm.s32 @!p0 $0x30CC;
	s15 =	sand.u32 s15, s10  }
0x30: {  	s14 =	ssub.s32 s14, s15  }
0x31: {  	s16 =	sadd.s32 $0x8, s10;
	s14 =	sadd.s32 $0xFFFFCF34, s14  }
0x32: {  	p1 =	slt.s32 s16, $0x30D4;
	s30 =	sshll.u32 s14, $0xD  }
0x33: {  	s16 =	simm.s32 @!p1 $0x30D4;
	s15 =	ssub.s32 $0x10000, s30  }
0x34: {  	p0 =	sgt.s32 s14, $0x7;
	s14 =	sshrl.u32 s15, $0x2;
	s15 =	ssub.s32 s16, s10  }
0x35: {  	s14 =	simm.s32 @p0 $0x0;
	p0 =	slt.s32 s15, $0x1  }
.Ltmp3:
0x36: {  	_ = 	snop;
	(pc) =	sbr.rel @p0 .LBB1_9-.Ltmp3, $4  }
0x37: {  	_ = 	snop  }
0x38: {  	_ =	swait.ge [sflag:s4], s14  }
0x39: {  	s31 =	ssub.s32 $0x0, s14;
	[sflag:s4] =	ssyncset.done $0x0  }
0x3a: {  	[sflag:s4] =	ssyncadd.s32 s31  }
0x3b: {  	s16 =	sshll.u32 s9, $0x2  }
0x3c: {  	s16 =	sand.u32 $0x10000, s16  }
0x3d: {  	s16 =	sshrl.u32 s16, $0x2  }
0x3e: {  	s18 =	simm.s32 $0x0;
	s19 =	simm.s32 $0x0;
	s17 =	sor.u32 $0x8000, s16  }
.LBB1_4:
0x3f: {  	s20 =	sshra.s32 s18, $0x2  }
0x40: {  	v0 =	vmov s20;
	_ =	sdelay $0x3  }
0x41: {  	p1 =	por $0x1, $0x1;
	s20 =	simm.s32 $0x0  }
.LBB1_5:
0x42: {  	_ = 	snop  }
0x43: {  	s21 =	sshll.u32 s20, $0xA  }
0x44: {  	s21 =	sand.u32 $0x3FFFFC00, s21  }
0x45: {  	s21 =	sadd.s32 s21, s16  }
0x46: {  	v5 =	vld.idx.msk [tilespmem:v0+s21+$0x70 ss:$0x1], $0xffff  }
0x47: {  	v6 =	vld.idx.msk [tilespmem:v0+s21+$0x10 ss:$0x1], $0xffff  }
0x48: {  	v7 =	vld.idx.msk [tilespmem:v0+s21+$0x20 ss:$0x1], $0xffff  }
0x49: {  	s31 =	sshll.u32 s20, $0x7;
	v1 =	vld.idx.msk [tilespmem:v0+s21+$0x30 ss:$0x1], $0xffff  }
0x4a: {  	s20 =	sand.u32 $0x3FFFFF80, s31;
	v2 =	vld.idx.msk [tilespmem:v0+s21+$0x40 ss:$0x1], $0xffff  }
0x4b: {  	s20 =	sadd.s32 s20, s17;
	v3 =	vld.idx.msk [tilespmem:v0+s21+$0x50 ss:$0x1], $0xffff  }
0x4c: {  	v4 =	vld.idx.msk [tilespmem:v0+s21+$0x60 ss:$0x1], $0xffff;
	[tilespmem:v0+s20+$0x70 ss:$0x1] =	vst.idx.msk $0xffff, v5  }
0x4d: {  	v5 =	vld.idx.msk [tilespmem:v0+s21+$0x0 ss:$0x1], $0xffff;
	[tilespmem:v0+s20+$0x10 ss:$0x1] =	vst.idx.msk $0xffff, v6;
	s21 =	sadd.s32 $0x80, s21  }
0x4e: {  	p0 =	por p1, p1;
	s22 =	simm.s32 $0x6;
	[tilespmem:v0+s20+$0x20 ss:$0x1] =	vst.idx.msk $0xffff, v7;
	v6 =	vld.idx.msk [tilespmem:v0+s21+$0x70 ss:$0x1], $0xffff  }
.LBB1_6:
0x4f: {  	p1 =	sne.s32 s22, $0x1;
	v7 =	vld.idx.msk [tilespmem:v0+s21+$0x10 ss:$0x1], $0xffff;
	[tilespmem:v0+s20+$0x30 ss:$0x1] =	vst.idx.msk $0xffff, v1  }
0x50: {  	v8 =	vld.idx.msk [tilespmem:v0+s21+$0x20 ss:$0x1], $0xffff;
	[tilespmem:v0+s20+$0x40 ss:$0x1] =	vst.idx.msk $0xffff, v2  }
0x51: {  	v1 =	vld.idx.msk [tilespmem:v0+s21+$0x30 ss:$0x1], $0xffff;
	[tilespmem:v0+s20+$0x50 ss:$0x1] =	vst.idx.msk $0xffff, v3  }
.Ltmp4:
0x52: {  	v2 =	vld.idx.msk [tilespmem:v0+s21+$0x40 ss:$0x1], $0xffff;
	[tilespmem:v0+s20+$0x60 ss:$0x1] =	vst.idx.msk $0xffff, v4;
	(pc) =	sbr.rel @p1 .LBB1_6-.Ltmp4, $4  }
0x53: {  	v3 =	vld.idx.msk [tilespmem:v0+s21+$0x50 ss:$0x1], $0xffff;
	[tilespmem:v0+s20+$0x0 ss:$0x1] =	vst.idx.msk $0xffff, v5;
	s20 =	sadd.s32 $0x100, s20  }
0x54: {  	v4 =	vld.idx.msk [tilespmem:v0+s21+$0x60 ss:$0x1], $0xffff;
	[tilespmem:v0+s20+$0x70 ss:$0x1] =	vst.idx.msk $0xffff, v6  }
0x55: {  	v5 =	vld.idx.msk [tilespmem:v0+s21+$0x0 ss:$0x1], $0xffff;
	[tilespmem:v0+s20+$0x10 ss:$0x1] =	vst.idx.msk $0xffff, v7;
	s21 =	sadd.s32 $0x80, s21  }
0x56: {  	s22 =	sadd.s32 $0xFFFFFFFF, s22;
	v6 =	vld.idx.msk [tilespmem:v0+s21+$0x70 ss:$0x1], $0xffff;
	[tilespmem:v0+s20+$0x20 ss:$0x1] =	vst.idx.msk $0xffff, v8  }
0x57: {  	_ =	sdelay $0x3  }
0x58: {  	[tilespmem:v0+s20+$0x30 ss:$0x1] =	vst.idx.msk $0xffff, v1  }
0x59: {  	v1 =	vld.idx.msk [tilespmem:v0+s21+$0x10 ss:$0x1], $0xffff;
	[tilespmem:v0+s20+$0x40 ss:$0x1] =	vst.idx.msk $0xffff, v2  }
0x5a: {  	v2 =	vld.idx.msk [tilespmem:v0+s21+$0x20 ss:$0x1], $0xffff;
	[tilespmem:v0+s20+$0x50 ss:$0x1] =	vst.idx.msk $0xffff, v3  }
0x5b: {  	v61 =	vld.idx.msk [tilespmem:v0+s21+$0x40 ss:$0x1], $0xffff;
	[tilespmem:v0+s20+$0x60 ss:$0x1] =	vst.idx.msk $0xffff, v4  }
0x5c: {  	s31 =	sadd.s32 $0x100, s20;
	v62 =	vld.idx.msk [tilespmem:v0+s21+$0x50 ss:$0x1], $0xffff;
	[tilespmem:v0+s20+$0x0 ss:$0x1] =	vst.idx.msk $0xffff, v5  }
0x5d: {  	v63 =	vld.idx.msk [tilespmem:v0+s21+$0x60 ss:$0x1], $0xffff;
	[tilespmem:v0+s31+$0x70 ss:$0x1] =	vst.idx.msk $0xffff, v6  }
0x5e: {  	v3 =	vld.idx.msk [tilespmem:v0+s21+$0x30 ss:$0x1], $0xffff;
	[tilespmem:v0+s31+$0x10 ss:$0x1] =	vst.idx.msk $0xffff, v1  }
0x5f: {  	v1 =	vld.idx.msk [tilespmem:v0+s21+$0x0 ss:$0x1], $0xffff;
	[tilespmem:v0+s31+$0x20 ss:$0x1] =	vst.idx.msk $0xffff, v2  }
.Ltmp5:
0x60: {  	[tilespmem:v0+s31+$0x40 ss:$0x1] =	vst.idx.msk $0xffff, v61;
	(pc) =	sbr.rel @p0 .LBB1_5-.Ltmp5, $4  }
0x61: {  	[tilespmem:v0+s31+$0x50 ss:$0x1] =	vst.idx.msk $0xffff, v62  }
0x62: {  	[tilespmem:v0+s31+$0x60 ss:$0x1] =	vst.idx.msk $0xffff, v63  }
0x63: {  	[tilespmem:v0+s31+$0x30 ss:$0x1] =	vst.idx.msk $0xffff, v3  }
0x64: {  	p1 =	por $0x0, $0x0;
	s20 =	simm.s32 $0x1;
	[tilespmem:v0+s31+$0x0 ss:$0x1] =	vst.idx.msk $0xffff, v1  }
0x65: {  	s19 =	sadd.s32 $0x1, s19  }
0x66: {  	p0 =	sne.s32 s19, s15  }
.Ltmp6:
0x67: {  	_ = 	snop;
	(pc) =	sbr.rel @p0 .LBB1_4-.Ltmp6, $4  }
.Ltmp7:
0x68: {  	_ = 	snop;
	(pc) =	sbr.rel @!p0 .LBB1_9-.Ltmp7, $4  }
0x69: {  	_ = 	snop  }
0x6a: {  	_ = 	snop  }
0x6b: {  	s18 =	sadd.s32 $0x2000, s18  }
0x6c: {  	_ = 	snop  }
.LBB1_11:
0x6d: {  	_ =	sfence.sel $0x180000  }
0x6e: {  	s2 =	simm.s32 $0x1;
	[bflag:$0x0] =	sbarrier.arrive $0xFFFF  }
0x6f: {  	s31 =	simm.s32 $0x2;
	[sflag:s2] =	ssyncpa.u1 $0x1  }
0x70: {  	[sflag:s31] =	ssyncpa.u1 $0x1  }
0x71: {  	p0 =	sne.s32 s1, $0x0;
	_ =	strace $0x90000050  }
0x72: {  	s0 =	sadd.s32 @!p0 $0x100000, s0;
	[bflag:$0x2] =	sbarrier.arrive $0xFFFF  }
0x73: {  	[sflag:s0] =	ssyncadd.tile.s32 @!p0 $0x1;
	_ =	shalt  }
.Lfunc_end1:
_tile_overlayer_lowered:
.L_overlay_start_2:
0x74: {  	(tag) =	ssettag $0x2  }
0x75: {  	s0 =	rddreg [dreg:$0x0];
	s2 =	stileid.u32  }
0x76: {  	s1 =	rddreg [dreg:$0x1];
	p0 =	sne.s32 s2, $0x0  }
0x77: {  	s3 =	rddreg [dreg:$0x2];
	[bflag:$0x3] =	sbarrier.arrive $0xFFFF;
	s2 =	simm.s32 @!p0 $0x1C01  }
0x78: {  	[timem:s3], [sflag:s2] =	dma.local @!p0 [hbm:s0], s1  }
0x79: {  	s0 =	simm.s32 @!p0 $0x1  }
0x7a: {  	_ =	swait.ge @!p0 [sflag:s0], s1  }
0x7b: {  	s1 =	ssub.s32 @!p0 $0x0, s1;
	[sflag:s0] =	ssyncset.done @!p0 $0x0  }
0x7c: {  	[sflag:s0] =	ssyncadd.s32 @!p0 s1  }
0x7d: {  	[bflag:$0x3] =	sbarrier.arrive $0xFFFF  }
0x7e: {  	_ =	shalt  }

</sc_bundles>
